<compile_context>
chip_gen: v7x
topology: tpu7x:2x2x1
jax: 0.10.2.dev20260603
libtpu: 0.0.44.dev20260713+nightly
codegen_flags: <defaults>
</compile_context>

<pallas_src>
import jax
import jax.numpy as jnp
from jax import lax
from jax.experimental import pallas as pl
from jax.experimental.pallas import tpu as pltpu
from jax.experimental.pallas import tpu_sc as plsc

HIDDEN = 128
B, L = 1024, 200
NC, NS = 2, 16
NW = NC * NS
TOK = B * L
PER_W = TOK // NW
SEQ_PER_W = PER_W // L
NJ = HIDDEN // 16
IDXW = 100
NH = L // IDXW
NBUF = 2
EPS = 1e-5


def _body(ids_hbm, tt_hbm, word_hbm, pos_hbm, type_hbm, gam_hbm, bet_hbm,
          out_hbm, idxa_v, idxb_v, tta_v, ttb_v, rows_v, pete_v, te_v,
          g_v, b_v, gsem, osem, ssem):
    wid = lax.axis_index("s") * NC + lax.axis_index("c")
    base = wid * PER_W

    pltpu.sync_copy(pos_hbm.at[pl.ds(0, L)], pete_v.at[0])
    pltpu.sync_copy(pos_hbm.at[pl.ds(0, L)], pete_v.at[1])
    pltpu.sync_copy(type_hbm, te_v)
    pltpu.sync_copy(gam_hbm, g_v)
    pltpu.sync_copy(bet_hbm, b_v)

    te_regs = [[te_v[k, pl.ds(16 * j, 16)] for j in range(NJ)]
               for k in range(2)]

    @plsc.parallel_loop(0, L, unroll=2)
    def add_te(r):
        for k in range(2):
            for j in range(NJ):
                sl = pl.ds(16 * j, 16)
                pete_v[k, r, sl] = pete_v[k, r, sl] + te_regs[k][j]

    g_regs = [g_v[pl.ds(16 * j, 16)] for j in range(NJ)]
    b_regs = [b_v[pl.ds(16 * j, 16)] for j in range(NJ)]

    lane = jnp.arange(16, dtype=jnp.int32)
    perms = [jnp.bitwise_xor(lane, sh) for sh in (8, 4, 2, 1)]

    def hsum(x):
        for p in perms:
            x = x + jnp.take_along_axis(x, p, axis=0)
        return x

    def small_copies(c, idx_v, tt_v):
        return [
            pltpu.make_async_copy(
                ids_hbm.at[pl.ds(wid * (PER_W // IDXW) + NH * c, NH)],
                idx_v, ssem),
            pltpu.make_async_copy(
                tt_hbm.at[pl.ds(base + c * L, L)],
                tt_v.at[pl.ds(0, L)], ssem),
        ]

    def gather_copies(c, buf, idx_v):
        return [
            pltpu.make_async_copy(
                word_hbm.at[idx_v.at[h]],
                rows_v.at[buf, pl.ds(h * IDXW, IDXW)], gsem)
            for h in range(NH)
        ]

    SPLIT = 104

    def out_piece(c, buf, lo, n):
        return pltpu.make_async_copy(
            rows_v.at[buf, pl.ds(lo, n)],
            out_hbm.at[pl.ds(base + c * L + lo, n)], osem.at[buf])

    def out_pieces(c, buf):
        return [out_piece(c, buf, 0, SPLIT), out_piece(c, buf, SPLIT, L - SPLIT)]

    for d in small_copies(0, idxa_v, tta_v):
        d.start()
    for d in small_copies(0, idxa_v, tta_v):
        d.wait()
    for d in gather_copies(0, 0, idxa_v):
        d.start()
    for d in small_copies(1, idxb_v, ttb_v):
        d.start()

    def process(c, my_idx, my_tt, nxt_idx, nxt_tt):
        buf = lax.rem(c, NBUF)
        for d in gather_copies(c, buf, my_idx):
            d.wait()

        @pl.when(c < SEQ_PER_W - 1)
        def _():
            nbuf = lax.rem(c + 1, NBUF)

            @pl.when(c >= NBUF - 1)
            def _():
                for d in out_pieces(c - (NBUF - 1), nbuf):
                    d.wait()

            for d in small_copies(c + 1, nxt_idx, nxt_tt):
                d.wait()
            for d in gather_copies(c + 1, nbuf, nxt_idx):
                d.start()

        def ln_token(t):
            ttsc = my_tt[pl.ds(t, 16)][0]
            v = [rows_v[buf, t, pl.ds(16 * j, 16)]
                 + pete_v[ttsc, t, pl.ds(16 * j, 16)]
                 for j in range(NJ)]
            s01, s23 = v[0] + v[1], v[2] + v[3]
            s45, s67 = v[4] + v[5], v[6] + v[7]
            s = (s01 + s23) + (s45 + s67)
            mean = hsum(s) * (1.0 / HIDDEN)
            d = [v[j] - mean for j in range(NJ)]
            q = [d[j] * d[j] for j in range(NJ)]
            q01, q23 = q[0] + q[1], q[2] + q[3]
            q45, q67 = q[4] + q[5], q[6] + q[7]
            qs = (q01 + q23) + (q45 + q67)
            x = hsum(qs) * (1.0 / HIDDEN) + EPS
            i = lax.bitcast_convert_type(x, jnp.int32)
            i = jnp.int32(0x5F3759DF) - lax.shift_right_logical(i, 1)
            y = lax.bitcast_convert_type(i, jnp.float32)
            y = y * (1.5 - 0.5 * x * y * y)
            for j in range(NJ):
                rows_v[buf, t, pl.ds(16 * j, 16)] = (
                    (d[j] * y) * g_regs[j] + b_regs[j])

        @plsc.parallel_loop(0, SPLIT, unroll=2)
        def token_lo(t):
            ln_token(t)

        out_piece(c, buf, 0, SPLIT).start()

        @plsc.parallel_loop(SPLIT, L, unroll=2)
        def token_hi(t):
            ln_token(t)

        out_piece(c, buf, SPLIT, L - SPLIT).start()

        @pl.when(c < SEQ_PER_W - 2)
        def _():
            for d in small_copies(c + 2, my_idx, my_tt):
                d.start()

    def chunk(k, carry):
        process(2 * k, idxa_v, tta_v, idxb_v, ttb_v)
        process(2 * k + 1, idxb_v, ttb_v, idxa_v, tta_v)
        return carry

    lax.fori_loop(0, SEQ_PER_W // 2, chunk, 0)

    for k in range(SEQ_PER_W - NBUF, SEQ_PER_W):
        for d in out_pieces(k, k % NBUF):
            d.wait()


@jax.jit
def _sc_embed(ids2, ttf, word_emb, pos_emb, type_emb, ln_gamma, ln_beta):
    mesh = plsc.VectorSubcoreMesh(core_axis_name="c", subcore_axis_name="s",
                                  num_cores=NC, num_subcores=NS)
    f = pl.kernel(
        _body,
        out_type=jax.ShapeDtypeStruct((TOK, HIDDEN), jnp.float32),
        mesh=mesh,
        scratch_types=[
            pltpu.VMEM((NH, IDXW), jnp.int32),
            pltpu.VMEM((NH, IDXW), jnp.int32),
            pltpu.VMEM((216,), jnp.int32),
            pltpu.VMEM((216,), jnp.int32),
            pltpu.VMEM((NBUF, L, HIDDEN), jnp.float32),
            pltpu.VMEM((2, L, HIDDEN), jnp.float32),
            pltpu.VMEM((2, HIDDEN), jnp.float32),
            pltpu.VMEM((HIDDEN,), jnp.float32),
            pltpu.VMEM((HIDDEN,), jnp.float32),
            pltpu.SemaphoreType.DMA,
            pltpu.SemaphoreType.DMA((NBUF,)),
            pltpu.SemaphoreType.DMA,
        ],
    )
    return f(ids2, ttf, word_emb, pos_emb, type_emb, ln_gamma, ln_beta)


def kernel(input_ids, token_type_ids, word_emb, pos_emb, type_emb, ln_gamma,
           ln_beta):
    ids2 = input_ids.astype(jnp.int32).reshape(TOK // IDXW, IDXW)
    ttf = token_type_ids.astype(jnp.int32).reshape(TOK)
    out = _sc_embed(ids2, ttf, word_emb, pos_emb, type_emb, ln_gamma, ln_beta)
    return out.reshape(B, L, HIDDEN)

# --- scband reference (transcript-rebuilt; emitter-appended) ---
"""Pipeline reference for scband-bertembeddings-1357209665813 (READ-ONLY COPY).

The authoritative reference and input builder live on the scoring server;
editing this copy changes nothing except your own understanding.
"""

import jax, jax.numpy as jnp
import numpy as np

VOCAB = 100000
HIDDEN = 128
MAX_POS = 512
B, L = 1024, 200


def setup_inputs(seed: int = 0) -> dict:
    key = jax.random.key(seed)
    k1, k2, k3, k4, k5, k6 = jax.random.split(key, 6)
    input_ids = jax.random.randint(k1, (B, L), 0, VOCAB, dtype=jnp.int64 if jax.config.jax_enable_x64 else jnp.int32)
    token_type_ids = jax.random.randint(k2, (B, L), 0, 2, dtype=jnp.int64 if jax.config.jax_enable_x64 else jnp.int32)
    word_emb = jax.random.normal(k3, (VOCAB, HIDDEN), dtype=jnp.float32) * 0.02
    pos_emb = jax.random.normal(k4, (MAX_POS, HIDDEN), dtype=jnp.float32) * 0.02
    type_emb = jax.random.normal(k5, (2, HIDDEN), dtype=jnp.float32) * 0.02
    ln_gamma = jnp.ones((HIDDEN,), dtype=jnp.float32)
    ln_beta = jnp.zeros((HIDDEN,), dtype=jnp.float32)
    return {
        "input_ids": input_ids,
        "token_type_ids": token_type_ids,
        "word_emb": word_emb,
        "pos_emb": pos_emb,
        "type_emb": type_emb,
        "ln_gamma": ln_gamma,
        "ln_beta": ln_beta,
    }


def _layer_norm(x, gamma, beta, eps=1e-5):
    mean = jnp.mean(x, axis=-1, keepdims=True)
    var = jnp.mean(jnp.square(x - mean), axis=-1, keepdims=True)
    xn = (x - mean) / jnp.sqrt(var + eps)
    return xn * gamma + beta


def reference(input_ids, token_type_ids, word_emb, pos_emb, type_emb, ln_gamma, ln_beta):
    seq_len = input_ids.shape[1]
    position_ids = jnp.arange(seq_len)
    we = jnp.take(word_emb, input_ids, axis=0)
    pe = jnp.take(pos_emb, position_ids, axis=0)[None, :, :]
    te = jnp.take(type_emb, token_type_ids, axis=0)
    embeddings = we + pe + te
    return _layer_norm(embeddings, ln_gamma, ln_beta)

if __name__ == "__main__":
    import jax
    _d = setup_inputs()
    print(jax.jit(kernel)(*tuple(_d.values())))

</pallas_src>

<mosaic_0001>
#map = affine_map<(d0, d1) -> (0, 0)>
#map1 = affine_map<(d0, d1) -> (0)>
module attributes {stable_mosaic.version = 14 : i64} {
  func.func @_body(%arg0: i32, %arg1: i32, %arg2: memref<2048x100xi32, #tpu.memory_space<hbm>>, %arg3: memref<204800xi32, #tpu.memory_space<hbm>>, %arg4: memref<100000x128xf32, #tpu.memory_space<hbm>>, %arg5: memref<512x128xf32, #tpu.memory_space<hbm>>, %arg6: memref<2x128xf32, #tpu.memory_space<hbm>>, %arg7: memref<128xf32, #tpu.memory_space<hbm>>, %arg8: memref<128xf32, #tpu.memory_space<hbm>>, %arg9: memref<204800x128xf32, #tpu.memory_space<hbm>>, %arg10: memref<2x100xi32, #tpu.memory_space<vmem>>, %arg11: memref<2x100xi32, #tpu.memory_space<vmem>>, %arg12: memref<216xi32, #tpu.memory_space<vmem>>, %arg13: memref<216xi32, #tpu.memory_space<vmem>>, %arg14: memref<2x200x128xf32, #tpu.memory_space<vmem>>, %arg15: memref<2x200x128xf32, #tpu.memory_space<vmem>>, %arg16: memref<2x128xf32, #tpu.memory_space<vmem>>, %arg17: memref<128xf32, #tpu.memory_space<vmem>>, %arg18: memref<128xf32, #tpu.memory_space<vmem>>, %arg19: memref<!tpu.dma_semaphore, #tpu.memory_space<semaphore_mem>>, %arg20: memref<2x!tpu.dma_semaphore, #tpu.memory_space<semaphore_mem>>, %arg21: memref<!tpu.dma_semaphore, #tpu.memory_space<semaphore_mem>>) attributes {dimension_semantics = [#tpu.dimension_semantics<core_parallel>, #tpu.dimension_semantics<subcore_parallel>], iteration_bounds = array<i64: 2, 16>, scalar_prefetch = 0 : i64, scratch_operands = 12 : i64, tpu.core_type = #tpu.core_type<sc_vector_subcore>, window_params = [{transform_indices = #map}, {transform_indices = #map1}, {transform_indices = #map}, {transform_indices = #map}, {transform_indices = #map}, {transform_indices = #map1}, {transform_indices = #map1}, {transform_indices = #map}]} {
    %mul3A = arith.constant 2 : i32
    %mul3A_0 = arith.muli %arg1, %mul3A : i32
    %add3A = arith.addi %mul3A_0, %arg0 : i32
    %mul3A_1 = arith.constant 6400 : i32
    %mul3A_2 = arith.muli %add3A, %mul3A_1 : i32
    %run_scoped3A = arith.constant 0 : i32
    "tpu.region"() ({
      %run_scoped3A_299 = tpu.sem_alloc : memref<!tpu.dma_semaphore, #tpu.memory_space<semaphore_mem>>
      %dma_start3A_300 = arith.constant 0 : i32
      %dma_start3A_301 = arith.constant 0 : i32
      %dma_start3A_302 = tpu.memref_slice %arg15[%run_scoped3A, %dma_start3A_300, %dma_start3A_301] : memref<2x200x128xf32, #tpu.memory_space<vmem>> -> memref<1x200x128xf32, #tpu.memory_space<vmem>>
      %dma_start3A_303 = tpu.memref_squeeze %dma_start3A_302 : memref<1x200x128xf32, #tpu.memory_space<vmem>> -> memref<200x128xf32, #tpu.memory_space<vmem>>
      %dma_start3A_304 = arith.constant 0 : i32
      %dma_start3A_305 = arith.constant 0 : i32
      %dma_start3A_306 = tpu.memref_slice %arg5[%dma_start3A_304, %dma_start3A_305] : memref<512x128xf32, #tpu.memory_space<hbm>> -> memref<200x128xf32, #tpu.memory_space<hbm>>
      %dma_start3A_307 = arith.constant 0 : i32
      %dma_start3A_308 = arith.constant 0 : i32
      %dma_start3A_309 = tpu.memref_slice %arg15[%run_scoped3A, %dma_start3A_307, %dma_start3A_308] : memref<2x200x128xf32, #tpu.memory_space<vmem>> -> memref<1x200x128xf32, #tpu.memory_space<vmem>>
      %dma_start3A_310 = tpu.memref_squeeze %dma_start3A_309 : memref<1x200x128xf32, #tpu.memory_space<vmem>> -> memref<200x128xf32, #tpu.memory_space<vmem>>
      %dma_start3A_311 = arith.constant 0 : i32
      %dma_start3A_312 = arith.constant 0 : i32
      %dma_start3A_313 = tpu.memref_slice %arg5[%dma_start3A_311, %dma_start3A_312] : memref<512x128xf32, #tpu.memory_space<hbm>> -> memref<200x128xf32, #tpu.memory_space<hbm>>
      tpu.enqueue_dma source(%dma_start3A_313 : memref<200x128xf32, #tpu.memory_space<hbm>>) target(%dma_start3A_310 : memref<200x128xf32, #tpu.memory_space<vmem>>) target_semaphore(%run_scoped3A_299 : memref<!tpu.dma_semaphore, #tpu.memory_space<semaphore_mem>>)
      %dma_wait3A_314 = arith.constant 0 : i32
      %dma_wait3A_315 = arith.constant 0 : i32
      %dma_wait3A_316 = tpu.memref_slice %arg15[%run_scoped3A, %dma_wait3A_314, %dma_wait3A_315] : memref<2x200x128xf32, #tpu.memory_space<vmem>> -> memref<1x200x128xf32, #tpu.memory_space<vmem>>
      %dma_wait3A_317 = tpu.memref_squeeze %dma_wait3A_316 : memref<1x200x128xf32, #tpu.memory_space<vmem>> -> memref<200x128xf32, #tpu.memory_space<vmem>>
      %dma_wait3A_318 = arith.constant 0 : i32
      %dma_wait3A_319 = arith.constant 0 : i32
      %dma_wait3A_320 = tpu.memref_slice %arg5[%dma_wait3A_318, %dma_wait3A_319] : memref<512x128xf32, #tpu.memory_space<hbm>> -> memref<200x128xf32, #tpu.memory_space<hbm>>
      %dma_wait3A_321 = arith.constant 0 : i32
      %dma_wait3A_322 = arith.constant 0 : i32
      %dma_wait3A_323 = tpu.memref_slice %arg15[%run_scoped3A, %dma_wait3A_321, %dma_wait3A_322] : memref<2x200x128xf32, #tpu.memory_space<vmem>> -> memref<1x200x128xf32, #tpu.memory_space<vmem>>
      %dma_wait3A_324 = tpu.memref_squeeze %dma_wait3A_323 : memref<1x200x128xf32, #tpu.memory_space<vmem>> -> memref<200x128xf32, #tpu.memory_space<vmem>>
      %dma_wait3A_325 = arith.constant 0 : i32
      %dma_wait3A_326 = arith.constant 0 : i32
      %dma_wait3A_327 = tpu.memref_slice %arg5[%dma_wait3A_325, %dma_wait3A_326] : memref<512x128xf32, #tpu.memory_space<hbm>> -> memref<200x128xf32, #tpu.memory_space<hbm>>
      tpu.wait_dma2 semaphore(%run_scoped3A_299 : memref<!tpu.dma_semaphore, #tpu.memory_space<semaphore_mem>>) src(%dma_wait3A_327 : memref<200x128xf32, #tpu.memory_space<hbm>>) dst(%dma_wait3A_324 : memref<200x128xf32, #tpu.memory_space<vmem>>)
      tpu.yield
    }) : () -> ()
    %run_scoped3A_3 = arith.constant 1 : i32
    "tpu.region"() ({
      %run_scoped3A_299 = tpu.sem_alloc : memref<!tpu.dma_semaphore, #tpu.memory_space<semaphore_mem>>
      %dma_start3A_300 = arith.constant 0 : i32
      %dma_start3A_301 = arith.constant 0 : i32
      %dma_start3A_302 = tpu.memref_slice %arg15[%run_scoped3A_3, %dma_start3A_300, %dma_start3A_301] : memref<2x200x128xf32, #tpu.memory_space<vmem>> -> memref<1x200x128xf32, #tpu.memory_space<vmem>>
      %dma_start3A_303 = tpu.memref_squeeze %dma_start3A_302 : memref<1x200x128xf32, #tpu.memory_space<vmem>> -> memref<200x128xf32, #tpu.memory_space<vmem>>
      %dma_start3A_304 = arith.constant 0 : i32
      %dma_start3A_305 = arith.constant 0 : i32
      %dma_start3A_306 = tpu.memref_slice %arg5[%dma_start3A_304, %dma_start3A_305] : memref<512x128xf32, #tpu.memory_space<hbm>> -> memref<200x128xf32, #tpu.memory_space<hbm>>
      %dma_start3A_307 = arith.constant 0 : i32
      %dma_start3A_308 = arith.constant 0 : i32
      %dma_start3A_309 = tpu.memref_slice %arg15[%run_scoped3A_3, %dma_start3A_307, %dma_start3A_308] : memref<2x200x128xf32, #tpu.memory_space<vmem>> -> memref<1x200x128xf32, #tpu.memory_space<vmem>>
      %dma_start3A_310 = tpu.memref_squeeze %dma_start3A_309 : memref<1x200x128xf32, #tpu.memory_space<vmem>> -> memref<200x128xf32, #tpu.memory_space<vmem>>
      %dma_start3A_311 = arith.constant 0 : i32
      %dma_start3A_312 = arith.constant 0 : i32
      %dma_start3A_313 = tpu.memref_slice %arg5[%dma_start3A_311, %dma_start3A_312] : memref<512x128xf32, #tpu.memory_space<hbm>> -> memref<200x128xf32, #tpu.memory_space<hbm>>
      tpu.enqueue_dma source(%dma_start3A_313 : memref<200x128xf32, #tpu.memory_space<hbm>>) target(%dma_start3A_310 : memref<200x128xf32, #tpu.memory_space<vmem>>) target_semaphore(%run_scoped3A_299 : memref<!tpu.dma_semaphore, #tpu.memory_space<semaphore_mem>>)
      %dma_wait3A_314 = arith.constant 0 : i32
      %dma_wait3A_315 = arith.constant 0 : i32
      %dma_wait3A_316 = tpu.memref_slice %arg15[%run_scoped3A_3, %dma_wait3A_314, %dma_wait3A_315] : memref<2x200x128xf32, #tpu.memory_space<vmem>> -> memref<1x200x128xf32, #tpu.memory_space<vmem>>
      %dma_wait3A_317 = tpu.memref_squeeze %dma_wait3A_316 : memref<1x200x128xf32, #tpu.memory_space<vmem>> -> memref<200x128xf32, #tpu.memory_space<vmem>>
      %dma_wait3A_318 = arith.constant 0 : i32
      %dma_wait3A_319 = arith.constant 0 : i32
      %dma_wait3A_320 = tpu.memref_slice %arg5[%dma_wait3A_318, %dma_wait3A_319] : memref<512x128xf32, #tpu.memory_space<hbm>> -> memref<200x128xf32, #tpu.memory_space<hbm>>
      %dma_wait3A_321 = arith.constant 0 : i32
      %dma_wait3A_322 = arith.constant 0 : i32
      %dma_wait3A_323 = tpu.memref_slice %arg15[%run_scoped3A_3, %dma_wait3A_321, %dma_wait3A_322] : memref<2x200x128xf32, #tpu.memory_space<vmem>> -> memref<1x200x128xf32, #tpu.memory_space<vmem>>
      %dma_wait3A_324 = tpu.memref_squeeze %dma_wait3A_323 : memref<1x200x128xf32, #tpu.memory_space<vmem>> -> memref<200x128xf32, #tpu.memory_space<vmem>>
      %dma_wait3A_325 = arith.constant 0 : i32
      %dma_wait3A_326 = arith.constant 0 : i32
      %dma_wait3A_327 = tpu.memref_slice %arg5[%dma_wait3A_325, %dma_wait3A_326] : memref<512x128xf32, #tpu.memory_space<hbm>> -> memref<200x128xf32, #tpu.memory_space<hbm>>
      tpu.wait_dma2 semaphore(%run_scoped3A_299 : memref<!tpu.dma_semaphore, #tpu.memory_space<semaphore_mem>>) src(%dma_wait3A_327 : memref<200x128xf32, #tpu.memory_space<hbm>>) dst(%dma_wait3A_324 : memref<200x128xf32, #tpu.memory_space<vmem>>)
      tpu.yield
    }) : () -> ()
    "tpu.region"() ({
      %run_scoped3A_299 = tpu.sem_alloc : memref<!tpu.dma_semaphore, #tpu.memory_space<semaphore_mem>>
      tpu.enqueue_dma source(%arg6 : memref<2x128xf32, #tpu.memory_space<hbm>>) target(%arg16 : memref<2x128xf32, #tpu.memory_space<vmem>>) target_semaphore(%run_scoped3A_299 : memref<!tpu.dma_semaphore, #tpu.memory_space<semaphore_mem>>)
      tpu.wait_dma2 semaphore(%run_scoped3A_299 : memref<!tpu.dma_semaphore, #tpu.memory_space<semaphore_mem>>) src(%arg6 : memref<2x128xf32, #tpu.memory_space<hbm>>) dst(%arg16 : memref<2x128xf32, #tpu.memory_space<vmem>>)
      tpu.yield
    }) : () -> ()
    "tpu.region"() ({
      %run_scoped3A_299 = tpu.sem_alloc : memref<!tpu.dma_semaphore, #tpu.memory_space<semaphore_mem>>
      tpu.enqueue_dma source(%arg7 : memref<128xf32, #tpu.memory_space<hbm>>) target(%arg17 : memref<128xf32, #tpu.memory_space<vmem>>) target_semaphore(%run_scoped3A_299 : memref<!tpu.dma_semaphore, #tpu.memory_space<semaphore_mem>>)
      tpu.wait_dma2 semaphore(%run_scoped3A_299 : memref<!tpu.dma_semaphore, #tpu.memory_space<semaphore_mem>>) src(%arg7 : memref<128xf32, #tpu.memory_space<hbm>>) dst(%arg17 : memref<128xf32, #tpu.memory_space<vmem>>)
      tpu.yield
    }) : () -> ()
    "tpu.region"() ({
      %run_scoped3A_299 = tpu.sem_alloc : memref<!tpu.dma_semaphore, #tpu.memory_space<semaphore_mem>>
      tpu.enqueue_dma source(%arg8 : memref<128xf32, #tpu.memory_space<hbm>>) target(%arg18 : memref<128xf32, #tpu.memory_space<vmem>>) target_semaphore(%run_scoped3A_299 : memref<!tpu.dma_semaphore, #tpu.memory_space<semaphore_mem>>)
      tpu.wait_dma2 semaphore(%run_scoped3A_299 : memref<!tpu.dma_semaphore, #tpu.memory_space<semaphore_mem>>) src(%arg8 : memref<128xf32, #tpu.memory_space<hbm>>) dst(%arg18 : memref<128xf32, #tpu.memory_space<vmem>>)
      tpu.yield
    }) : () -> ()
    %get3A = arith.constant 0 : i32
    %get3A_4 = arith.index_cast %get3A : i32 to index
    %get3A_5 = arith.constant 0 : index
    %get3A_6 = tpu.vector_load %arg16[%get3A_4, %get3A_5] {strides = array<i32>} : memref<2x128xf32, #tpu.memory_space<vmem>>, vector<1x16xf32>,
    %get3A_7 = vector.shape_cast %get3A_6 : vector<1x16xf32> to vector<16xf32>
    %get3A_8 = arith.constant 0 : i32
    %get3A_9 = arith.index_cast %get3A_8 : i32 to index
    %get3A_10 = arith.constant 16 : index
    %get3A_11 = tpu.vector_load %arg16[%get3A_9, %get3A_10] {strides = array<i32>} : memref<2x128xf32, #tpu.memory_space<vmem>>, vector<1x16xf32>,
    %get3A_12 = vector.shape_cast %get3A_11 : vector<1x16xf32> to vector<16xf32>
    %get3A_13 = arith.constant 0 : i32
    %get3A_14 = arith.index_cast %get3A_13 : i32 to index
    %get3A_15 = arith.constant 32 : index
    %get3A_16 = tpu.vector_load %arg16[%get3A_14, %get3A_15] {strides = array<i32>} : memref<2x128xf32, #tpu.memory_space<vmem>>, vector<1x16xf32>,
    %get3A_17 = vector.shape_cast %get3A_16 : vector<1x16xf32> to vector<16xf32>
    %get3A_18 = arith.constant 0 : i32
    %get3A_19 = arith.index_cast %get3A_18 : i32 to index
    %get3A_20 = arith.constant 48 : index
    %get3A_21 = tpu.vector_load %arg16[%get3A_19, %get3A_20] {strides = array<i32>} : memref<2x128xf32, #tpu.memory_space<vmem>>, vector<1x16xf32>,
    %get3A_22 = vector.shape_cast %get3A_21 : vector<1x16xf32> to vector<16xf32>
    %get3A_23 = arith.constant 0 : i32
    %get3A_24 = arith.index_cast %get3A_23 : i32 to index
    %get3A_25 = arith.constant 64 : index
    %get3A_26 = tpu.vector_load %arg16[%get3A_24, %get3A_25] {strides = array<i32>} : memref<2x128xf32, #tpu.memory_space<vmem>>, vector<1x16xf32>,
    %get3A_27 = vector.shape_cast %get3A_26 : vector<1x16xf32> to vector<16xf32>
    %get3A_28 = arith.constant 0 : i32
    %get3A_29 = arith.index_cast %get3A_28 : i32 to index
    %get3A_30 = arith.constant 80 : index
    %get3A_31 = tpu.vector_load %arg16[%get3A_29, %get3A_30] {strides = array<i32>} : memref<2x128xf32, #tpu.memory_space<vmem>>, vector<1x16xf32>,
    %get3A_32 = vector.shape_cast %get3A_31 : vector<1x16xf32> to vector<16xf32>
    %get3A_33 = arith.constant 0 : i32
    %get3A_34 = arith.index_cast %get3A_33 : i32 to index
    %get3A_35 = arith.constant 96 : index
    %get3A_36 = tpu.vector_load %arg16[%get3A_34, %get3A_35] {strides = array<i32>} : memref<2x128xf32, #tpu.memory_space<vmem>>, vector<1x16xf32>,
    %get3A_37 = vector.shape_cast %get3A_36 : vector<1x16xf32> to vector<16xf32>
    %get3A_38 = arith.constant 0 : i32
    %get3A_39 = arith.index_cast %get3A_38 : i32 to index
    %get3A_40 = arith.constant 112 : index
    %get3A_41 = tpu.vector_load %arg16[%get3A_39, %get3A_40] {strides = array<i32>} : memref<2x128xf32, #tpu.memory_space<vmem>>, vector<1x16xf32>,
    %get3A_42 = vector.shape_cast %get3A_41 : vector<1x16xf32> to vector<16xf32>
    %get3A_43 = arith.constant 1 : i32
    %get3A_44 = arith.index_cast %get3A_43 : i32 to index
    %get3A_45 = arith.constant 0 : index
    %get3A_46 = tpu.vector_load %arg16[%get3A_44, %get3A_45] {strides = array<i32>} : memref<2x128xf32, #tpu.memory_space<vmem>>, vector<1x16xf32>,
    %get3A_47 = vector.shape_cast %get3A_46 : vector<1x16xf32> to vector<16xf32>
    %get3A_48 = arith.constant 1 : i32
    %get3A_49 = arith.index_cast %get3A_48 : i32 to index
    %get3A_50 = arith.constant 16 : index
    %get3A_51 = tpu.vector_load %arg16[%get3A_49, %get3A_50] {strides = array<i32>} : memref<2x128xf32, #tpu.memory_space<vmem>>, vector<1x16xf32>,
    %get3A_52 = vector.shape_cast %get3A_51 : vector<1x16xf32> to vector<16xf32>
    %get3A_53 = arith.constant 1 : i32
    %get3A_54 = arith.index_cast %get3A_53 : i32 to index
    %get3A_55 = arith.constant 32 : index
    %get3A_56 = tpu.vector_load %arg16[%get3A_54, %get3A_55] {strides = array<i32>} : memref<2x128xf32, #tpu.memory_space<vmem>>, vector<1x16xf32>,
    %get3A_57 = vector.shape_cast %get3A_56 : vector<1x16xf32> to vector<16xf32>
    %get3A_58 = arith.constant 1 : i32
    %get3A_59 = arith.index_cast %get3A_58 : i32 to index
    %get3A_60 = arith.constant 48 : index
    %get3A_61 = tpu.vector_load %arg16[%get3A_59, %get3A_60] {strides = array<i32>} : memref<2x128xf32, #tpu.memory_space<vmem>>, vector<1x16xf32>,
    %get3A_62 = vector.shape_cast %get3A_61 : vector<1x16xf32> to vector<16xf32>
    %get3A_63 = arith.constant 1 : i32
    %get3A_64 = arith.index_cast %get3A_63 : i32 to index
    %get3A_65 = arith.constant 64 : index
    %get3A_66 = tpu.vector_load %arg16[%get3A_64, %get3A_65] {strides = array<i32>} : memref<2x128xf32, #tpu.memory_space<vmem>>, vector<1x16xf32>,
    %get3A_67 = vector.shape_cast %get3A_66 : vector<1x16xf32> to vector<16xf32>
    %get3A_68 = arith.constant 1 : i32
    %get3A_69 = arith.index_cast %get3A_68 : i32 to index
    %get3A_70 = arith.constant 80 : index
    %get3A_71 = tpu.vector_load %arg16[%get3A_69, %get3A_70] {strides = array<i32>} : memref<2x128xf32, #tpu.memory_space<vmem>>, vector<1x16xf32>,
    %get3A_72 = vector.shape_cast %get3A_71 : vector<1x16xf32> to vector<16xf32>
    %get3A_73 = arith.constant 1 : i32
    %get3A_74 = arith.index_cast %get3A_73 : i32 to index
    %get3A_75 = arith.constant 96 : index
    %get3A_76 = tpu.vector_load %arg16[%get3A_74, %get3A_75] {strides = array<i32>} : memref<2x128xf32, #tpu.memory_space<vmem>>, vector<1x16xf32>,
    %get3A_77 = vector.shape_cast %get3A_76 : vector<1x16xf32> to vector<16xf32>
    %get3A_78 = arith.constant 1 : i32
    %get3A_79 = arith.index_cast %get3A_78 : i32 to index
    %get3A_80 = arith.constant 112 : index
    %get3A_81 = tpu.vector_load %arg16[%get3A_79, %get3A_80] {strides = array<i32>} : memref<2x128xf32, #tpu.memory_space<vmem>>, vector<1x16xf32>,
    %get3A_82 = vector.shape_cast %get3A_81 : vector<1x16xf32> to vector<16xf32>
    %parallel_loop3A = arith.constant 0 : i32
    %parallel_loop3A_83 = arith.constant 200 : i32
    %parallel_loop3A_84 = arith.constant 1 : i32
    scf.for %parallel_loop3A_299 = %parallel_loop3A to %parallel_loop3A_83 step %parallel_loop3A_84  : i32 {
      %parallel_loop3A_300 = arith.constant 0 : i32
      %parallel_loop3A_301 = arith.index_cast %parallel_loop3A_300 : i32 to index
      %parallel_loop3A_302 = arith.index_cast %parallel_loop3A_299 : i32 to index
      %parallel_loop3A_303 = arith.constant 0 : index
      %parallel_loop3A_304 = tpu.vector_load %arg15[%parallel_loop3A_301, %parallel_loop3A_302, %parallel_loop3A_303] {strides = array<i32>} : memref<2x200x128xf32, #tpu.memory_space<vmem>>, vector<1x1x16xf32>,
      %parallel_loop3A_305 = vector.shape_cast %parallel_loop3A_304 : vector<1x1x16xf32> to vector<16xf32>
      %parallel_loop3A_306 = arith.addf %parallel_loop3A_305, %get3A_7 : vector<16xf32>
      %parallel_loop3A_307 = arith.constant 0 : i32
      %parallel_loop3A_308 = arith.index_cast %parallel_loop3A_307 : i32 to index
      %parallel_loop3A_309 = arith.index_cast %parallel_loop3A_299 : i32 to index
      %parallel_loop3A_310 = arith.constant 0 : index
      %parallel_loop3A_311 = tpu.vector_load %arg15[%parallel_loop3A_308, %parallel_loop3A_309, %parallel_loop3A_310] {strides = array<i32>} : memref<2x200x128xf32, #tpu.memory_space<vmem>>, vector<1x1x16xf32>,
      %parallel_loop3A_312 = vector.shape_cast %parallel_loop3A_311 : vector<1x1x16xf32> to vector<16xf32>
      %parallel_loop3A_313 = vector.shape_cast %parallel_loop3A_306 : vector<16xf32> to vector<1x1x16xf32>
      tpu.vector_store %arg15[%parallel_loop3A_308, %parallel_loop3A_309, %parallel_loop3A_310], %parallel_loop3A_313 {strides = array<i32>} : memref<2x200x128xf32, #tpu.memory_space<vmem>>, vector<1x1x16xf32>,
      %parallel_loop3A_314 = arith.constant 0 : i32
      %parallel_loop3A_315 = arith.index_cast %parallel_loop3A_314 : i32 to index
      %parallel_loop3A_316 = arith.index_cast %parallel_loop3A_299 : i32 to index
      %parallel_loop3A_317 = arith.constant 16 : index
      %parallel_loop3A_318 = tpu.vector_load %arg15[%parallel_loop3A_315, %parallel_loop3A_316, %parallel_loop3A_317] {strides = array<i32>} : memref<2x200x128xf32, #tpu.memory_space<vmem>>, vector<1x1x16xf32>,
      %parallel_loop3A_319 = vector.shape_cast %parallel_loop3A_318 : vector<1x1x16xf32> to vector<16xf32>
      %parallel_loop3A_320 = arith.addf %parallel_loop3A_319, %get3A_12 : vector<16xf32>
      %parallel_loop3A_321 = arith.constant 0 : i32
      %parallel_loop3A_322 = arith.index_cast %parallel_loop3A_321 : i32 to index
      %parallel_loop3A_323 = arith.index_cast %parallel_loop3A_299 : i32 to index
      %parallel_loop3A_324 = arith.constant 16 : index
      %parallel_loop3A_325 = tpu.vector_load %arg15[%parallel_loop3A_322, %parallel_loop3A_323, %parallel_loop3A_324] {strides = array<i32>} : memref<2x200x128xf32, #tpu.memory_space<vmem>>, vector<1x1x16xf32>,
      %parallel_loop3A_326 = vector.shape_cast %parallel_loop3A_325 : vector<1x1x16xf32> to vector<16xf32>
      %parallel_loop3A_327 = vector.shape_cast %parallel_loop3A_320 : vector<16xf32> to vector<1x1x16xf32>
      tpu.vector_store %arg15[%parallel_loop3A_322, %parallel_loop3A_323, %parallel_loop3A_324], %parallel_loop3A_327 {strides = array<i32>} : memref<2x200x128xf32, #tpu.memory_space<vmem>>, vector<1x1x16xf32>,
      %parallel_loop3A_328 = arith.constant 0 : i32
      %parallel_loop3A_329 = arith.index_cast %parallel_loop3A_328 : i32 to index
      %parallel_loop3A_330 = arith.index_cast %parallel_loop3A_299 : i32 to index
      %parallel_loop3A_331 = arith.constant 32 : index
      %parallel_loop3A_332 = tpu.vector_load %arg15[%parallel_loop3A_329, %parallel_loop3A_330, %parallel_loop3A_331] {strides = array<i32>} : memref<2x200x128xf32, #tpu.memory_space<vmem>>, vector<1x1x16xf32>,
      %parallel_loop3A_333 = vector.shape_cast %parallel_loop3A_332 : vector<1x1x16xf32> to vector<16xf32>
      %parallel_loop3A_334 = arith.addf %parallel_loop3A_333, %get3A_17 : vector<16xf32>
      %parallel_loop3A_335 = arith.constant 0 : i32
      %parallel_loop3A_336 = arith.index_cast %parallel_loop3A_335 : i32 to index
      %parallel_loop3A_337 = arith.index_cast %parallel_loop3A_299 : i32 to index
      %parallel_loop3A_338 = arith.constant 32 : index
      %parallel_loop3A_339 = tpu.vector_load %arg15[%parallel_loop3A_336, %parallel_loop3A_337, %parallel_loop3A_338] {strides = array<i32>} : memref<2x200x128xf32, #tpu.memory_space<vmem>>, vector<1x1x16xf32>,
      %parallel_loop3A_340 = vector.shape_cast %parallel_loop3A_339 : vector<1x1x16xf32> to vector<16xf32>
      %parallel_loop3A_341 = vector.shape_cast %parallel_loop3A_334 : vector<16xf32> to vector<1x1x16xf32>
      tpu.vector_store %arg15[%parallel_loop3A_336, %parallel_loop3A_337, %parallel_loop3A_338], %parallel_loop3A_341 {strides = array<i32>} : memref<2x200x128xf32, #tpu.memory_space<vmem>>, vector<1x1x16xf32>,
      %parallel_loop3A_342 = arith.constant 0 : i32
      %parallel_loop3A_343 = arith.index_cast %parallel_loop3A_342 : i32 to index
      %parallel_loop3A_344 = arith.index_cast %parallel_loop3A_299 : i32 to index
      %parallel_loop3A_345 = arith.constant 48 : index
      %parallel_loop3A_346 = tpu.vector_load %arg15[%parallel_loop3A_343, %parallel_loop3A_344, %parallel_loop3A_345] {strides = array<i32>} : memref<2x200x128xf32, #tpu.memory_space<vmem>>, vector<1x1x16xf32>,
      %parallel_loop3A_347 = vector.shape_cast %parallel_loop3A_346 : vector<1x1x16xf32> to vector<16xf32>
      %parallel_loop3A_348 = arith.addf %parallel_loop3A_347, %get3A_22 : vector<16xf32>
      %parallel_loop3A_349 = arith.constant 0 : i32
      %parallel_loop3A_350 = arith.index_cast %parallel_loop3A_349 : i32 to index
      %parallel_loop3A_351 = arith.index_cast %parallel_loop3A_299 : i32 to index
      %parallel_loop3A_352 = arith.constant 48 : index
      %parallel_loop3A_353 = tpu.vector_load %arg15[%parallel_loop3A_350, %parallel_loop3A_351, %parallel_loop3A_352] {strides = array<i32>} : memref<2x200x128xf32, #tpu.memory_space<vmem>>, vector<1x1x16xf32>,
      %parallel_loop3A_354 = vector.shape_cast %parallel_loop3A_353 : vector<1x1x16xf32> to vector<16xf32>
      %parallel_loop3A_355 = vector.shape_cast %parallel_loop3A_348 : vector<16xf32> to vector<1x1x16xf32>
      tpu.vector_store %arg15[%parallel_loop3A_350, %parallel_loop3A_351, %parallel_loop3A_352], %parallel_loop3A_355 {strides = array<i32>} : memref<2x200x128xf32, #tpu.memory_space<vmem>>, vector<1x1x16xf32>,
      %parallel_loop3A_356 = arith.constant 0 : i32
      %parallel_loop3A_357 = arith.index_cast %parallel_loop3A_356 : i32 to index
      %parallel_loop3A_358 = arith.index_cast %parallel_loop3A_299 : i32 to index
      %parallel_loop3A_359 = arith.constant 64 : index
      %parallel_loop3A_360 = tpu.vector_load %arg15[%parallel_loop3A_357, %parallel_loop3A_358, %parallel_loop3A_359] {strides = array<i32>} : memref<2x200x128xf32, #tpu.memory_space<vmem>>, vector<1x1x16xf32>,
      %parallel_loop3A_361 = vector.shape_cast %parallel_loop3A_360 : vector<1x1x16xf32> to vector<16xf32>
      %parallel_loop3A_362 = arith.addf %parallel_loop3A_361, %get3A_27 : vector<16xf32>
      %parallel_loop3A_363 = arith.constant 0 : i32
      %parallel_loop3A_364 = arith.index_cast %parallel_loop3A_363 : i32 to index
      %parallel_loop3A_365 = arith.index_cast %parallel_loop3A_299 : i32 to index
      %parallel_loop3A_366 = arith.constant 64 : index
      %parallel_loop3A_367 = tpu.vector_load %arg15[%parallel_loop3A_364, %parallel_loop3A_365, %parallel_loop3A_366] {strides = array<i32>} : memref<2x200x128xf32, #tpu.memory_space<vmem>>, vector<1x1x16xf32>,
      %parallel_loop3A_368 = vector.shape_cast %parallel_loop3A_367 : vector<1x1x16xf32> to vector<16xf32>
      %parallel_loop3A_369 = vector.shape_cast %parallel_loop3A_362 : vector<16xf32> to vector<1x1x16xf32>
      tpu.vector_store %arg15[%parallel_loop3A_364, %parallel_loop3A_365, %parallel_loop3A_366], %parallel_loop3A_369 {strides = array<i32>} : memref<2x200x128xf32, #tpu.memory_space<vmem>>, vector<1x1x16xf32>,
      %parallel_loop3A_370 = arith.constant 0 : i32
      %parallel_loop3A_371 = arith.index_cast %parallel_loop3A_370 : i32 to index
      %parallel_loop3A_372 = arith.index_cast %parallel_loop3A_299 : i32 to index
      %parallel_loop3A_373 = arith.constant 80 : index
      %parallel_loop3A_374 = tpu.vector_load %arg15[%parallel_loop3A_371, %parallel_loop3A_372, %parallel_loop3A_373] {strides = array<i32>} : memref<2x200x128xf32, #tpu.memory_space<vmem>>, vector<1x1x16xf32>,
      %parallel_loop3A_375 = vector.shape_cast %parallel_loop3A_374 : vector<1x1x16xf32> to vector<16xf32>
      %parallel_loop3A_376 = arith.addf %parallel_loop3A_375, %get3A_32 : vector<16xf32>
      %parallel_loop3A_377 = arith.constant 0 : i32
      %parallel_loop3A_378 = arith.index_cast %parallel_loop3A_377 : i32 to index
      %parallel_loop3A_379 = arith.index_cast %parallel_loop3A_299 : i32 to index
      %parallel_loop3A_380 = arith.constant 80 : index
      %parallel_loop3A_381 = tpu.vector_load %arg15[%parallel_loop3A_378, %parallel_loop3A_379, %parallel_loop3A_380] {strides = array<i32>} : memref<2x200x128xf32, #tpu.memory_space<vmem>>, vector<1x1x16xf32>,
      %parallel_loop3A_382 = vector.shape_cast %parallel_loop3A_381 : vector<1x1x16xf32> to vector<16xf32>
      %parallel_loop3A_383 = vector.shape_cast %parallel_loop3A_376 : vector<16xf32> to vector<1x1x16xf32>
      tpu.vector_store %arg15[%parallel_loop3A_378, %parallel_loop3A_379, %parallel_loop3A_380], %parallel_loop3A_383 {strides = array<i32>} : memref<2x200x128xf32, #tpu.memory_space<vmem>>, vector<1x1x16xf32>,
      %parallel_loop3A_384 = arith.constant 0 : i32
      %parallel_loop3A_385 = arith.index_cast %parallel_loop3A_384 : i32 to index
      %parallel_loop3A_386 = arith.index_cast %parallel_loop3A_299 : i32 to index
      %parallel_loop3A_387 = arith.constant 96 : index
      %parallel_loop3A_388 = tpu.vector_load %arg15[%parallel_loop3A_385, %parallel_loop3A_386, %parallel_loop3A_387] {strides = array<i32>} : memref<2x200x128xf32, #tpu.memory_space<vmem>>, vector<1x1x16xf32>,
      %parallel_loop3A_389 = vector.shape_cast %parallel_loop3A_388 : vector<1x1x16xf32> to vector<16xf32>
      %parallel_loop3A_390 = arith.addf %parallel_loop3A_389, %get3A_37 : vector<16xf32>
      %parallel_loop3A_391 = arith.constant 0 : i32
      %parallel_loop3A_392 = arith.index_cast %parallel_loop3A_391 : i32 to index
      %parallel_loop3A_393 = arith.index_cast %parallel_loop3A_299 : i32 to index
      %parallel_loop3A_394 = arith.constant 96 : index
      %parallel_loop3A_395 = tpu.vector_load %arg15[%parallel_loop3A_392, %parallel_loop3A_393, %parallel_loop3A_394] {strides = array<i32>} : memref<2x200x128xf32, #tpu.memory_space<vmem>>, vector<1x1x16xf32>,
      %parallel_loop3A_396 = vector.shape_cast %parallel_loop3A_395 : vector<1x1x16xf32> to vector<16xf32>
      %parallel_loop3A_397 = vector.shape_cast %parallel_loop3A_390 : vector<16xf32> to vector<1x1x16xf32>
      tpu.vector_store %arg15[%parallel_loop3A_392, %parallel_loop3A_393, %parallel_loop3A_394], %parallel_loop3A_397 {strides = array<i32>} : memref<2x200x128xf32, #tpu.memory_space<vmem>>, vector<1x1x16xf32>,
      %parallel_loop3A_398 = arith.constant 0 : i32
      %parallel_loop3A_399 = arith.index_cast %parallel_loop3A_398 : i32 to index
      %parallel_loop3A_400 = arith.index_cast %parallel_loop3A_299 : i32 to index
      %parallel_loop3A_401 = arith.constant 112 : index
      %parallel_loop3A_402 = tpu.vector_load %arg15[%parallel_loop3A_399, %parallel_loop3A_400, %parallel_loop3A_401] {strides = array<i32>} : memref<2x200x128xf32, #tpu.memory_space<vmem>>, vector<1x1x16xf32>,
      %parallel_loop3A_403 = vector.shape_cast %parallel_loop3A_402 : vector<1x1x16xf32> to vector<16xf32>
      %parallel_loop3A_404 = arith.addf %parallel_loop3A_403, %get3A_42 : vector<16xf32>
      %parallel_loop3A_405 = arith.constant 0 : i32
      %parallel_loop3A_406 = arith.index_cast %parallel_loop3A_405 : i32 to index
      %parallel_loop3A_407 = arith.index_cast %parallel_loop3A_299 : i32 to index
      %parallel_loop3A_408 = arith.constant 112 : index
      %parallel_loop3A_409 = tpu.vector_load %arg15[%parallel_loop3A_406, %parallel_loop3A_407, %parallel_loop3A_408] {strides = array<i32>} : memref<2x200x128xf32, #tpu.memory_space<vmem>>, vector<1x1x16xf32>,
      %parallel_loop3A_410 = vector.shape_cast %parallel_loop3A_409 : vector<1x1x16xf32> to vector<16xf32>
      %parallel_loop3A_411 = vector.shape_cast %parallel_loop3A_404 : vector<16xf32> to vector<1x1x16xf32>
      tpu.vector_store %arg15[%parallel_loop3A_406, %parallel_loop3A_407, %parallel_loop3A_408], %parallel_loop3A_411 {strides = array<i32>} : memref<2x200x128xf32, #tpu.memory_space<vmem>>, vector<1x1x16xf32>,
      %parallel_loop3A_412 = arith.constant 1 : i32
      %parallel_loop3A_413 = arith.index_cast %parallel_loop3A_412 : i32 to index
      %parallel_loop3A_414 = arith.index_cast %parallel_loop3A_299 : i32 to index
      %parallel_loop3A_415 = arith.constant 0 : index
      %parallel_loop3A_416 = tpu.vector_load %arg15[%parallel_loop3A_413, %parallel_loop3A_414, %parallel_loop3A_415] {strides = array<i32>} : memref<2x200x128xf32, #tpu.memory_space<vmem>>, vector<1x1x16xf32>,
      %parallel_loop3A_417 = vector.shape_cast %parallel_loop3A_416 : vector<1x1x16xf32> to vector<16xf32>
      %parallel_loop3A_418 = arith.addf %parallel_loop3A_417, %get3A_47 : vector<16xf32>
      %parallel_loop3A_419 = arith.constant 1 : i32
      %parallel_loop3A_420 = arith.index_cast %parallel_loop3A_419 : i32 to index
      %parallel_loop3A_421 = arith.index_cast %parallel_loop3A_299 : i32 to index
      %parallel_loop3A_422 = arith.constant 0 : index
      %parallel_loop3A_423 = tpu.vector_load %arg15[%parallel_loop3A_420, %parallel_loop3A_421, %parallel_loop3A_422] {strides = array<i32>} : memref<2x200x128xf32, #tpu.memory_space<vmem>>, vector<1x1x16xf32>,
      %parallel_loop3A_424 = vector.shape_cast %parallel_loop3A_423 : vector<1x1x16xf32> to vector<16xf32>
      %parallel_loop3A_425 = vector.shape_cast %parallel_loop3A_418 : vector<16xf32> to vector<1x1x16xf32>
      tpu.vector_store %arg15[%parallel_loop3A_420, %parallel_loop3A_421, %parallel_loop3A_422], %parallel_loop3A_425 {strides = array<i32>} : memref<2x200x128xf32, #tpu.memory_space<vmem>>, vector<1x1x16xf32>,
      %parallel_loop3A_426 = arith.constant 1 : i32
      %parallel_loop3A_427 = arith.index_cast %parallel_loop3A_426 : i32 to index
      %parallel_loop3A_428 = arith.index_cast %parallel_loop3A_299 : i32 to index
      %parallel_loop3A_429 = arith.constant 16 : index
      %parallel_loop3A_430 = tpu.vector_load %arg15[%parallel_loop3A_427, %parallel_loop3A_428, %parallel_loop3A_429] {strides = array<i32>} : memref<2x200x128xf32, #tpu.memory_space<vmem>>, vector<1x1x16xf32>,
      %parallel_loop3A_431 = vector.shape_cast %parallel_loop3A_430 : vector<1x1x16xf32> to vector<16xf32>
      %parallel_loop3A_432 = arith.addf %parallel_loop3A_431, %get3A_52 : vector<16xf32>
      %parallel_loop3A_433 = arith.constant 1 : i32
      %parallel_loop3A_434 = arith.index_cast %parallel_loop3A_433 : i32 to index
      %parallel_loop3A_435 = arith.index_cast %parallel_loop3A_299 : i32 to index
      %parallel_loop3A_436 = arith.constant 16 : index
      %parallel_loop3A_437 = tpu.vector_load %arg15[%parallel_loop3A_434, %parallel_loop3A_435, %parallel_loop3A_436] {strides = array<i32>} : memref<2x200x128xf32, #tpu.memory_space<vmem>>, vector<1x1x16xf32>,
      %parallel_loop3A_438 = vector.shape_cast %parallel_loop3A_437 : vector<1x1x16xf32> to vector<16xf32>
      %parallel_loop3A_439 = vector.shape_cast %parallel_loop3A_432 : vector<16xf32> to vector<1x1x16xf32>
      tpu.vector_store %arg15[%parallel_loop3A_434, %parallel_loop3A_435, %parallel_loop3A_436], %parallel_loop3A_439 {strides = array<i32>} : memref<2x200x128xf32, #tpu.memory_space<vmem>>, vector<1x1x16xf32>,
      %parallel_loop3A_440 = arith.constant 1 : i32
      %parallel_loop3A_441 = arith.index_cast %parallel_loop3A_440 : i32 to index
      %parallel_loop3A_442 = arith.index_cast %parallel_loop3A_299 : i32 to index
      %parallel_loop3A_443 = arith.constant 32 : index
      %parallel_loop3A_444 = tpu.vector_load %arg15[%parallel_loop3A_441, %parallel_loop3A_442, %parallel_loop3A_443] {strides = array<i32>} : memref<2x200x128xf32, #tpu.memory_space<vmem>>, vector<1x1x16xf32>,
      %parallel_loop3A_445 = vector.shape_cast %parallel_loop3A_444 : vector<1x1x16xf32> to vector<16xf32>
      %parallel_loop3A_446 = arith.addf %parallel_loop3A_445, %get3A_57 : vector<16xf32>
      %parallel_loop3A_447 = arith.constant 1 : i32
      %parallel_loop3A_448 = arith.index_cast %parallel_loop3A_447 : i32 to index
      %parallel_loop3A_449 = arith.index_cast %parallel_loop3A_299 : i32 to index
      %parallel_loop3A_450 = arith.constant 32 : index
      %parallel_loop3A_451 = tpu.vector_load %arg15[%parallel_loop3A_448, %parallel_loop3A_449, %parallel_loop3A_450] {strides = array<i32>} : memref<2x200x128xf32, #tpu.memory_space<vmem>>, vector<1x1x16xf32>,
      %parallel_loop3A_452 = vector.shape_cast %parallel_loop3A_451 : vector<1x1x16xf32> to vector<16xf32>
      %parallel_loop3A_453 = vector.shape_cast %parallel_loop3A_446 : vector<16xf32> to vector<1x1x16xf32>
      tpu.vector_store %arg15[%parallel_loop3A_448, %parallel_loop3A_449, %parallel_loop3A_450], %parallel_loop3A_453 {strides = array<i32>} : memref<2x200x128xf32, #tpu.memory_space<vmem>>, vector<1x1x16xf32>,
      %parallel_loop3A_454 = arith.constant 1 : i32
      %parallel_loop3A_455 = arith.index_cast %parallel_loop3A_454 : i32 to index
      %parallel_loop3A_456 = arith.index_cast %parallel_loop3A_299 : i32 to index
      %parallel_loop3A_457 = arith.constant 48 : index
      %parallel_loop3A_458 = tpu.vector_load %arg15[%parallel_loop3A_455, %parallel_loop3A_456, %parallel_loop3A_457] {strides = array<i32>} : memref<2x200x128xf32, #tpu.memory_space<vmem>>, vector<1x1x16xf32>,
      %parallel_loop3A_459 = vector.shape_cast %parallel_loop3A_458 : vector<1x1x16xf32> to vector<16xf32>
      %parallel_loop3A_460 = arith.addf %parallel_loop3A_459, %get3A_62 : vector<16xf32>
      %parallel_loop3A_461 = arith.constant 1 : i32
      %parallel_loop3A_462 = arith.index_cast %parallel_loop3A_461 : i32 to index
      %parallel_loop3A_463 = arith.index_cast %parallel_loop3A_299 : i32 to index
      %parallel_loop3A_464 = arith.constant 48 : index
      %parallel_loop3A_465 = tpu.vector_load %arg15[%parallel_loop3A_462, %parallel_loop3A_463, %parallel_loop3A_464] {strides = array<i32>} : memref<2x200x128xf32, #tpu.memory_space<vmem>>, vector<1x1x16xf32>,
      %parallel_loop3A_466 = vector.shape_cast %parallel_loop3A_465 : vector<1x1x16xf32> to vector<16xf32>
      %parallel_loop3A_467 = vector.shape_cast %parallel_loop3A_460 : vector<16xf32> to vector<1x1x16xf32>
      tpu.vector_store %arg15[%parallel_loop3A_462, %parallel_loop3A_463, %parallel_loop3A_464], %parallel_loop3A_467 {strides = array<i32>} : memref<2x200x128xf32, #tpu.memory_space<vmem>>, vector<1x1x16xf32>,
      %parallel_loop3A_468 = arith.constant 1 : i32
      %parallel_loop3A_469 = arith.index_cast %parallel_loop3A_468 : i32 to index
      %parallel_loop3A_470 = arith.index_cast %parallel_loop3A_299 : i32 to index
      %parallel_loop3A_471 = arith.constant 64 : index
      %parallel_loop3A_472 = tpu.vector_load %arg15[%parallel_loop3A_469, %parallel_loop3A_470, %parallel_loop3A_471] {strides = array<i32>} : memref<2x200x128xf32, #tpu.memory_space<vmem>>, vector<1x1x16xf32>,
      %parallel_loop3A_473 = vector.shape_cast %parallel_loop3A_472 : vector<1x1x16xf32> to vector<16xf32>
      %parallel_loop3A_474 = arith.addf %parallel_loop3A_473, %get3A_67 : vector<16xf32>
      %parallel_loop3A_475 = arith.constant 1 : i32
      %parallel_loop3A_476 = arith.index_cast %parallel_loop3A_475 : i32 to index
      %parallel_loop3A_477 = arith.index_cast %parallel_loop3A_299 : i32 to index
      %parallel_loop3A_478 = arith.constant 64 : index
      %parallel_loop3A_479 = tpu.vector_load %arg15[%parallel_loop3A_476, %parallel_loop3A_477, %parallel_loop3A_478] {strides = array<i32>} : memref<2x200x128xf32, #tpu.memory_space<vmem>>, vector<1x1x16xf32>,
      %parallel_loop3A_480 = vector.shape_cast %parallel_loop3A_479 : vector<1x1x16xf32> to vector<16xf32>
      %parallel_loop3A_481 = vector.shape_cast %parallel_loop3A_474 : vector<16xf32> to vector<1x1x16xf32>
      tpu.vector_store %arg15[%parallel_loop3A_476, %parallel_loop3A_477, %parallel_loop3A_478], %parallel_loop3A_481 {strides = array<i32>} : memref<2x200x128xf32, #tpu.memory_space<vmem>>, vector<1x1x16xf32>,
      %parallel_loop3A_482 = arith.constant 1 : i32
      %parallel_loop3A_483 = arith.index_cast %parallel_loop3A_482 : i32 to index
      %parallel_loop3A_484 = arith.index_cast %parallel_loop3A_299 : i32 to index
      %parallel_loop3A_485 = arith.constant 80 : index
      %parallel_loop3A_486 = tpu.vector_load %arg15[%parallel_loop3A_483, %parallel_loop3A_484, %parallel_loop3A_485] {strides = array<i32>} : memref<2x200x128xf32, #tpu.memory_space<vmem>>, vector<1x1x16xf32>,
      %parallel_loop3A_487 = vector.shape_cast %parallel_loop3A_486 : vector<1x1x16xf32> to vector<16xf32>
      %parallel_loop3A_488 = arith.addf %parallel_loop3A_487, %get3A_72 : vector<16xf32>
      %parallel_loop3A_489 = arith.constant 1 : i32
      %parallel_loop3A_490 = arith.index_cast %parallel_loop3A_489 : i32 to index
      %parallel_loop3A_491 = arith.index_cast %parallel_loop3A_299 : i32 to index
      %parallel_loop3A_492 = arith.constant 80 : index
      %parallel_loop3A_493 = tpu.vector_load %arg15[%parallel_loop3A_490, %parallel_loop3A_491, %parallel_loop3A_492] {strides = array<i32>} : memref<2x200x128xf32, #tpu.memory_space<vmem>>, vector<1x1x16xf32>,
      %parallel_loop3A_494 = vector.shape_cast %parallel_loop3A_493 : vector<1x1x16xf32> to vector<16xf32>
      %parallel_loop3A_495 = vector.shape_cast %parallel_loop3A_488 : vector<16xf32> to vector<1x1x16xf32>
      tpu.vector_store %arg15[%parallel_loop3A_490, %parallel_loop3A_491, %parallel_loop3A_492], %parallel_loop3A_495 {strides = array<i32>} : memref<2x200x128xf32, #tpu.memory_space<vmem>>, vector<1x1x16xf32>,
      %parallel_loop3A_496 = arith.constant 1 : i32
      %parallel_loop3A_497 = arith.index_cast %parallel_loop3A_496 : i32 to index
      %parallel_loop3A_498 = arith.index_cast %parallel_loop3A_299 : i32 to index
      %parallel_loop3A_499 = arith.constant 96 : index
      %parallel_loop3A_500 = tpu.vector_load %arg15[%parallel_loop3A_497, %parallel_loop3A_498, %parallel_loop3A_499] {strides = array<i32>} : memref<2x200x128xf32, #tpu.memory_space<vmem>>, vector<1x1x16xf32>,
      %parallel_loop3A_501 = vector.shape_cast %parallel_loop3A_500 : vector<1x1x16xf32> to vector<16xf32>
      %parallel_loop3A_502 = arith.addf %parallel_loop3A_501, %get3A_77 : vector<16xf32>
      %parallel_loop3A_503 = arith.constant 1 : i32
      %parallel_loop3A_504 = arith.index_cast %parallel_loop3A_503 : i32 to index
      %parallel_loop3A_505 = arith.index_cast %parallel_loop3A_299 : i32 to index
      %parallel_loop3A_506 = arith.constant 96 : index
      %parallel_loop3A_507 = tpu.vector_load %arg15[%parallel_loop3A_504, %parallel_loop3A_505, %parallel_loop3A_506] {strides = array<i32>} : memref<2x200x128xf32, #tpu.memory_space<vmem>>, vector<1x1x16xf32>,
      %parallel_loop3A_508 = vector.shape_cast %parallel_loop3A_507 : vector<1x1x16xf32> to vector<16xf32>
      %parallel_loop3A_509 = vector.shape_cast %parallel_loop3A_502 : vector<16xf32> to vector<1x1x16xf32>
      tpu.vector_store %arg15[%parallel_loop3A_504, %parallel_loop3A_505, %parallel_loop3A_506], %parallel_loop3A_509 {strides = array<i32>} : memref<2x200x128xf32, #tpu.memory_space<vmem>>, vector<1x1x16xf32>,
      %parallel_loop3A_510 = arith.constant 1 : i32
      %parallel_loop3A_511 = arith.index_cast %parallel_loop3A_510 : i32 to index
      %parallel_loop3A_512 = arith.index_cast %parallel_loop3A_299 : i32 to index
      %parallel_loop3A_513 = arith.constant 112 : index
      %parallel_loop3A_514 = tpu.vector_load %arg15[%parallel_loop3A_511, %parallel_loop3A_512, %parallel_loop3A_513] {strides = array<i32>} : memref<2x200x128xf32, #tpu.memory_space<vmem>>, vector<1x1x16xf32>,
      %parallel_loop3A_515 = vector.shape_cast %parallel_loop3A_514 : vector<1x1x16xf32> to vector<16xf32>
      %parallel_loop3A_516 = arith.addf %parallel_loop3A_515, %get3A_82 : vector<16xf32>
      %parallel_loop3A_517 = arith.constant 1 : i32
      %parallel_loop3A_518 = arith.index_cast %parallel_loop3A_517 : i32 to index
      %parallel_loop3A_519 = arith.index_cast %parallel_loop3A_299 : i32 to index
      %parallel_loop3A_520 = arith.constant 112 : index
      %parallel_loop3A_521 = tpu.vector_load %arg15[%parallel_loop3A_518, %parallel_loop3A_519, %parallel_loop3A_520] {strides = array<i32>} : memref<2x200x128xf32, #tpu.memory_space<vmem>>, vector<1x1x16xf32>,
      %parallel_loop3A_522 = vector.shape_cast %parallel_loop3A_521 : vector<1x1x16xf32> to vector<16xf32>
      %parallel_loop3A_523 = vector.shape_cast %parallel_loop3A_516 : vector<16xf32> to vector<1x1x16xf32>
      tpu.vector_store %arg15[%parallel_loop3A_518, %parallel_loop3A_519, %parallel_loop3A_520], %parallel_loop3A_523 {strides = array<i32>} : memref<2x200x128xf32, #tpu.memory_space<vmem>>, vector<1x1x16xf32>,
    } {sc.loop_unroll_factor = 2 : i64, sc.parallel_access}
    %get3A_85 = arith.constant 0 : index
    %get3A_86 = tpu.vector_load %arg17[%get3A_85] {strides = array<i32>} : memref<128xf32, #tpu.memory_space<vmem>>, vector<16xf32>,
    %get3A_87 = vector.shape_cast %get3A_86 : vector<16xf32> to vector<16xf32>
    %get3A_88 = arith.constant 16 : index
    %get3A_89 = tpu.vector_load %arg17[%get3A_88] {strides = array<i32>} : memref<128xf32, #tpu.memory_space<vmem>>, vector<16xf32>,
    %get3A_90 = vector.shape_cast %get3A_89 : vector<16xf32> to vector<16xf32>
    %get3A_91 = arith.constant 32 : index
    %get3A_92 = tpu.vector_load %arg17[%get3A_91] {strides = array<i32>} : memref<128xf32, #tpu.memory_space<vmem>>, vector<16xf32>,
    %get3A_93 = vector.shape_cast %get3A_92 : vector<16xf32> to vector<16xf32>
    %get3A_94 = arith.constant 48 : index
    %get3A_95 = tpu.vector_load %arg17[%get3A_94] {strides = array<i32>} : memref<128xf32, #tpu.memory_space<vmem>>, vector<16xf32>,
    %get3A_96 = vector.shape_cast %get3A_95 : vector<16xf32> to vector<16xf32>
    %get3A_97 = arith.constant 64 : index
    %get3A_98 = tpu.vector_load %arg17[%get3A_97] {strides = array<i32>} : memref<128xf32, #tpu.memory_space<vmem>>, vector<16xf32>,
    %get3A_99 = vector.shape_cast %get3A_98 : vector<16xf32> to vector<16xf32>
    %get3A_100 = arith.constant 80 : index
    %get3A_101 = tpu.vector_load %arg17[%get3A_100] {strides = array<i32>} : memref<128xf32, #tpu.memory_space<vmem>>, vector<16xf32>,
    %get3A_102 = vector.shape_cast %get3A_101 : vector<16xf32> to vector<16xf32>
    %get3A_103 = arith.constant 96 : index
    %get3A_104 = tpu.vector_load %arg17[%get3A_103] {strides = array<i32>} : memref<128xf32, #tpu.memory_space<vmem>>, vector<16xf32>,
    %get3A_105 = vector.shape_cast %get3A_104 : vector<16xf32> to vector<16xf32>
    %get3A_106 = arith.constant 112 : index
    %get3A_107 = tpu.vector_load %arg17[%get3A_106] {strides = array<i32>} : memref<128xf32, #tpu.memory_space<vmem>>, vector<16xf32>,
    %get3A_108 = vector.shape_cast %get3A_107 : vector<16xf32> to vector<16xf32>
    %get3A_109 = arith.constant 0 : index
    %get3A_110 = tpu.vector_load %arg18[%get3A_109] {strides = array<i32>} : memref<128xf32, #tpu.memory_space<vmem>>, vector<16xf32>,
    %get3A_111 = vector.shape_cast %get3A_110 : vector<16xf32> to vector<16xf32>
    %get3A_112 = arith.constant 16 : index
    %get3A_113 = tpu.vector_load %arg18[%get3A_112] {strides = array<i32>} : memref<128xf32, #tpu.memory_space<vmem>>, vector<16xf32>,
    %get3A_114 = vector.shape_cast %get3A_113 : vector<16xf32> to vector<16xf32>
    %get3A_115 = arith.constant 32 : index
    %get3A_116 = tpu.vector_load %arg18[%get3A_115] {strides = array<i32>} : memref<128xf32, #tpu.memory_space<vmem>>, vector<16xf32>,
    %get3A_117 = vector.shape_cast %get3A_116 : vector<16xf32> to vector<16xf32>
    %get3A_118 = arith.constant 48 : index
    %get3A_119 = tpu.vector_load %arg18[%get3A_118] {strides = array<i32>} : memref<128xf32, #tpu.memory_space<vmem>>, vector<16xf32>,
    %get3A_120 = vector.shape_cast %get3A_119 : vector<16xf32> to vector<16xf32>
    %get3A_121 = arith.constant 64 : index
    %get3A_122 = tpu.vector_load %arg18[%get3A_121] {strides = array<i32>} : memref<128xf32, #tpu.memory_space<vmem>>, vector<16xf32>,
    %get3A_123 = vector.shape_cast %get3A_122 : vector<16xf32> to vector<16xf32>
    %get3A_124 = arith.constant 80 : index
    %get3A_125 = tpu.vector_load %arg18[%get3A_124] {strides = array<i32>} : memref<128xf32, #tpu.memory_space<vmem>>, vector<16xf32>,
    %get3A_126 = vector.shape_cast %get3A_125 : vector<16xf32> to vector<16xf32>
    %get3A_127 = arith.constant 96 : index
    %get3A_128 = tpu.vector_load %arg18[%get3A_127] {strides = array<i32>} : memref<128xf32, #tpu.memory_space<vmem>>, vector<16xf32>,
    %get3A_129 = vector.shape_cast %get3A_128 : vector<16xf32> to vector<16xf32>
    %get3A_130 = arith.constant 112 : index
    %get3A_131 = tpu.vector_load %arg18[%get3A_130] {strides = array<i32>} : memref<128xf32, #tpu.memory_space<vmem>>, vector<16xf32>,
    %get3A_132 = vector.shape_cast %get3A_131 : vector<16xf32> to vector<16xf32>
    %iota3A = tpu.iota {dimensions = array<i32: 0>} : vector<16xi32>
    %xor3A = arith.constant 8 : i32
    %xor3A_133 = vector.broadcast %xor3A : i32 to vector<16xi32>
    %xor3A_134 = arith.xori %iota3A, %xor3A_133 : vector<16xi32>
    %xor3A_135 = arith.constant 4 : i32
    %xor3A_136 = vector.broadcast %xor3A_135 : i32 to vector<16xi32>
    %xor3A_137 = arith.xori %iota3A, %xor3A_136 : vector<16xi32>
    %xor3A_138 = arith.constant 2 : i32
    %xor3A_139 = vector.broadcast %xor3A_138 : i32 to vector<16xi32>
    %xor3A_140 = arith.xori %iota3A, %xor3A_139 : vector<16xi32>
    %xor3A_141 = arith.constant 1 : i32
    %xor3A_142 = vector.broadcast %xor3A_141 : i32 to vector<16xi32>
    %xor3A_143 = arith.xori %iota3A, %xor3A_142 : vector<16xi32>
    %mul3A_144 = arith.constant 64 : i32
    %mul3A_145 = arith.muli %add3A, %mul3A_144 : i32
    %add3A_146 = arith.constant 0 : i32
    %add3A_147 = arith.addi %mul3A_145, %add3A_146 : i32
    %add3A_148 = arith.constant 0 : i32
    %add3A_149 = arith.addi %mul3A_2, %add3A_148 : i32
    %dma_start3A = arith.constant 0 : i32
    %dma_start3A_150 = tpu.memref_slice %arg2[%add3A_147, %dma_start3A] : memref<2048x100xi32, #tpu.memory_space<hbm>> -> memref<2x100xi32, #tpu.memory_space<hbm>>
    %dma_start3A_151 = arith.constant 0 : i32
    %dma_start3A_152 = tpu.memref_slice %arg2[%add3A_147, %dma_start3A_151] : memref<2048x100xi32, #tpu.memory_space<hbm>> -> memref<2x100xi32, #tpu.memory_space<hbm>>
    tpu.enqueue_dma source(%dma_start3A_152 : memref<2x100xi32, #tpu.memory_space<hbm>>) target(%arg10 : memref<2x100xi32, #tpu.memory_space<vmem>>) target_semaphore(%arg21 : memref<!tpu.dma_semaphore, #tpu.memory_space<semaphore_mem>>)
    %dma_start3A_153 = arith.constant 0 : i32
    %dma_start3A_154 = tpu.memref_slice %arg12[%dma_start3A_153] : memref<216xi32, #tpu.memory_space<vmem>> -> memref<200xi32, #tpu.memory_space<vmem>>
    %dma_start3A_155 = tpu.memref_slice %arg3[%add3A_149] : memref<204800xi32, #tpu.memory_space<hbm>> -> memref<200xi32, #tpu.memory_space<hbm>>
    %dma_start3A_156 = arith.constant 0 : i32
    %dma_start3A_157 = tpu.memref_slice %arg12[%dma_start3A_156] : memref<216xi32, #tpu.memory_space<vmem>> -> memref<200xi32, #tpu.memory_space<vmem>>
    %dma_start3A_158 = tpu.memref_slice %arg3[%add3A_149] : memref<204800xi32, #tpu.memory_space<hbm>> -> memref<200xi32, #tpu.memory_space<hbm>>
    tpu.enqueue_dma source(%dma_start3A_158 : memref<200xi32, #tpu.memory_space<hbm>>) target(%dma_start3A_157 : memref<200xi32, #tpu.memory_space<vmem>>) target_semaphore(%arg21 : memref<!tpu.dma_semaphore, #tpu.memory_space<semaphore_mem>>)
    %mul3A_159 = arith.constant 64 : i32
    %mul3A_160 = arith.muli %add3A, %mul3A_159 : i32
    %add3A_161 = arith.constant 0 : i32
    %add3A_162 = arith.addi %mul3A_160, %add3A_161 : i32
    %add3A_163 = arith.constant 0 : i32
    %add3A_164 = arith.addi %mul3A_2, %add3A_163 : i32
    %dma_wait3A = arith.constant 0 : i32
    %dma_wait3A_165 = tpu.memref_slice %arg2[%add3A_162, %dma_wait3A] : memref<2048x100xi32, #tpu.memory_space<hbm>> -> memref<2x100xi32, #tpu.memory_space<hbm>>
    %dma_wait3A_166 = arith.constant 0 : i32
    %dma_wait3A_167 = tpu.memref_slice %arg2[%add3A_162, %dma_wait3A_166] : memref<2048x100xi32, #tpu.memory_space<hbm>> -> memref<2x100xi32, #tpu.memory_space<hbm>>
    tpu.wait_dma2 semaphore(%arg21 : memref<!tpu.dma_semaphore, #tpu.memory_space<semaphore_mem>>) src(%dma_wait3A_167 : memref<2x100xi32, #tpu.memory_space<hbm>>) dst(%arg10 : memref<2x100xi32, #tpu.memory_space<vmem>>)
    %dma_wait3A_168 = arith.constant 0 : i32
    %dma_wait3A_169 = tpu.memref_slice %arg12[%dma_wait3A_168] : memref<216xi32, #tpu.memory_space<vmem>> -> memref<200xi32, #tpu.memory_space<vmem>>
    %dma_wait3A_170 = tpu.memref_slice %arg3[%add3A_164] : memref<204800xi32, #tpu.memory_space<hbm>> -> memref<200xi32, #tpu.memory_space<hbm>>
    %dma_wait3A_171 = arith.constant 0 : i32
    %dma_wait3A_172 = tpu.memref_slice %arg12[%dma_wait3A_171] : memref<216xi32, #tpu.memory_space<vmem>> -> memref<200xi32, #tpu.memory_space<vmem>>
    %dma_wait3A_173 = tpu.memref_slice %arg3[%add3A_164] : memref<204800xi32, #tpu.memory_space<hbm>> -> memref<200xi32, #tpu.memory_space<hbm>>
    tpu.wait_dma2 semaphore(%arg21 : memref<!tpu.dma_semaphore, #tpu.memory_space<semaphore_mem>>) src(%dma_wait3A_173 : memref<200xi32, #tpu.memory_space<hbm>>) dst(%dma_wait3A_172 : memref<200xi32, #tpu.memory_space<vmem>>)
    %dma_start3A_174 = arith.constant 0 : i32
    %dma_start3A_175 = arith.constant 0 : i32
    %dma_start3A_176 = arith.constant 0 : i32
    %dma_start3A_177 = arith.constant 0 : i32
    %dma_start3A_178 = tpu.memref_slice %arg14[%dma_start3A_175, %dma_start3A_176, %dma_start3A_177] : memref<2x200x128xf32, #tpu.memory_space<vmem>> -> memref<1x100x128xf32, #tpu.memory_space<vmem>>
    %dma_start3A_179 = tpu.memref_squeeze %dma_start3A_178 : memref<1x100x128xf32, #tpu.memory_space<vmem>> -> memref<100x128xf32, #tpu.memory_space<vmem>>
    %dma_start3A_180 = arith.constant 0 : i32
    %dma_start3A_181 = tpu.memref_slice %arg10[%dma_start3A_174, %dma_start3A_180] : memref<2x100xi32, #tpu.memory_space<vmem>> -> memref<1x100xi32, #tpu.memory_space<vmem>>
    %dma_start3A_182 = tpu.memref_squeeze %dma_start3A_181 : memref<1x100xi32, #tpu.memory_space<vmem>> -> memref<100xi32, #tpu.memory_space<vmem>>
    %dma_start3A_183 = arith.constant 0 : i32
    %dma_start3A_184 = arith.constant 0 : i32
    %dma_start3A_185 = tpu.memref_slice %arg4[%dma_start3A_183, %dma_start3A_184] : memref<100000x128xf32, #tpu.memory_space<hbm>> -> memref<100000x128xf32, #tpu.memory_space<hbm>>
    tpu.enqueue_indirect_dma source(%dma_start3A_185 : memref<100000x128xf32, #tpu.memory_space<hbm>>) target(%dma_start3A_179 : memref<100x128xf32, #tpu.memory_space<vmem>>) offsets(%dma_start3A_182 : memref<100xi32, #tpu.memory_space<vmem>>) semaphore(%arg19 : memref<!tpu.dma_semaphore, #tpu.memory_space<semaphore_mem>>)
    %dma_start3A_186 = arith.constant 1 : i32
    %dma_start3A_187 = arith.constant 0 : i32
    %dma_start3A_188 = arith.constant 100 : i32
    %dma_start3A_189 = arith.constant 0 : i32
    %dma_start3A_190 = tpu.memref_slice %arg14[%dma_start3A_187, %dma_start3A_188, %dma_start3A_189] : memref<2x200x128xf32, #tpu.memory_space<vmem>> -> memref<1x100x128xf32, #tpu.memory_space<vmem>>
    %dma_start3A_191 = tpu.memref_squeeze %dma_start3A_190 : memref<1x100x128xf32, #tpu.memory_space<vmem>> -> memref<100x128xf32, #tpu.memory_space<vmem>>
    %dma_start3A_192 = arith.constant 0 : i32
    %dma_start3A_193 = tpu.memref_slice %arg10[%dma_start3A_186, %dma_start3A_192] : memref<2x100xi32, #tpu.memory_space<vmem>> -> memref<1x100xi32, #tpu.memory_space<vmem>>
    %dma_start3A_194 = tpu.memref_squeeze %dma_start3A_193 : memref<1x100xi32, #tpu.memory_space<vmem>> -> memref<100xi32, #tpu.memory_space<vmem>>
    %dma_start3A_195 = arith.constant 0 : i32
    %dma_start3A_196 = arith.constant 0 : i32
    %dma_start3A_197 = tpu.memref_slice %arg4[%dma_start3A_195, %dma_start3A_196] : memref<100000x128xf32, #tpu.memory_space<hbm>> -> memref<100000x128xf32, #tpu.memory_space<hbm>>
    tpu.enqueue_indirect_dma source(%dma_start3A_197 : memref<100000x128xf32, #tpu.memory_space<hbm>>) target(%dma_start3A_191 : memref<100x128xf32, #tpu.memory_space<vmem>>) offsets(%dma_start3A_194 : memref<100xi32, #tpu.memory_space<vmem>>) semaphore(%arg19 : memref<!tpu.dma_semaphore, #tpu.memory_space<semaphore_mem>>)
    %mul3A_198 = arith.constant 64 : i32
    %mul3A_199 = arith.muli %add3A, %mul3A_198 : i32
    %add3A_200 = arith.constant 2 : i32
    %add3A_201 = arith.addi %mul3A_199, %add3A_200 : i32
    %add3A_202 = arith.constant 200 : i32
    %add3A_203 = arith.addi %mul3A_2, %add3A_202 : i32
    %dma_start3A_204 = arith.constant 0 : i32
    %dma_start3A_205 = tpu.memref_slice %arg2[%add3A_201, %dma_start3A_204] : memref<2048x100xi32, #tpu.memory_space<hbm>> -> memref<2x100xi32, #tpu.memory_space<hbm>>
    %dma_start3A_206 = arith.constant 0 : i32
    %dma_start3A_207 = tpu.memref_slice %arg2[%add3A_201, %dma_start3A_206] : memref<2048x100xi32, #tpu.memory_space<hbm>> -> memref<2x100xi32, #tpu.memory_space<hbm>>
    tpu.enqueue_dma source(%dma_start3A_207 : memref<2x100xi32, #tpu.memory_space<hbm>>) target(%arg11 : memref<2x100xi32, #tpu.memory_space<vmem>>) target_semaphore(%arg21 : memref<!tpu.dma_semaphore, #tpu.memory_space<semaphore_mem>>)
    %dma_start3A_208 = arith.constant 0 : i32
    %dma_start3A_209 = tpu.memref_slice %arg13[%dma_start3A_208] : memref<216xi32, #tpu.memory_space<vmem>> -> memref<200xi32, #tpu.memory_space<vmem>>
    %dma_start3A_210 = tpu.memref_slice %arg3[%add3A_203] : memref<204800xi32, #tpu.memory_space<hbm>> -> memref<200xi32, #tpu.memory_space<hbm>>
    %dma_start3A_211 = arith.constant 0 : i32
    %dma_start3A_212 = tpu.memref_slice %arg13[%dma_start3A_211] : memref<216xi32, #tpu.memory_space<vmem>> -> memref<200xi32, #tpu.memory_space<vmem>>
    %dma_start3A_213 = tpu.memref_slice %arg3[%add3A_203] : memref<204800xi32, #tpu.memory_space<hbm>> -> memref<200xi32, #tpu.memory_space<hbm>>
    tpu.enqueue_dma source(%dma_start3A_213 : memref<200xi32, #tpu.memory_space<hbm>>) target(%dma_start3A_212 : memref<200xi32, #tpu.memory_space<vmem>>) target_semaphore(%arg21 : memref<!tpu.dma_semaphore, #tpu.memory_space<semaphore_mem>>)
    %scan3A = arith.constant 0 : i32
    %scan3A_214 = arith.constant 0 : i32
    %scan3A_215 = arith.constant 16 : i32
    %scan3A_216 = arith.addi %scan3A_214, %scan3A_215 : i32
    %scan3A_217 = arith.constant 1 : i32
    scf.for %scan3A_299 = %scan3A_214 to %scan3A_216 step %scan3A_217  : i32 {
      %mul3A_300 = arith.constant 2 : i32
      %mul3A_301 = arith.muli %mul3A_300, %scan3A_299 : i32
      %rem3A = arith.constant 2 : i32
      %rem3A_302 = arith.remsi %mul3A_301, %rem3A : i32
      %dma_wait3A_303 = arith.constant 0 : i32
      %dma_wait3A_304 = arith.constant 0 : i32
      %dma_wait3A_305 = arith.constant 0 : i32
      %dma_wait3A_306 = tpu.memref_slice %arg14[%rem3A_302, %dma_wait3A_304, %dma_wait3A_305] : memref<2x200x128xf32, #tpu.memory_space<vmem>> -> memref<1x100x128xf32, #tpu.memory_space<vmem>>
      %dma_wait3A_307 = tpu.memref_squeeze %dma_wait3A_306 : memref<1x100x128xf32, #tpu.memory_space<vmem>> -> memref<100x128xf32, #tpu.memory_space<vmem>>
      %dma_wait3A_308 = arith.constant 0 : i32
      %dma_wait3A_309 = tpu.memref_slice %arg10[%dma_wait3A_303, %dma_wait3A_308] : memref<2x100xi32, #tpu.memory_space<vmem>> -> memref<1x100xi32, #tpu.memory_space<vmem>>
      %dma_wait3A_310 = tpu.memref_squeeze %dma_wait3A_309 : memref<1x100xi32, #tpu.memory_space<vmem>> -> memref<100xi32, #tpu.memory_space<vmem>>
      %dma_wait3A_311 = arith.constant 0 : i32
      %dma_wait3A_312 = arith.constant 0 : i32
      %dma_wait3A_313 = tpu.memref_slice %arg4[%dma_wait3A_311, %dma_wait3A_312] : memref<100000x128xf32, #tpu.memory_space<hbm>> -> memref<100000x128xf32, #tpu.memory_space<hbm>>
      tpu.wait_indirect_dma semaphore(%arg19 : memref<!tpu.dma_semaphore, #tpu.memory_space<semaphore_mem>>) src(%dma_wait3A_313 : memref<100000x128xf32, #tpu.memory_space<hbm>>) dst(%dma_wait3A_307 : memref<100x128xf32, #tpu.memory_space<vmem>>)
      %dma_wait3A_314 = arith.constant 1 : i32
      %dma_wait3A_315 = arith.constant 100 : i32
      %dma_wait3A_316 = arith.constant 0 : i32
      %dma_wait3A_317 = tpu.memref_slice %arg14[%rem3A_302, %dma_wait3A_315, %dma_wait3A_316] : memref<2x200x128xf32, #tpu.memory_space<vmem>> -> memref<1x100x128xf32, #tpu.memory_space<vmem>>
      %dma_wait3A_318 = tpu.memref_squeeze %dma_wait3A_317 : memref<1x100x128xf32, #tpu.memory_space<vmem>> -> memref<100x128xf32, #tpu.memory_space<vmem>>
      %dma_wait3A_319 = arith.constant 0 : i32
      %dma_wait3A_320 = tpu.memref_slice %arg10[%dma_wait3A_314, %dma_wait3A_319] : memref<2x100xi32, #tpu.memory_space<vmem>> -> memref<1x100xi32, #tpu.memory_space<vmem>>
      %dma_wait3A_321 = tpu.memref_squeeze %dma_wait3A_320 : memref<1x100xi32, #tpu.memory_space<vmem>> -> memref<100xi32, #tpu.memory_space<vmem>>
      %dma_wait3A_322 = arith.constant 0 : i32
      %dma_wait3A_323 = arith.constant 0 : i32
      %dma_wait3A_324 = tpu.memref_slice %arg4[%dma_wait3A_322, %dma_wait3A_323] : memref<100000x128xf32, #tpu.memory_space<hbm>> -> memref<100000x128xf32, #tpu.memory_space<hbm>>
      tpu.wait_indirect_dma semaphore(%arg19 : memref<!tpu.dma_semaphore, #tpu.memory_space<semaphore_mem>>) src(%dma_wait3A_324 : memref<100000x128xf32, #tpu.memory_space<hbm>>) dst(%dma_wait3A_318 : memref<100x128xf32, #tpu.memory_space<vmem>>)
      %lt3A = arith.constant 31 : i32
      %lt3A_325 = arith.cmpi slt, %mul3A_301, %lt3A : i32
      %convert_element_type3A = arith.extui %lt3A_325 : i1 to i32
      %cond3A = arith.constant 0 : i32
      %cond3A_326 = arith.cmpi ne, %convert_element_type3A, %cond3A : i32
      scf.if %cond3A_326 {
        %add3A_458 = arith.constant 1 : i32
        %add3A_459 = arith.addi %mul3A_301, %add3A_458 : i32
        %rem3A_460 = arith.constant 2 : i32
        %rem3A_461 = arith.remsi %add3A_459, %rem3A_460 : i32
        %ge3A = arith.constant 1 : i32
        %ge3A_462 = arith.cmpi sge, %mul3A_301, %ge3A : i32
        %convert_element_type3A_463 = arith.extui %ge3A_462 : i1 to i32
        %cond3A_464 = arith.constant 0 : i32
        %cond3A_465 = arith.cmpi ne, %convert_element_type3A_463, %cond3A_464 : i32
        scf.if %cond3A_465 {
          %sub3A = arith.constant 1 : i32
          %sub3A_510 = arith.subi %mul3A_301, %sub3A : i32
          %mul3A_511 = arith.constant 200 : i32
          %mul3A_512 = arith.muli %sub3A_510, %mul3A_511 : i32
          %add3A_513 = arith.addi %mul3A_2, %mul3A_512 : i32
          %add3A_514 = arith.constant 0 : i32
          %add3A_515 = arith.addi %add3A_513, %add3A_514 : i32
          %mul3A_516 = arith.constant 200 : i32
          %mul3A_517 = arith.muli %sub3A_510, %mul3A_516 : i32
          %add3A_518 = arith.addi %mul3A_2, %mul3A_517 : i32
          %add3A_519 = arith.constant 104 : i32
          %add3A_520 = arith.addi %add3A_518, %add3A_519 : i32
          %dma_wait3A_521 = arith.constant 0 : i32
          %dma_wait3A_522 = arith.constant 0 : i32
          %dma_wait3A_523 = tpu.memref_slice %arg14[%rem3A_461, %dma_wait3A_521, %dma_wait3A_522] : memref<2x200x128xf32, #tpu.memory_space<vmem>> -> memref<1x104x128xf32, #tpu.memory_space<vmem>>
          %dma_wait3A_524 = tpu.memref_squeeze %dma_wait3A_523 : memref<1x104x128xf32, #tpu.memory_space<vmem>> -> memref<104x128xf32, #tpu.memory_space<vmem>>
          %dma_wait3A_525 = arith.constant 0 : i32
          %dma_wait3A_526 = tpu.memref_slice %arg9[%add3A_515, %dma_wait3A_525] : memref<204800x128xf32, #tpu.memory_space<hbm>> -> memref<104x128xf32, #tpu.memory_space<hbm>>
          %dma_wait3A_527 = tpu.memref_slice %arg20[%rem3A_461] : memref<2x!tpu.dma_semaphore, #tpu.memory_space<semaphore_mem>> -> memref<1x!tpu.dma_semaphore, #tpu.memory_space<semaphore_mem>>
          %dma_wait3A_528 = tpu.memref_squeeze %dma_wait3A_527 : memref<1x!tpu.dma_semaphore, #tpu.memory_space<semaphore_mem>> -> memref<!tpu.dma_semaphore, #tpu.memory_space<semaphore_mem>>
          %dma_wait3A_529 = arith.constant 0 : i32
          %dma_wait3A_530 = tpu.memref_slice %arg9[%add3A_515, %dma_wait3A_529] : memref<204800x128xf32, #tpu.memory_space<hbm>> -> memref<104x128xf32, #tpu.memory_space<hbm>>
          %dma_wait3A_531 = arith.constant 0 : i32
          %dma_wait3A_532 = arith.constant 0 : i32
          %dma_wait3A_533 = tpu.memref_slice %arg14[%rem3A_461, %dma_wait3A_531, %dma_wait3A_532] : memref<2x200x128xf32, #tpu.memory_space<vmem>> -> memref<1x104x128xf32, #tpu.memory_space<vmem>>
          %dma_wait3A_534 = tpu.memref_squeeze %dma_wait3A_533 : memref<1x104x128xf32, #tpu.memory_space<vmem>> -> memref<104x128xf32, #tpu.memory_space<vmem>>
          tpu.wait_dma2 semaphore(%dma_wait3A_528 : memref<!tpu.dma_semaphore, #tpu.memory_space<semaphore_mem>>) src(%dma_wait3A_534 : memref<104x128xf32, #tpu.memory_space<vmem>>) dst(%dma_wait3A_530 : memref<104x128xf32, #tpu.memory_space<hbm>>)
          %dma_wait3A_535 = arith.constant 104 : i32
          %dma_wait3A_536 = arith.constant 0 : i32
          %dma_wait3A_537 = tpu.memref_slice %arg14[%rem3A_461, %dma_wait3A_535, %dma_wait3A_536] : memref<2x200x128xf32, #tpu.memory_space<vmem>> -> memref<1x96x128xf32, #tpu.memory_space<vmem>>
          %dma_wait3A_538 = tpu.memref_squeeze %dma_wait3A_537 : memref<1x96x128xf32, #tpu.memory_space<vmem>> -> memref<96x128xf32, #tpu.memory_space<vmem>>
          %dma_wait3A_539 = arith.constant 0 : i32
          %dma_wait3A_540 = tpu.memref_slice %arg9[%add3A_520, %dma_wait3A_539] : memref<204800x128xf32, #tpu.memory_space<hbm>> -> memref<96x128xf32, #tpu.memory_space<hbm>>
          %dma_wait3A_541 = tpu.memref_slice %arg20[%rem3A_461] : memref<2x!tpu.dma_semaphore, #tpu.memory_space<semaphore_mem>> -> memref<1x!tpu.dma_semaphore, #tpu.memory_space<semaphore_mem>>
          %dma_wait3A_542 = tpu.memref_squeeze %dma_wait3A_541 : memref<1x!tpu.dma_semaphore, #tpu.memory_space<semaphore_mem>> -> memref<!tpu.dma_semaphore, #tpu.memory_space<semaphore_mem>>
          %dma_wait3A_543 = arith.constant 0 : i32
          %dma_wait3A_544 = tpu.memref_slice %arg9[%add3A_520, %dma_wait3A_543] : memref<204800x128xf32, #tpu.memory_space<hbm>> -> memref<96x128xf32, #tpu.memory_space<hbm>>
          %dma_wait3A_545 = arith.constant 104 : i32
          %dma_wait3A_546 = arith.constant 0 : i32
          %dma_wait3A_547 = tpu.memref_slice %arg14[%rem3A_461, %dma_wait3A_545, %dma_wait3A_546] : memref<2x200x128xf32, #tpu.memory_space<vmem>> -> memref<1x96x128xf32, #tpu.memory_space<vmem>>
          %dma_wait3A_548 = tpu.memref_squeeze %dma_wait3A_547 : memref<1x96x128xf32, #tpu.memory_space<vmem>> -> memref<96x128xf32, #tpu.memory_space<vmem>>
          tpu.wait_dma2 semaphore(%dma_wait3A_542 : memref<!tpu.dma_semaphore, #tpu.memory_space<semaphore_mem>>) src(%dma_wait3A_548 : memref<96x128xf32, #tpu.memory_space<vmem>>) dst(%dma_wait3A_544 : memref<96x128xf32, #tpu.memory_space<hbm>>)
        } else {
        }
        %add3A_466 = arith.constant 1 : i32
        %add3A_467 = arith.addi %mul3A_301, %add3A_466 : i32
        %mul3A_468 = arith.constant 64 : i32
        %mul3A_469 = arith.muli %add3A, %mul3A_468 : i32
        %mul3A_470 = arith.constant 2 : i32
        %mul3A_471 = arith.muli %mul3A_470, %add3A_467 : i32
        %add3A_472 = arith.addi %mul3A_469, %mul3A_471 : i32
        %mul3A_473 = arith.constant 200 : i32
        %mul3A_474 = arith.muli %add3A_467, %mul3A_473 : i32
        %add3A_475 = arith.addi %mul3A_2, %mul3A_474 : i32
        %dma_wait3A_476 = arith.constant 0 : i32
        %dma_wait3A_477 = tpu.memref_slice %arg2[%add3A_472, %dma_wait3A_476] : memref<2048x100xi32, #tpu.memory_space<hbm>> -> memref<2x100xi32, #tpu.memory_space<hbm>>
        %dma_wait3A_478 = arith.constant 0 : i32
        %dma_wait3A_479 = tpu.memref_slice %arg2[%add3A_472, %dma_wait3A_478] : memref<2048x100xi32, #tpu.memory_space<hbm>> -> memref<2x100xi32, #tpu.memory_space<hbm>>
        tpu.wait_dma2 semaphore(%arg21 : memref<!tpu.dma_semaphore, #tpu.memory_space<semaphore_mem>>) src(%dma_wait3A_479 : memref<2x100xi32, #tpu.memory_space<hbm>>) dst(%arg11 : memref<2x100xi32, #tpu.memory_space<vmem>>)
        %dma_wait3A_480 = arith.constant 0 : i32
        %dma_wait3A_481 = tpu.memref_slice %arg13[%dma_wait3A_480] : memref<216xi32, #tpu.memory_space<vmem>> -> memref<200xi32, #tpu.memory_space<vmem>>
        %dma_wait3A_482 = tpu.memref_slice %arg3[%add3A_475] : memref<204800xi32, #tpu.memory_space<hbm>> -> memref<200xi32, #tpu.memory_space<hbm>>
        %dma_wait3A_483 = arith.constant 0 : i32
        %dma_wait3A_484 = tpu.memref_slice %arg13[%dma_wait3A_483] : memref<216xi32, #tpu.memory_space<vmem>> -> memref<200xi32, #tpu.memory_space<vmem>>
        %dma_wait3A_485 = tpu.memref_slice %arg3[%add3A_475] : memref<204800xi32, #tpu.memory_space<hbm>> -> memref<200xi32, #tpu.memory_space<hbm>>
        tpu.wait_dma2 semaphore(%arg21 : memref<!tpu.dma_semaphore, #tpu.memory_space<semaphore_mem>>) src(%dma_wait3A_485 : memref<200xi32, #tpu.memory_space<hbm>>) dst(%dma_wait3A_484 : memref<200xi32, #tpu.memory_space<vmem>>)
        %add3A_486 = arith.constant 1 : i32
        %add3A_487 = arith.addi %mul3A_301, %add3A_486 : i32
        %dma_start3A_488 = arith.constant 0 : i32
        %dma_start3A_489 = arith.constant 0 : i32
        %dma_start3A_490 = arith.constant 0 : i32
        %dma_start3A_491 = tpu.memref_slice %arg14[%rem3A_461, %dma_start3A_489, %dma_start3A_490] : memref<2x200x128xf32, #tpu.memory_space<vmem>> -> memref<1x100x128xf32, #tpu.memory_space<vmem>>
        %dma_start3A_492 = tpu.memref_squeeze %dma_start3A_491 : memref<1x100x128xf32, #tpu.memory_space<vmem>> -> memref<100x128xf32, #tpu.memory_space<vmem>>
        %dma_start3A_493 = arith.constant 0 : i32
        %dma_start3A_494 = tpu.memref_slice %arg11[%dma_start3A_488, %dma_start3A_493] : memref<2x100xi32, #tpu.memory_space<vmem>> -> memref<1x100xi32, #tpu.memory_space<vmem>>
        %dma_start3A_495 = tpu.memref_squeeze %dma_start3A_494 : memref<1x100xi32, #tpu.memory_space<vmem>> -> memref<100xi32, #tpu.memory_space<vmem>>
        %dma_start3A_496 = arith.constant 0 : i32
        %dma_start3A_497 = arith.constant 0 : i32
        %dma_start3A_498 = tpu.memref_slice %arg4[%dma_start3A_496, %dma_start3A_497] : memref<100000x128xf32, #tpu.memory_space<hbm>> -> memref<100000x128xf32, #tpu.memory_space<hbm>>
        tpu.enqueue_indirect_dma source(%dma_start3A_498 : memref<100000x128xf32, #tpu.memory_space<hbm>>) target(%dma_start3A_492 : memref<100x128xf32, #tpu.memory_space<vmem>>) offsets(%dma_start3A_495 : memref<100xi32, #tpu.memory_space<vmem>>) semaphore(%arg19 : memref<!tpu.dma_semaphore, #tpu.memory_space<semaphore_mem>>)
        %dma_start3A_499 = arith.constant 1 : i32
        %dma_start3A_500 = arith.constant 100 : i32
        %dma_start3A_501 = arith.constant 0 : i32
        %dma_start3A_502 = tpu.memref_slice %arg14[%rem3A_461, %dma_start3A_500, %dma_start3A_501] : memref<2x200x128xf32, #tpu.memory_space<vmem>> -> memref<1x100x128xf32, #tpu.memory_space<vmem>>
        %dma_start3A_503 = tpu.memref_squeeze %dma_start3A_502 : memref<1x100x128xf32, #tpu.memory_space<vmem>> -> memref<100x128xf32, #tpu.memory_space<vmem>>
        %dma_start3A_504 = arith.constant 0 : i32
        %dma_start3A_505 = tpu.memref_slice %arg11[%dma_start3A_499, %dma_start3A_504] : memref<2x100xi32, #tpu.memory_space<vmem>> -> memref<1x100xi32, #tpu.memory_space<vmem>>
        %dma_start3A_506 = tpu.memref_squeeze %dma_start3A_505 : memref<1x100xi32, #tpu.memory_space<vmem>> -> memref<100xi32, #tpu.memory_space<vmem>>
        %dma_start3A_507 = arith.constant 0 : i32
        %dma_start3A_508 = arith.constant 0 : i32
        %dma_start3A_509 = tpu.memref_slice %arg4[%dma_start3A_507, %dma_start3A_508] : memref<100000x128xf32, #tpu.memory_space<hbm>> -> memref<100000x128xf32, #tpu.memory_space<hbm>>
        tpu.enqueue_indirect_dma source(%dma_start3A_509 : memref<100000x128xf32, #tpu.memory_space<hbm>>) target(%dma_start3A_503 : memref<100x128xf32, #tpu.memory_space<vmem>>) offsets(%dma_start3A_506 : memref<100xi32, #tpu.memory_space<vmem>>) semaphore(%arg19 : memref<!tpu.dma_semaphore, #tpu.memory_space<semaphore_mem>>)
      } else {
      }
      %parallel_loop3A_327 = arith.constant 0 : i32
      %parallel_loop3A_328 = arith.constant 104 : i32
      %parallel_loop3A_329 = arith.constant 1 : i32
      scf.for %parallel_loop3A_458 = %parallel_loop3A_327 to %parallel_loop3A_328 step %parallel_loop3A_329  : i32 {
        %parallel_loop3A_459 = arith.index_cast %parallel_loop3A_458 : i32 to index
        %parallel_loop3A_460 = tpu.vector_load %arg12[%parallel_loop3A_459] {strides = array<i32>} : memref<216xi32, #tpu.memory_space<vmem>>, vector<16xi32>,
        %parallel_loop3A_461 = vector.shape_cast %parallel_loop3A_460 : vector<16xi32> to vector<16xi32>
        %parallel_loop3A_462 = vector.extract_strided_slice %parallel_loop3A_461 {offsets = [0], sizes = [1], strides = [1]} : vector<16xi32> to vector<1xi32>
        %parallel_loop3A_463 = vector.extract %parallel_loop3A_462[0] : i32 from vector<1xi32>
        %parallel_loop3A_464 = arith.index_cast %rem3A_302 : i32 to index
        %parallel_loop3A_465 = arith.index_cast %parallel_loop3A_458 : i32 to index
        %parallel_loop3A_466 = arith.constant 0 : index
        %parallel_loop3A_467 = tpu.vector_load %arg14[%parallel_loop3A_464, %parallel_loop3A_465, %parallel_loop3A_466] {strides = array<i32>} : memref<2x200x128xf32, #tpu.memory_space<vmem>>, vector<1x1x16xf32>,
        %parallel_loop3A_468 = vector.shape_cast %parallel_loop3A_467 : vector<1x1x16xf32> to vector<16xf32>
        %parallel_loop3A_469 = arith.index_cast %parallel_loop3A_463 : i32 to index
        %parallel_loop3A_470 = arith.index_cast %parallel_loop3A_458 : i32 to index
        %parallel_loop3A_471 = arith.constant 0 : index
        %parallel_loop3A_472 = tpu.vector_load %arg15[%parallel_loop3A_469, %parallel_loop3A_470, %parallel_loop3A_471] {strides = array<i32>} : memref<2x200x128xf32, #tpu.memory_space<vmem>>, vector<1x1x16xf32>,
        %parallel_loop3A_473 = vector.shape_cast %parallel_loop3A_472 : vector<1x1x16xf32> to vector<16xf32>
        %parallel_loop3A_474 = arith.addf %parallel_loop3A_468, %parallel_loop3A_473 : vector<16xf32>
        %parallel_loop3A_475 = arith.index_cast %rem3A_302 : i32 to index
        %parallel_loop3A_476 = arith.index_cast %parallel_loop3A_458 : i32 to index
        %parallel_loop3A_477 = arith.constant 16 : index
        %parallel_loop3A_478 = tpu.vector_load %arg14[%parallel_loop3A_475, %parallel_loop3A_476, %parallel_loop3A_477] {strides = array<i32>} : memref<2x200x128xf32, #tpu.memory_space<vmem>>, vector<1x1x16xf32>,
        %parallel_loop3A_479 = vector.shape_cast %parallel_loop3A_478 : vector<1x1x16xf32> to vector<16xf32>
        %parallel_loop3A_480 = arith.index_cast %parallel_loop3A_463 : i32 to index
        %parallel_loop3A_481 = arith.index_cast %parallel_loop3A_458 : i32 to index
        %parallel_loop3A_482 = arith.constant 16 : index
        %parallel_loop3A_483 = tpu.vector_load %arg15[%parallel_loop3A_480, %parallel_loop3A_481, %parallel_loop3A_482] {strides = array<i32>} : memref<2x200x128xf32, #tpu.memory_space<vmem>>, vector<1x1x16xf32>,
        %parallel_loop3A_484 = vector.shape_cast %parallel_loop3A_483 : vector<1x1x16xf32> to vector<16xf32>
        %parallel_loop3A_485 = arith.addf %parallel_loop3A_479, %parallel_loop3A_484 : vector<16xf32>
        %parallel_loop3A_486 = arith.index_cast %rem3A_302 : i32 to index
        %parallel_loop3A_487 = arith.index_cast %parallel_loop3A_458 : i32 to index
        %parallel_loop3A_488 = arith.constant 32 : index
        %parallel_loop3A_489 = tpu.vector_load %arg14[%parallel_loop3A_486, %parallel_loop3A_487, %parallel_loop3A_488] {strides = array<i32>} : memref<2x200x128xf32, #tpu.memory_space<vmem>>, vector<1x1x16xf32>,
        %parallel_loop3A_490 = vector.shape_cast %parallel_loop3A_489 : vector<1x1x16xf32> to vector<16xf32>
        %parallel_loop3A_491 = arith.index_cast %parallel_loop3A_463 : i32 to index
        %parallel_loop3A_492 = arith.index_cast %parallel_loop3A_458 : i32 to index
        %parallel_loop3A_493 = arith.constant 32 : index
        %parallel_loop3A_494 = tpu.vector_load %arg15[%parallel_loop3A_491, %parallel_loop3A_492, %parallel_loop3A_493] {strides = array<i32>} : memref<2x200x128xf32, #tpu.memory_space<vmem>>, vector<1x1x16xf32>,
        %parallel_loop3A_495 = vector.shape_cast %parallel_loop3A_494 : vector<1x1x16xf32> to vector<16xf32>
        %parallel_loop3A_496 = arith.addf %parallel_loop3A_490, %parallel_loop3A_495 : vector<16xf32>
        %parallel_loop3A_497 = arith.index_cast %rem3A_302 : i32 to index
        %parallel_loop3A_498 = arith.index_cast %parallel_loop3A_458 : i32 to index
        %parallel_loop3A_499 = arith.constant 48 : index
        %parallel_loop3A_500 = tpu.vector_load %arg14[%parallel_loop3A_497, %parallel_loop3A_498, %parallel_loop3A_499] {strides = array<i32>} : memref<2x200x128xf32, #tpu.memory_space<vmem>>, vector<1x1x16xf32>,
        %parallel_loop3A_501 = vector.shape_cast %parallel_loop3A_500 : vector<1x1x16xf32> to vector<16xf32>
        %parallel_loop3A_502 = arith.index_cast %parallel_loop3A_463 : i32 to index
        %parallel_loop3A_503 = arith.index_cast %parallel_loop3A_458 : i32 to index
        %parallel_loop3A_504 = arith.constant 48 : index
        %parallel_loop3A_505 = tpu.vector_load %arg15[%parallel_loop3A_502, %parallel_loop3A_503, %parallel_loop3A_504] {strides = array<i32>} : memref<2x200x128xf32, #tpu.memory_space<vmem>>, vector<1x1x16xf32>,
        %parallel_loop3A_506 = vector.shape_cast %parallel_loop3A_505 : vector<1x1x16xf32> to vector<16xf32>
        %parallel_loop3A_507 = arith.addf %parallel_loop3A_501, %parallel_loop3A_506 : vector<16xf32>
        %parallel_loop3A_508 = arith.index_cast %rem3A_302 : i32 to index
        %parallel_loop3A_509 = arith.index_cast %parallel_loop3A_458 : i32 to index
        %parallel_loop3A_510 = arith.constant 64 : index
        %parallel_loop3A_511 = tpu.vector_load %arg14[%parallel_loop3A_508, %parallel_loop3A_509, %parallel_loop3A_510] {strides = array<i32>} : memref<2x200x128xf32, #tpu.memory_space<vmem>>, vector<1x1x16xf32>,
        %parallel_loop3A_512 = vector.shape_cast %parallel_loop3A_511 : vector<1x1x16xf32> to vector<16xf32>
        %parallel_loop3A_513 = arith.index_cast %parallel_loop3A_463 : i32 to index
        %parallel_loop3A_514 = arith.index_cast %parallel_loop3A_458 : i32 to index
        %parallel_loop3A_515 = arith.constant 64 : index
        %parallel_loop3A_516 = tpu.vector_load %arg15[%parallel_loop3A_513, %parallel_loop3A_514, %parallel_loop3A_515] {strides = array<i32>} : memref<2x200x128xf32, #tpu.memory_space<vmem>>, vector<1x1x16xf32>,
        %parallel_loop3A_517 = vector.shape_cast %parallel_loop3A_516 : vector<1x1x16xf32> to vector<16xf32>
        %parallel_loop3A_518 = arith.addf %parallel_loop3A_512, %parallel_loop3A_517 : vector<16xf32>
        %parallel_loop3A_519 = arith.index_cast %rem3A_302 : i32 to index
        %parallel_loop3A_520 = arith.index_cast %parallel_loop3A_458 : i32 to index
        %parallel_loop3A_521 = arith.constant 80 : index
        %parallel_loop3A_522 = tpu.vector_load %arg14[%parallel_loop3A_519, %parallel_loop3A_520, %parallel_loop3A_521] {strides = array<i32>} : memref<2x200x128xf32, #tpu.memory_space<vmem>>, vector<1x1x16xf32>,
        %parallel_loop3A_523 = vector.shape_cast %parallel_loop3A_522 : vector<1x1x16xf32> to vector<16xf32>
        %parallel_loop3A_524 = arith.index_cast %parallel_loop3A_463 : i32 to index
        %parallel_loop3A_525 = arith.index_cast %parallel_loop3A_458 : i32 to index
        %parallel_loop3A_526 = arith.constant 80 : index
        %parallel_loop3A_527 = tpu.vector_load %arg15[%parallel_loop3A_524, %parallel_loop3A_525, %parallel_loop3A_526] {strides = array<i32>} : memref<2x200x128xf32, #tpu.memory_space<vmem>>, vector<1x1x16xf32>,
        %parallel_loop3A_528 = vector.shape_cast %parallel_loop3A_527 : vector<1x1x16xf32> to vector<16xf32>
        %parallel_loop3A_529 = arith.addf %parallel_loop3A_523, %parallel_loop3A_528 : vector<16xf32>
        %parallel_loop3A_530 = arith.index_cast %rem3A_302 : i32 to index
        %parallel_loop3A_531 = arith.index_cast %parallel_loop3A_458 : i32 to index
        %parallel_loop3A_532 = arith.constant 96 : index
        %parallel_loop3A_533 = tpu.vector_load %arg14[%parallel_loop3A_530, %parallel_loop3A_531, %parallel_loop3A_532] {strides = array<i32>} : memref<2x200x128xf32, #tpu.memory_space<vmem>>, vector<1x1x16xf32>,
        %parallel_loop3A_534 = vector.shape_cast %parallel_loop3A_533 : vector<1x1x16xf32> to vector<16xf32>
        %parallel_loop3A_535 = arith.index_cast %parallel_loop3A_463 : i32 to index
        %parallel_loop3A_536 = arith.index_cast %parallel_loop3A_458 : i32 to index
        %parallel_loop3A_537 = arith.constant 96 : index
        %parallel_loop3A_538 = tpu.vector_load %arg15[%parallel_loop3A_535, %parallel_loop3A_536, %parallel_loop3A_537] {strides = array<i32>} : memref<2x200x128xf32, #tpu.memory_space<vmem>>, vector<1x1x16xf32>,
        %parallel_loop3A_539 = vector.shape_cast %parallel_loop3A_538 : vector<1x1x16xf32> to vector<16xf32>
        %parallel_loop3A_540 = arith.addf %parallel_loop3A_534, %parallel_loop3A_539 : vector<16xf32>
        %parallel_loop3A_541 = arith.index_cast %rem3A_302 : i32 to index
        %parallel_loop3A_542 = arith.index_cast %parallel_loop3A_458 : i32 to index
        %parallel_loop3A_543 = arith.constant 112 : index
        %parallel_loop3A_544 = tpu.vector_load %arg14[%parallel_loop3A_541, %parallel_loop3A_542, %parallel_loop3A_543] {strides = array<i32>} : memref<2x200x128xf32, #tpu.memory_space<vmem>>, vector<1x1x16xf32>,
        %parallel_loop3A_545 = vector.shape_cast %parallel_loop3A_544 : vector<1x1x16xf32> to vector<16xf32>
        %parallel_loop3A_546 = arith.index_cast %parallel_loop3A_463 : i32 to index
        %parallel_loop3A_547 = arith.index_cast %parallel_loop3A_458 : i32 to index
        %parallel_loop3A_548 = arith.constant 112 : index
        %parallel_loop3A_549 = tpu.vector_load %arg15[%parallel_loop3A_546, %parallel_loop3A_547, %parallel_loop3A_548] {strides = array<i32>} : memref<2x200x128xf32, #tpu.memory_space<vmem>>, vector<1x1x16xf32>,
        %parallel_loop3A_550 = vector.shape_cast %parallel_loop3A_549 : vector<1x1x16xf32> to vector<16xf32>
        %parallel_loop3A_551 = arith.addf %parallel_loop3A_545, %parallel_loop3A_550 : vector<16xf32>
        %parallel_loop3A_552 = arith.addf %parallel_loop3A_474, %parallel_loop3A_485 : vector<16xf32>
        %parallel_loop3A_553 = arith.addf %parallel_loop3A_496, %parallel_loop3A_507 : vector<16xf32>
        %parallel_loop3A_554 = arith.addf %parallel_loop3A_518, %parallel_loop3A_529 : vector<16xf32>
        %parallel_loop3A_555 = arith.addf %parallel_loop3A_540, %parallel_loop3A_551 : vector<16xf32>
        %parallel_loop3A_556 = arith.addf %parallel_loop3A_552, %parallel_loop3A_553 : vector<16xf32>
        %parallel_loop3A_557 = arith.addf %parallel_loop3A_554, %parallel_loop3A_555 : vector<16xf32>
        %parallel_loop3A_558 = arith.addf %parallel_loop3A_556, %parallel_loop3A_557 : vector<16xf32>
        %parallel_loop3A_559 = arith.constant 0 : i32
        %parallel_loop3A_560 = vector.broadcast %parallel_loop3A_559 : i32 to vector<16xi32>
        %parallel_loop3A_561 = arith.cmpi slt, %xor3A_134, %parallel_loop3A_560 : vector<16xi32>
        %parallel_loop3A_562 = arith.constant 16 : i32
        %parallel_loop3A_563 = vector.broadcast %parallel_loop3A_562 : i32 to vector<16xi32>
        %parallel_loop3A_564 = arith.addi %xor3A_134, %parallel_loop3A_563 : vector<16xi32>
        %parallel_loop3A_565 = arith.select %parallel_loop3A_561, %parallel_loop3A_564, %xor3A_134 : vector<16xi1>, vector<16xi32>
        %parallel_loop3A_566 = vector.shape_cast %parallel_loop3A_565 : vector<16xi32> to vector<16x1xi32>
        %parallel_loop3A_567 = vector.shape_cast %parallel_loop3A_566 : vector<16x1xi32> to vector<16xi32>
        %parallel_loop3A_568 = tpu.dynamic_gather %parallel_loop3A_558[%parallel_loop3A_567] in [0] : vector<16xf32>, vector<16xi32> -> vector<16xf32>
        %parallel_loop3A_569 = arith.addf %parallel_loop3A_558, %parallel_loop3A_568 : vector<16xf32>
        %parallel_loop3A_570 = arith.constant 0 : i32
        %parallel_loop3A_571 = vector.broadcast %parallel_loop3A_570 : i32 to vector<16xi32>
        %parallel_loop3A_572 = arith.cmpi slt, %xor3A_137, %parallel_loop3A_571 : vector<16xi32>
        %parallel_loop3A_573 = arith.constant 16 : i32
        %parallel_loop3A_574 = vector.broadcast %parallel_loop3A_573 : i32 to vector<16xi32>
        %parallel_loop3A_575 = arith.addi %xor3A_137, %parallel_loop3A_574 : vector<16xi32>
        %parallel_loop3A_576 = arith.select %parallel_loop3A_572, %parallel_loop3A_575, %xor3A_137 : vector<16xi1>, vector<16xi32>
        %parallel_loop3A_577 = vector.shape_cast %parallel_loop3A_576 : vector<16xi32> to vector<16x1xi32>
        %parallel_loop3A_578 = vector.shape_cast %parallel_loop3A_577 : vector<16x1xi32> to vector<16xi32>
        %parallel_loop3A_579 = tpu.dynamic_gather %parallel_loop3A_569[%parallel_loop3A_578] in [0] : vector<16xf32>, vector<16xi32> -> vector<16xf32>
        %parallel_loop3A_580 = arith.addf %parallel_loop3A_569, %parallel_loop3A_579 : vector<16xf32>
        %parallel_loop3A_581 = arith.constant 0 : i32
        %parallel_loop3A_582 = vector.broadcast %parallel_loop3A_581 : i32 to vector<16xi32>
        %parallel_loop3A_583 = arith.cmpi slt, %xor3A_140, %parallel_loop3A_582 : vector<16xi32>
        %parallel_loop3A_584 = arith.constant 16 : i32
        %parallel_loop3A_585 = vector.broadcast %parallel_loop3A_584 : i32 to vector<16xi32>
        %parallel_loop3A_586 = arith.addi %xor3A_140, %parallel_loop3A_585 : vector<16xi32>
        %parallel_loop3A_587 = arith.select %parallel_loop3A_583, %parallel_loop3A_586, %xor3A_140 : vector<16xi1>, vector<16xi32>
        %parallel_loop3A_588 = vector.shape_cast %parallel_loop3A_587 : vector<16xi32> to vector<16x1xi32>
        %parallel_loop3A_589 = vector.shape_cast %parallel_loop3A_588 : vector<16x1xi32> to vector<16xi32>
        %parallel_loop3A_590 = tpu.dynamic_gather %parallel_loop3A_580[%parallel_loop3A_589] in [0] : vector<16xf32>, vector<16xi32> -> vector<16xf32>
        %parallel_loop3A_591 = arith.addf %parallel_loop3A_580, %parallel_loop3A_590 : vector<16xf32>
        %parallel_loop3A_592 = arith.constant 0 : i32
        %parallel_loop3A_593 = vector.broadcast %parallel_loop3A_592 : i32 to vector<16xi32>
        %parallel_loop3A_594 = arith.cmpi slt, %xor3A_143, %parallel_loop3A_593 : vector<16xi32>
        %parallel_loop3A_595 = arith.constant 16 : i32
        %parallel_loop3A_596 = vector.broadcast %parallel_loop3A_595 : i32 to vector<16xi32>
        %parallel_loop3A_597 = arith.addi %xor3A_143, %parallel_loop3A_596 : vector<16xi32>
        %parallel_loop3A_598 = arith.select %parallel_loop3A_594, %parallel_loop3A_597, %xor3A_143 : vector<16xi1>, vector<16xi32>
        %parallel_loop3A_599 = vector.shape_cast %parallel_loop3A_598 : vector<16xi32> to vector<16x1xi32>
        %parallel_loop3A_600 = vector.shape_cast %parallel_loop3A_599 : vector<16x1xi32> to vector<16xi32>
        %parallel_loop3A_601 = tpu.dynamic_gather %parallel_loop3A_591[%parallel_loop3A_600] in [0] : vector<16xf32>, vector<16xi32> -> vector<16xf32>
        %parallel_loop3A_602 = arith.addf %parallel_loop3A_591, %parallel_loop3A_601 : vector<16xf32>
        %parallel_loop3A_603 = arith.constant 7.812500e-03 : f32
        %parallel_loop3A_604 = vector.broadcast %parallel_loop3A_603 : f32 to vector<16xf32>
        %parallel_loop3A_605 = arith.mulf %parallel_loop3A_602, %parallel_loop3A_604 : vector<16xf32>
        %parallel_loop3A_606 = arith.subf %parallel_loop3A_474, %parallel_loop3A_605 : vector<16xf32>
        %parallel_loop3A_607 = arith.subf %parallel_loop3A_485, %parallel_loop3A_605 : vector<16xf32>
        %parallel_loop3A_608 = arith.subf %parallel_loop3A_496, %parallel_loop3A_605 : vector<16xf32>
        %parallel_loop3A_609 = arith.subf %parallel_loop3A_507, %parallel_loop3A_605 : vector<16xf32>
        %parallel_loop3A_610 = arith.subf %parallel_loop3A_518, %parallel_loop3A_605 : vector<16xf32>
        %parallel_loop3A_611 = arith.subf %parallel_loop3A_529, %parallel_loop3A_605 : vector<16xf32>
        %parallel_loop3A_612 = arith.subf %parallel_loop3A_540, %parallel_loop3A_605 : vector<16xf32>
        %parallel_loop3A_613 = arith.subf %parallel_loop3A_551, %parallel_loop3A_605 : vector<16xf32>
        %parallel_loop3A_614 = arith.mulf %parallel_loop3A_606, %parallel_loop3A_606 : vector<16xf32>
        %parallel_loop3A_615 = arith.mulf %parallel_loop3A_607, %parallel_loop3A_607 : vector<16xf32>
        %parallel_loop3A_616 = arith.mulf %parallel_loop3A_608, %parallel_loop3A_608 : vector<16xf32>
        %parallel_loop3A_617 = arith.mulf %parallel_loop3A_609, %parallel_loop3A_609 : vector<16xf32>
        %parallel_loop3A_618 = arith.mulf %parallel_loop3A_610, %parallel_loop3A_610 : vector<16xf32>
        %parallel_loop3A_619 = arith.mulf %parallel_loop3A_611, %parallel_loop3A_611 : vector<16xf32>
        %parallel_loop3A_620 = arith.mulf %parallel_loop3A_612, %parallel_loop3A_612 : vector<16xf32>
        %parallel_loop3A_621 = arith.mulf %parallel_loop3A_613, %parallel_loop3A_613 : vector<16xf32>
        %parallel_loop3A_622 = arith.addf %parallel_loop3A_614, %parallel_loop3A_615 : vector<16xf32>
        %parallel_loop3A_623 = arith.addf %parallel_loop3A_616, %parallel_loop3A_617 : vector<16xf32>
        %parallel_loop3A_624 = arith.addf %parallel_loop3A_618, %parallel_loop3A_619 : vector<16xf32>
        %parallel_loop3A_625 = arith.addf %parallel_loop3A_620, %parallel_loop3A_621 : vector<16xf32>
        %parallel_loop3A_626 = arith.addf %parallel_loop3A_622, %parallel_loop3A_623 : vector<16xf32>
        %parallel_loop3A_627 = arith.addf %parallel_loop3A_624, %parallel_loop3A_625 : vector<16xf32>
        %parallel_loop3A_628 = arith.addf %parallel_loop3A_626, %parallel_loop3A_627 : vector<16xf32>
        %parallel_loop3A_629 = arith.constant 0 : i32
        %parallel_loop3A_630 = vector.broadcast %parallel_loop3A_629 : i32 to vector<16xi32>
        %parallel_loop3A_631 = arith.cmpi slt, %xor3A_134, %parallel_loop3A_630 : vector<16xi32>
        %parallel_loop3A_632 = arith.constant 16 : i32
        %parallel_loop3A_633 = vector.broadcast %parallel_loop3A_632 : i32 to vector<16xi32>
        %parallel_loop3A_634 = arith.addi %xor3A_134, %parallel_loop3A_633 : vector<16xi32>
        %parallel_loop3A_635 = arith.select %parallel_loop3A_631, %parallel_loop3A_634, %xor3A_134 : vector<16xi1>, vector<16xi32>
        %parallel_loop3A_636 = vector.shape_cast %parallel_loop3A_635 : vector<16xi32> to vector<16x1xi32>
        %parallel_loop3A_637 = vector.shape_cast %parallel_loop3A_636 : vector<16x1xi32> to vector<16xi32>
        %parallel_loop3A_638 = tpu.dynamic_gather %parallel_loop3A_628[%parallel_loop3A_637] in [0] : vector<16xf32>, vector<16xi32> -> vector<16xf32>
        %parallel_loop3A_639 = arith.addf %parallel_loop3A_628, %parallel_loop3A_638 : vector<16xf32>
        %parallel_loop3A_640 = arith.constant 0 : i32
        %parallel_loop3A_641 = vector.broadcast %parallel_loop3A_640 : i32 to vector<16xi32>
        %parallel_loop3A_642 = arith.cmpi slt, %xor3A_137, %parallel_loop3A_641 : vector<16xi32>
        %parallel_loop3A_643 = arith.constant 16 : i32
        %parallel_loop3A_644 = vector.broadcast %parallel_loop3A_643 : i32 to vector<16xi32>
        %parallel_loop3A_645 = arith.addi %xor3A_137, %parallel_loop3A_644 : vector<16xi32>
        %parallel_loop3A_646 = arith.select %parallel_loop3A_642, %parallel_loop3A_645, %xor3A_137 : vector<16xi1>, vector<16xi32>
        %parallel_loop3A_647 = vector.shape_cast %parallel_loop3A_646 : vector<16xi32> to vector<16x1xi32>
        %parallel_loop3A_648 = vector.shape_cast %parallel_loop3A_647 : vector<16x1xi32> to vector<16xi32>
        %parallel_loop3A_649 = tpu.dynamic_gather %parallel_loop3A_639[%parallel_loop3A_648] in [0] : vector<16xf32>, vector<16xi32> -> vector<16xf32>
        %parallel_loop3A_650 = arith.addf %parallel_loop3A_639, %parallel_loop3A_649 : vector<16xf32>
        %parallel_loop3A_651 = arith.constant 0 : i32
        %parallel_loop3A_652 = vector.broadcast %parallel_loop3A_651 : i32 to vector<16xi32>
        %parallel_loop3A_653 = arith.cmpi slt, %xor3A_140, %parallel_loop3A_652 : vector<16xi32>
        %parallel_loop3A_654 = arith.constant 16 : i32
        %parallel_loop3A_655 = vector.broadcast %parallel_loop3A_654 : i32 to vector<16xi32>
        %parallel_loop3A_656 = arith.addi %xor3A_140, %parallel_loop3A_655 : vector<16xi32>
        %parallel_loop3A_657 = arith.select %parallel_loop3A_653, %parallel_loop3A_656, %xor3A_140 : vector<16xi1>, vector<16xi32>
        %parallel_loop3A_658 = vector.shape_cast %parallel_loop3A_657 : vector<16xi32> to vector<16x1xi32>
        %parallel_loop3A_659 = vector.shape_cast %parallel_loop3A_658 : vector<16x1xi32> to vector<16xi32>
        %parallel_loop3A_660 = tpu.dynamic_gather %parallel_loop3A_650[%parallel_loop3A_659] in [0] : vector<16xf32>, vector<16xi32> -> vector<16xf32>
        %parallel_loop3A_661 = arith.addf %parallel_loop3A_650, %parallel_loop3A_660 : vector<16xf32>
        %parallel_loop3A_662 = arith.constant 0 : i32
        %parallel_loop3A_663 = vector.broadcast %parallel_loop3A_662 : i32 to vector<16xi32>
        %parallel_loop3A_664 = arith.cmpi slt, %xor3A_143, %parallel_loop3A_663 : vector<16xi32>
        %parallel_loop3A_665 = arith.constant 16 : i32
        %parallel_loop3A_666 = vector.broadcast %parallel_loop3A_665 : i32 to vector<16xi32>
        %parallel_loop3A_667 = arith.addi %xor3A_143, %parallel_loop3A_666 : vector<16xi32>
        %parallel_loop3A_668 = arith.select %parallel_loop3A_664, %parallel_loop3A_667, %xor3A_143 : vector<16xi1>, vector<16xi32>
        %parallel_loop3A_669 = vector.shape_cast %parallel_loop3A_668 : vector<16xi32> to vector<16x1xi32>
        %parallel_loop3A_670 = vector.shape_cast %parallel_loop3A_669 : vector<16x1xi32> to vector<16xi32>
        %parallel_loop3A_671 = tpu.dynamic_gather %parallel_loop3A_661[%parallel_loop3A_670] in [0] : vector<16xf32>, vector<16xi32> -> vector<16xf32>
        %parallel_loop3A_672 = arith.addf %parallel_loop3A_661, %parallel_loop3A_671 : vector<16xf32>
        %parallel_loop3A_673 = arith.constant 7.812500e-03 : f32
        %parallel_loop3A_674 = vector.broadcast %parallel_loop3A_673 : f32 to vector<16xf32>
        %parallel_loop3A_675 = arith.mulf %parallel_loop3A_672, %parallel_loop3A_674 : vector<16xf32>
        %parallel_loop3A_676 = arith.constant 9.99999974E-6 : f32
        %parallel_loop3A_677 = vector.broadcast %parallel_loop3A_676 : f32 to vector<16xf32>
        %parallel_loop3A_678 = arith.addf %parallel_loop3A_675, %parallel_loop3A_677 : vector<16xf32>
        %parallel_loop3A_679 = tpu.bitcast %parallel_loop3A_678 : vector<16xf32> -> vector<16xi32>
        %parallel_loop3A_680 = arith.constant 1 : i32
        %parallel_loop3A_681 = vector.broadcast %parallel_loop3A_680 : i32 to vector<16xi32>
        %parallel_loop3A_682 = arith.shrui %parallel_loop3A_679, %parallel_loop3A_681 : vector<16xi32>
        %parallel_loop3A_683 = arith.constant 1597463007 : i32
        %parallel_loop3A_684 = vector.broadcast %parallel_loop3A_683 : i32 to vector<16xi32>
        %parallel_loop3A_685 = arith.subi %parallel_loop3A_684, %parallel_loop3A_682 : vector<16xi32>
        %parallel_loop3A_686 = tpu.bitcast %parallel_loop3A_685 : vector<16xi32> -> vector<16xf32>
        %parallel_loop3A_687 = arith.constant 5.000000e-01 : f32
        %parallel_loop3A_688 = vector.broadcast %parallel_loop3A_687 : f32 to vector<16xf32>
        %parallel_loop3A_689 = arith.mulf %parallel_loop3A_688, %parallel_loop3A_678 : vector<16xf32>
        %parallel_loop3A_690 = arith.mulf %parallel_loop3A_689, %parallel_loop3A_686 : vector<16xf32>
        %parallel_loop3A_691 = arith.mulf %parallel_loop3A_690, %parallel_loop3A_686 : vector<16xf32>
        %parallel_loop3A_692 = arith.constant 1.500000e+00 : f32
        %parallel_loop3A_693 = vector.broadcast %parallel_loop3A_692 : f32 to vector<16xf32>
        %parallel_loop3A_694 = arith.subf %parallel_loop3A_693, %parallel_loop3A_691 : vector<16xf32>
        %parallel_loop3A_695 = arith.mulf %parallel_loop3A_686, %parallel_loop3A_694 : vector<16xf32>
        %parallel_loop3A_696 = arith.mulf %parallel_loop3A_606, %parallel_loop3A_695 : vector<16xf32>
        %parallel_loop3A_697 = arith.mulf %parallel_loop3A_696, %get3A_87 : vector<16xf32>
        %parallel_loop3A_698 = arith.addf %parallel_loop3A_697, %get3A_111 : vector<16xf32>
        %parallel_loop3A_699 = arith.index_cast %rem3A_302 : i32 to index
        %parallel_loop3A_700 = arith.index_cast %parallel_loop3A_458 : i32 to index
        %parallel_loop3A_701 = arith.constant 0 : index
        %parallel_loop3A_702 = tpu.vector_load %arg14[%parallel_loop3A_699, %parallel_loop3A_700, %parallel_loop3A_701] {strides = array<i32>} : memref<2x200x128xf32, #tpu.memory_space<vmem>>, vector<1x1x16xf32>,
        %parallel_loop3A_703 = vector.shape_cast %parallel_loop3A_702 : vector<1x1x16xf32> to vector<16xf32>
        %parallel_loop3A_704 = vector.shape_cast %parallel_loop3A_698 : vector<16xf32> to vector<1x1x16xf32>
        tpu.vector_store %arg14[%parallel_loop3A_699, %parallel_loop3A_700, %parallel_loop3A_701], %parallel_loop3A_704 {strides = array<i32>} : memref<2x200x128xf32, #tpu.memory_space<vmem>>, vector<1x1x16xf32>,
        %parallel_loop3A_705 = arith.mulf %parallel_loop3A_607, %parallel_loop3A_695 : vector<16xf32>
        %parallel_loop3A_706 = arith.mulf %parallel_loop3A_705, %get3A_90 : vector<16xf32>
        %parallel_loop3A_707 = arith.addf %parallel_loop3A_706, %get3A_114 : vector<16xf32>
        %parallel_loop3A_708 = arith.index_cast %rem3A_302 : i32 to index
        %parallel_loop3A_709 = arith.index_cast %parallel_loop3A_458 : i32 to index
        %parallel_loop3A_710 = arith.constant 16 : index
        %parallel_loop3A_711 = tpu.vector_load %arg14[%parallel_loop3A_708, %parallel_loop3A_709, %parallel_loop3A_710] {strides = array<i32>} : memref<2x200x128xf32, #tpu.memory_space<vmem>>, vector<1x1x16xf32>,
        %parallel_loop3A_712 = vector.shape_cast %parallel_loop3A_711 : vector<1x1x16xf32> to vector<16xf32>
        %parallel_loop3A_713 = vector.shape_cast %parallel_loop3A_707 : vector<16xf32> to vector<1x1x16xf32>
        tpu.vector_store %arg14[%parallel_loop3A_708, %parallel_loop3A_709, %parallel_loop3A_710], %parallel_loop3A_713 {strides = array<i32>} : memref<2x200x128xf32, #tpu.memory_space<vmem>>, vector<1x1x16xf32>,
        %parallel_loop3A_714 = arith.mulf %parallel_loop3A_608, %parallel_loop3A_695 : vector<16xf32>
        %parallel_loop3A_715 = arith.mulf %parallel_loop3A_714, %get3A_93 : vector<16xf32>
        %parallel_loop3A_716 = arith.addf %parallel_loop3A_715, %get3A_117 : vector<16xf32>
        %parallel_loop3A_717 = arith.index_cast %rem3A_302 : i32 to index
        %parallel_loop3A_718 = arith.index_cast %parallel_loop3A_458 : i32 to index
        %parallel_loop3A_719 = arith.constant 32 : index
        %parallel_loop3A_720 = tpu.vector_load %arg14[%parallel_loop3A_717, %parallel_loop3A_718, %parallel_loop3A_719] {strides = array<i32>} : memref<2x200x128xf32, #tpu.memory_space<vmem>>, vector<1x1x16xf32>,
        %parallel_loop3A_721 = vector.shape_cast %parallel_loop3A_720 : vector<1x1x16xf32> to vector<16xf32>
        %parallel_loop3A_722 = vector.shape_cast %parallel_loop3A_716 : vector<16xf32> to vector<1x1x16xf32>
        tpu.vector_store %arg14[%parallel_loop3A_717, %parallel_loop3A_718, %parallel_loop3A_719], %parallel_loop3A_722 {strides = array<i32>} : memref<2x200x128xf32, #tpu.memory_space<vmem>>, vector<1x1x16xf32>,
        %parallel_loop3A_723 = arith.mulf %parallel_loop3A_609, %parallel_loop3A_695 : vector<16xf32>
        %parallel_loop3A_724 = arith.mulf %parallel_loop3A_723, %get3A_96 : vector<16xf32>
        %parallel_loop3A_725 = arith.addf %parallel_loop3A_724, %get3A_120 : vector<16xf32>
        %parallel_loop3A_726 = arith.index_cast %rem3A_302 : i32 to index
        %parallel_loop3A_727 = arith.index_cast %parallel_loop3A_458 : i32 to index
        %parallel_loop3A_728 = arith.constant 48 : index
        %parallel_loop3A_729 = tpu.vector_load %arg14[%parallel_loop3A_726, %parallel_loop3A_727, %parallel_loop3A_728] {strides = array<i32>} : memref<2x200x128xf32, #tpu.memory_space<vmem>>, vector<1x1x16xf32>,
        %parallel_loop3A_730 = vector.shape_cast %parallel_loop3A_729 : vector<1x1x16xf32> to vector<16xf32>
        %parallel_loop3A_731 = vector.shape_cast %parallel_loop3A_725 : vector<16xf32> to vector<1x1x16xf32>
        tpu.vector_store %arg14[%parallel_loop3A_726, %parallel_loop3A_727, %parallel_loop3A_728], %parallel_loop3A_731 {strides = array<i32>} : memref<2x200x128xf32, #tpu.memory_space<vmem>>, vector<1x1x16xf32>,
        %parallel_loop3A_732 = arith.mulf %parallel_loop3A_610, %parallel_loop3A_695 : vector<16xf32>
        %parallel_loop3A_733 = arith.mulf %parallel_loop3A_732, %get3A_99 : vector<16xf32>
        %parallel_loop3A_734 = arith.addf %parallel_loop3A_733, %get3A_123 : vector<16xf32>
        %parallel_loop3A_735 = arith.index_cast %rem3A_302 : i32 to index
        %parallel_loop3A_736 = arith.index_cast %parallel_loop3A_458 : i32 to index
        %parallel_loop3A_737 = arith.constant 64 : index
        %parallel_loop3A_738 = tpu.vector_load %arg14[%parallel_loop3A_735, %parallel_loop3A_736, %parallel_loop3A_737] {strides = array<i32>} : memref<2x200x128xf32, #tpu.memory_space<vmem>>, vector<1x1x16xf32>,
        %parallel_loop3A_739 = vector.shape_cast %parallel_loop3A_738 : vector<1x1x16xf32> to vector<16xf32>
        %parallel_loop3A_740 = vector.shape_cast %parallel_loop3A_734 : vector<16xf32> to vector<1x1x16xf32>
        tpu.vector_store %arg14[%parallel_loop3A_735, %parallel_loop3A_736, %parallel_loop3A_737], %parallel_loop3A_740 {strides = array<i32>} : memref<2x200x128xf32, #tpu.memory_space<vmem>>, vector<1x1x16xf32>,
        %parallel_loop3A_741 = arith.mulf %parallel_loop3A_611, %parallel_loop3A_695 : vector<16xf32>
        %parallel_loop3A_742 = arith.mulf %parallel_loop3A_741, %get3A_102 : vector<16xf32>
        %parallel_loop3A_743 = arith.addf %parallel_loop3A_742, %get3A_126 : vector<16xf32>
        %parallel_loop3A_744 = arith.index_cast %rem3A_302 : i32 to index
        %parallel_loop3A_745 = arith.index_cast %parallel_loop3A_458 : i32 to index
        %parallel_loop3A_746 = arith.constant 80 : index
        %parallel_loop3A_747 = tpu.vector_load %arg14[%parallel_loop3A_744, %parallel_loop3A_745, %parallel_loop3A_746] {strides = array<i32>} : memref<2x200x128xf32, #tpu.memory_space<vmem>>, vector<1x1x16xf32>,
        %parallel_loop3A_748 = vector.shape_cast %parallel_loop3A_747 : vector<1x1x16xf32> to vector<16xf32>
        %parallel_loop3A_749 = vector.shape_cast %parallel_loop3A_743 : vector<16xf32> to vector<1x1x16xf32>
        tpu.vector_store %arg14[%parallel_loop3A_744, %parallel_loop3A_745, %parallel_loop3A_746], %parallel_loop3A_749 {strides = array<i32>} : memref<2x200x128xf32, #tpu.memory_space<vmem>>, vector<1x1x16xf32>,
        %parallel_loop3A_750 = arith.mulf %parallel_loop3A_612, %parallel_loop3A_695 : vector<16xf32>
        %parallel_loop3A_751 = arith.mulf %parallel_loop3A_750, %get3A_105 : vector<16xf32>
        %parallel_loop3A_752 = arith.addf %parallel_loop3A_751, %get3A_129 : vector<16xf32>
        %parallel_loop3A_753 = arith.index_cast %rem3A_302 : i32 to index
        %parallel_loop3A_754 = arith.index_cast %parallel_loop3A_458 : i32 to index
        %parallel_loop3A_755 = arith.constant 96 : index
        %parallel_loop3A_756 = tpu.vector_load %arg14[%parallel_loop3A_753, %parallel_loop3A_754, %parallel_loop3A_755] {strides = array<i32>} : memref<2x200x128xf32, #tpu.memory_space<vmem>>, vector<1x1x16xf32>,
        %parallel_loop3A_757 = vector.shape_cast %parallel_loop3A_756 : vector<1x1x16xf32> to vector<16xf32>
        %parallel_loop3A_758 = vector.shape_cast %parallel_loop3A_752 : vector<16xf32> to vector<1x1x16xf32>
        tpu.vector_store %arg14[%parallel_loop3A_753, %parallel_loop3A_754, %parallel_loop3A_755], %parallel_loop3A_758 {strides = array<i32>} : memref<2x200x128xf32, #tpu.memory_space<vmem>>, vector<1x1x16xf32>,
        %parallel_loop3A_759 = arith.mulf %parallel_loop3A_613, %parallel_loop3A_695 : vector<16xf32>
        %parallel_loop3A_760 = arith.mulf %parallel_loop3A_759, %get3A_108 : vector<16xf32>
        %parallel_loop3A_761 = arith.addf %parallel_loop3A_760, %get3A_132 : vector<16xf32>
        %parallel_loop3A_762 = arith.index_cast %rem3A_302 : i32 to index
        %parallel_loop3A_763 = arith.index_cast %parallel_loop3A_458 : i32 to index
        %parallel_loop3A_764 = arith.constant 112 : index
        %parallel_loop3A_765 = tpu.vector_load %arg14[%parallel_loop3A_762, %parallel_loop3A_763, %parallel_loop3A_764] {strides = array<i32>} : memref<2x200x128xf32, #tpu.memory_space<vmem>>, vector<1x1x16xf32>,
        %parallel_loop3A_766 = vector.shape_cast %parallel_loop3A_765 : vector<1x1x16xf32> to vector<16xf32>
        %parallel_loop3A_767 = vector.shape_cast %parallel_loop3A_761 : vector<16xf32> to vector<1x1x16xf32>
        tpu.vector_store %arg14[%parallel_loop3A_762, %parallel_loop3A_763, %parallel_loop3A_764], %parallel_loop3A_767 {strides = array<i32>} : memref<2x200x128xf32, #tpu.memory_space<vmem>>, vector<1x1x16xf32>,
      } {sc.loop_unroll_factor = 2 : i64, sc.parallel_access}
      %mul3A_330 = arith.constant 200 : i32
      %mul3A_331 = arith.muli %mul3A_301, %mul3A_330 : i32
      %add3A_332 = arith.addi %mul3A_2, %mul3A_331 : i32
      %add3A_333 = arith.constant 0 : i32
      %add3A_334 = arith.addi %add3A_332, %add3A_333 : i32
      %dma_start3A_335 = arith.constant 0 : i32
      %dma_start3A_336 = arith.constant 0 : i32
      %dma_start3A_337 = tpu.memref_slice %arg14[%rem3A_302, %dma_start3A_335, %dma_start3A_336] : memref<2x200x128xf32, #tpu.memory_space<vmem>> -> memref<1x104x128xf32, #tpu.memory_space<vmem>>
      %dma_start3A_338 = tpu.memref_squeeze %dma_start3A_337 : memref<1x104x128xf32, #tpu.memory_space<vmem>> -> memref<104x128xf32, #tpu.memory_space<vmem>>
      %dma_start3A_339 = arith.constant 0 : i32
      %dma_start3A_340 = tpu.memref_slice %arg9[%add3A_334, %dma_start3A_339] : memref<204800x128xf32, #tpu.memory_space<hbm>> -> memref<104x128xf32, #tpu.memory_space<hbm>>
      %dma_start3A_341 = tpu.memref_slice %arg20[%rem3A_302] : memref<2x!tpu.dma_semaphore, #tpu.memory_space<semaphore_mem>> -> memref<1x!tpu.dma_semaphore, #tpu.memory_space<semaphore_mem>>
      %dma_start3A_342 = tpu.memref_squeeze %dma_start3A_341 : memref<1x!tpu.dma_semaphore, #tpu.memory_space<semaphore_mem>> -> memref<!tpu.dma_semaphore, #tpu.memory_space<semaphore_mem>>
      %dma_start3A_343 = arith.constant 0 : i32
      %dma_start3A_344 = tpu.memref_slice %arg9[%add3A_334, %dma_start3A_343] : memref<204800x128xf32, #tpu.memory_space<hbm>> -> memref<104x128xf32, #tpu.memory_space<hbm>>
      %dma_start3A_345 = arith.constant 0 : i32
      %dma_start3A_346 = arith.constant 0 : i32
      %dma_start3A_347 = tpu.memref_slice %arg14[%rem3A_302, %dma_start3A_345, %dma_start3A_346] : memref<2x200x128xf32, #tpu.memory_space<vmem>> -> memref<1x104x128xf32, #tpu.memory_space<vmem>>
      %dma_start3A_348 = tpu.memref_squeeze %dma_start3A_347 : memref<1x104x128xf32, #tpu.memory_space<vmem>> -> memref<104x128xf32, #tpu.memory_space<vmem>>
      tpu.enqueue_dma source(%dma_start3A_348 : memref<104x128xf32, #tpu.memory_space<vmem>>) target(%dma_start3A_344 : memref<104x128xf32, #tpu.memory_space<hbm>>) target_semaphore(%dma_start3A_342 : memref<!tpu.dma_semaphore, #tpu.memory_space<semaphore_mem>>)
      %parallel_loop3A_349 = arith.constant 104 : i32
      %parallel_loop3A_350 = arith.constant 200 : i32
      %parallel_loop3A_351 = arith.constant 1 : i32
      scf.for %parallel_loop3A_458 = %parallel_loop3A_349 to %parallel_loop3A_350 step %parallel_loop3A_351  : i32 {
        %parallel_loop3A_459 = arith.index_cast %parallel_loop3A_458 : i32 to index
        %parallel_loop3A_460 = tpu.vector_load %arg12[%parallel_loop3A_459] {strides = array<i32>} : memref<216xi32, #tpu.memory_space<vmem>>, vector<16xi32>,
        %parallel_loop3A_461 = vector.shape_cast %parallel_loop3A_460 : vector<16xi32> to vector<16xi32>
        %parallel_loop3A_462 = vector.extract_strided_slice %parallel_loop3A_461 {offsets = [0], sizes = [1], strides = [1]} : vector<16xi32> to vector<1xi32>
        %parallel_loop3A_463 = vector.extract %parallel_loop3A_462[0] : i32 from vector<1xi32>
        %parallel_loop3A_464 = arith.index_cast %rem3A_302 : i32 to index
        %parallel_loop3A_465 = arith.index_cast %parallel_loop3A_458 : i32 to index
        %parallel_loop3A_466 = arith.constant 0 : index
        %parallel_loop3A_467 = tpu.vector_load %arg14[%parallel_loop3A_464, %parallel_loop3A_465, %parallel_loop3A_466] {strides = array<i32>} : memref<2x200x128xf32, #tpu.memory_space<vmem>>, vector<1x1x16xf32>,
        %parallel_loop3A_468 = vector.shape_cast %parallel_loop3A_467 : vector<1x1x16xf32> to vector<16xf32>
        %parallel_loop3A_469 = arith.index_cast %parallel_loop3A_463 : i32 to index
        %parallel_loop3A_470 = arith.index_cast %parallel_loop3A_458 : i32 to index
        %parallel_loop3A_471 = arith.constant 0 : index
        %parallel_loop3A_472 = tpu.vector_load %arg15[%parallel_loop3A_469, %parallel_loop3A_470, %parallel_loop3A_471] {strides = array<i32>} : memref<2x200x128xf32, #tpu.memory_space<vmem>>, vector<1x1x16xf32>,
        %parallel_loop3A_473 = vector.shape_cast %parallel_loop3A_472 : vector<1x1x16xf32> to vector<16xf32>
        %parallel_loop3A_474 = arith.addf %parallel_loop3A_468, %parallel_loop3A_473 : vector<16xf32>
        %parallel_loop3A_475 = arith.index_cast %rem3A_302 : i32 to index
        %parallel_loop3A_476 = arith.index_cast %parallel_loop3A_458 : i32 to index
        %parallel_loop3A_477 = arith.constant 16 : index
        %parallel_loop3A_478 = tpu.vector_load %arg14[%parallel_loop3A_475, %parallel_loop3A_476, %parallel_loop3A_477] {strides = array<i32>} : memref<2x200x128xf32, #tpu.memory_space<vmem>>, vector<1x1x16xf32>,
        %parallel_loop3A_479 = vector.shape_cast %parallel_loop3A_478 : vector<1x1x16xf32> to vector<16xf32>
        %parallel_loop3A_480 = arith.index_cast %parallel_loop3A_463 : i32 to index
        %parallel_loop3A_481 = arith.index_cast %parallel_loop3A_458 : i32 to index
        %parallel_loop3A_482 = arith.constant 16 : index
        %parallel_loop3A_483 = tpu.vector_load %arg15[%parallel_loop3A_480, %parallel_loop3A_481, %parallel_loop3A_482] {strides = array<i32>} : memref<2x200x128xf32, #tpu.memory_space<vmem>>, vector<1x1x16xf32>,
        %parallel_loop3A_484 = vector.shape_cast %parallel_loop3A_483 : vector<1x1x16xf32> to vector<16xf32>
        %parallel_loop3A_485 = arith.addf %parallel_loop3A_479, %parallel_loop3A_484 : vector<16xf32>
        %parallel_loop3A_486 = arith.index_cast %rem3A_302 : i32 to index
        %parallel_loop3A_487 = arith.index_cast %parallel_loop3A_458 : i32 to index
        %parallel_loop3A_488 = arith.constant 32 : index
        %parallel_loop3A_489 = tpu.vector_load %arg14[%parallel_loop3A_486, %parallel_loop3A_487, %parallel_loop3A_488] {strides = array<i32>} : memref<2x200x128xf32, #tpu.memory_space<vmem>>, vector<1x1x16xf32>,
        %parallel_loop3A_490 = vector.shape_cast %parallel_loop3A_489 : vector<1x1x16xf32> to vector<16xf32>
        %parallel_loop3A_491 = arith.index_cast %parallel_loop3A_463 : i32 to index
        %parallel_loop3A_492 = arith.index_cast %parallel_loop3A_458 : i32 to index
        %parallel_loop3A_493 = arith.constant 32 : index
        %parallel_loop3A_494 = tpu.vector_load %arg15[%parallel_loop3A_491, %parallel_loop3A_492, %parallel_loop3A_493] {strides = array<i32>} : memref<2x200x128xf32, #tpu.memory_space<vmem>>, vector<1x1x16xf32>,
        %parallel_loop3A_495 = vector.shape_cast %parallel_loop3A_494 : vector<1x1x16xf32> to vector<16xf32>
        %parallel_loop3A_496 = arith.addf %parallel_loop3A_490, %parallel_loop3A_495 : vector<16xf32>
        %parallel_loop3A_497 = arith.index_cast %rem3A_302 : i32 to index
        %parallel_loop3A_498 = arith.index_cast %parallel_loop3A_458 : i32 to index
        %parallel_loop3A_499 = arith.constant 48 : index
        %parallel_loop3A_500 = tpu.vector_load %arg14[%parallel_loop3A_497, %parallel_loop3A_498, %parallel_loop3A_499] {strides = array<i32>} : memref<2x200x128xf32, #tpu.memory_space<vmem>>, vector<1x1x16xf32>,
        %parallel_loop3A_501 = vector.shape_cast %parallel_loop3A_500 : vector<1x1x16xf32> to vector<16xf32>
        %parallel_loop3A_502 = arith.index_cast %parallel_loop3A_463 : i32 to index
        %parallel_loop3A_503 = arith.index_cast %parallel_loop3A_458 : i32 to index
        %parallel_loop3A_504 = arith.constant 48 : index
        %parallel_loop3A_505 = tpu.vector_load %arg15[%parallel_loop3A_502, %parallel_loop3A_503, %parallel_loop3A_504] {strides = array<i32>} : memref<2x200x128xf32, #tpu.memory_space<vmem>>, vector<1x1x16xf32>,
        %parallel_loop3A_506 = vector.shape_cast %parallel_loop3A_505 : vector<1x1x16xf32> to vector<16xf32>
        %parallel_loop3A_507 = arith.addf %parallel_loop3A_501, %parallel_loop3A_506 : vector<16xf32>
        %parallel_loop3A_508 = arith.index_cast %rem3A_302 : i32 to index
        %parallel_loop3A_509 = arith.index_cast %parallel_loop3A_458 : i32 to index
        %parallel_loop3A_510 = arith.constant 64 : index
        %parallel_loop3A_511 = tpu.vector_load %arg14[%parallel_loop3A_508, %parallel_loop3A_509, %parallel_loop3A_510] {strides = array<i32>} : memref<2x200x128xf32, #tpu.memory_space<vmem>>, vector<1x1x16xf32>,
        %parallel_loop3A_512 = vector.shape_cast %parallel_loop3A_511 : vector<1x1x16xf32> to vector<16xf32>
        %parallel_loop3A_513 = arith.index_cast %parallel_loop3A_463 : i32 to index
        %parallel_loop3A_514 = arith.index_cast %parallel_loop3A_458 : i32 to index
        %parallel_loop3A_515 = arith.constant 64 : index
        %parallel_loop3A_516 = tpu.vector_load %arg15[%parallel_loop3A_513, %parallel_loop3A_514, %parallel_loop3A_515] {strides = array<i32>} : memref<2x200x128xf32, #tpu.memory_space<vmem>>, vector<1x1x16xf32>,
        %parallel_loop3A_517 = vector.shape_cast %parallel_loop3A_516 : vector<1x1x16xf32> to vector<16xf32>
        %parallel_loop3A_518 = arith.addf %parallel_loop3A_512, %parallel_loop3A_517 : vector<16xf32>
        %parallel_loop3A_519 = arith.index_cast %rem3A_302 : i32 to index
        %parallel_loop3A_520 = arith.index_cast %parallel_loop3A_458 : i32 to index
        %parallel_loop3A_521 = arith.constant 80 : index
        %parallel_loop3A_522 = tpu.vector_load %arg14[%parallel_loop3A_519, %parallel_loop3A_520, %parallel_loop3A_521] {strides = array<i32>} : memref<2x200x128xf32, #tpu.memory_space<vmem>>, vector<1x1x16xf32>,
        %parallel_loop3A_523 = vector.shape_cast %parallel_loop3A_522 : vector<1x1x16xf32> to vector<16xf32>
        %parallel_loop3A_524 = arith.index_cast %parallel_loop3A_463 : i32 to index
        %parallel_loop3A_525 = arith.index_cast %parallel_loop3A_458 : i32 to index
        %parallel_loop3A_526 = arith.constant 80 : index
        %parallel_loop3A_527 = tpu.vector_load %arg15[%parallel_loop3A_524, %parallel_loop3A_525, %parallel_loop3A_526] {strides = array<i32>} : memref<2x200x128xf32, #tpu.memory_space<vmem>>, vector<1x1x16xf32>,
        %parallel_loop3A_528 = vector.shape_cast %parallel_loop3A_527 : vector<1x1x16xf32> to vector<16xf32>
        %parallel_loop3A_529 = arith.addf %parallel_loop3A_523, %parallel_loop3A_528 : vector<16xf32>
        %parallel_loop3A_530 = arith.index_cast %rem3A_302 : i32 to index
        %parallel_loop3A_531 = arith.index_cast %parallel_loop3A_458 : i32 to index
        %parallel_loop3A_532 = arith.constant 96 : index
        %parallel_loop3A_533 = tpu.vector_load %arg14[%parallel_loop3A_530, %parallel_loop3A_531, %parallel_loop3A_532] {strides = array<i32>} : memref<2x200x128xf32, #tpu.memory_space<vmem>>, vector<1x1x16xf32>,
        %parallel_loop3A_534 = vector.shape_cast %parallel_loop3A_533 : vector<1x1x16xf32> to vector<16xf32>
        %parallel_loop3A_535 = arith.index_cast %parallel_loop3A_463 : i32 to index
        %parallel_loop3A_536 = arith.index_cast %parallel_loop3A_458 : i32 to index
        %parallel_loop3A_537 = arith.constant 96 : index
        %parallel_loop3A_538 = tpu.vector_load %arg15[%parallel_loop3A_535, %parallel_loop3A_536, %parallel_loop3A_537] {strides = array<i32>} : memref<2x200x128xf32, #tpu.memory_space<vmem>>, vector<1x1x16xf32>,
        %parallel_loop3A_539 = vector.shape_cast %parallel_loop3A_538 : vector<1x1x16xf32> to vector<16xf32>
        %parallel_loop3A_540 = arith.addf %parallel_loop3A_534, %parallel_loop3A_539 : vector<16xf32>
        %parallel_loop3A_541 = arith.index_cast %rem3A_302 : i32 to index
        %parallel_loop3A_542 = arith.index_cast %parallel_loop3A_458 : i32 to index
        %parallel_loop3A_543 = arith.constant 112 : index
        %parallel_loop3A_544 = tpu.vector_load %arg14[%parallel_loop3A_541, %parallel_loop3A_542, %parallel_loop3A_543] {strides = array<i32>} : memref<2x200x128xf32, #tpu.memory_space<vmem>>, vector<1x1x16xf32>,
        %parallel_loop3A_545 = vector.shape_cast %parallel_loop3A_544 : vector<1x1x16xf32> to vector<16xf32>
        %parallel_loop3A_546 = arith.index_cast %parallel_loop3A_463 : i32 to index
        %parallel_loop3A_547 = arith.index_cast %parallel_loop3A_458 : i32 to index
        %parallel_loop3A_548 = arith.constant 112 : index
        %parallel_loop3A_549 = tpu.vector_load %arg15[%parallel_loop3A_546, %parallel_loop3A_547, %parallel_loop3A_548] {strides = array<i32>} : memref<2x200x128xf32, #tpu.memory_space<vmem>>, vector<1x1x16xf32>,
        %parallel_loop3A_550 = vector.shape_cast %parallel_loop3A_549 : vector<1x1x16xf32> to vector<16xf32>
        %parallel_loop3A_551 = arith.addf %parallel_loop3A_545, %parallel_loop3A_550 : vector<16xf32>
        %parallel_loop3A_552 = arith.addf %parallel_loop3A_474, %parallel_loop3A_485 : vector<16xf32>
        %parallel_loop3A_553 = arith.addf %parallel_loop3A_496, %parallel_loop3A_507 : vector<16xf32>
        %parallel_loop3A_554 = arith.addf %parallel_loop3A_518, %parallel_loop3A_529 : vector<16xf32>
        %parallel_loop3A_555 = arith.addf %parallel_loop3A_540, %parallel_loop3A_551 : vector<16xf32>
        %parallel_loop3A_556 = arith.addf %parallel_loop3A_552, %parallel_loop3A_553 : vector<16xf32>
        %parallel_loop3A_557 = arith.addf %parallel_loop3A_554, %parallel_loop3A_555 : vector<16xf32>
        %parallel_loop3A_558 = arith.addf %parallel_loop3A_556, %parallel_loop3A_557 : vector<16xf32>
        %parallel_loop3A_559 = arith.constant 0 : i32
        %parallel_loop3A_560 = vector.broadcast %parallel_loop3A_559 : i32 to vector<16xi32>
        %parallel_loop3A_561 = arith.cmpi slt, %xor3A_134, %parallel_loop3A_560 : vector<16xi32>
        %parallel_loop3A_562 = arith.constant 16 : i32
        %parallel_loop3A_563 = vector.broadcast %parallel_loop3A_562 : i32 to vector<16xi32>
        %parallel_loop3A_564 = arith.addi %xor3A_134, %parallel_loop3A_563 : vector<16xi32>
        %parallel_loop3A_565 = arith.select %parallel_loop3A_561, %parallel_loop3A_564, %xor3A_134 : vector<16xi1>, vector<16xi32>
        %parallel_loop3A_566 = vector.shape_cast %parallel_loop3A_565 : vector<16xi32> to vector<16x1xi32>
        %parallel_loop3A_567 = vector.shape_cast %parallel_loop3A_566 : vector<16x1xi32> to vector<16xi32>
        %parallel_loop3A_568 = tpu.dynamic_gather %parallel_loop3A_558[%parallel_loop3A_567] in [0] : vector<16xf32>, vector<16xi32> -> vector<16xf32>
        %parallel_loop3A_569 = arith.addf %parallel_loop3A_558, %parallel_loop3A_568 : vector<16xf32>
        %parallel_loop3A_570 = arith.constant 0 : i32
        %parallel_loop3A_571 = vector.broadcast %parallel_loop3A_570 : i32 to vector<16xi32>
        %parallel_loop3A_572 = arith.cmpi slt, %xor3A_137, %parallel_loop3A_571 : vector<16xi32>
        %parallel_loop3A_573 = arith.constant 16 : i32
        %parallel_loop3A_574 = vector.broadcast %parallel_loop3A_573 : i32 to vector<16xi32>
        %parallel_loop3A_575 = arith.addi %xor3A_137, %parallel_loop3A_574 : vector<16xi32>
        %parallel_loop3A_576 = arith.select %parallel_loop3A_572, %parallel_loop3A_575, %xor3A_137 : vector<16xi1>, vector<16xi32>
        %parallel_loop3A_577 = vector.shape_cast %parallel_loop3A_576 : vector<16xi32> to vector<16x1xi32>
        %parallel_loop3A_578 = vector.shape_cast %parallel_loop3A_577 : vector<16x1xi32> to vector<16xi32>
        %parallel_loop3A_579 = tpu.dynamic_gather %parallel_loop3A_569[%parallel_loop3A_578] in [0] : vector<16xf32>, vector<16xi32> -> vector<16xf32>
        %parallel_loop3A_580 = arith.addf %parallel_loop3A_569, %parallel_loop3A_579 : vector<16xf32>
        %parallel_loop3A_581 = arith.constant 0 : i32
        %parallel_loop3A_582 = vector.broadcast %parallel_loop3A_581 : i32 to vector<16xi32>
        %parallel_loop3A_583 = arith.cmpi slt, %xor3A_140, %parallel_loop3A_582 : vector<16xi32>
        %parallel_loop3A_584 = arith.constant 16 : i32
        %parallel_loop3A_585 = vector.broadcast %parallel_loop3A_584 : i32 to vector<16xi32>
        %parallel_loop3A_586 = arith.addi %xor3A_140, %parallel_loop3A_585 : vector<16xi32>
        %parallel_loop3A_587 = arith.select %parallel_loop3A_583, %parallel_loop3A_586, %xor3A_140 : vector<16xi1>, vector<16xi32>
        %parallel_loop3A_588 = vector.shape_cast %parallel_loop3A_587 : vector<16xi32> to vector<16x1xi32>
        %parallel_loop3A_589 = vector.shape_cast %parallel_loop3A_588 : vector<16x1xi32> to vector<16xi32>
        %parallel_loop3A_590 = tpu.dynamic_gather %parallel_loop3A_580[%parallel_loop3A_589] in [0] : vector<16xf32>, vector<16xi32> -> vector<16xf32>
        %parallel_loop3A_591 = arith.addf %parallel_loop3A_580, %parallel_loop3A_590 : vector<16xf32>
        %parallel_loop3A_592 = arith.constant 0 : i32
        %parallel_loop3A_593 = vector.broadcast %parallel_loop3A_592 : i32 to vector<16xi32>
        %parallel_loop3A_594 = arith.cmpi slt, %xor3A_143, %parallel_loop3A_593 : vector<16xi32>
        %parallel_loop3A_595 = arith.constant 16 : i32
        %parallel_loop3A_596 = vector.broadcast %parallel_loop3A_595 : i32 to vector<16xi32>
        %parallel_loop3A_597 = arith.addi %xor3A_143, %parallel_loop3A_596 : vector<16xi32>
        %parallel_loop3A_598 = arith.select %parallel_loop3A_594, %parallel_loop3A_597, %xor3A_143 : vector<16xi1>, vector<16xi32>
        %parallel_loop3A_599 = vector.shape_cast %parallel_loop3A_598 : vector<16xi32> to vector<16x1xi32>
        %parallel_loop3A_600 = vector.shape_cast %parallel_loop3A_599 : vector<16x1xi32> to vector<16xi32>
        %parallel_loop3A_601 = tpu.dynamic_gather %parallel_loop3A_591[%parallel_loop3A_600] in [0] : vector<16xf32>, vector<16xi32> -> vector<16xf32>
        %parallel_loop3A_602 = arith.addf %parallel_loop3A_591, %parallel_loop3A_601 : vector<16xf32>
        %parallel_loop3A_603 = arith.constant 7.812500e-03 : f32
        %parallel_loop3A_604 = vector.broadcast %parallel_loop3A_603 : f32 to vector<16xf32>
        %parallel_loop3A_605 = arith.mulf %parallel_loop3A_602, %parallel_loop3A_604 : vector<16xf32>
        %parallel_loop3A_606 = arith.subf %parallel_loop3A_474, %parallel_loop3A_605 : vector<16xf32>
        %parallel_loop3A_607 = arith.subf %parallel_loop3A_485, %parallel_loop3A_605 : vector<16xf32>
        %parallel_loop3A_608 = arith.subf %parallel_loop3A_496, %parallel_loop3A_605 : vector<16xf32>
        %parallel_loop3A_609 = arith.subf %parallel_loop3A_507, %parallel_loop3A_605 : vector<16xf32>
        %parallel_loop3A_610 = arith.subf %parallel_loop3A_518, %parallel_loop3A_605 : vector<16xf32>
        %parallel_loop3A_611 = arith.subf %parallel_loop3A_529, %parallel_loop3A_605 : vector<16xf32>
        %parallel_loop3A_612 = arith.subf %parallel_loop3A_540, %parallel_loop3A_605 : vector<16xf32>
        %parallel_loop3A_613 = arith.subf %parallel_loop3A_551, %parallel_loop3A_605 : vector<16xf32>
        %parallel_loop3A_614 = arith.mulf %parallel_loop3A_606, %parallel_loop3A_606 : vector<16xf32>
        %parallel_loop3A_615 = arith.mulf %parallel_loop3A_607, %parallel_loop3A_607 : vector<16xf32>
        %parallel_loop3A_616 = arith.mulf %parallel_loop3A_608, %parallel_loop3A_608 : vector<16xf32>
        %parallel_loop3A_617 = arith.mulf %parallel_loop3A_609, %parallel_loop3A_609 : vector<16xf32>
        %parallel_loop3A_618 = arith.mulf %parallel_loop3A_610, %parallel_loop3A_610 : vector<16xf32>
        %parallel_loop3A_619 = arith.mulf %parallel_loop3A_611, %parallel_loop3A_611 : vector<16xf32>
        %parallel_loop3A_620 = arith.mulf %parallel_loop3A_612, %parallel_loop3A_612 : vector<16xf32>
        %parallel_loop3A_621 = arith.mulf %parallel_loop3A_613, %parallel_loop3A_613 : vector<16xf32>
        %parallel_loop3A_622 = arith.addf %parallel_loop3A_614, %parallel_loop3A_615 : vector<16xf32>
        %parallel_loop3A_623 = arith.addf %parallel_loop3A_616, %parallel_loop3A_617 : vector<16xf32>
        %parallel_loop3A_624 = arith.addf %parallel_loop3A_618, %parallel_loop3A_619 : vector<16xf32>
        %parallel_loop3A_625 = arith.addf %parallel_loop3A_620, %parallel_loop3A_621 : vector<16xf32>
        %parallel_loop3A_626 = arith.addf %parallel_loop3A_622, %parallel_loop3A_623 : vector<16xf32>
        %parallel_loop3A_627 = arith.addf %parallel_loop3A_624, %parallel_loop3A_625 : vector<16xf32>
        %parallel_loop3A_628 = arith.addf %parallel_loop3A_626, %parallel_loop3A_627 : vector<16xf32>
        %parallel_loop3A_629 = arith.constant 0 : i32
        %parallel_loop3A_630 = vector.broadcast %parallel_loop3A_629 : i32 to vector<16xi32>
        %parallel_loop3A_631 = arith.cmpi slt, %xor3A_134, %parallel_loop3A_630 : vector<16xi32>
        %parallel_loop3A_632 = arith.constant 16 : i32
        %parallel_loop3A_633 = vector.broadcast %parallel_loop3A_632 : i32 to vector<16xi32>
        %parallel_loop3A_634 = arith.addi %xor3A_134, %parallel_loop3A_633 : vector<16xi32>
        %parallel_loop3A_635 = arith.select %parallel_loop3A_631, %parallel_loop3A_634, %xor3A_134 : vector<16xi1>, vector<16xi32>
        %parallel_loop3A_636 = vector.shape_cast %parallel_loop3A_635 : vector<16xi32> to vector<16x1xi32>
        %parallel_loop3A_637 = vector.shape_cast %parallel_loop3A_636 : vector<16x1xi32> to vector<16xi32>
        %parallel_loop3A_638 = tpu.dynamic_gather %parallel_loop3A_628[%parallel_loop3A_637] in [0] : vector<16xf32>, vector<16xi32> -> vector<16xf32>
        %parallel_loop3A_639 = arith.addf %parallel_loop3A_628, %parallel_loop3A_638 : vector<16xf32>
        %parallel_loop3A_640 = arith.constant 0 : i32
        %parallel_loop3A_641 = vector.broadcast %parallel_loop3A_640 : i32 to vector<16xi32>
        %parallel_loop3A_642 = arith.cmpi slt, %xor3A_137, %parallel_loop3A_641 : vector<16xi32>
        %parallel_loop3A_643 = arith.constant 16 : i32
        %parallel_loop3A_644 = vector.broadcast %parallel_loop3A_643 : i32 to vector<16xi32>
        %parallel_loop3A_645 = arith.addi %xor3A_137, %parallel_loop3A_644 : vector<16xi32>
        %parallel_loop3A_646 = arith.select %parallel_loop3A_642, %parallel_loop3A_645, %xor3A_137 : vector<16xi1>, vector<16xi32>
        %parallel_loop3A_647 = vector.shape_cast %parallel_loop3A_646 : vector<16xi32> to vector<16x1xi32>
        %parallel_loop3A_648 = vector.shape_cast %parallel_loop3A_647 : vector<16x1xi32> to vector<16xi32>
        %parallel_loop3A_649 = tpu.dynamic_gather %parallel_loop3A_639[%parallel_loop3A_648] in [0] : vector<16xf32>, vector<16xi32> -> vector<16xf32>
        %parallel_loop3A_650 = arith.addf %parallel_loop3A_639, %parallel_loop3A_649 : vector<16xf32>
        %parallel_loop3A_651 = arith.constant 0 : i32
        %parallel_loop3A_652 = vector.broadcast %parallel_loop3A_651 : i32 to vector<16xi32>
        %parallel_loop3A_653 = arith.cmpi slt, %xor3A_140, %parallel_loop3A_652 : vector<16xi32>
        %parallel_loop3A_654 = arith.constant 16 : i32
        %parallel_loop3A_655 = vector.broadcast %parallel_loop3A_654 : i32 to vector<16xi32>
        %parallel_loop3A_656 = arith.addi %xor3A_140, %parallel_loop3A_655 : vector<16xi32>
        %parallel_loop3A_657 = arith.select %parallel_loop3A_653, %parallel_loop3A_656, %xor3A_140 : vector<16xi1>, vector<16xi32>
        %parallel_loop3A_658 = vector.shape_cast %parallel_loop3A_657 : vector<16xi32> to vector<16x1xi32>
        %parallel_loop3A_659 = vector.shape_cast %parallel_loop3A_658 : vector<16x1xi32> to vector<16xi32>
        %parallel_loop3A_660 = tpu.dynamic_gather %parallel_loop3A_650[%parallel_loop3A_659] in [0] : vector<16xf32>, vector<16xi32> -> vector<16xf32>
        %parallel_loop3A_661 = arith.addf %parallel_loop3A_650, %parallel_loop3A_660 : vector<16xf32>
        %parallel_loop3A_662 = arith.constant 0 : i32
        %parallel_loop3A_663 = vector.broadcast %parallel_loop3A_662 : i32 to vector<16xi32>
        %parallel_loop3A_664 = arith.cmpi slt, %xor3A_143, %parallel_loop3A_663 : vector<16xi32>
        %parallel_loop3A_665 = arith.constant 16 : i32
        %parallel_loop3A_666 = vector.broadcast %parallel_loop3A_665 : i32 to vector<16xi32>
        %parallel_loop3A_667 = arith.addi %xor3A_143, %parallel_loop3A_666 : vector<16xi32>
        %parallel_loop3A_668 = arith.select %parallel_loop3A_664, %parallel_loop3A_667, %xor3A_143 : vector<16xi1>, vector<16xi32>
        %parallel_loop3A_669 = vector.shape_cast %parallel_loop3A_668 : vector<16xi32> to vector<16x1xi32>
        %parallel_loop3A_670 = vector.shape_cast %parallel_loop3A_669 : vector<16x1xi32> to vector<16xi32>
        %parallel_loop3A_671 = tpu.dynamic_gather %parallel_loop3A_661[%parallel_loop3A_670] in [0] : vector<16xf32>, vector<16xi32> -> vector<16xf32>
        %parallel_loop3A_672 = arith.addf %parallel_loop3A_661, %parallel_loop3A_671 : vector<16xf32>
        %parallel_loop3A_673 = arith.constant 7.812500e-03 : f32
        %parallel_loop3A_674 = vector.broadcast %parallel_loop3A_673 : f32 to vector<16xf32>
        %parallel_loop3A_675 = arith.mulf %parallel_loop3A_672, %parallel_loop3A_674 : vector<16xf32>
        %parallel_loop3A_676 = arith.constant 9.99999974E-6 : f32
        %parallel_loop3A_677 = vector.broadcast %parallel_loop3A_676 : f32 to vector<16xf32>
        %parallel_loop3A_678 = arith.addf %parallel_loop3A_675, %parallel_loop3A_677 : vector<16xf32>
        %parallel_loop3A_679 = tpu.bitcast %parallel_loop3A_678 : vector<16xf32> -> vector<16xi32>
        %parallel_loop3A_680 = arith.constant 1 : i32
        %parallel_loop3A_681 = vector.broadcast %parallel_loop3A_680 : i32 to vector<16xi32>
        %parallel_loop3A_682 = arith.shrui %parallel_loop3A_679, %parallel_loop3A_681 : vector<16xi32>
        %parallel_loop3A_683 = arith.constant 1597463007 : i32
        %parallel_loop3A_684 = vector.broadcast %parallel_loop3A_683 : i32 to vector<16xi32>
        %parallel_loop3A_685 = arith.subi %parallel_loop3A_684, %parallel_loop3A_682 : vector<16xi32>
        %parallel_loop3A_686 = tpu.bitcast %parallel_loop3A_685 : vector<16xi32> -> vector<16xf32>
        %parallel_loop3A_687 = arith.constant 5.000000e-01 : f32
        %parallel_loop3A_688 = vector.broadcast %parallel_loop3A_687 : f32 to vector<16xf32>
        %parallel_loop3A_689 = arith.mulf %parallel_loop3A_688, %parallel_loop3A_678 : vector<16xf32>
        %parallel_loop3A_690 = arith.mulf %parallel_loop3A_689, %parallel_loop3A_686 : vector<16xf32>
        %parallel_loop3A_691 = arith.mulf %parallel_loop3A_690, %parallel_loop3A_686 : vector<16xf32>
        %parallel_loop3A_692 = arith.constant 1.500000e+00 : f32
        %parallel_loop3A_693 = vector.broadcast %parallel_loop3A_692 : f32 to vector<16xf32>
        %parallel_loop3A_694 = arith.subf %parallel_loop3A_693, %parallel_loop3A_691 : vector<16xf32>
        %parallel_loop3A_695 = arith.mulf %parallel_loop3A_686, %parallel_loop3A_694 : vector<16xf32>
        %parallel_loop3A_696 = arith.mulf %parallel_loop3A_606, %parallel_loop3A_695 : vector<16xf32>
        %parallel_loop3A_697 = arith.mulf %parallel_loop3A_696, %get3A_87 : vector<16xf32>
        %parallel_loop3A_698 = arith.addf %parallel_loop3A_697, %get3A_111 : vector<16xf32>
        %parallel_loop3A_699 = arith.index_cast %rem3A_302 : i32 to index
        %parallel_loop3A_700 = arith.index_cast %parallel_loop3A_458 : i32 to index
        %parallel_loop3A_701 = arith.constant 0 : index
        %parallel_loop3A_702 = tpu.vector_load %arg14[%parallel_loop3A_699, %parallel_loop3A_700, %parallel_loop3A_701] {strides = array<i32>} : memref<2x200x128xf32, #tpu.memory_space<vmem>>, vector<1x1x16xf32>,
        %parallel_loop3A_703 = vector.shape_cast %parallel_loop3A_702 : vector<1x1x16xf32> to vector<16xf32>
        %parallel_loop3A_704 = vector.shape_cast %parallel_loop3A_698 : vector<16xf32> to vector<1x1x16xf32>
        tpu.vector_store %arg14[%parallel_loop3A_699, %parallel_loop3A_700, %parallel_loop3A_701], %parallel_loop3A_704 {strides = array<i32>} : memref<2x200x128xf32, #tpu.memory_space<vmem>>, vector<1x1x16xf32>,
        %parallel_loop3A_705 = arith.mulf %parallel_loop3A_607, %parallel_loop3A_695 : vector<16xf32>
        %parallel_loop3A_706 = arith.mulf %parallel_loop3A_705, %get3A_90 : vector<16xf32>
        %parallel_loop3A_707 = arith.addf %parallel_loop3A_706, %get3A_114 : vector<16xf32>
        %parallel_loop3A_708 = arith.index_cast %rem3A_302 : i32 to index
        %parallel_loop3A_709 = arith.index_cast %parallel_loop3A_458 : i32 to index
        %parallel_loop3A_710 = arith.constant 16 : index
        %parallel_loop3A_711 = tpu.vector_load %arg14[%parallel_loop3A_708, %parallel_loop3A_709, %parallel_loop3A_710] {strides = array<i32>} : memref<2x200x128xf32, #tpu.memory_space<vmem>>, vector<1x1x16xf32>,
        %parallel_loop3A_712 = vector.shape_cast %parallel_loop3A_711 : vector<1x1x16xf32> to vector<16xf32>
        %parallel_loop3A_713 = vector.shape_cast %parallel_loop3A_707 : vector<16xf32> to vector<1x1x16xf32>
        tpu.vector_store %arg14[%parallel_loop3A_708, %parallel_loop3A_709, %parallel_loop3A_710], %parallel_loop3A_713 {strides = array<i32>} : memref<2x200x128xf32, #tpu.memory_space<vmem>>, vector<1x1x16xf32>,
        %parallel_loop3A_714 = arith.mulf %parallel_loop3A_608, %parallel_loop3A_695 : vector<16xf32>
        %parallel_loop3A_715 = arith.mulf %parallel_loop3A_714, %get3A_93 : vector<16xf32>
        %parallel_loop3A_716 = arith.addf %parallel_loop3A_715, %get3A_117 : vector<16xf32>
        %parallel_loop3A_717 = arith.index_cast %rem3A_302 : i32 to index
        %parallel_loop3A_718 = arith.index_cast %parallel_loop3A_458 : i32 to index
        %parallel_loop3A_719 = arith.constant 32 : index
        %parallel_loop3A_720 = tpu.vector_load %arg14[%parallel_loop3A_717, %parallel_loop3A_718, %parallel_loop3A_719] {strides = array<i32>} : memref<2x200x128xf32, #tpu.memory_space<vmem>>, vector<1x1x16xf32>,
        %parallel_loop3A_721 = vector.shape_cast %parallel_loop3A_720 : vector<1x1x16xf32> to vector<16xf32>
        %parallel_loop3A_722 = vector.shape_cast %parallel_loop3A_716 : vector<16xf32> to vector<1x1x16xf32>
        tpu.vector_store %arg14[%parallel_loop3A_717, %parallel_loop3A_718, %parallel_loop3A_719], %parallel_loop3A_722 {strides = array<i32>} : memref<2x200x128xf32, #tpu.memory_space<vmem>>, vector<1x1x16xf32>,
        %parallel_loop3A_723 = arith.mulf %parallel_loop3A_609, %parallel_loop3A_695 : vector<16xf32>
        %parallel_loop3A_724 = arith.mulf %parallel_loop3A_723, %get3A_96 : vector<16xf32>
        %parallel_loop3A_725 = arith.addf %parallel_loop3A_724, %get3A_120 : vector<16xf32>
        %parallel_loop3A_726 = arith.index_cast %rem3A_302 : i32 to index
        %parallel_loop3A_727 = arith.index_cast %parallel_loop3A_458 : i32 to index
        %parallel_loop3A_728 = arith.constant 48 : index
        %parallel_loop3A_729 = tpu.vector_load %arg14[%parallel_loop3A_726, %parallel_loop3A_727, %parallel_loop3A_728] {strides = array<i32>} : memref<2x200x128xf32, #tpu.memory_space<vmem>>, vector<1x1x16xf32>,
        %parallel_loop3A_730 = vector.shape_cast %parallel_loop3A_729 : vector<1x1x16xf32> to vector<16xf32>
        %parallel_loop3A_731 = vector.shape_cast %parallel_loop3A_725 : vector<16xf32> to vector<1x1x16xf32>
        tpu.vector_store %arg14[%parallel_loop3A_726, %parallel_loop3A_727, %parallel_loop3A_728], %parallel_loop3A_731 {strides = array<i32>} : memref<2x200x128xf32, #tpu.memory_space<vmem>>, vector<1x1x16xf32>,
        %parallel_loop3A_732 = arith.mulf %parallel_loop3A_610, %parallel_loop3A_695 : vector<16xf32>
        %parallel_loop3A_733 = arith.mulf %parallel_loop3A_732, %get3A_99 : vector<16xf32>
        %parallel_loop3A_734 = arith.addf %parallel_loop3A_733, %get3A_123 : vector<16xf32>
        %parallel_loop3A_735 = arith.index_cast %rem3A_302 : i32 to index
        %parallel_loop3A_736 = arith.index_cast %parallel_loop3A_458 : i32 to index
        %parallel_loop3A_737 = arith.constant 64 : index
        %parallel_loop3A_738 = tpu.vector_load %arg14[%parallel_loop3A_735, %parallel_loop3A_736, %parallel_loop3A_737] {strides = array<i32>} : memref<2x200x128xf32, #tpu.memory_space<vmem>>, vector<1x1x16xf32>,
        %parallel_loop3A_739 = vector.shape_cast %parallel_loop3A_738 : vector<1x1x16xf32> to vector<16xf32>
        %parallel_loop3A_740 = vector.shape_cast %parallel_loop3A_734 : vector<16xf32> to vector<1x1x16xf32>
        tpu.vector_store %arg14[%parallel_loop3A_735, %parallel_loop3A_736, %parallel_loop3A_737], %parallel_loop3A_740 {strides = array<i32>} : memref<2x200x128xf32, #tpu.memory_space<vmem>>, vector<1x1x16xf32>,
        %parallel_loop3A_741 = arith.mulf %parallel_loop3A_611, %parallel_loop3A_695 : vector<16xf32>
        %parallel_loop3A_742 = arith.mulf %parallel_loop3A_741, %get3A_102 : vector<16xf32>
        %parallel_loop3A_743 = arith.addf %parallel_loop3A_742, %get3A_126 : vector<16xf32>
        %parallel_loop3A_744 = arith.index_cast %rem3A_302 : i32 to index
        %parallel_loop3A_745 = arith.index_cast %parallel_loop3A_458 : i32 to index
        %parallel_loop3A_746 = arith.constant 80 : index
        %parallel_loop3A_747 = tpu.vector_load %arg14[%parallel_loop3A_744, %parallel_loop3A_745, %parallel_loop3A_746] {strides = array<i32>} : memref<2x200x128xf32, #tpu.memory_space<vmem>>, vector<1x1x16xf32>,
        %parallel_loop3A_748 = vector.shape_cast %parallel_loop3A_747 : vector<1x1x16xf32> to vector<16xf32>
        %parallel_loop3A_749 = vector.shape_cast %parallel_loop3A_743 : vector<16xf32> to vector<1x1x16xf32>
        tpu.vector_store %arg14[%parallel_loop3A_744, %parallel_loop3A_745, %parallel_loop3A_746], %parallel_loop3A_749 {strides = array<i32>} : memref<2x200x128xf32, #tpu.memory_space<vmem>>, vector<1x1x16xf32>,
        %parallel_loop3A_750 = arith.mulf %parallel_loop3A_612, %parallel_loop3A_695 : vector<16xf32>
        %parallel_loop3A_751 = arith.mulf %parallel_loop3A_750, %get3A_105 : vector<16xf32>
        %parallel_loop3A_752 = arith.addf %parallel_loop3A_751, %get3A_129 : vector<16xf32>
        %parallel_loop3A_753 = arith.index_cast %rem3A_302 : i32 to index
        %parallel_loop3A_754 = arith.index_cast %parallel_loop3A_458 : i32 to index
        %parallel_loop3A_755 = arith.constant 96 : index
        %parallel_loop3A_756 = tpu.vector_load %arg14[%parallel_loop3A_753, %parallel_loop3A_754, %parallel_loop3A_755] {strides = array<i32>} : memref<2x200x128xf32, #tpu.memory_space<vmem>>, vector<1x1x16xf32>,
        %parallel_loop3A_757 = vector.shape_cast %parallel_loop3A_756 : vector<1x1x16xf32> to vector<16xf32>
        %parallel_loop3A_758 = vector.shape_cast %parallel_loop3A_752 : vector<16xf32> to vector<1x1x16xf32>
        tpu.vector_store %arg14[%parallel_loop3A_753, %parallel_loop3A_754, %parallel_loop3A_755], %parallel_loop3A_758 {strides = array<i32>} : memref<2x200x128xf32, #tpu.memory_space<vmem>>, vector<1x1x16xf32>,
        %parallel_loop3A_759 = arith.mulf %parallel_loop3A_613, %parallel_loop3A_695 : vector<16xf32>
        %parallel_loop3A_760 = arith.mulf %parallel_loop3A_759, %get3A_108 : vector<16xf32>
        %parallel_loop3A_761 = arith.addf %parallel_loop3A_760, %get3A_132 : vector<16xf32>
        %parallel_loop3A_762 = arith.index_cast %rem3A_302 : i32 to index
        %parallel_loop3A_763 = arith.index_cast %parallel_loop3A_458 : i32 to index
        %parallel_loop3A_764 = arith.constant 112 : index
        %parallel_loop3A_765 = tpu.vector_load %arg14[%parallel_loop3A_762, %parallel_loop3A_763, %parallel_loop3A_764] {strides = array<i32>} : memref<2x200x128xf32, #tpu.memory_space<vmem>>, vector<1x1x16xf32>,
        %parallel_loop3A_766 = vector.shape_cast %parallel_loop3A_765 : vector<1x1x16xf32> to vector<16xf32>
        %parallel_loop3A_767 = vector.shape_cast %parallel_loop3A_761 : vector<16xf32> to vector<1x1x16xf32>
        tpu.vector_store %arg14[%parallel_loop3A_762, %parallel_loop3A_763, %parallel_loop3A_764], %parallel_loop3A_767 {strides = array<i32>} : memref<2x200x128xf32, #tpu.memory_space<vmem>>, vector<1x1x16xf32>,
      } {sc.loop_unroll_factor = 2 : i64, sc.parallel_access}
      %mul3A_352 = arith.constant 200 : i32
      %mul3A_353 = arith.muli %mul3A_301, %mul3A_352 : i32
      %add3A_354 = arith.addi %mul3A_2, %mul3A_353 : i32
      %add3A_355 = arith.constant 104 : i32
      %add3A_356 = arith.addi %add3A_354, %add3A_355 : i32
      %dma_start3A_357 = arith.constant 104 : i32
      %dma_start3A_358 = arith.constant 0 : i32
      %dma_start3A_359 = tpu.memref_slice %arg14[%rem3A_302, %dma_start3A_357, %dma_start3A_358] : memref<2x200x128xf32, #tpu.memory_space<vmem>> -> memref<1x96x128xf32, #tpu.memory_space<vmem>>
      %dma_start3A_360 = tpu.memref_squeeze %dma_start3A_359 : memref<1x96x128xf32, #tpu.memory_space<vmem>> -> memref<96x128xf32, #tpu.memory_space<vmem>>
      %dma_start3A_361 = arith.constant 0 : i32
      %dma_start3A_362 = tpu.memref_slice %arg9[%add3A_356, %dma_start3A_361] : memref<204800x128xf32, #tpu.memory_space<hbm>> -> memref<96x128xf32, #tpu.memory_space<hbm>>
      %dma_start3A_363 = tpu.memref_slice %arg20[%rem3A_302] : memref<2x!tpu.dma_semaphore, #tpu.memory_space<semaphore_mem>> -> memref<1x!tpu.dma_semaphore, #tpu.memory_space<semaphore_mem>>
      %dma_start3A_364 = tpu.memref_squeeze %dma_start3A_363 : memref<1x!tpu.dma_semaphore, #tpu.memory_space<semaphore_mem>> -> memref<!tpu.dma_semaphore, #tpu.memory_space<semaphore_mem>>
      %dma_start3A_365 = arith.constant 0 : i32
      %dma_start3A_366 = tpu.memref_slice %arg9[%add3A_356, %dma_start3A_365] : memref<204800x128xf32, #tpu.memory_space<hbm>> -> memref<96x128xf32, #tpu.memory_space<hbm>>
      %dma_start3A_367 = arith.constant 104 : i32
      %dma_start3A_368 = arith.constant 0 : i32
      %dma_start3A_369 = tpu.memref_slice %arg14[%rem3A_302, %dma_start3A_367, %dma_start3A_368] : memref<2x200x128xf32, #tpu.memory_space<vmem>> -> memref<1x96x128xf32, #tpu.memory_space<vmem>>
      %dma_start3A_370 = tpu.memref_squeeze %dma_start3A_369 : memref<1x96x128xf32, #tpu.memory_space<vmem>> -> memref<96x128xf32, #tpu.memory_space<vmem>>
      tpu.enqueue_dma source(%dma_start3A_370 : memref<96x128xf32, #tpu.memory_space<vmem>>) target(%dma_start3A_366 : memref<96x128xf32, #tpu.memory_space<hbm>>) target_semaphore(%dma_start3A_364 : memref<!tpu.dma_semaphore, #tpu.memory_space<semaphore_mem>>)
      %lt3A_371 = arith.constant 30 : i32
      %lt3A_372 = arith.cmpi slt, %mul3A_301, %lt3A_371 : i32
      %convert_element_type3A_373 = arith.extui %lt3A_372 : i1 to i32
      %cond3A_374 = arith.constant 0 : i32
      %cond3A_375 = arith.cmpi ne, %convert_element_type3A_373, %cond3A_374 : i32
      scf.if %cond3A_375 {
        %add3A_458 = arith.constant 2 : i32
        %add3A_459 = arith.addi %mul3A_301, %add3A_458 : i32
        %mul3A_460 = arith.constant 64 : i32
        %mul3A_461 = arith.muli %add3A, %mul3A_460 : i32
        %mul3A_462 = arith.constant 2 : i32
        %mul3A_463 = arith.muli %mul3A_462, %add3A_459 : i32
        %add3A_464 = arith.addi %mul3A_461, %mul3A_463 : i32
        %mul3A_465 = arith.constant 200 : i32
        %mul3A_466 = arith.muli %add3A_459, %mul3A_465 : i32
        %add3A_467 = arith.addi %mul3A_2, %mul3A_466 : i32
        %dma_start3A_468 = arith.constant 0 : i32
        %dma_start3A_469 = tpu.memref_slice %arg2[%add3A_464, %dma_start3A_468] : memref<2048x100xi32, #tpu.memory_space<hbm>> -> memref<2x100xi32, #tpu.memory_space<hbm>>
        %dma_start3A_470 = arith.constant 0 : i32
        %dma_start3A_471 = tpu.memref_slice %arg2[%add3A_464, %dma_start3A_470] : memref<2048x100xi32, #tpu.memory_space<hbm>> -> memref<2x100xi32, #tpu.memory_space<hbm>>
        tpu.enqueue_dma source(%dma_start3A_471 : memref<2x100xi32, #tpu.memory_space<hbm>>) target(%arg10 : memref<2x100xi32, #tpu.memory_space<vmem>>) target_semaphore(%arg21 : memref<!tpu.dma_semaphore, #tpu.memory_space<semaphore_mem>>)
        %dma_start3A_472 = arith.constant 0 : i32
        %dma_start3A_473 = tpu.memref_slice %arg12[%dma_start3A_472] : memref<216xi32, #tpu.memory_space<vmem>> -> memref<200xi32, #tpu.memory_space<vmem>>
        %dma_start3A_474 = tpu.memref_slice %arg3[%add3A_467] : memref<204800xi32, #tpu.memory_space<hbm>> -> memref<200xi32, #tpu.memory_space<hbm>>
        %dma_start3A_475 = arith.constant 0 : i32
        %dma_start3A_476 = tpu.memref_slice %arg12[%dma_start3A_475] : memref<216xi32, #tpu.memory_space<vmem>> -> memref<200xi32, #tpu.memory_space<vmem>>
        %dma_start3A_477 = tpu.memref_slice %arg3[%add3A_467] : memref<204800xi32, #tpu.memory_space<hbm>> -> memref<200xi32, #tpu.memory_space<hbm>>
        tpu.enqueue_dma source(%dma_start3A_477 : memref<200xi32, #tpu.memory_space<hbm>>) target(%dma_start3A_476 : memref<200xi32, #tpu.memory_space<vmem>>) target_semaphore(%arg21 : memref<!tpu.dma_semaphore, #tpu.memory_space<semaphore_mem>>)
      } else {
      }
      %mul3A_376 = arith.constant 2 : i32
      %mul3A_377 = arith.muli %mul3A_376, %scan3A_299 : i32
      %add3A_378 = arith.constant 1 : i32
      %add3A_379 = arith.addi %mul3A_377, %add3A_378 : i32
      %rem3A_380 = arith.constant 2 : i32
      %rem3A_381 = arith.remsi %add3A_379, %rem3A_380 : i32
      %dma_wait3A_382 = arith.constant 0 : i32
      %dma_wait3A_383 = arith.constant 0 : i32
      %dma_wait3A_384 = arith.constant 0 : i32
      %dma_wait3A_385 = tpu.memref_slice %arg14[%rem3A_381, %dma_wait3A_383, %dma_wait3A_384] : memref<2x200x128xf32, #tpu.memory_space<vmem>> -> memref<1x100x128xf32, #tpu.memory_space<vmem>>
      %dma_wait3A_386 = tpu.memref_squeeze %dma_wait3A_385 : memref<1x100x128xf32, #tpu.memory_space<vmem>> -> memref<100x128xf32, #tpu.memory_space<vmem>>
      %dma_wait3A_387 = arith.constant 0 : i32
      %dma_wait3A_388 = tpu.memref_slice %arg11[%dma_wait3A_382, %dma_wait3A_387] : memref<2x100xi32, #tpu.memory_space<vmem>> -> memref<1x100xi32, #tpu.memory_space<vmem>>
      %dma_wait3A_389 = tpu.memref_squeeze %dma_wait3A_388 : memref<1x100xi32, #tpu.memory_space<vmem>> -> memref<100xi32, #tpu.memory_space<vmem>>
      %dma_wait3A_390 = arith.constant 0 : i32
      %dma_wait3A_391 = arith.constant 0 : i32
      %dma_wait3A_392 = tpu.memref_slice %arg4[%dma_wait3A_390, %dma_wait3A_391] : memref<100000x128xf32, #tpu.memory_space<hbm>> -> memref<100000x128xf32, #tpu.memory_space<hbm>>
      tpu.wait_indirect_dma semaphore(%arg19 : memref<!tpu.dma_semaphore, #tpu.memory_space<semaphore_mem>>) src(%dma_wait3A_392 : memref<100000x128xf32, #tpu.memory_space<hbm>>) dst(%dma_wait3A_386 : memref<100x128xf32, #tpu.memory_space<vmem>>)
      %dma_wait3A_393 = arith.constant 1 : i32
      %dma_wait3A_394 = arith.constant 100 : i32
      %dma_wait3A_395 = arith.constant 0 : i32
      %dma_wait3A_396 = tpu.memref_slice %arg14[%rem3A_381, %dma_wait3A_394, %dma_wait3A_395] : memref<2x200x128xf32, #tpu.memory_space<vmem>> -> memref<1x100x128xf32, #tpu.memory_space<vmem>>
      %dma_wait3A_397 = tpu.memref_squeeze %dma_wait3A_396 : memref<1x100x128xf32, #tpu.memory_space<vmem>> -> memref<100x128xf32, #tpu.memory_space<vmem>>
      %dma_wait3A_398 = arith.constant 0 : i32
      %dma_wait3A_399 = tpu.memref_slice %arg11[%dma_wait3A_393, %dma_wait3A_398] : memref<2x100xi32, #tpu.memory_space<vmem>> -> memref<1x100xi32, #tpu.memory_space<vmem>>
      %dma_wait3A_400 = tpu.memref_squeeze %dma_wait3A_399 : memref<1x100xi32, #tpu.memory_space<vmem>> -> memref<100xi32, #tpu.memory_space<vmem>>
      %dma_wait3A_401 = arith.constant 0 : i32
      %dma_wait3A_402 = arith.constant 0 : i32
      %dma_wait3A_403 = tpu.memref_slice %arg4[%dma_wait3A_401, %dma_wait3A_402] : memref<100000x128xf32, #tpu.memory_space<hbm>> -> memref<100000x128xf32, #tpu.memory_space<hbm>>
      tpu.wait_indirect_dma semaphore(%arg19 : memref<!tpu.dma_semaphore, #tpu.memory_space<semaphore_mem>>) src(%dma_wait3A_403 : memref<100000x128xf32, #tpu.memory_space<hbm>>) dst(%dma_wait3A_397 : memref<100x128xf32, #tpu.memory_space<vmem>>)
      %lt3A_404 = arith.constant 31 : i32
      %lt3A_405 = arith.cmpi slt, %add3A_379, %lt3A_404 : i32
      %convert_element_type3A_406 = arith.extui %lt3A_405 : i1 to i32
      %cond3A_407 = arith.constant 0 : i32
      %cond3A_408 = arith.cmpi ne, %convert_element_type3A_406, %cond3A_407 : i32
      scf.if %cond3A_408 {
        %add3A_458 = arith.constant 1 : i32
        %add3A_459 = arith.addi %add3A_379, %add3A_458 : i32
        %rem3A_460 = arith.constant 2 : i32
        %rem3A_461 = arith.remsi %add3A_459, %rem3A_460 : i32
        %ge3A = arith.constant 1 : i32
        %ge3A_462 = arith.cmpi sge, %add3A_379, %ge3A : i32
        %convert_element_type3A_463 = arith.extui %ge3A_462 : i1 to i32
        %cond3A_464 = arith.constant 0 : i32
        %cond3A_465 = arith.cmpi ne, %convert_element_type3A_463, %cond3A_464 : i32
        scf.if %cond3A_465 {
          %sub3A = arith.constant 1 : i32
          %sub3A_510 = arith.subi %add3A_379, %sub3A : i32
          %mul3A_511 = arith.constant 200 : i32
          %mul3A_512 = arith.muli %sub3A_510, %mul3A_511 : i32
          %add3A_513 = arith.addi %mul3A_2, %mul3A_512 : i32
          %add3A_514 = arith.constant 0 : i32
          %add3A_515 = arith.addi %add3A_513, %add3A_514 : i32
          %mul3A_516 = arith.constant 200 : i32
          %mul3A_517 = arith.muli %sub3A_510, %mul3A_516 : i32
          %add3A_518 = arith.addi %mul3A_2, %mul3A_517 : i32
          %add3A_519 = arith.constant 104 : i32
          %add3A_520 = arith.addi %add3A_518, %add3A_519 : i32
          %dma_wait3A_521 = arith.constant 0 : i32
          %dma_wait3A_522 = arith.constant 0 : i32
          %dma_wait3A_523 = tpu.memref_slice %arg14[%rem3A_461, %dma_wait3A_521, %dma_wait3A_522] : memref<2x200x128xf32, #tpu.memory_space<vmem>> -> memref<1x104x128xf32, #tpu.memory_space<vmem>>
          %dma_wait3A_524 = tpu.memref_squeeze %dma_wait3A_523 : memref<1x104x128xf32, #tpu.memory_space<vmem>> -> memref<104x128xf32, #tpu.memory_space<vmem>>
          %dma_wait3A_525 = arith.constant 0 : i32
          %dma_wait3A_526 = tpu.memref_slice %arg9[%add3A_515, %dma_wait3A_525] : memref<204800x128xf32, #tpu.memory_space<hbm>> -> memref<104x128xf32, #tpu.memory_space<hbm>>
          %dma_wait3A_527 = tpu.memref_slice %arg20[%rem3A_461] : memref<2x!tpu.dma_semaphore, #tpu.memory_space<semaphore_mem>> -> memref<1x!tpu.dma_semaphore, #tpu.memory_space<semaphore_mem>>
          %dma_wait3A_528 = tpu.memref_squeeze %dma_wait3A_527 : memref<1x!tpu.dma_semaphore, #tpu.memory_space<semaphore_mem>> -> memref<!tpu.dma_semaphore, #tpu.memory_space<semaphore_mem>>
          %dma_wait3A_529 = arith.constant 0 : i32
          %dma_wait3A_530 = tpu.memref_slice %arg9[%add3A_515, %dma_wait3A_529] : memref<204800x128xf32, #tpu.memory_space<hbm>> -> memref<104x128xf32, #tpu.memory_space<hbm>>
          %dma_wait3A_531 = arith.constant 0 : i32
          %dma_wait3A_532 = arith.constant 0 : i32
          %dma_wait3A_533 = tpu.memref_slice %arg14[%rem3A_461, %dma_wait3A_531, %dma_wait3A_532] : memref<2x200x128xf32, #tpu.memory_space<vmem>> -> memref<1x104x128xf32, #tpu.memory_space<vmem>>
          %dma_wait3A_534 = tpu.memref_squeeze %dma_wait3A_533 : memref<1x104x128xf32, #tpu.memory_space<vmem>> -> memref<104x128xf32, #tpu.memory_space<vmem>>
          tpu.wait_dma2 semaphore(%dma_wait3A_528 : memref<!tpu.dma_semaphore, #tpu.memory_space<semaphore_mem>>) src(%dma_wait3A_534 : memref<104x128xf32, #tpu.memory_space<vmem>>) dst(%dma_wait3A_530 : memref<104x128xf32, #tpu.memory_space<hbm>>)
          %dma_wait3A_535 = arith.constant 104 : i32
          %dma_wait3A_536 = arith.constant 0 : i32
          %dma_wait3A_537 = tpu.memref_slice %arg14[%rem3A_461, %dma_wait3A_535, %dma_wait3A_536] : memref<2x200x128xf32, #tpu.memory_space<vmem>> -> memref<1x96x128xf32, #tpu.memory_space<vmem>>
          %dma_wait3A_538 = tpu.memref_squeeze %dma_wait3A_537 : memref<1x96x128xf32, #tpu.memory_space<vmem>> -> memref<96x128xf32, #tpu.memory_space<vmem>>
          %dma_wait3A_539 = arith.constant 0 : i32
          %dma_wait3A_540 = tpu.memref_slice %arg9[%add3A_520, %dma_wait3A_539] : memref<204800x128xf32, #tpu.memory_space<hbm>> -> memref<96x128xf32, #tpu.memory_space<hbm>>
          %dma_wait3A_541 = tpu.memref_slice %arg20[%rem3A_461] : memref<2x!tpu.dma_semaphore, #tpu.memory_space<semaphore_mem>> -> memref<1x!tpu.dma_semaphore, #tpu.memory_space<semaphore_mem>>
          %dma_wait3A_542 = tpu.memref_squeeze %dma_wait3A_541 : memref<1x!tpu.dma_semaphore, #tpu.memory_space<semaphore_mem>> -> memref<!tpu.dma_semaphore, #tpu.memory_space<semaphore_mem>>
          %dma_wait3A_543 = arith.constant 0 : i32
          %dma_wait3A_544 = tpu.memref_slice %arg9[%add3A_520, %dma_wait3A_543] : memref<204800x128xf32, #tpu.memory_space<hbm>> -> memref<96x128xf32, #tpu.memory_space<hbm>>
          %dma_wait3A_545 = arith.constant 104 : i32
          %dma_wait3A_546 = arith.constant 0 : i32
          %dma_wait3A_547 = tpu.memref_slice %arg14[%rem3A_461, %dma_wait3A_545, %dma_wait3A_546] : memref<2x200x128xf32, #tpu.memory_space<vmem>> -> memref<1x96x128xf32, #tpu.memory_space<vmem>>
          %dma_wait3A_548 = tpu.memref_squeeze %dma_wait3A_547 : memref<1x96x128xf32, #tpu.memory_space<vmem>> -> memref<96x128xf32, #tpu.memory_space<vmem>>
          tpu.wait_dma2 semaphore(%dma_wait3A_542 : memref<!tpu.dma_semaphore, #tpu.memory_space<semaphore_mem>>) src(%dma_wait3A_548 : memref<96x128xf32, #tpu.memory_space<vmem>>) dst(%dma_wait3A_544 : memref<96x128xf32, #tpu.memory_space<hbm>>)
        } else {
        }
        %add3A_466 = arith.constant 1 : i32
        %add3A_467 = arith.addi %add3A_379, %add3A_466 : i32
        %mul3A_468 = arith.constant 64 : i32
        %mul3A_469 = arith.muli %add3A, %mul3A_468 : i32
        %mul3A_470 = arith.constant 2 : i32
        %mul3A_471 = arith.muli %mul3A_470, %add3A_467 : i32
        %add3A_472 = arith.addi %mul3A_469, %mul3A_471 : i32
        %mul3A_473 = arith.constant 200 : i32
        %mul3A_474 = arith.muli %add3A_467, %mul3A_473 : i32
        %add3A_475 = arith.addi %mul3A_2, %mul3A_474 : i32
        %dma_wait3A_476 = arith.constant 0 : i32
        %dma_wait3A_477 = tpu.memref_slice %arg2[%add3A_472, %dma_wait3A_476] : memref<2048x100xi32, #tpu.memory_space<hbm>> -> memref<2x100xi32, #tpu.memory_space<hbm>>
        %dma_wait3A_478 = arith.constant 0 : i32
        %dma_wait3A_479 = tpu.memref_slice %arg2[%add3A_472, %dma_wait3A_478] : memref<2048x100xi32, #tpu.memory_space<hbm>> -> memref<2x100xi32, #tpu.memory_space<hbm>>
        tpu.wait_dma2 semaphore(%arg21 : memref<!tpu.dma_semaphore, #tpu.memory_space<semaphore_mem>>) src(%dma_wait3A_479 : memref<2x100xi32, #tpu.memory_space<hbm>>) dst(%arg10 : memref<2x100xi32, #tpu.memory_space<vmem>>)
        %dma_wait3A_480 = arith.constant 0 : i32
        %dma_wait3A_481 = tpu.memref_slice %arg12[%dma_wait3A_480] : memref<216xi32, #tpu.memory_space<vmem>> -> memref<200xi32, #tpu.memory_space<vmem>>
        %dma_wait3A_482 = tpu.memref_slice %arg3[%add3A_475] : memref<204800xi32, #tpu.memory_space<hbm>> -> memref<200xi32, #tpu.memory_space<hbm>>
        %dma_wait3A_483 = arith.constant 0 : i32
        %dma_wait3A_484 = tpu.memref_slice %arg12[%dma_wait3A_483] : memref<216xi32, #tpu.memory_space<vmem>> -> memref<200xi32, #tpu.memory_space<vmem>>
        %dma_wait3A_485 = tpu.memref_slice %arg3[%add3A_475] : memref<204800xi32, #tpu.memory_space<hbm>> -> memref<200xi32, #tpu.memory_space<hbm>>
        tpu.wait_dma2 semaphore(%arg21 : memref<!tpu.dma_semaphore, #tpu.memory_space<semaphore_mem>>) src(%dma_wait3A_485 : memref<200xi32, #tpu.memory_space<hbm>>) dst(%dma_wait3A_484 : memref<200xi32, #tpu.memory_space<vmem>>)
        %add3A_486 = arith.constant 1 : i32
        %add3A_487 = arith.addi %add3A_379, %add3A_486 : i32
        %dma_start3A_488 = arith.constant 0 : i32
        %dma_start3A_489 = arith.constant 0 : i32
        %dma_start3A_490 = arith.constant 0 : i32
        %dma_start3A_491 = tpu.memref_slice %arg14[%rem3A_461, %dma_start3A_489, %dma_start3A_490] : memref<2x200x128xf32, #tpu.memory_space<vmem>> -> memref<1x100x128xf32, #tpu.memory_space<vmem>>
        %dma_start3A_492 = tpu.memref_squeeze %dma_start3A_491 : memref<1x100x128xf32, #tpu.memory_space<vmem>> -> memref<100x128xf32, #tpu.memory_space<vmem>>
        %dma_start3A_493 = arith.constant 0 : i32
        %dma_start3A_494 = tpu.memref_slice %arg10[%dma_start3A_488, %dma_start3A_493] : memref<2x100xi32, #tpu.memory_space<vmem>> -> memref<1x100xi32, #tpu.memory_space<vmem>>
        %dma_start3A_495 = tpu.memref_squeeze %dma_start3A_494 : memref<1x100xi32, #tpu.memory_space<vmem>> -> memref<100xi32, #tpu.memory_space<vmem>>
        %dma_start3A_496 = arith.constant 0 : i32
        %dma_start3A_497 = arith.constant 0 : i32
        %dma_start3A_498 = tpu.memref_slice %arg4[%dma_start3A_496, %dma_start3A_497] : memref<100000x128xf32, #tpu.memory_space<hbm>> -> memref<100000x128xf32, #tpu.memory_space<hbm>>
        tpu.enqueue_indirect_dma source(%dma_start3A_498 : memref<100000x128xf32, #tpu.memory_space<hbm>>) target(%dma_start3A_492 : memref<100x128xf32, #tpu.memory_space<vmem>>) offsets(%dma_start3A_495 : memref<100xi32, #tpu.memory_space<vmem>>) semaphore(%arg19 : memref<!tpu.dma_semaphore, #tpu.memory_space<semaphore_mem>>)
        %dma_start3A_499 = arith.constant 1 : i32
        %dma_start3A_500 = arith.constant 100 : i32
        %dma_start3A_501 = arith.constant 0 : i32
        %dma_start3A_502 = tpu.memref_slice %arg14[%rem3A_461, %dma_start3A_500, %dma_start3A_501] : memref<2x200x128xf32, #tpu.memory_space<vmem>> -> memref<1x100x128xf32, #tpu.memory_space<vmem>>
        %dma_start3A_503 = tpu.memref_squeeze %dma_start3A_502 : memref<1x100x128xf32, #tpu.memory_space<vmem>> -> memref<100x128xf32, #tpu.memory_space<vmem>>
        %dma_start3A_504 = arith.constant 0 : i32
        %dma_start3A_505 = tpu.memref_slice %arg10[%dma_start3A_499, %dma_start3A_504] : memref<2x100xi32, #tpu.memory_space<vmem>> -> memref<1x100xi32, #tpu.memory_space<vmem>>
        %dma_start3A_506 = tpu.memref_squeeze %dma_start3A_505 : memref<1x100xi32, #tpu.memory_space<vmem>> -> memref<100xi32, #tpu.memory_space<vmem>>
        %dma_start3A_507 = arith.constant 0 : i32
        %dma_start3A_508 = arith.constant 0 : i32
        %dma_start3A_509 = tpu.memref_slice %arg4[%dma_start3A_507, %dma_start3A_508] : memref<100000x128xf32, #tpu.memory_space<hbm>> -> memref<100000x128xf32, #tpu.memory_space<hbm>>
        tpu.enqueue_indirect_dma source(%dma_start3A_509 : memref<100000x128xf32, #tpu.memory_space<hbm>>) target(%dma_start3A_503 : memref<100x128xf32, #tpu.memory_space<vmem>>) offsets(%dma_start3A_506 : memref<100xi32, #tpu.memory_space<vmem>>) semaphore(%arg19 : memref<!tpu.dma_semaphore, #tpu.memory_space<semaphore_mem>>)
      } else {
      }
      %parallel_loop3A_409 = arith.constant 0 : i32
      %parallel_loop3A_410 = arith.constant 104 : i32
      %parallel_loop3A_411 = arith.constant 1 : i32
      scf.for %parallel_loop3A_458 = %parallel_loop3A_409 to %parallel_loop3A_410 step %parallel_loop3A_411  : i32 {
        %parallel_loop3A_459 = arith.index_cast %parallel_loop3A_458 : i32 to index
        %parallel_loop3A_460 = tpu.vector_load %arg13[%parallel_loop3A_459] {strides = array<i32>} : memref<216xi32, #tpu.memory_space<vmem>>, vector<16xi32>,
        %parallel_loop3A_461 = vector.shape_cast %parallel_loop3A_460 : vector<16xi32> to vector<16xi32>
        %parallel_loop3A_462 = vector.extract_strided_slice %parallel_loop3A_461 {offsets = [0], sizes = [1], strides = [1]} : vector<16xi32> to vector<1xi32>
        %parallel_loop3A_463 = vector.extract %parallel_loop3A_462[0] : i32 from vector<1xi32>
        %parallel_loop3A_464 = arith.index_cast %rem3A_381 : i32 to index
        %parallel_loop3A_465 = arith.index_cast %parallel_loop3A_458 : i32 to index
        %parallel_loop3A_466 = arith.constant 0 : index
        %parallel_loop3A_467 = tpu.vector_load %arg14[%parallel_loop3A_464, %parallel_loop3A_465, %parallel_loop3A_466] {strides = array<i32>} : memref<2x200x128xf32, #tpu.memory_space<vmem>>, vector<1x1x16xf32>,
        %parallel_loop3A_468 = vector.shape_cast %parallel_loop3A_467 : vector<1x1x16xf32> to vector<16xf32>
        %parallel_loop3A_469 = arith.index_cast %parallel_loop3A_463 : i32 to index
        %parallel_loop3A_470 = arith.index_cast %parallel_loop3A_458 : i32 to index
        %parallel_loop3A_471 = arith.constant 0 : index
        %parallel_loop3A_472 = tpu.vector_load %arg15[%parallel_loop3A_469, %parallel_loop3A_470, %parallel_loop3A_471] {strides = array<i32>} : memref<2x200x128xf32, #tpu.memory_space<vmem>>, vector<1x1x16xf32>,
        %parallel_loop3A_473 = vector.shape_cast %parallel_loop3A_472 : vector<1x1x16xf32> to vector<16xf32>
        %parallel_loop3A_474 = arith.addf %parallel_loop3A_468, %parallel_loop3A_473 : vector<16xf32>
        %parallel_loop3A_475 = arith.index_cast %rem3A_381 : i32 to index
        %parallel_loop3A_476 = arith.index_cast %parallel_loop3A_458 : i32 to index
        %parallel_loop3A_477 = arith.constant 16 : index
        %parallel_loop3A_478 = tpu.vector_load %arg14[%parallel_loop3A_475, %parallel_loop3A_476, %parallel_loop3A_477] {strides = array<i32>} : memref<2x200x128xf32, #tpu.memory_space<vmem>>, vector<1x1x16xf32>,
        %parallel_loop3A_479 = vector.shape_cast %parallel_loop3A_478 : vector<1x1x16xf32> to vector<16xf32>
        %parallel_loop3A_480 = arith.index_cast %parallel_loop3A_463 : i32 to index
        %parallel_loop3A_481 = arith.index_cast %parallel_loop3A_458 : i32 to index
        %parallel_loop3A_482 = arith.constant 16 : index
        %parallel_loop3A_483 = tpu.vector_load %arg15[%parallel_loop3A_480, %parallel_loop3A_481, %parallel_loop3A_482] {strides = array<i32>} : memref<2x200x128xf32, #tpu.memory_space<vmem>>, vector<1x1x16xf32>,
        %parallel_loop3A_484 = vector.shape_cast %parallel_loop3A_483 : vector<1x1x16xf32> to vector<16xf32>
        %parallel_loop3A_485 = arith.addf %parallel_loop3A_479, %parallel_loop3A_484 : vector<16xf32>
        %parallel_loop3A_486 = arith.index_cast %rem3A_381 : i32 to index
        %parallel_loop3A_487 = arith.index_cast %parallel_loop3A_458 : i32 to index
        %parallel_loop3A_488 = arith.constant 32 : index
        %parallel_loop3A_489 = tpu.vector_load %arg14[%parallel_loop3A_486, %parallel_loop3A_487, %parallel_loop3A_488] {strides = array<i32>} : memref<2x200x128xf32, #tpu.memory_space<vmem>>, vector<1x1x16xf32>,
        %parallel_loop3A_490 = vector.shape_cast %parallel_loop3A_489 : vector<1x1x16xf32> to vector<16xf32>
        %parallel_loop3A_491 = arith.index_cast %parallel_loop3A_463 : i32 to index
        %parallel_loop3A_492 = arith.index_cast %parallel_loop3A_458 : i32 to index
        %parallel_loop3A_493 = arith.constant 32 : index
        %parallel_loop3A_494 = tpu.vector_load %arg15[%parallel_loop3A_491, %parallel_loop3A_492, %parallel_loop3A_493] {strides = array<i32>} : memref<2x200x128xf32, #tpu.memory_space<vmem>>, vector<1x1x16xf32>,
        %parallel_loop3A_495 = vector.shape_cast %parallel_loop3A_494 : vector<1x1x16xf32> to vector<16xf32>
        %parallel_loop3A_496 = arith.addf %parallel_loop3A_490, %parallel_loop3A_495 : vector<16xf32>
        %parallel_loop3A_497 = arith.index_cast %rem3A_381 : i32 to index
        %parallel_loop3A_498 = arith.index_cast %parallel_loop3A_458 : i32 to index
        %parallel_loop3A_499 = arith.constant 48 : index
        %parallel_loop3A_500 = tpu.vector_load %arg14[%parallel_loop3A_497, %parallel_loop3A_498, %parallel_loop3A_499] {strides = array<i32>} : memref<2x200x128xf32, #tpu.memory_space<vmem>>, vector<1x1x16xf32>,
        %parallel_loop3A_501 = vector.shape_cast %parallel_loop3A_500 : vector<1x1x16xf32> to vector<16xf32>
        %parallel_loop3A_502 = arith.index_cast %parallel_loop3A_463 : i32 to index
        %parallel_loop3A_503 = arith.index_cast %parallel_loop3A_458 : i32 to index
        %parallel_loop3A_504 = arith.constant 48 : index
        %parallel_loop3A_505 = tpu.vector_load %arg15[%parallel_loop3A_502, %parallel_loop3A_503, %parallel_loop3A_504] {strides = array<i32>} : memref<2x200x128xf32, #tpu.memory_space<vmem>>, vector<1x1x16xf32>,
        %parallel_loop3A_506 = vector.shape_cast %parallel_loop3A_505 : vector<1x1x16xf32> to vector<16xf32>
        %parallel_loop3A_507 = arith.addf %parallel_loop3A_501, %parallel_loop3A_506 : vector<16xf32>
        %parallel_loop3A_508 = arith.index_cast %rem3A_381 : i32 to index
        %parallel_loop3A_509 = arith.index_cast %parallel_loop3A_458 : i32 to index
        %parallel_loop3A_510 = arith.constant 64 : index
        %parallel_loop3A_511 = tpu.vector_load %arg14[%parallel_loop3A_508, %parallel_loop3A_509, %parallel_loop3A_510] {strides = array<i32>} : memref<2x200x128xf32, #tpu.memory_space<vmem>>, vector<1x1x16xf32>,
        %parallel_loop3A_512 = vector.shape_cast %parallel_loop3A_511 : vector<1x1x16xf32> to vector<16xf32>
        %parallel_loop3A_513 = arith.index_cast %parallel_loop3A_463 : i32 to index
        %parallel_loop3A_514 = arith.index_cast %parallel_loop3A_458 : i32 to index
        %parallel_loop3A_515 = arith.constant 64 : index
        %parallel_loop3A_516 = tpu.vector_load %arg15[%parallel_loop3A_513, %parallel_loop3A_514, %parallel_loop3A_515] {strides = array<i32>} : memref<2x200x128xf32, #tpu.memory_space<vmem>>, vector<1x1x16xf32>,
        %parallel_loop3A_517 = vector.shape_cast %parallel_loop3A_516 : vector<1x1x16xf32> to vector<16xf32>
        %parallel_loop3A_518 = arith.addf %parallel_loop3A_512, %parallel_loop3A_517 : vector<16xf32>
        %parallel_loop3A_519 = arith.index_cast %rem3A_381 : i32 to index
        %parallel_loop3A_520 = arith.index_cast %parallel_loop3A_458 : i32 to index
        %parallel_loop3A_521 = arith.constant 80 : index
        %parallel_loop3A_522 = tpu.vector_load %arg14[%parallel_loop3A_519, %parallel_loop3A_520, %parallel_loop3A_521] {strides = array<i32>} : memref<2x200x128xf32, #tpu.memory_space<vmem>>, vector<1x1x16xf32>,
        %parallel_loop3A_523 = vector.shape_cast %parallel_loop3A_522 : vector<1x1x16xf32> to vector<16xf32>
        %parallel_loop3A_524 = arith.index_cast %parallel_loop3A_463 : i32 to index
        %parallel_loop3A_525 = arith.index_cast %parallel_loop3A_458 : i32 to index
        %parallel_loop3A_526 = arith.constant 80 : index
        %parallel_loop3A_527 = tpu.vector_load %arg15[%parallel_loop3A_524, %parallel_loop3A_525, %parallel_loop3A_526] {strides = array<i32>} : memref<2x200x128xf32, #tpu.memory_space<vmem>>, vector<1x1x16xf32>,
        %parallel_loop3A_528 = vector.shape_cast %parallel_loop3A_527 : vector<1x1x16xf32> to vector<16xf32>
        %parallel_loop3A_529 = arith.addf %parallel_loop3A_523, %parallel_loop3A_528 : vector<16xf32>
        %parallel_loop3A_530 = arith.index_cast %rem3A_381 : i32 to index
        %parallel_loop3A_531 = arith.index_cast %parallel_loop3A_458 : i32 to index
        %parallel_loop3A_532 = arith.constant 96 : index
        %parallel_loop3A_533 = tpu.vector_load %arg14[%parallel_loop3A_530, %parallel_loop3A_531, %parallel_loop3A_532] {strides = array<i32>} : memref<2x200x128xf32, #tpu.memory_space<vmem>>, vector<1x1x16xf32>,
        %parallel_loop3A_534 = vector.shape_cast %parallel_loop3A_533 : vector<1x1x16xf32> to vector<16xf32>
        %parallel_loop3A_535 = arith.index_cast %parallel_loop3A_463 : i32 to index
        %parallel_loop3A_536 = arith.index_cast %parallel_loop3A_458 : i32 to index
        %parallel_loop3A_537 = arith.constant 96 : index
        %parallel_loop3A_538 = tpu.vector_load %arg15[%parallel_loop3A_535, %parallel_loop3A_536, %parallel_loop3A_537] {strides = array<i32>} : memref<2x200x128xf32, #tpu.memory_space<vmem>>, vector<1x1x16xf32>,
        %parallel_loop3A_539 = vector.shape_cast %parallel_loop3A_538 : vector<1x1x16xf32> to vector<16xf32>
        %parallel_loop3A_540 = arith.addf %parallel_loop3A_534, %parallel_loop3A_539 : vector<16xf32>
        %parallel_loop3A_541 = arith.index_cast %rem3A_381 : i32 to index
        %parallel_loop3A_542 = arith.index_cast %parallel_loop3A_458 : i32 to index
        %parallel_loop3A_543 = arith.constant 112 : index
        %parallel_loop3A_544 = tpu.vector_load %arg14[%parallel_loop3A_541, %parallel_loop3A_542, %parallel_loop3A_543] {strides = array<i32>} : memref<2x200x128xf32, #tpu.memory_space<vmem>>, vector<1x1x16xf32>,
        %parallel_loop3A_545 = vector.shape_cast %parallel_loop3A_544 : vector<1x1x16xf32> to vector<16xf32>
        %parallel_loop3A_546 = arith.index_cast %parallel_loop3A_463 : i32 to index
        %parallel_loop3A_547 = arith.index_cast %parallel_loop3A_458 : i32 to index
        %parallel_loop3A_548 = arith.constant 112 : index
        %parallel_loop3A_549 = tpu.vector_load %arg15[%parallel_loop3A_546, %parallel_loop3A_547, %parallel_loop3A_548] {strides = array<i32>} : memref<2x200x128xf32, #tpu.memory_space<vmem>>, vector<1x1x16xf32>,
        %parallel_loop3A_550 = vector.shape_cast %parallel_loop3A_549 : vector<1x1x16xf32> to vector<16xf32>
        %parallel_loop3A_551 = arith.addf %parallel_loop3A_545, %parallel_loop3A_550 : vector<16xf32>
        %parallel_loop3A_552 = arith.addf %parallel_loop3A_474, %parallel_loop3A_485 : vector<16xf32>
        %parallel_loop3A_553 = arith.addf %parallel_loop3A_496, %parallel_loop3A_507 : vector<16xf32>
        %parallel_loop3A_554 = arith.addf %parallel_loop3A_518, %parallel_loop3A_529 : vector<16xf32>
        %parallel_loop3A_555 = arith.addf %parallel_loop3A_540, %parallel_loop3A_551 : vector<16xf32>
        %parallel_loop3A_556 = arith.addf %parallel_loop3A_552, %parallel_loop3A_553 : vector<16xf32>
        %parallel_loop3A_557 = arith.addf %parallel_loop3A_554, %parallel_loop3A_555 : vector<16xf32>
        %parallel_loop3A_558 = arith.addf %parallel_loop3A_556, %parallel_loop3A_557 : vector<16xf32>
        %parallel_loop3A_559 = arith.constant 0 : i32
        %parallel_loop3A_560 = vector.broadcast %parallel_loop3A_559 : i32 to vector<16xi32>
        %parallel_loop3A_561 = arith.cmpi slt, %xor3A_134, %parallel_loop3A_560 : vector<16xi32>
        %parallel_loop3A_562 = arith.constant 16 : i32
        %parallel_loop3A_563 = vector.broadcast %parallel_loop3A_562 : i32 to vector<16xi32>
        %parallel_loop3A_564 = arith.addi %xor3A_134, %parallel_loop3A_563 : vector<16xi32>
        %parallel_loop3A_565 = arith.select %parallel_loop3A_561, %parallel_loop3A_564, %xor3A_134 : vector<16xi1>, vector<16xi32>
        %parallel_loop3A_566 = vector.shape_cast %parallel_loop3A_565 : vector<16xi32> to vector<16x1xi32>
        %parallel_loop3A_567 = vector.shape_cast %parallel_loop3A_566 : vector<16x1xi32> to vector<16xi32>
        %parallel_loop3A_568 = tpu.dynamic_gather %parallel_loop3A_558[%parallel_loop3A_567] in [0] : vector<16xf32>, vector<16xi32> -> vector<16xf32>
        %parallel_loop3A_569 = arith.addf %parallel_loop3A_558, %parallel_loop3A_568 : vector<16xf32>
        %parallel_loop3A_570 = arith.constant 0 : i32
        %parallel_loop3A_571 = vector.broadcast %parallel_loop3A_570 : i32 to vector<16xi32>
        %parallel_loop3A_572 = arith.cmpi slt, %xor3A_137, %parallel_loop3A_571 : vector<16xi32>
        %parallel_loop3A_573 = arith.constant 16 : i32
        %parallel_loop3A_574 = vector.broadcast %parallel_loop3A_573 : i32 to vector<16xi32>
        %parallel_loop3A_575 = arith.addi %xor3A_137, %parallel_loop3A_574 : vector<16xi32>
        %parallel_loop3A_576 = arith.select %parallel_loop3A_572, %parallel_loop3A_575, %xor3A_137 : vector<16xi1>, vector<16xi32>
        %parallel_loop3A_577 = vector.shape_cast %parallel_loop3A_576 : vector<16xi32> to vector<16x1xi32>
        %parallel_loop3A_578 = vector.shape_cast %parallel_loop3A_577 : vector<16x1xi32> to vector<16xi32>
        %parallel_loop3A_579 = tpu.dynamic_gather %parallel_loop3A_569[%parallel_loop3A_578] in [0] : vector<16xf32>, vector<16xi32> -> vector<16xf32>
        %parallel_loop3A_580 = arith.addf %parallel_loop3A_569, %parallel_loop3A_579 : vector<16xf32>
        %parallel_loop3A_581 = arith.constant 0 : i32
        %parallel_loop3A_582 = vector.broadcast %parallel_loop3A_581 : i32 to vector<16xi32>
        %parallel_loop3A_583 = arith.cmpi slt, %xor3A_140, %parallel_loop3A_582 : vector<16xi32>
        %parallel_loop3A_584 = arith.constant 16 : i32
        %parallel_loop3A_585 = vector.broadcast %parallel_loop3A_584 : i32 to vector<16xi32>
        %parallel_loop3A_586 = arith.addi %xor3A_140, %parallel_loop3A_585 : vector<16xi32>
        %parallel_loop3A_587 = arith.select %parallel_loop3A_583, %parallel_loop3A_586, %xor3A_140 : vector<16xi1>, vector<16xi32>
        %parallel_loop3A_588 = vector.shape_cast %parallel_loop3A_587 : vector<16xi32> to vector<16x1xi32>
        %parallel_loop3A_589 = vector.shape_cast %parallel_loop3A_588 : vector<16x1xi32> to vector<16xi32>
        %parallel_loop3A_590 = tpu.dynamic_gather %parallel_loop3A_580[%parallel_loop3A_589] in [0] : vector<16xf32>, vector<16xi32> -> vector<16xf32>
        %parallel_loop3A_591 = arith.addf %parallel_loop3A_580, %parallel_loop3A_590 : vector<16xf32>
        %parallel_loop3A_592 = arith.constant 0 : i32
        %parallel_loop3A_593 = vector.broadcast %parallel_loop3A_592 : i32 to vector<16xi32>
        %parallel_loop3A_594 = arith.cmpi slt, %xor3A_143, %parallel_loop3A_593 : vector<16xi32>
        %parallel_loop3A_595 = arith.constant 16 : i32
        %parallel_loop3A_596 = vector.broadcast %parallel_loop3A_595 : i32 to vector<16xi32>
        %parallel_loop3A_597 = arith.addi %xor3A_143, %parallel_loop3A_596 : vector<16xi32>
        %parallel_loop3A_598 = arith.select %parallel_loop3A_594, %parallel_loop3A_597, %xor3A_143 : vector<16xi1>, vector<16xi32>
        %parallel_loop3A_599 = vector.shape_cast %parallel_loop3A_598 : vector<16xi32> to vector<16x1xi32>
        %parallel_loop3A_600 = vector.shape_cast %parallel_loop3A_599 : vector<16x1xi32> to vector<16xi32>
        %parallel_loop3A_601 = tpu.dynamic_gather %parallel_loop3A_591[%parallel_loop3A_600] in [0] : vector<16xf32>, vector<16xi32> -> vector<16xf32>
        %parallel_loop3A_602 = arith.addf %parallel_loop3A_591, %parallel_loop3A_601 : vector<16xf32>
        %parallel_loop3A_603 = arith.constant 7.812500e-03 : f32
        %parallel_loop3A_604 = vector.broadcast %parallel_loop3A_603 : f32 to vector<16xf32>
        %parallel_loop3A_605 = arith.mulf %parallel_loop3A_602, %parallel_loop3A_604 : vector<16xf32>
        %parallel_loop3A_606 = arith.subf %parallel_loop3A_474, %parallel_loop3A_605 : vector<16xf32>
        %parallel_loop3A_607 = arith.subf %parallel_loop3A_485, %parallel_loop3A_605 : vector<16xf32>
        %parallel_loop3A_608 = arith.subf %parallel_loop3A_496, %parallel_loop3A_605 : vector<16xf32>
        %parallel_loop3A_609 = arith.subf %parallel_loop3A_507, %parallel_loop3A_605 : vector<16xf32>
        %parallel_loop3A_610 = arith.subf %parallel_loop3A_518, %parallel_loop3A_605 : vector<16xf32>
        %parallel_loop3A_611 = arith.subf %parallel_loop3A_529, %parallel_loop3A_605 : vector<16xf32>
        %parallel_loop3A_612 = arith.subf %parallel_loop3A_540, %parallel_loop3A_605 : vector<16xf32>
        %parallel_loop3A_613 = arith.subf %parallel_loop3A_551, %parallel_loop3A_605 : vector<16xf32>
        %parallel_loop3A_614 = arith.mulf %parallel_loop3A_606, %parallel_loop3A_606 : vector<16xf32>
        %parallel_loop3A_615 = arith.mulf %parallel_loop3A_607, %parallel_loop3A_607 : vector<16xf32>
        %parallel_loop3A_616 = arith.mulf %parallel_loop3A_608, %parallel_loop3A_608 : vector<16xf32>
        %parallel_loop3A_617 = arith.mulf %parallel_loop3A_609, %parallel_loop3A_609 : vector<16xf32>
        %parallel_loop3A_618 = arith.mulf %parallel_loop3A_610, %parallel_loop3A_610 : vector<16xf32>
        %parallel_loop3A_619 = arith.mulf %parallel_loop3A_611, %parallel_loop3A_611 : vector<16xf32>
        %parallel_loop3A_620 = arith.mulf %parallel_loop3A_612, %parallel_loop3A_612 : vector<16xf32>
        %parallel_loop3A_621 = arith.mulf %parallel_loop3A_613, %parallel_loop3A_613 : vector<16xf32>
        %parallel_loop3A_622 = arith.addf %parallel_loop3A_614, %parallel_loop3A_615 : vector<16xf32>
        %parallel_loop3A_623 = arith.addf %parallel_loop3A_616, %parallel_loop3A_617 : vector<16xf32>
        %parallel_loop3A_624 = arith.addf %parallel_loop3A_618, %parallel_loop3A_619 : vector<16xf32>
        %parallel_loop3A_625 = arith.addf %parallel_loop3A_620, %parallel_loop3A_621 : vector<16xf32>
        %parallel_loop3A_626 = arith.addf %parallel_loop3A_622, %parallel_loop3A_623 : vector<16xf32>
        %parallel_loop3A_627 = arith.addf %parallel_loop3A_624, %parallel_loop3A_625 : vector<16xf32>
        %parallel_loop3A_628 = arith.addf %parallel_loop3A_626, %parallel_loop3A_627 : vector<16xf32>
        %parallel_loop3A_629 = arith.constant 0 : i32
        %parallel_loop3A_630 = vector.broadcast %parallel_loop3A_629 : i32 to vector<16xi32>
        %parallel_loop3A_631 = arith.cmpi slt, %xor3A_134, %parallel_loop3A_630 : vector<16xi32>
        %parallel_loop3A_632 = arith.constant 16 : i32
        %parallel_loop3A_633 = vector.broadcast %parallel_loop3A_632 : i32 to vector<16xi32>
        %parallel_loop3A_634 = arith.addi %xor3A_134, %parallel_loop3A_633 : vector<16xi32>
        %parallel_loop3A_635 = arith.select %parallel_loop3A_631, %parallel_loop3A_634, %xor3A_134 : vector<16xi1>, vector<16xi32>
        %parallel_loop3A_636 = vector.shape_cast %parallel_loop3A_635 : vector<16xi32> to vector<16x1xi32>
        %parallel_loop3A_637 = vector.shape_cast %parallel_loop3A_636 : vector<16x1xi32> to vector<16xi32>
        %parallel_loop3A_638 = tpu.dynamic_gather %parallel_loop3A_628[%parallel_loop3A_637] in [0] : vector<16xf32>, vector<16xi32> -> vector<16xf32>
        %parallel_loop3A_639 = arith.addf %parallel_loop3A_628, %parallel_loop3A_638 : vector<16xf32>
        %parallel_loop3A_640 = arith.constant 0 : i32
        %parallel_loop3A_641 = vector.broadcast %parallel_loop3A_640 : i32 to vector<16xi32>
        %parallel_loop3A_642 = arith.cmpi slt, %xor3A_137, %parallel_loop3A_641 : vector<16xi32>
        %parallel_loop3A_643 = arith.constant 16 : i32
        %parallel_loop3A_644 = vector.broadcast %parallel_loop3A_643 : i32 to vector<16xi32>
        %parallel_loop3A_645 = arith.addi %xor3A_137, %parallel_loop3A_644 : vector<16xi32>
        %parallel_loop3A_646 = arith.select %parallel_loop3A_642, %parallel_loop3A_645, %xor3A_137 : vector<16xi1>, vector<16xi32>
        %parallel_loop3A_647 = vector.shape_cast %parallel_loop3A_646 : vector<16xi32> to vector<16x1xi32>
        %parallel_loop3A_648 = vector.shape_cast %parallel_loop3A_647 : vector<16x1xi32> to vector<16xi32>
        %parallel_loop3A_649 = tpu.dynamic_gather %parallel_loop3A_639[%parallel_loop3A_648] in [0] : vector<16xf32>, vector<16xi32> -> vector<16xf32>
        %parallel_loop3A_650 = arith.addf %parallel_loop3A_639, %parallel_loop3A_649 : vector<16xf32>
        %parallel_loop3A_651 = arith.constant 0 : i32
        %parallel_loop3A_652 = vector.broadcast %parallel_loop3A_651 : i32 to vector<16xi32>
        %parallel_loop3A_653 = arith.cmpi slt, %xor3A_140, %parallel_loop3A_652 : vector<16xi32>
        %parallel_loop3A_654 = arith.constant 16 : i32
        %parallel_loop3A_655 = vector.broadcast %parallel_loop3A_654 : i32 to vector<16xi32>
        %parallel_loop3A_656 = arith.addi %xor3A_140, %parallel_loop3A_655 : vector<16xi32>
        %parallel_loop3A_657 = arith.select %parallel_loop3A_653, %parallel_loop3A_656, %xor3A_140 : vector<16xi1>, vector<16xi32>
        %parallel_loop3A_658 = vector.shape_cast %parallel_loop3A_657 : vector<16xi32> to vector<16x1xi32>
        %parallel_loop3A_659 = vector.shape_cast %parallel_loop3A_658 : vector<16x1xi32> to vector<16xi32>
        %parallel_loop3A_660 = tpu.dynamic_gather %parallel_loop3A_650[%parallel_loop3A_659] in [0] : vector<16xf32>, vector<16xi32> -> vector<16xf32>
        %parallel_loop3A_661 = arith.addf %parallel_loop3A_650, %parallel_loop3A_660 : vector<16xf32>
        %parallel_loop3A_662 = arith.constant 0 : i32
        %parallel_loop3A_663 = vector.broadcast %parallel_loop3A_662 : i32 to vector<16xi32>
        %parallel_loop3A_664 = arith.cmpi slt, %xor3A_143, %parallel_loop3A_663 : vector<16xi32>
        %parallel_loop3A_665 = arith.constant 16 : i32
        %parallel_loop3A_666 = vector.broadcast %parallel_loop3A_665 : i32 to vector<16xi32>
        %parallel_loop3A_667 = arith.addi %xor3A_143, %parallel_loop3A_666 : vector<16xi32>
        %parallel_loop3A_668 = arith.select %parallel_loop3A_664, %parallel_loop3A_667, %xor3A_143 : vector<16xi1>, vector<16xi32>
        %parallel_loop3A_669 = vector.shape_cast %parallel_loop3A_668 : vector<16xi32> to vector<16x1xi32>
        %parallel_loop3A_670 = vector.shape_cast %parallel_loop3A_669 : vector<16x1xi32> to vector<16xi32>
        %parallel_loop3A_671 = tpu.dynamic_gather %parallel_loop3A_661[%parallel_loop3A_670] in [0] : vector<16xf32>, vector<16xi32> -> vector<16xf32>
        %parallel_loop3A_672 = arith.addf %parallel_loop3A_661, %parallel_loop3A_671 : vector<16xf32>
        %parallel_loop3A_673 = arith.constant 7.812500e-03 : f32
        %parallel_loop3A_674 = vector.broadcast %parallel_loop3A_673 : f32 to vector<16xf32>
        %parallel_loop3A_675 = arith.mulf %parallel_loop3A_672, %parallel_loop3A_674 : vector<16xf32>
        %parallel_loop3A_676 = arith.constant 9.99999974E-6 : f32
        %parallel_loop3A_677 = vector.broadcast %parallel_loop3A_676 : f32 to vector<16xf32>
        %parallel_loop3A_678 = arith.addf %parallel_loop3A_675, %parallel_loop3A_677 : vector<16xf32>
        %parallel_loop3A_679 = tpu.bitcast %parallel_loop3A_678 : vector<16xf32> -> vector<16xi32>
        %parallel_loop3A_680 = arith.constant 1 : i32
        %parallel_loop3A_681 = vector.broadcast %parallel_loop3A_680 : i32 to vector<16xi32>
        %parallel_loop3A_682 = arith.shrui %parallel_loop3A_679, %parallel_loop3A_681 : vector<16xi32>
        %parallel_loop3A_683 = arith.constant 1597463007 : i32
        %parallel_loop3A_684 = vector.broadcast %parallel_loop3A_683 : i32 to vector<16xi32>
        %parallel_loop3A_685 = arith.subi %parallel_loop3A_684, %parallel_loop3A_682 : vector<16xi32>
        %parallel_loop3A_686 = tpu.bitcast %parallel_loop3A_685 : vector<16xi32> -> vector<16xf32>
        %parallel_loop3A_687 = arith.constant 5.000000e-01 : f32
        %parallel_loop3A_688 = vector.broadcast %parallel_loop3A_687 : f32 to vector<16xf32>
        %parallel_loop3A_689 = arith.mulf %parallel_loop3A_688, %parallel_loop3A_678 : vector<16xf32>
        %parallel_loop3A_690 = arith.mulf %parallel_loop3A_689, %parallel_loop3A_686 : vector<16xf32>
        %parallel_loop3A_691 = arith.mulf %parallel_loop3A_690, %parallel_loop3A_686 : vector<16xf32>
        %parallel_loop3A_692 = arith.constant 1.500000e+00 : f32
        %parallel_loop3A_693 = vector.broadcast %parallel_loop3A_692 : f32 to vector<16xf32>
        %parallel_loop3A_694 = arith.subf %parallel_loop3A_693, %parallel_loop3A_691 : vector<16xf32>
        %parallel_loop3A_695 = arith.mulf %parallel_loop3A_686, %parallel_loop3A_694 : vector<16xf32>
        %parallel_loop3A_696 = arith.mulf %parallel_loop3A_606, %parallel_loop3A_695 : vector<16xf32>
        %parallel_loop3A_697 = arith.mulf %parallel_loop3A_696, %get3A_87 : vector<16xf32>
        %parallel_loop3A_698 = arith.addf %parallel_loop3A_697, %get3A_111 : vector<16xf32>
        %parallel_loop3A_699 = arith.index_cast %rem3A_381 : i32 to index
        %parallel_loop3A_700 = arith.index_cast %parallel_loop3A_458 : i32 to index
        %parallel_loop3A_701 = arith.constant 0 : index
        %parallel_loop3A_702 = tpu.vector_load %arg14[%parallel_loop3A_699, %parallel_loop3A_700, %parallel_loop3A_701] {strides = array<i32>} : memref<2x200x128xf32, #tpu.memory_space<vmem>>, vector<1x1x16xf32>,
        %parallel_loop3A_703 = vector.shape_cast %parallel_loop3A_702 : vector<1x1x16xf32> to vector<16xf32>
        %parallel_loop3A_704 = vector.shape_cast %parallel_loop3A_698 : vector<16xf32> to vector<1x1x16xf32>
        tpu.vector_store %arg14[%parallel_loop3A_699, %parallel_loop3A_700, %parallel_loop3A_701], %parallel_loop3A_704 {strides = array<i32>} : memref<2x200x128xf32, #tpu.memory_space<vmem>>, vector<1x1x16xf32>,
        %parallel_loop3A_705 = arith.mulf %parallel_loop3A_607, %parallel_loop3A_695 : vector<16xf32>
        %parallel_loop3A_706 = arith.mulf %parallel_loop3A_705, %get3A_90 : vector<16xf32>
        %parallel_loop3A_707 = arith.addf %parallel_loop3A_706, %get3A_114 : vector<16xf32>
        %parallel_loop3A_708 = arith.index_cast %rem3A_381 : i32 to index
        %parallel_loop3A_709 = arith.index_cast %parallel_loop3A_458 : i32 to index
        %parallel_loop3A_710 = arith.constant 16 : index
        %parallel_loop3A_711 = tpu.vector_load %arg14[%parallel_loop3A_708, %parallel_loop3A_709, %parallel_loop3A_710] {strides = array<i32>} : memref<2x200x128xf32, #tpu.memory_space<vmem>>, vector<1x1x16xf32>,
        %parallel_loop3A_712 = vector.shape_cast %parallel_loop3A_711 : vector<1x1x16xf32> to vector<16xf32>
        %parallel_loop3A_713 = vector.shape_cast %parallel_loop3A_707 : vector<16xf32> to vector<1x1x16xf32>
        tpu.vector_store %arg14[%parallel_loop3A_708, %parallel_loop3A_709, %parallel_loop3A_710], %parallel_loop3A_713 {strides = array<i32>} : memref<2x200x128xf32, #tpu.memory_space<vmem>>, vector<1x1x16xf32>,
        %parallel_loop3A_714 = arith.mulf %parallel_loop3A_608, %parallel_loop3A_695 : vector<16xf32>
        %parallel_loop3A_715 = arith.mulf %parallel_loop3A_714, %get3A_93 : vector<16xf32>
        %parallel_loop3A_716 = arith.addf %parallel_loop3A_715, %get3A_117 : vector<16xf32>
        %parallel_loop3A_717 = arith.index_cast %rem3A_381 : i32 to index
        %parallel_loop3A_718 = arith.index_cast %parallel_loop3A_458 : i32 to index
        %parallel_loop3A_719 = arith.constant 32 : index
        %parallel_loop3A_720 = tpu.vector_load %arg14[%parallel_loop3A_717, %parallel_loop3A_718, %parallel_loop3A_719] {strides = array<i32>} : memref<2x200x128xf32, #tpu.memory_space<vmem>>, vector<1x1x16xf32>,
        %parallel_loop3A_721 = vector.shape_cast %parallel_loop3A_720 : vector<1x1x16xf32> to vector<16xf32>
        %parallel_loop3A_722 = vector.shape_cast %parallel_loop3A_716 : vector<16xf32> to vector<1x1x16xf32>
        tpu.vector_store %arg14[%parallel_loop3A_717, %parallel_loop3A_718, %parallel_loop3A_719], %parallel_loop3A_722 {strides = array<i32>} : memref<2x200x128xf32, #tpu.memory_space<vmem>>, vector<1x1x16xf32>,
        %parallel_loop3A_723 = arith.mulf %parallel_loop3A_609, %parallel_loop3A_695 : vector<16xf32>
        %parallel_loop3A_724 = arith.mulf %parallel_loop3A_723, %get3A_96 : vector<16xf32>
        %parallel_loop3A_725 = arith.addf %parallel_loop3A_724, %get3A_120 : vector<16xf32>
        %parallel_loop3A_726 = arith.index_cast %rem3A_381 : i32 to index
        %parallel_loop3A_727 = arith.index_cast %parallel_loop3A_458 : i32 to index
        %parallel_loop3A_728 = arith.constant 48 : index
        %parallel_loop3A_729 = tpu.vector_load %arg14[%parallel_loop3A_726, %parallel_loop3A_727, %parallel_loop3A_728] {strides = array<i32>} : memref<2x200x128xf32, #tpu.memory_space<vmem>>, vector<1x1x16xf32>,
        %parallel_loop3A_730 = vector.shape_cast %parallel_loop3A_729 : vector<1x1x16xf32> to vector<16xf32>
        %parallel_loop3A_731 = vector.shape_cast %parallel_loop3A_725 : vector<16xf32> to vector<1x1x16xf32>
        tpu.vector_store %arg14[%parallel_loop3A_726, %parallel_loop3A_727, %parallel_loop3A_728], %parallel_loop3A_731 {strides = array<i32>} : memref<2x200x128xf32, #tpu.memory_space<vmem>>, vector<1x1x16xf32>,
        %parallel_loop3A_732 = arith.mulf %parallel_loop3A_610, %parallel_loop3A_695 : vector<16xf32>
        %parallel_loop3A_733 = arith.mulf %parallel_loop3A_732, %get3A_99 : vector<16xf32>
        %parallel_loop3A_734 = arith.addf %parallel_loop3A_733, %get3A_123 : vector<16xf32>
        %parallel_loop3A_735 = arith.index_cast %rem3A_381 : i32 to index
        %parallel_loop3A_736 = arith.index_cast %parallel_loop3A_458 : i32 to index
        %parallel_loop3A_737 = arith.constant 64 : index
        %parallel_loop3A_738 = tpu.vector_load %arg14[%parallel_loop3A_735, %parallel_loop3A_736, %parallel_loop3A_737] {strides = array<i32>} : memref<2x200x128xf32, #tpu.memory_space<vmem>>, vector<1x1x16xf32>,
        %parallel_loop3A_739 = vector.shape_cast %parallel_loop3A_738 : vector<1x1x16xf32> to vector<16xf32>
        %parallel_loop3A_740 = vector.shape_cast %parallel_loop3A_734 : vector<16xf32> to vector<1x1x16xf32>
        tpu.vector_store %arg14[%parallel_loop3A_735, %parallel_loop3A_736, %parallel_loop3A_737], %parallel_loop3A_740 {strides = array<i32>} : memref<2x200x128xf32, #tpu.memory_space<vmem>>, vector<1x1x16xf32>,
        %parallel_loop3A_741 = arith.mulf %parallel_loop3A_611, %parallel_loop3A_695 : vector<16xf32>
        %parallel_loop3A_742 = arith.mulf %parallel_loop3A_741, %get3A_102 : vector<16xf32>
        %parallel_loop3A_743 = arith.addf %parallel_loop3A_742, %get3A_126 : vector<16xf32>
        %parallel_loop3A_744 = arith.index_cast %rem3A_381 : i32 to index
        %parallel_loop3A_745 = arith.index_cast %parallel_loop3A_458 : i32 to index
        %parallel_loop3A_746 = arith.constant 80 : index
        %parallel_loop3A_747 = tpu.vector_load %arg14[%parallel_loop3A_744, %parallel_loop3A_745, %parallel_loop3A_746] {strides = array<i32>} : memref<2x200x128xf32, #tpu.memory_space<vmem>>, vector<1x1x16xf32>,
        %parallel_loop3A_748 = vector.shape_cast %parallel_loop3A_747 : vector<1x1x16xf32> to vector<16xf32>
        %parallel_loop3A_749 = vector.shape_cast %parallel_loop3A_743 : vector<16xf32> to vector<1x1x16xf32>
        tpu.vector_store %arg14[%parallel_loop3A_744, %parallel_loop3A_745, %parallel_loop3A_746], %parallel_loop3A_749 {strides = array<i32>} : memref<2x200x128xf32, #tpu.memory_space<vmem>>, vector<1x1x16xf32>,
        %parallel_loop3A_750 = arith.mulf %parallel_loop3A_612, %parallel_loop3A_695 : vector<16xf32>
        %parallel_loop3A_751 = arith.mulf %parallel_loop3A_750, %get3A_105 : vector<16xf32>
        %parallel_loop3A_752 = arith.addf %parallel_loop3A_751, %get3A_129 : vector<16xf32>
        %parallel_loop3A_753 = arith.index_cast %rem3A_381 : i32 to index
        %parallel_loop3A_754 = arith.index_cast %parallel_loop3A_458 : i32 to index
        %parallel_loop3A_755 = arith.constant 96 : index
        %parallel_loop3A_756 = tpu.vector_load %arg14[%parallel_loop3A_753, %parallel_loop3A_754, %parallel_loop3A_755] {strides = array<i32>} : memref<2x200x128xf32, #tpu.memory_space<vmem>>, vector<1x1x16xf32>,
        %parallel_loop3A_757 = vector.shape_cast %parallel_loop3A_756 : vector<1x1x16xf32> to vector<16xf32>
        %parallel_loop3A_758 = vector.shape_cast %parallel_loop3A_752 : vector<16xf32> to vector<1x1x16xf32>
        tpu.vector_store %arg14[%parallel_loop3A_753, %parallel_loop3A_754, %parallel_loop3A_755], %parallel_loop3A_758 {strides = array<i32>} : memref<2x200x128xf32, #tpu.memory_space<vmem>>, vector<1x1x16xf32>,
        %parallel_loop3A_759 = arith.mulf %parallel_loop3A_613, %parallel_loop3A_695 : vector<16xf32>
        %parallel_loop3A_760 = arith.mulf %parallel_loop3A_759, %get3A_108 : vector<16xf32>
        %parallel_loop3A_761 = arith.addf %parallel_loop3A_760, %get3A_132 : vector<16xf32>
        %parallel_loop3A_762 = arith.index_cast %rem3A_381 : i32 to index
        %parallel_loop3A_763 = arith.index_cast %parallel_loop3A_458 : i32 to index
        %parallel_loop3A_764 = arith.constant 112 : index
        %parallel_loop3A_765 = tpu.vector_load %arg14[%parallel_loop3A_762, %parallel_loop3A_763, %parallel_loop3A_764] {strides = array<i32>} : memref<2x200x128xf32, #tpu.memory_space<vmem>>, vector<1x1x16xf32>,
        %parallel_loop3A_766 = vector.shape_cast %parallel_loop3A_765 : vector<1x1x16xf32> to vector<16xf32>
        %parallel_loop3A_767 = vector.shape_cast %parallel_loop3A_761 : vector<16xf32> to vector<1x1x16xf32>
        tpu.vector_store %arg14[%parallel_loop3A_762, %parallel_loop3A_763, %parallel_loop3A_764], %parallel_loop3A_767 {strides = array<i32>} : memref<2x200x128xf32, #tpu.memory_space<vmem>>, vector<1x1x16xf32>,
      } {sc.loop_unroll_factor = 2 : i64, sc.parallel_access}
      %mul3A_412 = arith.constant 200 : i32
      %mul3A_413 = arith.muli %add3A_379, %mul3A_412 : i32
      %add3A_414 = arith.addi %mul3A_2, %mul3A_413 : i32
      %add3A_415 = arith.constant 0 : i32
      %add3A_416 = arith.addi %add3A_414, %add3A_415 : i32
      %dma_start3A_417 = arith.constant 0 : i32
      %dma_start3A_418 = arith.constant 0 : i32
      %dma_start3A_419 = tpu.memref_slice %arg14[%rem3A_381, %dma_start3A_417, %dma_start3A_418] : memref<2x200x128xf32, #tpu.memory_space<vmem>> -> memref<1x104x128xf32, #tpu.memory_space<vmem>>
      %dma_start3A_420 = tpu.memref_squeeze %dma_start3A_419 : memref<1x104x128xf32, #tpu.memory_space<vmem>> -> memref<104x128xf32, #tpu.memory_space<vmem>>
      %dma_start3A_421 = arith.constant 0 : i32
      %dma_start3A_422 = tpu.memref_slice %arg9[%add3A_416, %dma_start3A_421] : memref<204800x128xf32, #tpu.memory_space<hbm>> -> memref<104x128xf32, #tpu.memory_space<hbm>>
      %dma_start3A_423 = tpu.memref_slice %arg20[%rem3A_381] : memref<2x!tpu.dma_semaphore, #tpu.memory_space<semaphore_mem>> -> memref<1x!tpu.dma_semaphore, #tpu.memory_space<semaphore_mem>>
      %dma_start3A_424 = tpu.memref_squeeze %dma_start3A_423 : memref<1x!tpu.dma_semaphore, #tpu.memory_space<semaphore_mem>> -> memref<!tpu.dma_semaphore, #tpu.memory_space<semaphore_mem>>
      %dma_start3A_425 = arith.constant 0 : i32
      %dma_start3A_426 = tpu.memref_slice %arg9[%add3A_416, %dma_start3A_425] : memref<204800x128xf32, #tpu.memory_space<hbm>> -> memref<104x128xf32, #tpu.memory_space<hbm>>
      %dma_start3A_427 = arith.constant 0 : i32
      %dma_start3A_428 = arith.constant 0 : i32
      %dma_start3A_429 = tpu.memref_slice %arg14[%rem3A_381, %dma_start3A_427, %dma_start3A_428] : memref<2x200x128xf32, #tpu.memory_space<vmem>> -> memref<1x104x128xf32, #tpu.memory_space<vmem>>
      %dma_start3A_430 = tpu.memref_squeeze %dma_start3A_429 : memref<1x104x128xf32, #tpu.memory_space<vmem>> -> memref<104x128xf32, #tpu.memory_space<vmem>>
      tpu.enqueue_dma source(%dma_start3A_430 : memref<104x128xf32, #tpu.memory_space<vmem>>) target(%dma_start3A_426 : memref<104x128xf32, #tpu.memory_space<hbm>>) target_semaphore(%dma_start3A_424 : memref<!tpu.dma_semaphore, #tpu.memory_space<semaphore_mem>>)
      %parallel_loop3A_431 = arith.constant 104 : i32
      %parallel_loop3A_432 = arith.constant 200 : i32
      %parallel_loop3A_433 = arith.constant 1 : i32
      scf.for %parallel_loop3A_458 = %parallel_loop3A_431 to %parallel_loop3A_432 step %parallel_loop3A_433  : i32 {
        %parallel_loop3A_459 = arith.index_cast %parallel_loop3A_458 : i32 to index
        %parallel_loop3A_460 = tpu.vector_load %arg13[%parallel_loop3A_459] {strides = array<i32>} : memref<216xi32, #tpu.memory_space<vmem>>, vector<16xi32>,
        %parallel_loop3A_461 = vector.shape_cast %parallel_loop3A_460 : vector<16xi32> to vector<16xi32>
        %parallel_loop3A_462 = vector.extract_strided_slice %parallel_loop3A_461 {offsets = [0], sizes = [1], strides = [1]} : vector<16xi32> to vector<1xi32>
        %parallel_loop3A_463 = vector.extract %parallel_loop3A_462[0] : i32 from vector<1xi32>
        %parallel_loop3A_464 = arith.index_cast %rem3A_381 : i32 to index
        %parallel_loop3A_465 = arith.index_cast %parallel_loop3A_458 : i32 to index
        %parallel_loop3A_466 = arith.constant 0 : index
        %parallel_loop3A_467 = tpu.vector_load %arg14[%parallel_loop3A_464, %parallel_loop3A_465, %parallel_loop3A_466] {strides = array<i32>} : memref<2x200x128xf32, #tpu.memory_space<vmem>>, vector<1x1x16xf32>,
        %parallel_loop3A_468 = vector.shape_cast %parallel_loop3A_467 : vector<1x1x16xf32> to vector<16xf32>
        %parallel_loop3A_469 = arith.index_cast %parallel_loop3A_463 : i32 to index
        %parallel_loop3A_470 = arith.index_cast %parallel_loop3A_458 : i32 to index
        %parallel_loop3A_471 = arith.constant 0 : index
        %parallel_loop3A_472 = tpu.vector_load %arg15[%parallel_loop3A_469, %parallel_loop3A_470, %parallel_loop3A_471] {strides = array<i32>} : memref<2x200x128xf32, #tpu.memory_space<vmem>>, vector<1x1x16xf32>,
        %parallel_loop3A_473 = vector.shape_cast %parallel_loop3A_472 : vector<1x1x16xf32> to vector<16xf32>
        %parallel_loop3A_474 = arith.addf %parallel_loop3A_468, %parallel_loop3A_473 : vector<16xf32>
        %parallel_loop3A_475 = arith.index_cast %rem3A_381 : i32 to index
        %parallel_loop3A_476 = arith.index_cast %parallel_loop3A_458 : i32 to index
        %parallel_loop3A_477 = arith.constant 16 : index
        %parallel_loop3A_478 = tpu.vector_load %arg14[%parallel_loop3A_475, %parallel_loop3A_476, %parallel_loop3A_477] {strides = array<i32>} : memref<2x200x128xf32, #tpu.memory_space<vmem>>, vector<1x1x16xf32>,
        %parallel_loop3A_479 = vector.shape_cast %parallel_loop3A_478 : vector<1x1x16xf32> to vector<16xf32>
        %parallel_loop3A_480 = arith.index_cast %parallel_loop3A_463 : i32 to index
        %parallel_loop3A_481 = arith.index_cast %parallel_loop3A_458 : i32 to index
        %parallel_loop3A_482 = arith.constant 16 : index
        %parallel_loop3A_483 = tpu.vector_load %arg15[%parallel_loop3A_480, %parallel_loop3A_481, %parallel_loop3A_482] {strides = array<i32>} : memref<2x200x128xf32, #tpu.memory_space<vmem>>, vector<1x1x16xf32>,
        %parallel_loop3A_484 = vector.shape_cast %parallel_loop3A_483 : vector<1x1x16xf32> to vector<16xf32>
        %parallel_loop3A_485 = arith.addf %parallel_loop3A_479, %parallel_loop3A_484 : vector<16xf32>
        %parallel_loop3A_486 = arith.index_cast %rem3A_381 : i32 to index
        %parallel_loop3A_487 = arith.index_cast %parallel_loop3A_458 : i32 to index
        %parallel_loop3A_488 = arith.constant 32 : index
        %parallel_loop3A_489 = tpu.vector_load %arg14[%parallel_loop3A_486, %parallel_loop3A_487, %parallel_loop3A_488] {strides = array<i32>} : memref<2x200x128xf32, #tpu.memory_space<vmem>>, vector<1x1x16xf32>,
        %parallel_loop3A_490 = vector.shape_cast %parallel_loop3A_489 : vector<1x1x16xf32> to vector<16xf32>
        %parallel_loop3A_491 = arith.index_cast %parallel_loop3A_463 : i32 to index
        %parallel_loop3A_492 = arith.index_cast %parallel_loop3A_458 : i32 to index
        %parallel_loop3A_493 = arith.constant 32 : index
        %parallel_loop3A_494 = tpu.vector_load %arg15[%parallel_loop3A_491, %parallel_loop3A_492, %parallel_loop3A_493] {strides = array<i32>} : memref<2x200x128xf32, #tpu.memory_space<vmem>>, vector<1x1x16xf32>,
        %parallel_loop3A_495 = vector.shape_cast %parallel_loop3A_494 : vector<1x1x16xf32> to vector<16xf32>
        %parallel_loop3A_496 = arith.addf %parallel_loop3A_490, %parallel_loop3A_495 : vector<16xf32>
        %parallel_loop3A_497 = arith.index_cast %rem3A_381 : i32 to index
        %parallel_loop3A_498 = arith.index_cast %parallel_loop3A_458 : i32 to index
        %parallel_loop3A_499 = arith.constant 48 : index
        %parallel_loop3A_500 = tpu.vector_load %arg14[%parallel_loop3A_497, %parallel_loop3A_498, %parallel_loop3A_499] {strides = array<i32>} : memref<2x200x128xf32, #tpu.memory_space<vmem>>, vector<1x1x16xf32>,
        %parallel_loop3A_501 = vector.shape_cast %parallel_loop3A_500 : vector<1x1x16xf32> to vector<16xf32>
        %parallel_loop3A_502 = arith.index_cast %parallel_loop3A_463 : i32 to index
        %parallel_loop3A_503 = arith.index_cast %parallel_loop3A_458 : i32 to index
        %parallel_loop3A_504 = arith.constant 48 : index
        %parallel_loop3A_505 = tpu.vector_load %arg15[%parallel_loop3A_502, %parallel_loop3A_503, %parallel_loop3A_504] {strides = array<i32>} : memref<2x200x128xf32, #tpu.memory_space<vmem>>, vector<1x1x16xf32>,
        %parallel_loop3A_506 = vector.shape_cast %parallel_loop3A_505 : vector<1x1x16xf32> to vector<16xf32>
        %parallel_loop3A_507 = arith.addf %parallel_loop3A_501, %parallel_loop3A_506 : vector<16xf32>
        %parallel_loop3A_508 = arith.index_cast %rem3A_381 : i32 to index
        %parallel_loop3A_509 = arith.index_cast %parallel_loop3A_458 : i32 to index
        %parallel_loop3A_510 = arith.constant 64 : index
        %parallel_loop3A_511 = tpu.vector_load %arg14[%parallel_loop3A_508, %parallel_loop3A_509, %parallel_loop3A_510] {strides = array<i32>} : memref<2x200x128xf32, #tpu.memory_space<vmem>>, vector<1x1x16xf32>,
        %parallel_loop3A_512 = vector.shape_cast %parallel_loop3A_511 : vector<1x1x16xf32> to vector<16xf32>
        %parallel_loop3A_513 = arith.index_cast %parallel_loop3A_463 : i32 to index
        %parallel_loop3A_514 = arith.index_cast %parallel_loop3A_458 : i32 to index
        %parallel_loop3A_515 = arith.constant 64 : index
        %parallel_loop3A_516 = tpu.vector_load %arg15[%parallel_loop3A_513, %parallel_loop3A_514, %parallel_loop3A_515] {strides = array<i32>} : memref<2x200x128xf32, #tpu.memory_space<vmem>>, vector<1x1x16xf32>,
        %parallel_loop3A_517 = vector.shape_cast %parallel_loop3A_516 : vector<1x1x16xf32> to vector<16xf32>
        %parallel_loop3A_518 = arith.addf %parallel_loop3A_512, %parallel_loop3A_517 : vector<16xf32>
        %parallel_loop3A_519 = arith.index_cast %rem3A_381 : i32 to index
        %parallel_loop3A_520 = arith.index_cast %parallel_loop3A_458 : i32 to index
        %parallel_loop3A_521 = arith.constant 80 : index
        %parallel_loop3A_522 = tpu.vector_load %arg14[%parallel_loop3A_519, %parallel_loop3A_520, %parallel_loop3A_521] {strides = array<i32>} : memref<2x200x128xf32, #tpu.memory_space<vmem>>, vector<1x1x16xf32>,
        %parallel_loop3A_523 = vector.shape_cast %parallel_loop3A_522 : vector<1x1x16xf32> to vector<16xf32>
        %parallel_loop3A_524 = arith.index_cast %parallel_loop3A_463 : i32 to index
        %parallel_loop3A_525 = arith.index_cast %parallel_loop3A_458 : i32 to index
        %parallel_loop3A_526 = arith.constant 80 : index
        %parallel_loop3A_527 = tpu.vector_load %arg15[%parallel_loop3A_524, %parallel_loop3A_525, %parallel_loop3A_526] {strides = array<i32>} : memref<2x200x128xf32, #tpu.memory_space<vmem>>, vector<1x1x16xf32>,
        %parallel_loop3A_528 = vector.shape_cast %parallel_loop3A_527 : vector<1x1x16xf32> to vector<16xf32>
        %parallel_loop3A_529 = arith.addf %parallel_loop3A_523, %parallel_loop3A_528 : vector<16xf32>
        %parallel_loop3A_530 = arith.index_cast %rem3A_381 : i32 to index
        %parallel_loop3A_531 = arith.index_cast %parallel_loop3A_458 : i32 to index
        %parallel_loop3A_532 = arith.constant 96 : index
        %parallel_loop3A_533 = tpu.vector_load %arg14[%parallel_loop3A_530, %parallel_loop3A_531, %parallel_loop3A_532] {strides = array<i32>} : memref<2x200x128xf32, #tpu.memory_space<vmem>>, vector<1x1x16xf32>,
        %parallel_loop3A_534 = vector.shape_cast %parallel_loop3A_533 : vector<1x1x16xf32> to vector<16xf32>
        %parallel_loop3A_535 = arith.index_cast %parallel_loop3A_463 : i32 to index
        %parallel_loop3A_536 = arith.index_cast %parallel_loop3A_458 : i32 to index
        %parallel_loop3A_537 = arith.constant 96 : index
        %parallel_loop3A_538 = tpu.vector_load %arg15[%parallel_loop3A_535, %parallel_loop3A_536, %parallel_loop3A_537] {strides = array<i32>} : memref<2x200x128xf32, #tpu.memory_space<vmem>>, vector<1x1x16xf32>,
        %parallel_loop3A_539 = vector.shape_cast %parallel_loop3A_538 : vector<1x1x16xf32> to vector<16xf32>
        %parallel_loop3A_540 = arith.addf %parallel_loop3A_534, %parallel_loop3A_539 : vector<16xf32>
        %parallel_loop3A_541 = arith.index_cast %rem3A_381 : i32 to index
        %parallel_loop3A_542 = arith.index_cast %parallel_loop3A_458 : i32 to index
        %parallel_loop3A_543 = arith.constant 112 : index
        %parallel_loop3A_544 = tpu.vector_load %arg14[%parallel_loop3A_541, %parallel_loop3A_542, %parallel_loop3A_543] {strides = array<i32>} : memref<2x200x128xf32, #tpu.memory_space<vmem>>, vector<1x1x16xf32>,
        %parallel_loop3A_545 = vector.shape_cast %parallel_loop3A_544 : vector<1x1x16xf32> to vector<16xf32>
        %parallel_loop3A_546 = arith.index_cast %parallel_loop3A_463 : i32 to index
        %parallel_loop3A_547 = arith.index_cast %parallel_loop3A_458 : i32 to index
        %parallel_loop3A_548 = arith.constant 112 : index
        %parallel_loop3A_549 = tpu.vector_load %arg15[%parallel_loop3A_546, %parallel_loop3A_547, %parallel_loop3A_548] {strides = array<i32>} : memref<2x200x128xf32, #tpu.memory_space<vmem>>, vector<1x1x16xf32>,
        %parallel_loop3A_550 = vector.shape_cast %parallel_loop3A_549 : vector<1x1x16xf32> to vector<16xf32>
        %parallel_loop3A_551 = arith.addf %parallel_loop3A_545, %parallel_loop3A_550 : vector<16xf32>
        %parallel_loop3A_552 = arith.addf %parallel_loop3A_474, %parallel_loop3A_485 : vector<16xf32>
        %parallel_loop3A_553 = arith.addf %parallel_loop3A_496, %parallel_loop3A_507 : vector<16xf32>
        %parallel_loop3A_554 = arith.addf %parallel_loop3A_518, %parallel_loop3A_529 : vector<16xf32>
        %parallel_loop3A_555 = arith.addf %parallel_loop3A_540, %parallel_loop3A_551 : vector<16xf32>
        %parallel_loop3A_556 = arith.addf %parallel_loop3A_552, %parallel_loop3A_553 : vector<16xf32>
        %parallel_loop3A_557 = arith.addf %parallel_loop3A_554, %parallel_loop3A_555 : vector<16xf32>
        %parallel_loop3A_558 = arith.addf %parallel_loop3A_556, %parallel_loop3A_557 : vector<16xf32>
        %parallel_loop3A_559 = arith.constant 0 : i32
        %parallel_loop3A_560 = vector.broadcast %parallel_loop3A_559 : i32 to vector<16xi32>
        %parallel_loop3A_561 = arith.cmpi slt, %xor3A_134, %parallel_loop3A_560 : vector<16xi32>
        %parallel_loop3A_562 = arith.constant 16 : i32
        %parallel_loop3A_563 = vector.broadcast %parallel_loop3A_562 : i32 to vector<16xi32>
        %parallel_loop3A_564 = arith.addi %xor3A_134, %parallel_loop3A_563 : vector<16xi32>
        %parallel_loop3A_565 = arith.select %parallel_loop3A_561, %parallel_loop3A_564, %xor3A_134 : vector<16xi1>, vector<16xi32>
        %parallel_loop3A_566 = vector.shape_cast %parallel_loop3A_565 : vector<16xi32> to vector<16x1xi32>
        %parallel_loop3A_567 = vector.shape_cast %parallel_loop3A_566 : vector<16x1xi32> to vector<16xi32>
        %parallel_loop3A_568 = tpu.dynamic_gather %parallel_loop3A_558[%parallel_loop3A_567] in [0] : vector<16xf32>, vector<16xi32> -> vector<16xf32>
        %parallel_loop3A_569 = arith.addf %parallel_loop3A_558, %parallel_loop3A_568 : vector<16xf32>
        %parallel_loop3A_570 = arith.constant 0 : i32
        %parallel_loop3A_571 = vector.broadcast %parallel_loop3A_570 : i32 to vector<16xi32>
        %parallel_loop3A_572 = arith.cmpi slt, %xor3A_137, %parallel_loop3A_571 : vector<16xi32>
        %parallel_loop3A_573 = arith.constant 16 : i32
        %parallel_loop3A_574 = vector.broadcast %parallel_loop3A_573 : i32 to vector<16xi32>
        %parallel_loop3A_575 = arith.addi %xor3A_137, %parallel_loop3A_574 : vector<16xi32>
        %parallel_loop3A_576 = arith.select %parallel_loop3A_572, %parallel_loop3A_575, %xor3A_137 : vector<16xi1>, vector<16xi32>
        %parallel_loop3A_577 = vector.shape_cast %parallel_loop3A_576 : vector<16xi32> to vector<16x1xi32>
        %parallel_loop3A_578 = vector.shape_cast %parallel_loop3A_577 : vector<16x1xi32> to vector<16xi32>
        %parallel_loop3A_579 = tpu.dynamic_gather %parallel_loop3A_569[%parallel_loop3A_578] in [0] : vector<16xf32>, vector<16xi32> -> vector<16xf32>
        %parallel_loop3A_580 = arith.addf %parallel_loop3A_569, %parallel_loop3A_579 : vector<16xf32>
        %parallel_loop3A_581 = arith.constant 0 : i32
        %parallel_loop3A_582 = vector.broadcast %parallel_loop3A_581 : i32 to vector<16xi32>
        %parallel_loop3A_583 = arith.cmpi slt, %xor3A_140, %parallel_loop3A_582 : vector<16xi32>
        %parallel_loop3A_584 = arith.constant 16 : i32
        %parallel_loop3A_585 = vector.broadcast %parallel_loop3A_584 : i32 to vector<16xi32>
        %parallel_loop3A_586 = arith.addi %xor3A_140, %parallel_loop3A_585 : vector<16xi32>
        %parallel_loop3A_587 = arith.select %parallel_loop3A_583, %parallel_loop3A_586, %xor3A_140 : vector<16xi1>, vector<16xi32>
        %parallel_loop3A_588 = vector.shape_cast %parallel_loop3A_587 : vector<16xi32> to vector<16x1xi32>
        %parallel_loop3A_589 = vector.shape_cast %parallel_loop3A_588 : vector<16x1xi32> to vector<16xi32>
        %parallel_loop3A_590 = tpu.dynamic_gather %parallel_loop3A_580[%parallel_loop3A_589] in [0] : vector<16xf32>, vector<16xi32> -> vector<16xf32>
        %parallel_loop3A_591 = arith.addf %parallel_loop3A_580, %parallel_loop3A_590 : vector<16xf32>
        %parallel_loop3A_592 = arith.constant 0 : i32
        %parallel_loop3A_593 = vector.broadcast %parallel_loop3A_592 : i32 to vector<16xi32>
        %parallel_loop3A_594 = arith.cmpi slt, %xor3A_143, %parallel_loop3A_593 : vector<16xi32>
        %parallel_loop3A_595 = arith.constant 16 : i32
        %parallel_loop3A_596 = vector.broadcast %parallel_loop3A_595 : i32 to vector<16xi32>
        %parallel_loop3A_597 = arith.addi %xor3A_143, %parallel_loop3A_596 : vector<16xi32>
        %parallel_loop3A_598 = arith.select %parallel_loop3A_594, %parallel_loop3A_597, %xor3A_143 : vector<16xi1>, vector<16xi32>
        %parallel_loop3A_599 = vector.shape_cast %parallel_loop3A_598 : vector<16xi32> to vector<16x1xi32>
        %parallel_loop3A_600 = vector.shape_cast %parallel_loop3A_599 : vector<16x1xi32> to vector<16xi32>
        %parallel_loop3A_601 = tpu.dynamic_gather %parallel_loop3A_591[%parallel_loop3A_600] in [0] : vector<16xf32>, vector<16xi32> -> vector<16xf32>
        %parallel_loop3A_602 = arith.addf %parallel_loop3A_591, %parallel_loop3A_601 : vector<16xf32>
        %parallel_loop3A_603 = arith.constant 7.812500e-03 : f32
        %parallel_loop3A_604 = vector.broadcast %parallel_loop3A_603 : f32 to vector<16xf32>
        %parallel_loop3A_605 = arith.mulf %parallel_loop3A_602, %parallel_loop3A_604 : vector<16xf32>
        %parallel_loop3A_606 = arith.subf %parallel_loop3A_474, %parallel_loop3A_605 : vector<16xf32>
        %parallel_loop3A_607 = arith.subf %parallel_loop3A_485, %parallel_loop3A_605 : vector<16xf32>
        %parallel_loop3A_608 = arith.subf %parallel_loop3A_496, %parallel_loop3A_605 : vector<16xf32>
        %parallel_loop3A_609 = arith.subf %parallel_loop3A_507, %parallel_loop3A_605 : vector<16xf32>
        %parallel_loop3A_610 = arith.subf %parallel_loop3A_518, %parallel_loop3A_605 : vector<16xf32>
        %parallel_loop3A_611 = arith.subf %parallel_loop3A_529, %parallel_loop3A_605 : vector<16xf32>
        %parallel_loop3A_612 = arith.subf %parallel_loop3A_540, %parallel_loop3A_605 : vector<16xf32>
        %parallel_loop3A_613 = arith.subf %parallel_loop3A_551, %parallel_loop3A_605 : vector<16xf32>
        %parallel_loop3A_614 = arith.mulf %parallel_loop3A_606, %parallel_loop3A_606 : vector<16xf32>
        %parallel_loop3A_615 = arith.mulf %parallel_loop3A_607, %parallel_loop3A_607 : vector<16xf32>
        %parallel_loop3A_616 = arith.mulf %parallel_loop3A_608, %parallel_loop3A_608 : vector<16xf32>
        %parallel_loop3A_617 = arith.mulf %parallel_loop3A_609, %parallel_loop3A_609 : vector<16xf32>
        %parallel_loop3A_618 = arith.mulf %parallel_loop3A_610, %parallel_loop3A_610 : vector<16xf32>
        %parallel_loop3A_619 = arith.mulf %parallel_loop3A_611, %parallel_loop3A_611 : vector<16xf32>
        %parallel_loop3A_620 = arith.mulf %parallel_loop3A_612, %parallel_loop3A_612 : vector<16xf32>
        %parallel_loop3A_621 = arith.mulf %parallel_loop3A_613, %parallel_loop3A_613 : vector<16xf32>
        %parallel_loop3A_622 = arith.addf %parallel_loop3A_614, %parallel_loop3A_615 : vector<16xf32>
        %parallel_loop3A_623 = arith.addf %parallel_loop3A_616, %parallel_loop3A_617 : vector<16xf32>
        %parallel_loop3A_624 = arith.addf %parallel_loop3A_618, %parallel_loop3A_619 : vector<16xf32>
        %parallel_loop3A_625 = arith.addf %parallel_loop3A_620, %parallel_loop3A_621 : vector<16xf32>
        %parallel_loop3A_626 = arith.addf %parallel_loop3A_622, %parallel_loop3A_623 : vector<16xf32>
        %parallel_loop3A_627 = arith.addf %parallel_loop3A_624, %parallel_loop3A_625 : vector<16xf32>
        %parallel_loop3A_628 = arith.addf %parallel_loop3A_626, %parallel_loop3A_627 : vector<16xf32>
        %parallel_loop3A_629 = arith.constant 0 : i32
        %parallel_loop3A_630 = vector.broadcast %parallel_loop3A_629 : i32 to vector<16xi32>
        %parallel_loop3A_631 = arith.cmpi slt, %xor3A_134, %parallel_loop3A_630 : vector<16xi32>
        %parallel_loop3A_632 = arith.constant 16 : i32
        %parallel_loop3A_633 = vector.broadcast %parallel_loop3A_632 : i32 to vector<16xi32>
        %parallel_loop3A_634 = arith.addi %xor3A_134, %parallel_loop3A_633 : vector<16xi32>
        %parallel_loop3A_635 = arith.select %parallel_loop3A_631, %parallel_loop3A_634, %xor3A_134 : vector<16xi1>, vector<16xi32>
        %parallel_loop3A_636 = vector.shape_cast %parallel_loop3A_635 : vector<16xi32> to vector<16x1xi32>
        %parallel_loop3A_637 = vector.shape_cast %parallel_loop3A_636 : vector<16x1xi32> to vector<16xi32>
        %parallel_loop3A_638 = tpu.dynamic_gather %parallel_loop3A_628[%parallel_loop3A_637] in [0] : vector<16xf32>, vector<16xi32> -> vector<16xf32>
        %parallel_loop3A_639 = arith.addf %parallel_loop3A_628, %parallel_loop3A_638 : vector<16xf32>
        %parallel_loop3A_640 = arith.constant 0 : i32
        %parallel_loop3A_641 = vector.broadcast %parallel_loop3A_640 : i32 to vector<16xi32>
        %parallel_loop3A_642 = arith.cmpi slt, %xor3A_137, %parallel_loop3A_641 : vector<16xi32>
        %parallel_loop3A_643 = arith.constant 16 : i32
        %parallel_loop3A_644 = vector.broadcast %parallel_loop3A_643 : i32 to vector<16xi32>
        %parallel_loop3A_645 = arith.addi %xor3A_137, %parallel_loop3A_644 : vector<16xi32>
        %parallel_loop3A_646 = arith.select %parallel_loop3A_642, %parallel_loop3A_645, %xor3A_137 : vector<16xi1>, vector<16xi32>
        %parallel_loop3A_647 = vector.shape_cast %parallel_loop3A_646 : vector<16xi32> to vector<16x1xi32>
        %parallel_loop3A_648 = vector.shape_cast %parallel_loop3A_647 : vector<16x1xi32> to vector<16xi32>
        %parallel_loop3A_649 = tpu.dynamic_gather %parallel_loop3A_639[%parallel_loop3A_648] in [0] : vector<16xf32>, vector<16xi32> -> vector<16xf32>
        %parallel_loop3A_650 = arith.addf %parallel_loop3A_639, %parallel_loop3A_649 : vector<16xf32>
        %parallel_loop3A_651 = arith.constant 0 : i32
        %parallel_loop3A_652 = vector.broadcast %parallel_loop3A_651 : i32 to vector<16xi32>
        %parallel_loop3A_653 = arith.cmpi slt, %xor3A_140, %parallel_loop3A_652 : vector<16xi32>
        %parallel_loop3A_654 = arith.constant 16 : i32
        %parallel_loop3A_655 = vector.broadcast %parallel_loop3A_654 : i32 to vector<16xi32>
        %parallel_loop3A_656 = arith.addi %xor3A_140, %parallel_loop3A_655 : vector<16xi32>
        %parallel_loop3A_657 = arith.select %parallel_loop3A_653, %parallel_loop3A_656, %xor3A_140 : vector<16xi1>, vector<16xi32>
        %parallel_loop3A_658 = vector.shape_cast %parallel_loop3A_657 : vector<16xi32> to vector<16x1xi32>
        %parallel_loop3A_659 = vector.shape_cast %parallel_loop3A_658 : vector<16x1xi32> to vector<16xi32>
        %parallel_loop3A_660 = tpu.dynamic_gather %parallel_loop3A_650[%parallel_loop3A_659] in [0] : vector<16xf32>, vector<16xi32> -> vector<16xf32>
        %parallel_loop3A_661 = arith.addf %parallel_loop3A_650, %parallel_loop3A_660 : vector<16xf32>
        %parallel_loop3A_662 = arith.constant 0 : i32
        %parallel_loop3A_663 = vector.broadcast %parallel_loop3A_662 : i32 to vector<16xi32>
        %parallel_loop3A_664 = arith.cmpi slt, %xor3A_143, %parallel_loop3A_663 : vector<16xi32>
        %parallel_loop3A_665 = arith.constant 16 : i32
        %parallel_loop3A_666 = vector.broadcast %parallel_loop3A_665 : i32 to vector<16xi32>
        %parallel_loop3A_667 = arith.addi %xor3A_143, %parallel_loop3A_666 : vector<16xi32>
        %parallel_loop3A_668 = arith.select %parallel_loop3A_664, %parallel_loop3A_667, %xor3A_143 : vector<16xi1>, vector<16xi32>
        %parallel_loop3A_669 = vector.shape_cast %parallel_loop3A_668 : vector<16xi32> to vector<16x1xi32>
        %parallel_loop3A_670 = vector.shape_cast %parallel_loop3A_669 : vector<16x1xi32> to vector<16xi32>
        %parallel_loop3A_671 = tpu.dynamic_gather %parallel_loop3A_661[%parallel_loop3A_670] in [0] : vector<16xf32>, vector<16xi32> -> vector<16xf32>
        %parallel_loop3A_672 = arith.addf %parallel_loop3A_661, %parallel_loop3A_671 : vector<16xf32>
        %parallel_loop3A_673 = arith.constant 7.812500e-03 : f32
        %parallel_loop3A_674 = vector.broadcast %parallel_loop3A_673 : f32 to vector<16xf32>
        %parallel_loop3A_675 = arith.mulf %parallel_loop3A_672, %parallel_loop3A_674 : vector<16xf32>
        %parallel_loop3A_676 = arith.constant 9.99999974E-6 : f32
        %parallel_loop3A_677 = vector.broadcast %parallel_loop3A_676 : f32 to vector<16xf32>
        %parallel_loop3A_678 = arith.addf %parallel_loop3A_675, %parallel_loop3A_677 : vector<16xf32>
        %parallel_loop3A_679 = tpu.bitcast %parallel_loop3A_678 : vector<16xf32> -> vector<16xi32>
        %parallel_loop3A_680 = arith.constant 1 : i32
        %parallel_loop3A_681 = vector.broadcast %parallel_loop3A_680 : i32 to vector<16xi32>
        %parallel_loop3A_682 = arith.shrui %parallel_loop3A_679, %parallel_loop3A_681 : vector<16xi32>
        %parallel_loop3A_683 = arith.constant 1597463007 : i32
        %parallel_loop3A_684 = vector.broadcast %parallel_loop3A_683 : i32 to vector<16xi32>
        %parallel_loop3A_685 = arith.subi %parallel_loop3A_684, %parallel_loop3A_682 : vector<16xi32>
        %parallel_loop3A_686 = tpu.bitcast %parallel_loop3A_685 : vector<16xi32> -> vector<16xf32>
        %parallel_loop3A_687 = arith.constant 5.000000e-01 : f32
        %parallel_loop3A_688 = vector.broadcast %parallel_loop3A_687 : f32 to vector<16xf32>
        %parallel_loop3A_689 = arith.mulf %parallel_loop3A_688, %parallel_loop3A_678 : vector<16xf32>
        %parallel_loop3A_690 = arith.mulf %parallel_loop3A_689, %parallel_loop3A_686 : vector<16xf32>
        %parallel_loop3A_691 = arith.mulf %parallel_loop3A_690, %parallel_loop3A_686 : vector<16xf32>
        %parallel_loop3A_692 = arith.constant 1.500000e+00 : f32
        %parallel_loop3A_693 = vector.broadcast %parallel_loop3A_692 : f32 to vector<16xf32>
        %parallel_loop3A_694 = arith.subf %parallel_loop3A_693, %parallel_loop3A_691 : vector<16xf32>
        %parallel_loop3A_695 = arith.mulf %parallel_loop3A_686, %parallel_loop3A_694 : vector<16xf32>
        %parallel_loop3A_696 = arith.mulf %parallel_loop3A_606, %parallel_loop3A_695 : vector<16xf32>
        %parallel_loop3A_697 = arith.mulf %parallel_loop3A_696, %get3A_87 : vector<16xf32>
        %parallel_loop3A_698 = arith.addf %parallel_loop3A_697, %get3A_111 : vector<16xf32>
        %parallel_loop3A_699 = arith.index_cast %rem3A_381 : i32 to index
        %parallel_loop3A_700 = arith.index_cast %parallel_loop3A_458 : i32 to index
        %parallel_loop3A_701 = arith.constant 0 : index
        %parallel_loop3A_702 = tpu.vector_load %arg14[%parallel_loop3A_699, %parallel_loop3A_700, %parallel_loop3A_701] {strides = array<i32>} : memref<2x200x128xf32, #tpu.memory_space<vmem>>, vector<1x1x16xf32>,
        %parallel_loop3A_703 = vector.shape_cast %parallel_loop3A_702 : vector<1x1x16xf32> to vector<16xf32>
        %parallel_loop3A_704 = vector.shape_cast %parallel_loop3A_698 : vector<16xf32> to vector<1x1x16xf32>
        tpu.vector_store %arg14[%parallel_loop3A_699, %parallel_loop3A_700, %parallel_loop3A_701], %parallel_loop3A_704 {strides = array<i32>} : memref<2x200x128xf32, #tpu.memory_space<vmem>>, vector<1x1x16xf32>,
        %parallel_loop3A_705 = arith.mulf %parallel_loop3A_607, %parallel_loop3A_695 : vector<16xf32>
        %parallel_loop3A_706 = arith.mulf %parallel_loop3A_705, %get3A_90 : vector<16xf32>
        %parallel_loop3A_707 = arith.addf %parallel_loop3A_706, %get3A_114 : vector<16xf32>
        %parallel_loop3A_708 = arith.index_cast %rem3A_381 : i32 to index
        %parallel_loop3A_709 = arith.index_cast %parallel_loop3A_458 : i32 to index
        %parallel_loop3A_710 = arith.constant 16 : index
        %parallel_loop3A_711 = tpu.vector_load %arg14[%parallel_loop3A_708, %parallel_loop3A_709, %parallel_loop3A_710] {strides = array<i32>} : memref<2x200x128xf32, #tpu.memory_space<vmem>>, vector<1x1x16xf32>,
        %parallel_loop3A_712 = vector.shape_cast %parallel_loop3A_711 : vector<1x1x16xf32> to vector<16xf32>
        %parallel_loop3A_713 = vector.shape_cast %parallel_loop3A_707 : vector<16xf32> to vector<1x1x16xf32>
        tpu.vector_store %arg14[%parallel_loop3A_708, %parallel_loop3A_709, %parallel_loop3A_710], %parallel_loop3A_713 {strides = array<i32>} : memref<2x200x128xf32, #tpu.memory_space<vmem>>, vector<1x1x16xf32>,
        %parallel_loop3A_714 = arith.mulf %parallel_loop3A_608, %parallel_loop3A_695 : vector<16xf32>
        %parallel_loop3A_715 = arith.mulf %parallel_loop3A_714, %get3A_93 : vector<16xf32>
        %parallel_loop3A_716 = arith.addf %parallel_loop3A_715, %get3A_117 : vector<16xf32>
        %parallel_loop3A_717 = arith.index_cast %rem3A_381 : i32 to index
        %parallel_loop3A_718 = arith.index_cast %parallel_loop3A_458 : i32 to index
        %parallel_loop3A_719 = arith.constant 32 : index
        %parallel_loop3A_720 = tpu.vector_load %arg14[%parallel_loop3A_717, %parallel_loop3A_718, %parallel_loop3A_719] {strides = array<i32>} : memref<2x200x128xf32, #tpu.memory_space<vmem>>, vector<1x1x16xf32>,
        %parallel_loop3A_721 = vector.shape_cast %parallel_loop3A_720 : vector<1x1x16xf32> to vector<16xf32>
        %parallel_loop3A_722 = vector.shape_cast %parallel_loop3A_716 : vector<16xf32> to vector<1x1x16xf32>
        tpu.vector_store %arg14[%parallel_loop3A_717, %parallel_loop3A_718, %parallel_loop3A_719], %parallel_loop3A_722 {strides = array<i32>} : memref<2x200x128xf32, #tpu.memory_space<vmem>>, vector<1x1x16xf32>,
        %parallel_loop3A_723 = arith.mulf %parallel_loop3A_609, %parallel_loop3A_695 : vector<16xf32>
        %parallel_loop3A_724 = arith.mulf %parallel_loop3A_723, %get3A_96 : vector<16xf32>
        %parallel_loop3A_725 = arith.addf %parallel_loop3A_724, %get3A_120 : vector<16xf32>
        %parallel_loop3A_726 = arith.index_cast %rem3A_381 : i32 to index
        %parallel_loop3A_727 = arith.index_cast %parallel_loop3A_458 : i32 to index
        %parallel_loop3A_728 = arith.constant 48 : index
        %parallel_loop3A_729 = tpu.vector_load %arg14[%parallel_loop3A_726, %parallel_loop3A_727, %parallel_loop3A_728] {strides = array<i32>} : memref<2x200x128xf32, #tpu.memory_space<vmem>>, vector<1x1x16xf32>,
        %parallel_loop3A_730 = vector.shape_cast %parallel_loop3A_729 : vector<1x1x16xf32> to vector<16xf32>
        %parallel_loop3A_731 = vector.shape_cast %parallel_loop3A_725 : vector<16xf32> to vector<1x1x16xf32>
        tpu.vector_store %arg14[%parallel_loop3A_726, %parallel_loop3A_727, %parallel_loop3A_728], %parallel_loop3A_731 {strides = array<i32>} : memref<2x200x128xf32, #tpu.memory_space<vmem>>, vector<1x1x16xf32>,
        %parallel_loop3A_732 = arith.mulf %parallel_loop3A_610, %parallel_loop3A_695 : vector<16xf32>
        %parallel_loop3A_733 = arith.mulf %parallel_loop3A_732, %get3A_99 : vector<16xf32>
        %parallel_loop3A_734 = arith.addf %parallel_loop3A_733, %get3A_123 : vector<16xf32>
        %parallel_loop3A_735 = arith.index_cast %rem3A_381 : i32 to index
        %parallel_loop3A_736 = arith.index_cast %parallel_loop3A_458 : i32 to index
        %parallel_loop3A_737 = arith.constant 64 : index
        %parallel_loop3A_738 = tpu.vector_load %arg14[%parallel_loop3A_735, %parallel_loop3A_736, %parallel_loop3A_737] {strides = array<i32>} : memref<2x200x128xf32, #tpu.memory_space<vmem>>, vector<1x1x16xf32>,
        %parallel_loop3A_739 = vector.shape_cast %parallel_loop3A_738 : vector<1x1x16xf32> to vector<16xf32>
        %parallel_loop3A_740 = vector.shape_cast %parallel_loop3A_734 : vector<16xf32> to vector<1x1x16xf32>
        tpu.vector_store %arg14[%parallel_loop3A_735, %parallel_loop3A_736, %parallel_loop3A_737], %parallel_loop3A_740 {strides = array<i32>} : memref<2x200x128xf32, #tpu.memory_space<vmem>>, vector<1x1x16xf32>,
        %parallel_loop3A_741 = arith.mulf %parallel_loop3A_611, %parallel_loop3A_695 : vector<16xf32>
        %parallel_loop3A_742 = arith.mulf %parallel_loop3A_741, %get3A_102 : vector<16xf32>
        %parallel_loop3A_743 = arith.addf %parallel_loop3A_742, %get3A_126 : vector<16xf32>
        %parallel_loop3A_744 = arith.index_cast %rem3A_381 : i32 to index
        %parallel_loop3A_745 = arith.index_cast %parallel_loop3A_458 : i32 to index
        %parallel_loop3A_746 = arith.constant 80 : index
        %parallel_loop3A_747 = tpu.vector_load %arg14[%parallel_loop3A_744, %parallel_loop3A_745, %parallel_loop3A_746] {strides = array<i32>} : memref<2x200x128xf32, #tpu.memory_space<vmem>>, vector<1x1x16xf32>,
        %parallel_loop3A_748 = vector.shape_cast %parallel_loop3A_747 : vector<1x1x16xf32> to vector<16xf32>
        %parallel_loop3A_749 = vector.shape_cast %parallel_loop3A_743 : vector<16xf32> to vector<1x1x16xf32>
        tpu.vector_store %arg14[%parallel_loop3A_744, %parallel_loop3A_745, %parallel_loop3A_746], %parallel_loop3A_749 {strides = array<i32>} : memref<2x200x128xf32, #tpu.memory_space<vmem>>, vector<1x1x16xf32>,
        %parallel_loop3A_750 = arith.mulf %parallel_loop3A_612, %parallel_loop3A_695 : vector<16xf32>
        %parallel_loop3A_751 = arith.mulf %parallel_loop3A_750, %get3A_105 : vector<16xf32>
        %parallel_loop3A_752 = arith.addf %parallel_loop3A_751, %get3A_129 : vector<16xf32>
        %parallel_loop3A_753 = arith.index_cast %rem3A_381 : i32 to index
        %parallel_loop3A_754 = arith.index_cast %parallel_loop3A_458 : i32 to index
        %parallel_loop3A_755 = arith.constant 96 : index
        %parallel_loop3A_756 = tpu.vector_load %arg14[%parallel_loop3A_753, %parallel_loop3A_754, %parallel_loop3A_755] {strides = array<i32>} : memref<2x200x128xf32, #tpu.memory_space<vmem>>, vector<1x1x16xf32>,
        %parallel_loop3A_757 = vector.shape_cast %parallel_loop3A_756 : vector<1x1x16xf32> to vector<16xf32>
        %parallel_loop3A_758 = vector.shape_cast %parallel_loop3A_752 : vector<16xf32> to vector<1x1x16xf32>
        tpu.vector_store %arg14[%parallel_loop3A_753, %parallel_loop3A_754, %parallel_loop3A_755], %parallel_loop3A_758 {strides = array<i32>} : memref<2x200x128xf32, #tpu.memory_space<vmem>>, vector<1x1x16xf32>,
        %parallel_loop3A_759 = arith.mulf %parallel_loop3A_613, %parallel_loop3A_695 : vector<16xf32>
        %parallel_loop3A_760 = arith.mulf %parallel_loop3A_759, %get3A_108 : vector<16xf32>
        %parallel_loop3A_761 = arith.addf %parallel_loop3A_760, %get3A_132 : vector<16xf32>
        %parallel_loop3A_762 = arith.index_cast %rem3A_381 : i32 to index
        %parallel_loop3A_763 = arith.index_cast %parallel_loop3A_458 : i32 to index
        %parallel_loop3A_764 = arith.constant 112 : index
        %parallel_loop3A_765 = tpu.vector_load %arg14[%parallel_loop3A_762, %parallel_loop3A_763, %parallel_loop3A_764] {strides = array<i32>} : memref<2x200x128xf32, #tpu.memory_space<vmem>>, vector<1x1x16xf32>,
        %parallel_loop3A_766 = vector.shape_cast %parallel_loop3A_765 : vector<1x1x16xf32> to vector<16xf32>
        %parallel_loop3A_767 = vector.shape_cast %parallel_loop3A_761 : vector<16xf32> to vector<1x1x16xf32>
        tpu.vector_store %arg14[%parallel_loop3A_762, %parallel_loop3A_763, %parallel_loop3A_764], %parallel_loop3A_767 {strides = array<i32>} : memref<2x200x128xf32, #tpu.memory_space<vmem>>, vector<1x1x16xf32>,
      } {sc.loop_unroll_factor = 2 : i64, sc.parallel_access}
      %mul3A_434 = arith.constant 200 : i32
      %mul3A_435 = arith.muli %add3A_379, %mul3A_434 : i32
      %add3A_436 = arith.addi %mul3A_2, %mul3A_435 : i32
      %add3A_437 = arith.constant 104 : i32
      %add3A_438 = arith.addi %add3A_436, %add3A_437 : i32
      %dma_start3A_439 = arith.constant 104 : i32
      %dma_start3A_440 = arith.constant 0 : i32
      %dma_start3A_441 = tpu.memref_slice %arg14[%rem3A_381, %dma_start3A_439, %dma_start3A_440] : memref<2x200x128xf32, #tpu.memory_space<vmem>> -> memref<1x96x128xf32, #tpu.memory_space<vmem>>
      %dma_start3A_442 = tpu.memref_squeeze %dma_start3A_441 : memref<1x96x128xf32, #tpu.memory_space<vmem>> -> memref<96x128xf32, #tpu.memory_space<vmem>>
      %dma_start3A_443 = arith.constant 0 : i32
      %dma_start3A_444 = tpu.memref_slice %arg9[%add3A_438, %dma_start3A_443] : memref<204800x128xf32, #tpu.memory_space<hbm>> -> memref<96x128xf32, #tpu.memory_space<hbm>>
      %dma_start3A_445 = tpu.memref_slice %arg20[%rem3A_381] : memref<2x!tpu.dma_semaphore, #tpu.memory_space<semaphore_mem>> -> memref<1x!tpu.dma_semaphore, #tpu.memory_space<semaphore_mem>>
      %dma_start3A_446 = tpu.memref_squeeze %dma_start3A_445 : memref<1x!tpu.dma_semaphore, #tpu.memory_space<semaphore_mem>> -> memref<!tpu.dma_semaphore, #tpu.memory_space<semaphore_mem>>
      %dma_start3A_447 = arith.constant 0 : i32
      %dma_start3A_448 = tpu.memref_slice %arg9[%add3A_438, %dma_start3A_447] : memref<204800x128xf32, #tpu.memory_space<hbm>> -> memref<96x128xf32, #tpu.memory_space<hbm>>
      %dma_start3A_449 = arith.constant 104 : i32
      %dma_start3A_450 = arith.constant 0 : i32
      %dma_start3A_451 = tpu.memref_slice %arg14[%rem3A_381, %dma_start3A_449, %dma_start3A_450] : memref<2x200x128xf32, #tpu.memory_space<vmem>> -> memref<1x96x128xf32, #tpu.memory_space<vmem>>
      %dma_start3A_452 = tpu.memref_squeeze %dma_start3A_451 : memref<1x96x128xf32, #tpu.memory_space<vmem>> -> memref<96x128xf32, #tpu.memory_space<vmem>>
      tpu.enqueue_dma source(%dma_start3A_452 : memref<96x128xf32, #tpu.memory_space<vmem>>) target(%dma_start3A_448 : memref<96x128xf32, #tpu.memory_space<hbm>>) target_semaphore(%dma_start3A_446 : memref<!tpu.dma_semaphore, #tpu.memory_space<semaphore_mem>>)
      %lt3A_453 = arith.constant 30 : i32
      %lt3A_454 = arith.cmpi slt, %add3A_379, %lt3A_453 : i32
      %convert_element_type3A_455 = arith.extui %lt3A_454 : i1 to i32
      %cond3A_456 = arith.constant 0 : i32
      %cond3A_457 = arith.cmpi ne, %convert_element_type3A_455, %cond3A_456 : i32
      scf.if %cond3A_457 {
        %add3A_458 = arith.constant 2 : i32
        %add3A_459 = arith.addi %add3A_379, %add3A_458 : i32
        %mul3A_460 = arith.constant 64 : i32
        %mul3A_461 = arith.muli %add3A, %mul3A_460 : i32
        %mul3A_462 = arith.constant 2 : i32
        %mul3A_463 = arith.muli %mul3A_462, %add3A_459 : i32
        %add3A_464 = arith.addi %mul3A_461, %mul3A_463 : i32
        %mul3A_465 = arith.constant 200 : i32
        %mul3A_466 = arith.muli %add3A_459, %mul3A_465 : i32
        %add3A_467 = arith.addi %mul3A_2, %mul3A_466 : i32
        %dma_start3A_468 = arith.constant 0 : i32
        %dma_start3A_469 = tpu.memref_slice %arg2[%add3A_464, %dma_start3A_468] : memref<2048x100xi32, #tpu.memory_space<hbm>> -> memref<2x100xi32, #tpu.memory_space<hbm>>
        %dma_start3A_470 = arith.constant 0 : i32
        %dma_start3A_471 = tpu.memref_slice %arg2[%add3A_464, %dma_start3A_470] : memref<2048x100xi32, #tpu.memory_space<hbm>> -> memref<2x100xi32, #tpu.memory_space<hbm>>
        tpu.enqueue_dma source(%dma_start3A_471 : memref<2x100xi32, #tpu.memory_space<hbm>>) target(%arg11 : memref<2x100xi32, #tpu.memory_space<vmem>>) target_semaphore(%arg21 : memref<!tpu.dma_semaphore, #tpu.memory_space<semaphore_mem>>)
        %dma_start3A_472 = arith.constant 0 : i32
        %dma_start3A_473 = tpu.memref_slice %arg13[%dma_start3A_472] : memref<216xi32, #tpu.memory_space<vmem>> -> memref<200xi32, #tpu.memory_space<vmem>>
        %dma_start3A_474 = tpu.memref_slice %arg3[%add3A_467] : memref<204800xi32, #tpu.memory_space<hbm>> -> memref<200xi32, #tpu.memory_space<hbm>>
        %dma_start3A_475 = arith.constant 0 : i32
        %dma_start3A_476 = tpu.memref_slice %arg13[%dma_start3A_475] : memref<216xi32, #tpu.memory_space<vmem>> -> memref<200xi32, #tpu.memory_space<vmem>>
        %dma_start3A_477 = tpu.memref_slice %arg3[%add3A_467] : memref<204800xi32, #tpu.memory_space<hbm>> -> memref<200xi32, #tpu.memory_space<hbm>>
        tpu.enqueue_dma source(%dma_start3A_477 : memref<200xi32, #tpu.memory_space<hbm>>) target(%dma_start3A_476 : memref<200xi32, #tpu.memory_space<vmem>>) target_semaphore(%arg21 : memref<!tpu.dma_semaphore, #tpu.memory_space<semaphore_mem>>)
      } else {
      }
    }
    %scan3A_218 = arith.constant 16 : i32
    %add3A_219 = arith.constant 6000 : i32
    %add3A_220 = arith.addi %mul3A_2, %add3A_219 : i32
    %add3A_221 = arith.constant 0 : i32
    %add3A_222 = arith.addi %add3A_220, %add3A_221 : i32
    %add3A_223 = arith.constant 6000 : i32
    %add3A_224 = arith.addi %mul3A_2, %add3A_223 : i32
    %add3A_225 = arith.constant 104 : i32
    %add3A_226 = arith.addi %add3A_224, %add3A_225 : i32
    %dma_wait3A_227 = arith.constant 0 : i32
    %dma_wait3A_228 = arith.constant 0 : i32
    %dma_wait3A_229 = arith.constant 0 : i32
    %dma_wait3A_230 = arith.constant 0 : i32
    %dma_wait3A_231 = tpu.memref_slice %arg14[%dma_wait3A_227, %dma_wait3A_229, %dma_wait3A_230] : memref<2x200x128xf32, #tpu.memory_space<vmem>> -> memref<1x104x128xf32, #tpu.memory_space<vmem>>
    %dma_wait3A_232 = tpu.memref_squeeze %dma_wait3A_231 : memref<1x104x128xf32, #tpu.memory_space<vmem>> -> memref<104x128xf32, #tpu.memory_space<vmem>>
    %dma_wait3A_233 = arith.constant 0 : i32
    %dma_wait3A_234 = tpu.memref_slice %arg9[%add3A_222, %dma_wait3A_233] : memref<204800x128xf32, #tpu.memory_space<hbm>> -> memref<104x128xf32, #tpu.memory_space<hbm>>
    %dma_wait3A_235 = tpu.memref_slice %arg20[%dma_wait3A_228] : memref<2x!tpu.dma_semaphore, #tpu.memory_space<semaphore_mem>> -> memref<1x!tpu.dma_semaphore, #tpu.memory_space<semaphore_mem>>
    %dma_wait3A_236 = tpu.memref_squeeze %dma_wait3A_235 : memref<1x!tpu.dma_semaphore, #tpu.memory_space<semaphore_mem>> -> memref<!tpu.dma_semaphore, #tpu.memory_space<semaphore_mem>>
    %dma_wait3A_237 = arith.constant 0 : i32
    %dma_wait3A_238 = tpu.memref_slice %arg9[%add3A_222, %dma_wait3A_237] : memref<204800x128xf32, #tpu.memory_space<hbm>> -> memref<104x128xf32, #tpu.memory_space<hbm>>
    %dma_wait3A_239 = arith.constant 0 : i32
    %dma_wait3A_240 = arith.constant 0 : i32
    %dma_wait3A_241 = tpu.memref_slice %arg14[%dma_wait3A_227, %dma_wait3A_239, %dma_wait3A_240] : memref<2x200x128xf32, #tpu.memory_space<vmem>> -> memref<1x104x128xf32, #tpu.memory_space<vmem>>
    %dma_wait3A_242 = tpu.memref_squeeze %dma_wait3A_241 : memref<1x104x128xf32, #tpu.memory_space<vmem>> -> memref<104x128xf32, #tpu.memory_space<vmem>>
    tpu.wait_dma2 semaphore(%dma_wait3A_236 : memref<!tpu.dma_semaphore, #tpu.memory_space<semaphore_mem>>) src(%dma_wait3A_242 : memref<104x128xf32, #tpu.memory_space<vmem>>) dst(%dma_wait3A_238 : memref<104x128xf32, #tpu.memory_space<hbm>>)
    %dma_wait3A_243 = arith.constant 0 : i32
    %dma_wait3A_244 = arith.constant 0 : i32
    %dma_wait3A_245 = arith.constant 104 : i32
    %dma_wait3A_246 = arith.constant 0 : i32
    %dma_wait3A_247 = tpu.memref_slice %arg14[%dma_wait3A_243, %dma_wait3A_245, %dma_wait3A_246] : memref<2x200x128xf32, #tpu.memory_space<vmem>> -> memref<1x96x128xf32, #tpu.memory_space<vmem>>
    %dma_wait3A_248 = tpu.memref_squeeze %dma_wait3A_247 : memref<1x96x128xf32, #tpu.memory_space<vmem>> -> memref<96x128xf32, #tpu.memory_space<vmem>>
    %dma_wait3A_249 = arith.constant 0 : i32
    %dma_wait3A_250 = tpu.memref_slice %arg9[%add3A_226, %dma_wait3A_249] : memref<204800x128xf32, #tpu.memory_space<hbm>> -> memref<96x128xf32, #tpu.memory_space<hbm>>
    %dma_wait3A_251 = tpu.memref_slice %arg20[%dma_wait3A_244] : memref<2x!tpu.dma_semaphore, #tpu.memory_space<semaphore_mem>> -> memref<1x!tpu.dma_semaphore, #tpu.memory_space<semaphore_mem>>
    %dma_wait3A_252 = tpu.memref_squeeze %dma_wait3A_251 : memref<1x!tpu.dma_semaphore, #tpu.memory_space<semaphore_mem>> -> memref<!tpu.dma_semaphore, #tpu.memory_space<semaphore_mem>>
    %dma_wait3A_253 = arith.constant 0 : i32
    %dma_wait3A_254 = tpu.memref_slice %arg9[%add3A_226, %dma_wait3A_253] : memref<204800x128xf32, #tpu.memory_space<hbm>> -> memref<96x128xf32, #tpu.memory_space<hbm>>
    %dma_wait3A_255 = arith.constant 104 : i32
    %dma_wait3A_256 = arith.constant 0 : i32
    %dma_wait3A_257 = tpu.memref_slice %arg14[%dma_wait3A_243, %dma_wait3A_255, %dma_wait3A_256] : memref<2x200x128xf32, #tpu.memory_space<vmem>> -> memref<1x96x128xf32, #tpu.memory_space<vmem>>
    %dma_wait3A_258 = tpu.memref_squeeze %dma_wait3A_257 : memref<1x96x128xf32, #tpu.memory_space<vmem>> -> memref<96x128xf32, #tpu.memory_space<vmem>>
    tpu.wait_dma2 semaphore(%dma_wait3A_252 : memref<!tpu.dma_semaphore, #tpu.memory_space<semaphore_mem>>) src(%dma_wait3A_258 : memref<96x128xf32, #tpu.memory_space<vmem>>) dst(%dma_wait3A_254 : memref<96x128xf32, #tpu.memory_space<hbm>>)
    %add3A_259 = arith.constant 6200 : i32
    %add3A_260 = arith.addi %mul3A_2, %add3A_259 : i32
    %add3A_261 = arith.constant 0 : i32
    %add3A_262 = arith.addi %add3A_260, %add3A_261 : i32
    %add3A_263 = arith.constant 6200 : i32
    %add3A_264 = arith.addi %mul3A_2, %add3A_263 : i32
    %add3A_265 = arith.constant 104 : i32
    %add3A_266 = arith.addi %add3A_264, %add3A_265 : i32
    %dma_wait3A_267 = arith.constant 1 : i32
    %dma_wait3A_268 = arith.constant 1 : i32
    %dma_wait3A_269 = arith.constant 0 : i32
    %dma_wait3A_270 = arith.constant 0 : i32
    %dma_wait3A_271 = tpu.memref_slice %arg14[%dma_wait3A_267, %dma_wait3A_269, %dma_wait3A_270] : memref<2x200x128xf32, #tpu.memory_space<vmem>> -> memref<1x104x128xf32, #tpu.memory_space<vmem>>
    %dma_wait3A_272 = tpu.memref_squeeze %dma_wait3A_271 : memref<1x104x128xf32, #tpu.memory_space<vmem>> -> memref<104x128xf32, #tpu.memory_space<vmem>>
    %dma_wait3A_273 = arith.constant 0 : i32
    %dma_wait3A_274 = tpu.memref_slice %arg9[%add3A_262, %dma_wait3A_273] : memref<204800x128xf32, #tpu.memory_space<hbm>> -> memref<104x128xf32, #tpu.memory_space<hbm>>
    %dma_wait3A_275 = tpu.memref_slice %arg20[%dma_wait3A_268] : memref<2x!tpu.dma_semaphore, #tpu.memory_space<semaphore_mem>> -> memref<1x!tpu.dma_semaphore, #tpu.memory_space<semaphore_mem>>
    %dma_wait3A_276 = tpu.memref_squeeze %dma_wait3A_275 : memref<1x!tpu.dma_semaphore, #tpu.memory_space<semaphore_mem>> -> memref<!tpu.dma_semaphore, #tpu.memory_space<semaphore_mem>>
    %dma_wait3A_277 = arith.constant 0 : i32
    %dma_wait3A_278 = tpu.memref_slice %arg9[%add3A_262, %dma_wait3A_277] : memref<204800x128xf32, #tpu.memory_space<hbm>> -> memref<104x128xf32, #tpu.memory_space<hbm>>
    %dma_wait3A_279 = arith.constant 0 : i32
    %dma_wait3A_280 = arith.constant 0 : i32
    %dma_wait3A_281 = tpu.memref_slice %arg14[%dma_wait3A_267, %dma_wait3A_279, %dma_wait3A_280] : memref<2x200x128xf32, #tpu.memory_space<vmem>> -> memref<1x104x128xf32, #tpu.memory_space<vmem>>
    %dma_wait3A_282 = tpu.memref_squeeze %dma_wait3A_281 : memref<1x104x128xf32, #tpu.memory_space<vmem>> -> memref<104x128xf32, #tpu.memory_space<vmem>>
    tpu.wait_dma2 semaphore(%dma_wait3A_276 : memref<!tpu.dma_semaphore, #tpu.memory_space<semaphore_mem>>) src(%dma_wait3A_282 : memref<104x128xf32, #tpu.memory_space<vmem>>) dst(%dma_wait3A_278 : memref<104x128xf32, #tpu.memory_space<hbm>>)
    %dma_wait3A_283 = arith.constant 1 : i32
    %dma_wait3A_284 = arith.constant 1 : i32
    %dma_wait3A_285 = arith.constant 104 : i32
    %dma_wait3A_286 = arith.constant 0 : i32
    %dma_wait3A_287 = tpu.memref_slice %arg14[%dma_wait3A_283, %dma_wait3A_285, %dma_wait3A_286] : memref<2x200x128xf32, #tpu.memory_space<vmem>> -> memref<1x96x128xf32, #tpu.memory_space<vmem>>
    %dma_wait3A_288 = tpu.memref_squeeze %dma_wait3A_287 : memref<1x96x128xf32, #tpu.memory_space<vmem>> -> memref<96x128xf32, #tpu.memory_space<vmem>>
    %dma_wait3A_289 = arith.constant 0 : i32
    %dma_wait3A_290 = tpu.memref_slice %arg9[%add3A_266, %dma_wait3A_289] : memref<204800x128xf32, #tpu.memory_space<hbm>> -> memref<96x128xf32, #tpu.memory_space<hbm>>
    %dma_wait3A_291 = tpu.memref_slice %arg20[%dma_wait3A_284] : memref<2x!tpu.dma_semaphore, #tpu.memory_space<semaphore_mem>> -> memref<1x!tpu.dma_semaphore, #tpu.memory_space<semaphore_mem>>
    %dma_wait3A_292 = tpu.memref_squeeze %dma_wait3A_291 : memref<1x!tpu.dma_semaphore, #tpu.memory_space<semaphore_mem>> -> memref<!tpu.dma_semaphore, #tpu.memory_space<semaphore_mem>>
    %dma_wait3A_293 = arith.constant 0 : i32
    %dma_wait3A_294 = tpu.memref_slice %arg9[%add3A_266, %dma_wait3A_293] : memref<204800x128xf32, #tpu.memory_space<hbm>> -> memref<96x128xf32, #tpu.memory_space<hbm>>
    %dma_wait3A_295 = arith.constant 104 : i32
    %dma_wait3A_296 = arith.constant 0 : i32
    %dma_wait3A_297 = tpu.memref_slice %arg14[%dma_wait3A_283, %dma_wait3A_295, %dma_wait3A_296] : memref<2x200x128xf32, #tpu.memory_space<vmem>> -> memref<1x96x128xf32, #tpu.memory_space<vmem>>
    %dma_wait3A_298 = tpu.memref_squeeze %dma_wait3A_297 : memref<1x96x128xf32, #tpu.memory_space<vmem>> -> memref<96x128xf32, #tpu.memory_space<vmem>>
    tpu.wait_dma2 semaphore(%dma_wait3A_292 : memref<!tpu.dma_semaphore, #tpu.memory_space<semaphore_mem>>) src(%dma_wait3A_298 : memref<96x128xf32, #tpu.memory_space<vmem>>) dst(%dma_wait3A_294 : memref<96x128xf32, #tpu.memory_space<hbm>>)
    return
  }
}

</mosaic_0001>

<sc_bundles>
// kernel: _sc_embed.3.cloned.1.call-start
scs
__scs_entry_jumppad:
0x0: {  	(pc) =	sbr.rel $0x88, $3  }
0x1: {  	(tag) =	ssettag $0x0;
	lr =	simm.s32 $0x1  }
0x2: {  	[smem:$0x3F9A] =	sst lr;
	_ =	strace $0xD0000000  }
0x3: {  	_ = 	snop  }
0x4: {  	_ = 	snop  }
0x5: {  	_ = 	snop  }
0x6: {  	_ = 	snop  }
0x7: {  	_ = 	snop  }
__scs_overlays_trampoline_lowered:
0x8: {  	[smem:$0x3FA9] =	sst s0  }
0x9: {  	[smem:$0x3FAA] =	sst s1  }
0xa: {  	[smem:$0x3FAB] =	sst s2  }
0xb: {  	[smem:$0x3FAC] =	sst s3  }
0xc: {  	[smem:$0x3FAD] =	sst s4  }
0xd: {  	[smem:$0x3FAE] =	sst s5  }
0xe: {  	[smem:$0x3FAF] =	sst s6  }
0xf: {  	[smem:$0x3FB0] =	sst s7  }
0x10: {  	[smem:$0x3FB1] =	sst s8  }
0x11: {  	[smem:$0x3FB2] =	sst s9;
	s0 =	simm.s32 @!p0 $0x0  }
0x12: {  	s1 =	sld [smem:$0x3F98];
	s0 =	simm.s32 @p0 $0x1  }
0x13: {  	[smem:$0x3FB3] =	sst s0;
	s0 =	simm.s32 @!p1 $0x0  }
0x14: {  	s2 =	sld [smem:$0x3F97];
	s0 =	simm.s32 @p1 $0x1  }
0x15: {  	[smem:$0x3FB4] =	sst s0;
	s0 =	simm.s32 @!p2 $0x0  }
0x16: {  	s3 =	sld [smem:$0x3FDB];
	s0 =	simm.s32 @p2 $0x1  }
0x17: {  	s4 =	simm.s32 $0x1BF5;
	[smem:$0x3FB6] =	sst s0  }
0x18: {  	s0 =	sld [smem:$0x3F99];
	_ =	swait.ge [sflag:s4], $0x0  }
0x19: {  	s7 =	sld [smem:$0x3F9A]  }
0x1a: {  	s8 =	sadd.s32 $0xFFFFE003, lr  }
0x1b: {  	s9 =	sadd.s32 $0xFFFFFEF7, lr;
	s5 =	simm.s32 $0xFFFFFFFF;
	p2 =	slt.u32 s8, $0xFFFFF086  }
0x1c: {  	p1 =	slt.u32 s9, $0xF7A;
	s5 =	simm.s32 @!p2 $0x0  }
0x1d: {  	s5 =	simm.s32 @p1 $0x1;
	p0 =	seq.s32 s7, s2  }
0x1e: {  	s7 =	smul.u32 @!p0 $0xF7A, s2;
	p2 =	seq.s32 @!p0 s5, $0x0  }
0x1f: {  	s9 =	smul.u32 $0xF7A, s1;
	s8 =	simm.s32 @!p0 $0x1BF5;
	p2 =	por !p2, p0  }
0x20: {  	[sflag:s8] =	ssyncset.s32 @!p0 $0xFFFFF086;
	s6 =	sadd.s32 @!p0 s3, s7;
	s7 =	simm.s32 @!p0 $0x108  }
0x21: {  	s3 =	sadd.s32 s3, s9;
	s6 =	sadd.s32 @!p0 $0x88, s6;
	s7 =	simm.s32 @p2 $0x1082  }
0x22: {  	[simem:s7], [sflag:s8] =	dma.local @!p0 [hbm:s6], $0xF7A  }
0x23: {  	s9 =	sor.u32 $0xD0000000, s2;
	s6 =	simm.s32 $0x108;
	_ =	swait.ge @!p0 [sflag:s8], $0x0  }
0x24: {  	s3 =	sadd.s32 $0x88, s3;
	s6 =	simm.s32 @!p1 $0x1082;
	[sflag:s4] =	ssyncset.s32 $0xFFFFF086  }
0x25: {  	[simem:s6], [sflag:s4] =	dma.local [hbm:s3], $0xF7A  }
0x26: {  	[smem:$0x3F9A] =	sst s1;
	(tag) =	ssettag s2;
	_ =	strace s9  }
0x27: {  	s1 =	sld [smem:$0x3FAA]  }
0x28: {  	s2 =	sld [smem:$0x3FAB]  }
0x29: {  	s4 =	sld [smem:$0x3FAD]  }
0x2a: {  	p0 =	seq.s32 s5, $0x0;
	s5 =	sld [smem:$0x3FAE]  }
0x2b: {  	s6 =	sld [smem:$0x3FAF]  }
0x2c: {  	s7 =	sld [smem:$0x3FB0]  }
0x2d: {  	s3 =	simm.s32 $0x108;
	s8 =	sld [smem:$0x3FB1]  }
0x2e: {  	s3 =	simm.s32 @!p0 $0x1082;
	s9 =	sld [smem:$0x3FB2]  }
0x2f: {  	lr =	sadd.s32 s0, s3;
	s0 =	sld [smem:$0x3FA9]  }
0x30: {  	s3 =	sld [smem:$0x3FAC]  }
0x31: {  	[smem:$0x3FB5] =	sst s10  }
0x32: {  	s10 =	sld [smem:$0x3FB3];
	_ =	sdelay $0x3  }
0x33: {  	p0 =	seq.s32 s10, $0x1;
	s10 =	sld [smem:$0x3FB5];
	_ =	sdelay $0x3  }
0x34: {  	[smem:$0x3FB5] =	sst s10  }
0x35: {  	s10 =	sld [smem:$0x3FB4];
	_ =	sdelay $0x3  }
0x36: {  	p1 =	seq.s32 s10, $0x1;
	s10 =	sld [smem:$0x3FB5];
	_ =	sdelay $0x3  }
0x37: {  	[smem:$0x3FB5] =	sst s10  }
0x38: {  	s10 =	sld [smem:$0x3FB6]  }
0x39: {  	_ = 	snop;
	(pc) =	sbr.ind lr, $3  }
0x3a: {  	_ = 	snop  }
0x3b: {  	_ = 	snop  }
0x3c: {  	p2 =	seq.s32 s10, $0x1;
	s10 =	sld [smem:$0x3FB5]  }
0x3d: {  	_ =	shalt  }
0x3e: {  	_ =	shalt  }
0x3f: {  	_ =	shalt  }
0x40: {  	_ =	shalt  }
0x41: {  	_ =	shalt  }
0x42: {  	_ =	shalt  }
0x43: {  	_ =	shalt  }
0x44: {  	_ =	shalt  }
0x45: {  	_ =	shalt  }
0x46: {  	_ =	shalt  }
0x47: {  	_ =	shalt  }
0x48: {  	_ =	shalt  }
0x49: {  	_ =	shalt  }
0x4a: {  	_ =	shalt  }
0x4b: {  	_ =	shalt  }
0x4c: {  	_ =	shalt  }
0x4d: {  	_ =	shalt  }
0x4e: {  	_ =	shalt  }
0x4f: {  	_ =	shalt  }
0x50: {  	_ =	shalt  }
0x51: {  	_ =	shalt  }
0x52: {  	_ =	shalt  }
0x53: {  	_ =	shalt  }
0x54: {  	_ =	shalt  }
0x55: {  	_ =	shalt  }
0x56: {  	_ =	shalt  }
0x57: {  	_ =	shalt  }
0x58: {  	_ =	shalt  }
0x59: {  	_ =	shalt  }
0x5a: {  	_ =	shalt  }
0x5b: {  	_ =	shalt  }
0x5c: {  	_ =	shalt  }
0x5d: {  	_ =	shalt  }
0x5e: {  	_ =	shalt  }
0x5f: {  	_ =	shalt  }
0x60: {  	_ =	shalt  }
0x61: {  	_ =	shalt  }
0x62: {  	_ =	shalt  }
0x63: {  	_ =	shalt  }
0x64: {  	_ =	shalt  }
0x65: {  	_ =	shalt  }
0x66: {  	_ =	shalt  }
0x67: {  	_ =	shalt  }
0x68: {  	_ =	shalt  }
0x69: {  	_ =	shalt  }
0x6a: {  	_ =	shalt  }
0x6b: {  	_ =	shalt  }
0x6c: {  	_ =	shalt  }
0x6d: {  	_ =	shalt  }
0x6e: {  	_ =	shalt  }
0x6f: {  	_ =	shalt  }
0x70: {  	_ =	shalt  }
0x71: {  	_ =	shalt  }
0x72: {  	_ =	shalt  }
0x73: {  	_ =	shalt  }
0x74: {  	_ =	shalt  }
0x75: {  	_ =	shalt  }
0x76: {  	_ =	shalt  }
0x77: {  	_ =	shalt  }
0x78: {  	_ =	shalt  }
0x79: {  	_ =	shalt  }
0x7a: {  	_ =	shalt  }
0x7b: {  	_ =	shalt  }
0x7c: {  	_ =	shalt  }
0x7d: {  	_ =	shalt  }
0x7e: {  	_ =	shalt  }
0x7f: {  	_ =	shalt  }
0x80: {  	_ =	shalt  }
0x81: {  	_ =	shalt  }
0x82: {  	_ =	shalt  }
0x83: {  	_ =	shalt  }
0x84: {  	_ =	shalt  }
0x85: {  	_ =	shalt  }
0x86: {  	_ =	shalt  }
0x87: {  	_ =	shalt  }
.Lfunc_end0:
.L_simem_size_0:
called_computation_lowered:
.L_overlay_start_0:
0x88: {  	s2 =	sld [smem:$0x3FD9]  }
0x89: {  	s3 =	sld [smem:$0x3FFE];
	_ =	sdelay $0x1  }
0x8a: {  	s1 =	srdreg.scid  }
0x8b: {  	s0 =	sand.u32 $0x1, s1  }
0x8c: {  	s17 =	sshll.u32 s0, $0xA;
	s2 =	sadd.s32 s3, s2  }
0x8d: {  	s2 =	sadd.s32 s2, s17  }
0x8e: {  	[smem:$0x3FC1] =	sst s2  }
0x8f: {  	_ = 	snop  }
0x90: {  	s2 =	sld [smem:$0x3FC8]  }
0x91: {  	s18 =	sld [smem:$0x3FC7]  }
0x92: {  	s4 =	sld [smem:$0x3FC6]  }
0x93: {  	s5 =	sld [smem:$0x3FC5]  }
0x94: {  	s6 =	sld [smem:$0x3FC4]  }
0x95: {  	s7 =	sld [smem:$0x3FC3]  }
0x96: {  	s8 =	sld [smem:$0x3FD0];
	(tm) =	ssettm $0x1  }
0x97: {  	s9 =	sld [smem:$0x3FFB];
	_ =	sdelay $0x3  }
0x98: {  	_ =	strace s9  }
0x99: {  	s9 =	sld [smem:$0x3FFC];
	_ =	sdelay $0x3  }
0x9a: {  	_ =	strace s9  }
0x9b: {  	s9 =	sld [smem:$0x3FFD];
	_ =	sdelay $0x3  }
0x9c: {  	_ =	strace s9  }
0x9d: {  	_ =	strace $0x8FFFFFFF  }
0x9e: {  	s19 =	sld [smem:$0x3FDB];
	_ =	sdelay $0x1  }
0x9f: {  	s10 =	simm.s32 $_scs_section_size  }
0xa0: {  	s11 =	simm.s32 $_size__tile_overlayer_lowered;
	s12 =	simm.s32 $_tile_overlayer_lowered  }
0xa1: {  	s22 =	simm.s32 $0x1BFF;
	s21 =	sshll.u32 s12, $0x1;
	s9 =	sadd.s32 s10, s19  }
0xa2: {  	s13 =	simm.s32 $0x0;
	s20 =	sshll.u32 s11, $0x1;
	s11 =	sadd.s32 s21, s9  }
0xa3: {  	[timem:s13], [sflag:s22] =	dma.local [hbm:s11], s20  }
0xa4: {  	_ =	swait.ge [sflag:s22], s20  }
0xa5: {  	s10 =	ssub.s32 $0x0, s20;
	[sflag:s22] =	ssyncset.done $0x0  }
0xa6: {  	[sflag:s22] =	ssyncadd.s32 s10;
	_ =	sdelay $0x1  }
0xa7: {  	s23 =	simm.s32 $0x1B8B  }
0xa8: {  	_ =	swait.ge [sflag:s23], $0x1  }
0xa9: {  	[sflag:s23] =	ssyncset.done $0x0  }
0xaa: {  	s25 =	simm.s32 $0x1B8E;
	s24 =	sld [smem:$0x3FFE];
	[sflag:s23] =	ssyncadd.s32 $0xFFFFFFFF  }
0xab: {  	s26 =	simm.s32 $execute0_lowered;
	[smem:$0x3FD2] =	sst s25  }
0xac: {  	s11 =	sshll.u32 s26, $0x1;
	_ =	strace $0x80000046;
	[dreg:$0x1] =	wrdreg $0xFFFFFFFF  }
0xad: {  	s28 =	simm.s32 $_size_execute0_lowered;
	s9 =	sadd.s32 s9, s11;
	[dreg:$0x0] =	wrdreg $0x0  }
0xae: {  	s11 =	sshll.u32 s28, $0x1;
	[dreg:$0x2] =	wrdreg s9  }
0xaf: {  	[dreg:$0x3] =	wrdreg s11  }
0xb0: {  	[dreg:$0x4] =	wrdreg $0xC0  }
0xb1: {  	_ =	task [dreg:s13], $0x5FFFF  }
0xb2: {  	[dreg:$0x1] =	wrdreg $0xFFFFFFFF  }
0xb3: {  	[dreg:$0x0] =	wrdreg $0x60  }
0xb4: {  	[dreg:$0x2] =	wrdreg s24  }
0xb5: {  	[dreg:$0x3] =	wrdreg s2  }
0xb6: {  	[dreg:$0x4] =	wrdreg s18  }
0xb7: {  	[dreg:$0x5] =	wrdreg s4  }
0xb8: {  	[dreg:$0x6] =	wrdreg s5  }
0xb9: {  	[dreg:$0x7] =	wrdreg s6  }
0xba: {  	[dreg:$0x8] =	wrdreg s7  }
0xbb: {  	[dreg:$0x9] =	wrdreg s8  }
0xbc: {  	[dreg:$0xa] =	wrdreg $0x9  }
0xbd: {  	_ =	task.clear_ibuf [dreg:s13], $0xBFFFF;
	_ =	strace $0x90000046  }
0xbe: {  	s29 =	simm.s32 $0x9;
	_ =	strace $0x80000048  }
0xbf: {  	_ =	swait.ge [sflag:s29], $0x1  }
0xc0: {  	[sflag:s29] =	ssyncadd.s32 $0xFFFFFFFF  }
0xc1: {  	_ =	strace $0x90000048  }
0xc2: {  	_ =	sfence  }
0xc3: {  	s30 =	sld [smem:$0x0];
	_ =	sdelay $0x2  }
0xc4: {  	s31 =	sshll.u32 s1, $0xD;
	s1 =	sshrl.u32 s1, $0x2  }
0xc5: {  	s3 =	sand.u32 $0x4000, s31;
	s1 =	sadd.s32 s1, s30  }
0xc6: {  	s0 =	sor.u32 s3, s0;
	s1 =	sshll.u32 s1, $0x11  }
0xc7: {  	s0 =	sor.u32 s1, s0  }
0xc8: {  	s0 =	sadd.s32 $0x8F2B, s0  }
0xc9: {  	[sflag:s0] =	ssyncadd.remote.s32 $0x1  }
0xca: {  	_ =	sfence.sel $0xFFFF  }
0xcb: {  	[dreg:$0x0] =	wrdreg $0xFFFFFFFF;
	(pc) =	sbr.abs _section_cstart, $3  }
0xcc: {  	[dreg:$0x1] =	wrdreg $0xFFFFFFFF  }
0xcd: {  	_ =	task.clear_ibuf [dreg:s13], $0x2FFFF;
	_ =	strace $0x9FFFFFFF  }
0xce: {  	(tm) =	ssettm $0x7FFFFFFF  }
0xcf: {  	_ =	shalt  }
tec
execute0_lowered:
.L_overlay_start_1:
0x0: {  	(tag) =	ssettag $0x1  }
0x1: {  	s2 =	rddreg [dreg:$0x0]  }
0x2: {  	s0 =	rddreg [dreg:$0x1]  }
0x3: {  	s1 =	rddreg [dreg:$0x2];
	s3 =	srdreg.scid;
	v0 =	vimm.s32 $0xFEDCBA98;
	v1 =	vimm.s32 $0x76543210;
	v2 =	vimm.s32 $0xBA98FEDC  }
0x4: {  	s4 =	stileid.u32;
	s8 =	rddreg [dreg:$0x7];
	s9 =	simm.s32 $0x0;
	v3 =	vimm.s32 $0x32107654;
	v4 =	vimm.s32 $0xDCFE98BA;
	v5 =	vimm.s32 $0x54761032  }
0x5: {  	v6 =	vimm.s32 $0xEFCDAB89;
	v7 =	vimm.s32 $0x67452301;
	s28 =	simm.s32 $0x400;
	s31 =	simm.s32 $0x100;
	s6 =	simm.s32 $0x300;
	v0 =	vunpack.c.l.s4.s8 v0  }
0x6: {  	s5 =	simm.s32 $0x180;
	s7 =	simm.s32 $0x9A00;
	s20 =	simm.s32 $0x3800;
	v1 =	vunpack.c.l.s4.s8 v1;
	v2 =	vunpack.c.l.s4.s8 v2;
	v3 =	vunpack.c.l.s4.s8 v3  }
0x7: {  	s21 =	simm.s32 $0x9C00;
	s14 =	simm.s32 $0x0;
	s3 =	sand.u32 $0x1, s3;
	v4 =	vunpack.c.l.s4.s8 v4;
	v5 =	vunpack.c.l.s4.s8 v5;
	v6 =	vunpack.c.l.s4.s8 v6  }
0x8: {  	s4 =	sshll.u32 s4, $0x1;
	[smem:$0x7FF] =	sst s9;
	s11 =	sadd.s32 $0x400, s2;
	v7 =	vunpack.c.l.s4.s8 v7;
	v0 =	vunpack.c.0.s8.s32 v0;
	v2 =	vunpack.c.0.s8.s32 v2  }
0x9: {  	s16 =	sadd.s32 $0x680, s8;
	s4 =	sor.u32 s3, s4;
	s24 =	ssub.s32 $0x2, s3;
	v3 =	vunpack.c.0.s8.s32 v3;
	v4 =	vunpack.c.0.s8.s32 v4;
	v1 =	vunpack.c.0.s8.s32 v1  }
0xa: {  	_ =	strace $0x80000047;
	s3 =	sshrl.u32 s24, $0x1;
	s12 =	sshll.u32 s4, $0xA;
	v5 =	vunpack.c.0.s8.s32 v5;
	v6 =	vunpack.c.0.s8.s32 v6;
	v0 =	vand.u32 $0xF, v0  }
0xb: {  	s10 =	smul.u32 $0x1900, s4;
	v7 =	vunpack.c.0.s8.s32 v7;
	s2 =	ssub.s32 s24, s3;
	s29 =	sadd.s32 s11, s12;
	v2 =	vcombine.low v3, v2;
	v0 =	vcombine.low v0, v1  }
.Ltmp0:
0xc: {  	[dreg:$0xa] =	wrdreg s29;
	s30 =	sadd.s32 $0x20, s29;
	v59 =	vcombine.low v5, v4;
	(pc) =	sbr.rel .LBB2_1-.Ltmp0, $4  }
0xd: {  	s25 =	sshrl.u32 s10, $0x3;
	s2 =	smax.u32 s2, $0x1;
	v60 =	vcombine.low v7, v6;
	[dreg:$0xc] =	wrdreg s30;
	v61 =	vand.u32 $0xF, v2;
	[tilespmem:$0x1FFC0] =	vst v0  }
0xe: {  	s4 =	simm.s32 $0x6800;
	s26 =	sadd.s32 s0, s25;
	[dreg:$0xd] =	wrdreg s2;
	v62 =	vand.u32 $0xF, v59;
	[tilespmem:$0x1FFD0] =	vst v61  }
0xf: {  	s25 =	simm.s32 $0x4;
	[dreg:$0x9] =	wrdreg s26;
	s3 =	sadd.s32 $0x19, s26;
	v63 =	vand.u32 $0xF, v60;
	[tilespmem:$0x1FFE0] =	vst v62  }
0x10: {  	s26 =	simm.s32 $0x64;
	[dreg:$0xb] =	wrdreg s3;
	s3 =	simm.s32 $0x1;
	[tilespmem:$0x1FFF0] =	vst v63  }
.LBB2_14:
0x11: {  	s2 =	simm.s32 $0x2  }
0x12: {  	_ =	swait.ge [sflag:s2], $0x3400  }
0x13: {  	[sflag:s2] =	ssyncset.done $0x0  }
0x14: {  	[sflag:s2] =	ssyncadd.s32 $0xFFFFCC00  }
0x15: {  	_ =	swait.ge [sflag:s2], $0x3000  }
0x16: {  	[sflag:s2] =	ssyncset.done $0x0  }
0x17: {  	s13 =	simm.s32 $0x3;
	[sflag:s2] =	ssyncadd.s32 $0xFFFFD000  }
0x18: {  	_ =	swait.ge [sflag:s13], $0x3400  }
0x19: {  	[sflag:s13] =	ssyncset.done $0x0  }
0x1a: {  	[sflag:s13] =	ssyncadd.s32 $0xFFFFCC00  }
0x1b: {  	_ =	swait.ge [sflag:s13], $0x3000  }
0x1c: {  	s14 =	rddreg [dreg:$0xe]  }
0x1d: {  	s30 =	rddreg [dreg:$0xd];
	s14 =	sadd.s32 $0x1, s14  }
0x1e: {  	p0 =	sne.s32 s14, s30  }
.Ltmp1:
0x1f: {  	_ = 	snop;
	(pc) =	sbr.rel @!p0 .LBB2_15-.Ltmp1, $3  }
0x20: {  	_ =	sdelay $0x1  }
0x21: {  	[sflag:s13] =	ssyncset.done $0x0  }
0x22: {  	[sflag:s13] =	ssyncadd.s32 $0xFFFFD000  }
.LBB2_1:
0x23: {  	[dreg:$0xe] =	wrdreg s14  }
0x24: {  	s2 =	simm.s32 $0xCC00;
	s13 =	rddreg [dreg:$0x3];
	s18 =	simm.s32 $0x5  }
0x25: {  	[tilespmem:s2], [sflag:$0x5] =	stream.linear.gather [hbm4b:s13+s9], $0x6400, $0x38;
	[tilespmem:$0x19600] =	vst v63  }
0x26: {  	_ =	swait.ge [sflag:s18], $0x6400  }
0x27: {  	[sflag:s18] =	ssyncset.done $0x0  }
0x28: {  	s15 =	simm.s32 $0x13000;
	[sflag:s18] =	ssyncadd.s32 $0xFFFF9C00  }
0x29: {  	[tilespmem:s15], [sflag:$0x5] =	stream.linear.gather [hbm4b:s13+s9], $0x6400, $0x38;
	[tilespmem:$0x19600] =	vst v63  }
0x2a: {  	_ =	swait.ge [sflag:s18], $0x6400  }
0x2b: {  	[sflag:s18] =	ssyncset.done $0x0  }
0x2c: {  	[sflag:s18] =	ssyncadd.s32 $0xFFFF9C00  }
0x2d: {  	s22 =	simm.s32 $0x19400;
	s19 =	rddreg [dreg:$0x4]  }
0x2e: {  	[tilespmem:s22], [sflag:$0x5] =	stream.linear.gather [hbm4b:s19+s9], $0x100, $0x38;
	[tilespmem:$0x19600] =	vst v63  }
0x2f: {  	_ =	swait.ge [sflag:s18], $0x100  }
0x30: {  	[sflag:s18] =	ssyncset.done $0x0  }
0x31: {  	[sflag:s18] =	ssyncadd.s32 $0xFFFFFF00  }
0x32: {  	s24 =	simm.s32 $0x19500;
	s23 =	rddreg [dreg:$0x5]  }
0x33: {  	[tilespmem:s24], [sflag:$0x5] =	stream.linear.gather [hbm4b:s23+s9], $0x80, $0x38;
	[tilespmem:$0x19600] =	vst v63  }
0x34: {  	_ =	swait.ge [sflag:s18], $0x80  }
0x35: {  	[sflag:s18] =	ssyncset.done $0x0  }
0x36: {  	[sflag:s18] =	ssyncadd.s32 $0xFFFFFF80  }
0x37: {  	s30 =	simm.s32 $0x19580;
	s29 =	rddreg [dreg:$0x6]  }
0x38: {  	[tilespmem:s30], [sflag:$0x5] =	stream.linear.gather [hbm4b:s29+s9], $0x80, $0x38;
	[tilespmem:$0x19600] =	vst v63  }
0x39: {  	_ =	swait.ge [sflag:s18], $0x80  }
0x3a: {  	[sflag:s18] =	ssyncset.done $0x0  }
0x3b: {  	[sflag:s18] =	ssyncadd.s32 $0xFFFFFF80  }
0x3c: {  	v4 =	vld [tilespmem:$0x19400]  }
0x3d: {  	v5 =	vld [tilespmem:$0x19410]  }
0x3e: {  	v6 =	vld [tilespmem:$0x19420]  }
0x3f: {  	v7 =	vld [tilespmem:$0x19430]  }
0x40: {  	v8 =	vld [tilespmem:$0x19440]  }
0x41: {  	v9 =	vld [tilespmem:$0x19450]  }
0x42: {  	v11 =	vld [tilespmem:$0x19460]  }
0x43: {  	v13 =	vld [tilespmem:$0x19470]  }
0x44: {  	v15 =	vld [tilespmem:$0x19480]  }
0x45: {  	v17 =	vld [tilespmem:$0x19490]  }
0x46: {  	v18 =	vld [tilespmem:$0x194A0]  }
0x47: {  	v16 =	vld [tilespmem:$0x194B0]  }
0x48: {  	v14 =	vld [tilespmem:$0x194C0]  }
0x49: {  	v12 =	vld [tilespmem:$0x194D0]  }
0x4a: {  	v10 =	vld [tilespmem:$0x194E0]  }
0x4b: {  	v19 =	vld [tilespmem:$0x194F0]  }
0x4c: {  	v20 =	vld [tilespmem:s2+$0x10]  }
0x4d: {  	v21 =	vld [tilespmem:s2+$0x20]  }
0x4e: {  	v22 =	vld [tilespmem:s2+$0x30]  }
0x4f: {  	v25 =	vld [tilespmem:s2+$0x60]  }
0x50: {  	v23 =	vld [tilespmem:s2+$0x40]  }
0x51: {  	v24 =	vld [tilespmem:s2+$0x50]  }
0x52: {  	v26 =	vld [tilespmem:s2+$0x70];
	v20 =	vadd.f32 v20, v5  }
0x53: {  	v27 =	vld [tilespmem:s2+$0x64F0];
	v21 =	vadd.f32 v21, v6  }
0x54: {  	v28 =	vld [tilespmem:s2+$0x90];
	v25 =	vadd.f32 v25, v11;
	[tilespmem:s2+$0x10] =	vst v20  }
0x55: {  	v29 =	vld [tilespmem:s2+$0xA0];
	v22 =	vadd.f32 v22, v7;
	[tilespmem:s2+$0x20] =	vst v21  }
0x56: {  	v23 =	vadd.f32 v23, v8;
	[tilespmem:s2+$0x60] =	vst v25;
	v25 =	vld [tilespmem:s2+$0x80]  }
0x57: {  	v24 =	vadd.f32 v24, v9;
	v20 =	vld [tilespmem:s2+$0x6400];
	[tilespmem:s2+$0x30] =	vst v22  }
0x58: {  	v26 =	vadd.f32 v26, v13;
	v21 =	vld [tilespmem:s2+$0x6410];
	[tilespmem:s2+$0x40] =	vst v23  }
0x59: {  	v28 =	vadd.f32 v28, v5;
	v22 =	vld [tilespmem:s2+$0x6420];
	[tilespmem:s2+$0x50] =	vst v24  }
0x5a: {  	v30 =	vld [tilespmem:s2+$0xB0];
	v24 =	vadd.f32 v27, v19;
	[tilespmem:s2+$0x70] =	vst v26  }
0x5b: {  	v23 =	vld [tilespmem:s2+$0x6430];
	[tilespmem:s2+$0x90] =	vst v28;
	v25 =	vadd.f32 v25, v4  }
0x5c: {  	v27 =	vld [tilespmem:s2+$0x6440];
	[tilespmem:s2+$0x64F0] =	vst v24;
	v20 =	vadd.f32 v20, v15  }
0x5d: {  	v24 =	vld [tilespmem:s2+$0x6450];
	v21 =	vadd.f32 v21, v17;
	[tilespmem:s2+$0x80] =	vst v25  }
0x5e: {  	v31 =	vld [tilespmem:s2+$0xC0];
	v22 =	vadd.f32 v22, v18;
	[tilespmem:s2+$0x6400] =	vst v20  }
0x5f: {  	v32 =	vld [tilespmem:s2+$0xD0];
	v20 =	vadd.f32 v29, v6;
	[tilespmem:s2+$0x6410] =	vst v21  }
0x60: {  	v26 =	vld [tilespmem:s2+$0xE0];
	v21 =	vadd.f32 v23, v16;
	[tilespmem:s2+$0x6420] =	vst v22  }
0x61: {  	v33 =	vld [tilespmem:s2+$0xF0];
	v22 =	vadd.f32 v27, v14;
	[tilespmem:s2+$0xA0] =	vst v20  }
0x62: {  	v61 =	vld [tilespmem:s2+$0x6470];
	v23 =	vadd.f32 v24, v12;
	[tilespmem:s2+$0x6430] =	vst v21  }
0x63: {  	v62 =	vld [tilespmem:s2+$0x6480];
	v20 =	vadd.f32 v30, v7;
	[tilespmem:s2+$0x6440] =	vst v22  }
0x64: {  	v25 =	vld [tilespmem:s2+$0x6460];
	v21 =	vadd.f32 v32, v9;
	[tilespmem:s2+$0x6450] =	vst v23  }
0x65: {  	v22 =	vadd.f32 v26, v11;
	[tilespmem:s2+$0xB0] =	vst v20  }
0x66: {  	v63 =	vld [tilespmem:s2+$0x6490];
	v20 =	vadd.f32 v31, v8;
	[tilespmem:s2+$0xD0] =	vst v21  }
0x67: {  	v27 =	vld [tilespmem:s2+$0x64A0];
	v23 =	vadd.f32 v33, v13;
	[tilespmem:s2+$0xE0] =	vst v22  }
0x68: {  	v26 =	vadd.f32 v62, v15;
	[tilespmem:s2+$0xC0] =	vst v20;
	v20 =	vld [tilespmem:s2+$0x64B0]  }
0x69: {  	v21 =	vld [tilespmem:s2+$0x64C0];
	[tilespmem:s2+$0xF0] =	vst v23;
	v24 =	vadd.f32 v25, v10;
	v25 =	vadd.f32 v61, v19  }
0x6a: {  	v22 =	vld [tilespmem:s2+$0x64D0];
	[tilespmem:s2+$0x6480] =	vst v26  }
0x6b: {  	v23 =	vld [tilespmem:s2+$0x64E0];
	[tilespmem:s2+$0x6470] =	vst v25;
	v25 =	vadd.f32 v63, v17  }
0x6c: {  	s14 =	simm.s32 $0xCD00;
	s13 =	simm.s32 $0x0;
	v26 =	vadd.f32 v27, v18;
	[tilespmem:s2+$0x6460] =	vst v24;
	v24 =	vld [tilespmem:s2+$0x0]  }
.LBB2_2:
0x6d: {  	v27 =	vld [tilespmem:s14+$0x64F0];
	s13 =	sadd.s32 $0x2, s13;
	[tilespmem:s2+$0x6490] =	vst v25;
	v20 =	vadd.f32 v20, v16  }
0x6e: {  	v25 =	vld [tilespmem:s14+$0x10];
	p0 =	slt.u32 s13, $0xC6;
	[tilespmem:s2+$0x64A0] =	vst v26;
	v21 =	vadd.f32 v21, v14  }
0x6f: {  	v26 =	vld [tilespmem:s14+$0x20];
	[tilespmem:s2+$0x64B0] =	vst v20;
	v20 =	vadd.f32 v22, v12  }
0x70: {  	v22 =	vld [tilespmem:s14+$0x30];
	[tilespmem:s2+$0x64C0] =	vst v21;
	v21 =	vadd.f32 v23, v10  }
0x71: {  	v23 =	vld [tilespmem:s14+$0x40];
	v24 =	vadd.f32 v24, v4;
	[tilespmem:s2+$0x64D0] =	vst v20  }
0x72: {  	v20 =	vld [tilespmem:s14+$0x50];
	v27 =	vadd.f32 v27, v19;
	[tilespmem:s2+$0x64E0] =	vst v21  }
0x73: {  	v21 =	vadd.f32 v25, v5;
	v25 =	vld [tilespmem:s14+$0x60];
	[tilespmem:s2+$0x0] =	vst v24;
	s2 =	smov.u32 s14  }
0x74: {  	v24 =	vadd.f32 v26, v6;
	v26 =	vld [tilespmem:s14+$0x70];
	[tilespmem:s14+$0x64F0] =	vst v27  }
0x75: {  	[tilespmem:s14+$0x10] =	vst v21;
	v21 =	vadd.f32 v22, v7;
	v22 =	vld [tilespmem:s14+$0x6400]  }
0x76: {  	[tilespmem:s14+$0x20] =	vst v24;
	v23 =	vadd.f32 v23, v8;
	v24 =	vld [tilespmem:s14+$0x6410]  }
0x77: {  	[tilespmem:s14+$0x30] =	vst v21;
	v20 =	vadd.f32 v20, v9;
	v21 =	vld [tilespmem:s14+$0x6420]  }
0x78: {  	[tilespmem:s14+$0x40] =	vst v23;
	v23 =	vadd.f32 v25, v11;
	v25 =	vld [tilespmem:s14+$0x6430]  }
0x79: {  	[tilespmem:s14+$0x50] =	vst v20;
	v20 =	vadd.f32 v26, v13;
	v26 =	vld [tilespmem:s14+$0x6440]  }
0x7a: {  	[tilespmem:s14+$0x60] =	vst v23;
	v22 =	vadd.f32 v22, v15;
	v23 =	vld [tilespmem:s14+$0x6450]  }
0x7b: {  	[tilespmem:s14+$0x70] =	vst v20;
	v20 =	vadd.f32 v24, v17;
	v24 =	vld [tilespmem:s14+$0x6460]  }
0x7c: {  	[tilespmem:s14+$0x6400] =	vst v22;
	v21 =	vadd.f32 v21, v18;
	v22 =	vld [tilespmem:s14+$0x6470]  }
0x7d: {  	[tilespmem:s14+$0x6410] =	vst v20;
	v20 =	vadd.f32 v25, v16;
	v25 =	vld [tilespmem:s14+$0x80]  }
0x7e: {  	[tilespmem:s14+$0x6420] =	vst v21;
	v21 =	vadd.f32 v26, v14;
	v26 =	vld [tilespmem:s14+$0x90]  }
0x7f: {  	[tilespmem:s14+$0x6430] =	vst v20;
	v20 =	vadd.f32 v23, v12;
	v23 =	vld [tilespmem:s14+$0xA0]  }
0x80: {  	[tilespmem:s14+$0x6440] =	vst v21;
	v21 =	vadd.f32 v24, v10;
	v24 =	vld [tilespmem:s14+$0xB0]  }
0x81: {  	[tilespmem:s14+$0x6450] =	vst v20;
	v20 =	vadd.f32 v22, v19;
	v22 =	vld [tilespmem:s14+$0xC0]  }
0x82: {  	[tilespmem:s14+$0x6460] =	vst v21;
	v21 =	vadd.f32 v25, v4;
	v25 =	vld [tilespmem:s14+$0xD0]  }
0x83: {  	[tilespmem:s14+$0x6470] =	vst v20;
	v20 =	vadd.f32 v26, v5;
	v26 =	vld [tilespmem:s14+$0xE0]  }
0x84: {  	[tilespmem:s14+$0x80] =	vst v21;
	v21 =	vadd.f32 v23, v6;
	v23 =	vld [tilespmem:s14+$0xF0]  }
0x85: {  	[tilespmem:s14+$0x90] =	vst v20;
	v20 =	vadd.f32 v24, v7;
	v24 =	vld [tilespmem:s14+$0x6480]  }
0x86: {  	[tilespmem:s14+$0xA0] =	vst v21;
	v21 =	vadd.f32 v22, v8;
	v27 =	vld [tilespmem:s14+$0x6490]  }
0x87: {  	[tilespmem:s14+$0xB0] =	vst v20;
	v22 =	vadd.f32 v25, v9;
	v28 =	vld [tilespmem:s14+$0x64A0]  }
.Ltmp2:
0x88: {  	[tilespmem:s14+$0xC0] =	vst v21;
	v25 =	vadd.f32 v26, v11;
	v20 =	vld [tilespmem:s14+$0x64B0];
	(pc) =	sbr.rel @p0 .LBB2_2-.Ltmp2, $4  }
0x89: {  	[tilespmem:s14+$0xD0] =	vst v22;
	v23 =	vadd.f32 v23, v13;
	v21 =	vld [tilespmem:s14+$0x64C0]  }
0x8a: {  	[tilespmem:s14+$0xE0] =	vst v25;
	v26 =	vadd.f32 v24, v15;
	v22 =	vld [tilespmem:s14+$0x64D0]  }
0x8b: {  	[tilespmem:s14+$0xF0] =	vst v23;
	v25 =	vadd.f32 v27, v17;
	v23 =	vld [tilespmem:s14+$0x64E0]  }
0x8c: {  	s14 =	sadd.s32 $0x100, s14;
	v24 =	vld [tilespmem:s2+$0x0];
	[tilespmem:s2+$0x6480] =	vst v26;
	v26 =	vadd.f32 v28, v18  }
0x8d: {  	[tilespmem:s2+$0x6490] =	vst v25;
	v5 =	vadd.f32 v20, v16  }
0x8e: {  	[tilespmem:s2+$0x64A0] =	vst v26;
	v6 =	vadd.f32 v21, v14  }
0x8f: {  	[tilespmem:s2+$0x64B0] =	vst v5;
	v57 =	vadd.f32 v22, v12  }
0x90: {  	[tilespmem:s2+$0x64C0] =	vst v6;
	v58 =	vadd.f32 v23, v10  }
0x91: {  	v4 =	vadd.f32 v24, v4;
	[tilespmem:s2+$0x64D0] =	vst v57  }
0x92: {  	[tilespmem:s2+$0x64E0] =	vst v58  }
0x93: {  	[tilespmem:s2+$0x0] =	vst v4  }
0x94: {  	v4 =	vld [tilespmem:$0x19500]  }
0x95: {  	v0 =	vld [tilespmem:$0x19510]  }
0x96: {  	v59 =	vld [tilespmem:$0x19520]  }
0x97: {  	v18 =	vld [tilespmem:$0x19530]  }
0x98: {  	v37 =	vld [tilespmem:$0x19540]  }
0x99: {  	v9 =	vld [tilespmem:$0x19550]  }
0x9a: {  	v10 =	vld [tilespmem:$0x19560]  }
0x9b: {  	v60 =	vld [tilespmem:$0x19570]  }
0x9c: {  	v11 =	vld [tilespmem:$0x19580]  }
0x9d: {  	v12 =	vld [tilespmem:$0x19590]  }
0x9e: {  	v13 =	vld [tilespmem:$0x195A0]  }
0x9f: {  	v14 =	vld [tilespmem:$0x195B0]  }
0xa0: {  	v15 =	vld [tilespmem:$0x195C0]  }
0xa1: {  	v61 =	vld [tilespmem:$0x195D0]  }
0xa2: {  	s29 =	simm.s32 $0x0;
	v62 =	vld [tilespmem:$0x195E0];
	s2 =	rddreg [dreg:$0xa]  }
0xa3: {  	v63 =	vld [tilespmem:$0x195F0];
	[tilespmem:s29], [sflag:$0x4] =	stream.linear.gather [hbm4b:s2+s29], $0x100, $0x38  }
0xa4: {  	s13 =	simm.s32 $0x200;
	s19 =	rddreg [dreg:$0x9]  }
0xa5: {  	[tilespmem:s13], [sflag:$0x4] =	stream.linear.gather [hbm4b:s19+s29], $0xC8, $0x38;
	[tilespmem:$0x19600] =	vst v63  }
0xa6: {  	[tilespmem:$0x1FEC0] =	vst v4  }
0xa7: {  	[tilespmem:$0x1FED0] =	vst v0  }
0xa8: {  	[tilespmem:$0x1FEE0] =	vst v59  }
0xa9: {  	[tilespmem:$0x1FEF0] =	vst v60  }
0xaa: {  	[tilespmem:$0x1FF00] =	vst v61  }
0xab: {  	[tilespmem:$0x1FF10] =	vst v62  }
0xac: {  	[tilespmem:$0x1FF20] =	vst v63  }
0xad: {  	_ =	swait.ge [sflag:s25], $0x100  }
0xae: {  	[sflag:s25] =	ssyncset.done $0x0  }
0xaf: {  	[sflag:s25] =	ssyncadd.s32 $0xFFFFFF00  }
0xb0: {  	_ =	swait.ge [sflag:s25], $0xC8  }
0xb1: {  	[tilespmem:$0x1FF30] =	vst v11  }
0xb2: {  	[tilespmem:$0x1FF40] =	vst v13  }
0xb3: {  	[tilespmem:$0x1FF50] =	vst v15  }
0xb4: {  	[tilespmem:$0x1FF60] =	vst v12  }
0xb5: {  	[sflag:s25] =	ssyncset.done $0x0;
	[tilespmem:$0x1FF70] =	vst v14  }
0xb6: {  	[tilespmem:$0x1FF80] =	vst v37;
	[sflag:s25] =	ssyncadd.s32 $0xFFFFFF38  }
0xb7: {  	[tilespmem:s28], [sflag:$0x1] =	stream.indirect.gather [hbm4b:s1+s26], $0x80, s29, s26, $0xb8;
	[tilespmem:$0x19600] =	vst v63  }
0xb8: {  	s22 =	simm.s32 $0x80;
	s23 =	simm.s32 $0x3600;
	[tilespmem:$0x1FF90] =	vst v9  }
0xb9: {  	[tilespmem:s23], [sflag:$0x1] =	stream.indirect.gather [hbm4b:s1+s26], $0x80, s22, s26, $0xb8;
	[tilespmem:$0x19600] =	vst v63  }
0xba: {  	s24 =	rddreg [dreg:$0xc];
	[tilespmem:$0x1FFA0] =	vst v10  }
0xbb: {  	[tilespmem:s31], [sflag:$0x4] =	stream.linear.gather [hbm4b:s24+s29], $0x100, $0x38;
	[tilespmem:$0x19600] =	vst v63  }
0xbc: {  	s30 =	rddreg [dreg:$0xb];
	[tilespmem:$0x1FFB0] =	vst v18  }
0xbd: {  	[tilespmem:s6], [sflag:$0x4] =	stream.linear.gather [hbm4b:s30+s29], $0xC8, $0x38;
	[tilespmem:$0x19600] =	vst v63  }
.LBB2_4:
0xbe: {  	_ =	swait.ge [sflag:s3], $0x3200  }
0xbf: {  	[sflag:s3] =	ssyncset.done $0x0  }
0xc0: {  	[sflag:s3] =	ssyncadd.s32 $0xFFFFCE00  }
0xc1: {  	_ =	swait.ge [sflag:s3], $0x3200  }
0xc2: {  	p0 =	seq.s32 s29, $0x0;
	[sflag:s3] =	ssyncset.done $0x0  }
0xc3: {  	s2 =	simm.s32 @!p0 $0x3;
	[sflag:s3] =	ssyncadd.s32 $0xFFFFCE00  }
0xc4: {  	_ =	swait.ge @!p0 [sflag:s2], $0x3400  }
0xc5: {  	[sflag:s2] =	ssyncset.done @!p0 $0x0  }
0xc6: {  	[sflag:s2] =	ssyncadd.s32 @!p0 $0xFFFFCC00  }
0xc7: {  	_ =	swait.ge @!p0 [sflag:s2], $0x3000  }
0xc8: {  	[sflag:s2] =	ssyncset.done @!p0 $0x0  }
0xc9: {  	[sflag:s2] =	ssyncadd.s32 @!p0 $0xFFFFD000  }
0xca: {  	_ =	swait.ge [sflag:s25], $0x100  }
0xcb: {  	[sflag:s25] =	ssyncset.done $0x0  }
0xcc: {  	[sflag:s25] =	ssyncadd.s32 $0xFFFFFF00  }
0xcd: {  	_ =	swait.ge [sflag:s25], $0xC8  }
0xce: {  	[sflag:s25] =	ssyncset.done $0x0  }
0xcf: {  	[sflag:s25] =	ssyncadd.s32 $0xFFFFFF38  }
0xd0: {  	[tilespmem:s4], [sflag:$0x1] =	stream.indirect.gather [hbm4b:s1+s26], $0x80, s31, s26, $0xb8;
	[tilespmem:$0x19600] =	vst v63  }
0xd1: {  	s22 =	simm.s32 $0x201  }
0xd2: {  	[tilespmem:s7], [sflag:$0x1] =	stream.indirect.gather [hbm4b:s1+s26], $0x80, s5, s26, $0xb8;
	[tilespmem:$0x19600] =	vst v63  }
0xd3: {  	v4 =	vld [tilespmem:s22+$0x0];
	_ =	sdelay $0x4  }
0xd4: {  	(v2sf) =	vpush v4, $0x0;
	_ =	sdelay $0x9  }
0xd5: {  	s2 =	simm.s32 $0x0;
	v0 =	vld [tilespmem:$0x1FFC0]  }
0xd6: {  	v5 =	vld [tilespmem:s2+$0x490]  }
0xd7: {  	v4 =	vld [tilespmem:s22+$0xFFFFFFFF]  }
0xd8: {  	v6 =	vld [tilespmem:s2+$0x4A0]  }
0xd9: {  	v20 =	vld [tilespmem:s2+$0x4B0]  }
0xda: {  	v21 =	vld [tilespmem:s2+$0x4C0];
	s13 =	spop (v2sf)  }
0xdb: {  	v22 =	vld [tilespmem:s2+$0x4D0];
	s13 =	smul.u32 $0x19000, s13  }
0xdc: {  	v23 =	vld [tilespmem:s2+$0x4E0];
	(v2sf) =	vpush v4, $0x0  }
0xdd: {  	v24 =	vld [tilespmem:s2+$0x4F0];
	s13 =	sshra.s32 s13, $0x2  }
0xde: {  	v4 =	vld [tilespmem:s2+$0x480];
	s13 =	sadd.s32 $0x0, s13  }
0xdf: {  	v25 =	vld [tilespmem:s13+$0xCC80]  }
0xe0: {  	v26 =	vld [tilespmem:s13+$0xCC90]  }
0xe1: {  	v27 =	vld [tilespmem:s13+$0xCCA0]  }
0xe2: {  	v28 =	vld [tilespmem:s13+$0xCCB0]  }
0xe3: {  	v29 =	vld [tilespmem:s13+$0xCCC0]  }
0xe4: {  	v30 =	vld [tilespmem:s13+$0xCCD0]  }
0xe5: {  	v31 =	vld [tilespmem:s13+$0xCCE0]  }
0xe6: {  	v32 =	vld [tilespmem:s13+$0xCCF0]  }
0xe7: {  	v1 =	vld [tilespmem:$0x1FFD0]  }
0xe8: {  	v2 =	vld [tilespmem:$0x1FFE0];
	v4 =	vadd.f32 v25, v4;
	v5 =	vadd.f32 v26, v5  }
0xe9: {  	v35 =	vld [tilespmem:s2+$0x410];
	v6 =	vadd.f32 v27, v6;
	v25 =	vadd.f32 v28, v20  }
0xea: {  	v37 =	vld [tilespmem:s2+$0x420];
	v26 =	vadd.f32 v29, v21;
	v27 =	vadd.f32 v30, v22  }
0xeb: {  	v38 =	vld [tilespmem:s2+$0x430];
	s14 =	spop (v2sf);
	v23 =	vadd.f32 v31, v23;
	v24 =	vadd.f32 v32, v24  }
0xec: {  	v62 =	vld [tilespmem:s2+$0x440];
	s14 =	smul.u32 $0x19000, s14;
	v28 =	vadd.f32 v5, v4;
	v29 =	vadd.f32 v25, v6  }
0xed: {  	v39 =	vld [tilespmem:s2+$0x450];
	v31 =	vadd.f32 v27, v26;
	v32 =	vadd.f32 v24, v23  }
0xee: {  	v41 =	vld [tilespmem:s2+$0x460];
	s23 =	sshra.s32 s14, $0x2  }
0xef: {  	v42 =	vld [tilespmem:s2+$0x470];
	s13 =	sadd.s32 $0x0, s23;
	v28 =	vadd.f32 v29, v28;
	v29 =	vadd.f32 v32, v31  }
0xf0: {  	v20 =	vld [tilespmem:s13+$0xCC00]  }
0xf1: {  	v21 =	vld [tilespmem:s13+$0xCC10];
	v28 =	vadd.f32 v29, v28  }
0xf2: {  	v22 =	vld [tilespmem:s13+$0xCC20]  }
0xf3: {  	v30 =	vld [tilespmem:s13+$0xCC30];
	v36 =	vperm.xlane v28, v0  }
0xf4: {  	v29 =	vld [tilespmem:s2+$0x400]  }
0xf5: {  	v33 =	vld [tilespmem:s13+$0xCC40];
	v28 =	vadd.f32 v28, v36  }
0xf6: {  	v34 =	vld [tilespmem:s13+$0xCC50]  }
0xf7: {  	v61 =	vld [tilespmem:s13+$0xCC70];
	v40 =	vperm.xlane v28, v1  }
0xf8: {  	s24 =	simm.s32 $0x203;
	v31 =	vld [tilespmem:s13+$0xCC60]  }
0xf9: {  	v63 =	vadd.f32 v20, v29;
	v20 =	vld [tilespmem:s24+$0x0];
	v28 =	vadd.f32 v28, v40  }
0xfa: {  	v3 =	vld [tilespmem:$0x1FFF0];
	v35 =	vadd.f32 v21, v35  }
0xfb: {  	v37 =	vadd.f32 v22, v37;
	v38 =	vadd.f32 v30, v38;
	v21 =	vperm.xlane v28, v2  }
0xfc: {  	v39 =	vadd.f32 v34, v39;
	v42 =	vadd.f32 v61, v42  }
0xfd: {  	v41 =	vadd.f32 v31, v41;
	v21 =	vadd.f32 v28, v21  }
0xfe: {  	v36 =	vadd.f32 v33, v62;
	(v2sf) =	vpush v20, $0x0  }
0xff: {  	v55 =	vld [tilespmem:s24+$0xFFFFFFFF];
	v30 =	vadd.f32 v42, v41;
	v22 =	vadd.f32 v35, v63;
	v29 =	vperm.xlane v21, v3  }
0x100: {  	v20 =	vadd.f32 v39, v36;
	v28 =	vadd.f32 v38, v37  }
0x101: {  	v21 =	vadd.f32 v21, v29  }
0x102: {  	v20 =	vadd.f32 v30, v20;
	v22 =	vadd.f32 v28, v22  }
0x103: {  	v53 =	vmul.f32 $7.812500000e-03, v21  }
0x104: {  	(v2sf) =	vpush v55, $0x0;
	v54 =	vadd.f32 v20, v22  }
0x105: {  	v22 =	vsub.f32 v4, v53;
	v21 =	vsub.f32 v5, v53  }
0x106: {  	v20 =	vsub.f32 v6, v53;
	v19 =	vsub.f32 v25, v53  }
0x107: {  	v4 =	vperm.xlane v54, v0;
	v16 =	vsub.f32 v26, v53;
	v17 =	vsub.f32 v27, v53  }
0x108: {  	v7 =	vsub.f32 v23, v53;
	v5 =	vmul.f32 v22, v22;
	v6 =	vmul.f32 v21, v21  }
0x109: {  	v23 =	vsub.f32 v24, v53;
	[tilespmem:$0x1FDB0] =	vst v19;
	v24 =	vmul.f32 v20, v20;
	v25 =	vmul.f32 v19, v19  }
0x10a: {  	[tilespmem:$0x1FDC0] =	vst v16;
	v26 =	vmul.f32 v16, v16;
	v4 =	vadd.f32 v54, v4;
	v27 =	vmul.f32 v17, v17  }
0x10b: {  	s15 =	simm.s32 $0x100;
	[tilespmem:$0x1FDD0] =	vst v7;
	v56 =	vmul.f32 v7, v7;
	v57 =	vmul.f32 v23, v23  }
0x10c: {  	v43 =	vld [tilespmem:s15+$0x480];
	v5 =	vadd.f32 v6, v5;
	v6 =	vperm.xlane v4, v1;
	v24 =	vadd.f32 v25, v24  }
0x10d: {  	v46 =	vld [tilespmem:s15+$0x4E0];
	v25 =	vadd.f32 v27, v26;
	v27 =	vadd.f32 v57, v56;
	s14 =	spop (v2sf)  }
0x10e: {  	v26 =	vld [tilespmem:s15+$0x4A0];
	v4 =	vadd.f32 v4, v6;
	s13 =	smul.u32 $0x19000, s14  }
0x10f: {  	v6 =	vld [tilespmem:s15+$0x4B0];
	v5 =	vadd.f32 v24, v5;
	v24 =	vadd.f32 v27, v25  }
0x110: {  	v27 =	vld [tilespmem:s15+$0x4D0];
	v25 =	vperm.xlane v4, v2;
	s13 =	sshra.s32 s13, $0x2  }
0x111: {  	v5 =	vadd.f32 v24, v5;
	v24 =	vld [tilespmem:s15+$0x4F0];
	s13 =	sadd.s32 $0x100, s13  }
0x112: {  	v4 =	vadd.f32 v4, v25;
	v25 =	vld [tilespmem:s13+$0xCC80]  }
0x113: {  	v48 =	vld [tilespmem:s13+$0xCCA0]  }
0x114: {  	v49 =	vld [tilespmem:s13+$0xCCB0]  }
0x115: {  	v51 =	vld [tilespmem:s13+$0xCCD0];
	v59 =	vperm.xlane v4, v3  }
0x116: {  	v52 =	vld [tilespmem:s13+$0xCCE0]  }
0x117: {  	v58 =	vperm.xlane v5, v0;
	v60 =	vld [tilespmem:s13+$0xCCF0];
	v4 =	vadd.f32 v4, v59  }
0x118: {  	v44 =	vld [tilespmem:s15+$0x490]  }
0x119: {  	v45 =	vld [tilespmem:s15+$0x4C0];
	s17 =	spop (v2sf);
	v5 =	vadd.f32 v5, v58;
	v25 =	vadd.f32 v25, v43;
	v4 =	vmul.f32 $7.812500000e-03, v4  }
0x11a: {  	s14 =	smul.u32 $0x19000, s17;
	v47 =	vld [tilespmem:s13+$0xCC90];
	v26 =	vadd.f32 v48, v26;
	v6 =	vadd.f32 v49, v6  }
0x11b: {  	v50 =	vld [tilespmem:s13+$0xCCC0];
	v32 =	vperm.xlane v5, v1;
	v27 =	vadd.f32 v51, v27;
	v7 =	vsub.f32 v37, v4  }
0x11c: {  	s18 =	sshra.s32 s14, $0x2;
	v51 =	vadd.f32 v52, v46;
	v24 =	vadd.f32 v60, v24  }
0x11d: {  	s13 =	sadd.s32 $0x100, s18;
	v5 =	vadd.f32 v5, v32;
	v62 =	vadd.f32 v6, v26;
	[tilespmem:$0x1FDE0] =	vst v7  }
0x11e: {  	v52 =	vadd.f32 v24, v51;
	v32 =	vsub.f32 v63, v4;
	v43 =	vld [tilespmem:s13+$0xCC00]  }
0x11f: {  	v34 =	vmov v17;
	v16 =	vsub.f32 v35, v4;
	v17 =	vsub.f32 v36, v4;
	v48 =	vld [tilespmem:s13+$0xCC10]  }
0x120: {  	v37 =	vadd.f32 v47, v44;
	v47 =	vadd.f32 v50, v45;
	v40 =	vld [tilespmem:s13+$0xCC20]  }
0x121: {  	v28 =	vsub.f32 v39, v4;
	v19 =	vsub.f32 v41, v4;
	v49 =	vld [tilespmem:s13+$0xCC30];
	[tilespmem:$0x1FDF0] =	vst v17  }
0x122: {  	v61 =	vadd.f32 v37, v25;
	v50 =	vadd.f32 v27, v47;
	v36 =	vld [tilespmem:s13+$0xCC40]  }
0x123: {  	v44 =	vsub.f32 v38, v4;
	v4 =	vsub.f32 v42, v4;
	v53 =	vld [tilespmem:s13+$0xCC50];
	[tilespmem:$0x1FE00] =	vst v28  }
0x124: {  	v63 =	vperm.xlane v5, v2;
	v54 =	vadd.f32 v62, v61;
	v50 =	vadd.f32 v52, v50;
	[tilespmem:$0x1FE10] =	vst v19  }
0x125: {  	v46 =	vmul.f32 v16, v16;
	v55 =	vmul.f32 v7, v7;
	v39 =	vld [tilespmem:s13+$0xCC60]  }
0x126: {  	v33 =	vmul.f32 v44, v44;
	v35 =	vmul.f32 v17, v17;
	v56 =	vld [tilespmem:s13+$0xCC70];
	[tilespmem:$0x1FE20] =	vst v4;
	v50 =	vadd.f32 v50, v54  }
0x127: {  	v45 =	vmul.f32 v28, v28;
	v52 =	vmul.f32 v32, v32;
	v57 =	vld [tilespmem:s15+$0x400]  }
0x128: {  	v5 =	vadd.f32 v5, v63;
	v60 =	vmul.f32 v19, v19;
	v61 =	vld [tilespmem:s15+$0x420];
	v59 =	vperm.xlane v50, v0  }
0x129: {  	v42 =	vadd.f32 v33, v55;
	v41 =	vadd.f32 v46, v52;
	v46 =	vmul.f32 v4, v4;
	v55 =	vld [tilespmem:s15+$0x430]  }
0x12a: {  	v62 =	vperm.xlane v5, v3;
	v33 =	vld [tilespmem:s15+$0x440];
	v50 =	vadd.f32 v50, v59  }
0x12b: {  	v38 =	vadd.f32 v45, v35;
	v35 =	vld [tilespmem:s15+$0x450];
	v52 =	vadd.f32 v46, v60  }
0x12c: {  	v58 =	vld [tilespmem:s15+$0x410];
	v5 =	vadd.f32 v5, v62;
	v45 =	vperm.xlane v50, v1  }
0x12d: {  	v41 =	vadd.f32 v42, v41;
	v46 =	vld [tilespmem:s15+$0x460];
	v38 =	vadd.f32 v52, v38  }
0x12e: {  	v43 =	vadd.f32 v43, v57;
	v57 =	vld [tilespmem:s15+$0x470];
	v50 =	vadd.f32 v50, v45  }
0x12f: {  	v40 =	vadd.f32 v40, v61;
	v55 =	vadd.f32 v49, v55  }
0x130: {  	v36 =	vadd.f32 v36, v33;
	v53 =	vadd.f32 v53, v35;
	v62 =	vperm.xlane v50, v2  }
0x131: {  	v38 =	vadd.f32 v38, v41;
	v41 =	vadd.f32 v48, v58  }
0x132: {  	s19 =	simm.s32 $0x205;
	v39 =	vadd.f32 v39, v46;
	v48 =	vadd.f32 v50, v62  }
0x133: {  	v35 =	vadd.f32 v55, v40;
	v33 =	vperm.xlane v38, v0;
	v45 =	vld [tilespmem:s19+$0x0];
	v42 =	vadd.f32 v56, v57  }
0x134: {  	v60 =	vadd.f32 v53, v36;
	v63 =	vadd.f32 v41, v43;
	v46 =	vperm.xlane v48, v3  }
0x135: {  	v38 =	vadd.f32 v38, v33;
	v61 =	vadd.f32 v42, v39  }
0x136: {  	v5 =	vmul.f32 $7.812500000e-03, v5;
	v48 =	vadd.f32 v48, v46  }
0x137: {  	v49 =	vadd.f32 v35, v63;
	v62 =	vperm.xlane v38, v1;
	v63 =	vadd.f32 v61, v60  }
0x138: {  	v54 =	vadd.f32 $9.999999740e-06, v5;
	(v2sf) =	vpush v45, $0x0;
	v33 =	vmul.f32 $7.812500000e-03, v48  }
0x139: {  	v38 =	vadd.f32 v38, v62;
	v35 =	vadd.f32 v63, v49  }
0x13a: {  	v59 =	vshrl.u32 v54, $0x1;
	v17 =	vsub.f32 v25, v33;
	v19 =	vsub.f32 v37, v33  }
0x13b: {  	v25 =	vperm.xlane v38, v2;
	v28 =	vsub.f32 v26, v33;
	v7 =	vsub.f32 v6, v33  }
0x13c: {  	v26 =	vperm.xlane v35, v0;
	v5 =	vsub.f32 v47, v33;
	v6 =	vsub.f32 v27, v33  }
0x13d: {  	v4 =	vsub.f32 v51, v33;
	[tilespmem:$0x1FE50] =	vst v17;
	v27 =	vmul.f32 v17, v17;
	v37 =	vmul.f32 v19, v19  }
0x13e: {  	v8 =	vsub.f32 v24, v33;
	[tilespmem:$0x1FE60] =	vst v19;
	v24 =	vmul.f32 v28, v28;
	v60 =	vmul.f32 v7, v7  }
0x13f: {  	[tilespmem:$0x1FE70] =	vst v28;
	v25 =	vadd.f32 v38, v25;
	v61 =	vmul.f32 v5, v5;
	v62 =	vmul.f32 v6, v6  }
0x140: {  	[tilespmem:$0x1FE80] =	vst v7;
	v26 =	vadd.f32 v35, v26;
	v63 =	vmul.f32 v4, v4;
	v57 =	vmul.f32 v8, v8  }
0x141: {  	v54 =	vmul.f32 $5.000000000e-01, v54;
	[tilespmem:$0x1FE90] =	vst v5;
	v27 =	vadd.f32 v37, v27;
	v24 =	vadd.f32 v60, v24  }
0x142: {  	[tilespmem:$0x1FEA0] =	vst v6;
	v35 =	vadd.f32 v62, v61;
	v57 =	vadd.f32 v57, v63;
	v61 =	vperm.xlane v26, v1  }
0x143: {  	[tilespmem:$0x1FEB0] =	vst v4;
	v60 =	vperm.xlane v25, v3;
	v62 =	vsub.s32 $0x5F3759DF, v59;
	v24 =	vadd.f32 v24, v27  }
0x144: {  	v33 =	vld [tilespmem:s19+$0xFFFFFFFF];
	v63 =	vmul.f32 v62, v54;
	v27 =	vadd.f32 v57, v35;
	v26 =	vadd.f32 v26, v61  }
0x145: {  	v25 =	vadd.f32 v25, v60  }
0x146: {  	v38 =	vmul.f32 v62, v63;
	v24 =	vadd.f32 v27, v24;
	v27 =	vperm.xlane v26, v2  }
0x147: {  	s17 =	simm.s32 $0x200  }
0x148: {  	v47 =	vld [tilespmem:s17+$0x480];
	v25 =	vmul.f32 $7.812500000e-03, v25;
	v26 =	vadd.f32 v26, v27;
	v27 =	vsub.f32 $1.500000000e+00, v38  }
0x149: {  	v52 =	vld [tilespmem:s17+$0x490];
	(v2sf) =	vpush v33, $0x0;
	v33 =	vperm.xlane v24, v0  }
0x14a: {  	v51 =	vld [tilespmem:s17+$0x4B0];
	v25 =	vadd.f32 $9.999999740e-06, v25;
	v59 =	vmul.f32 v62, v27  }
0x14b: {  	v30 =	vld [tilespmem:s17+$0x4C0];
	s22 =	spop (v2sf);
	v24 =	vadd.f32 v24, v33  }
0x14c: {  	v54 =	vld [tilespmem:s17+$0x4A0];
	s13 =	smul.u32 $0x19000, s22;
	v35 =	vshrl.u32 v25, $0x1;
	v25 =	vmul.f32 $5.000000000e-01, v25;
	v4 =	vmul.f32 v59, v23  }
0x14d: {  	v61 =	vld [tilespmem:s17+$0x4D0];
	v45 =	vperm.xlane v26, v3;
	v27 =	vsub.s32 $0x5F3759DF, v35;
	v46 =	vperm.xlane v24, v1  }
0x14e: {  	v57 =	vld [tilespmem:s17+$0x4E0];
	s13 =	sshra.s32 s13, $0x2;
	v25 =	vmul.f32 v27, v25;
	[tilespmem:$0x1FE30] =	vst v4  }
0x14f: {  	s13 =	sadd.s32 $0x200, s13;
	v26 =	vadd.f32 v26, v45;
	v23 =	vadd.f32 v24, v46;
	v4 =	vmul.f32 v59, v21;
	v31 =	vld [tilespmem:s17+$0x4F0]  }
0x150: {  	v24 =	vmul.f32 v27, v25;
	v48 =	vld [tilespmem:s13+$0xCC80]  }
0x151: {  	v25 =	vmul.f32 $7.812500000e-03, v26;
	v49 =	vld [tilespmem:s13+$0xCC90];
	v26 =	vperm.xlane v23, v2;
	[tilespmem:$0x1FE40] =	vst v4  }
0x152: {  	v6 =	vld [tilespmem:s13+$0xCCB0]  }
0x153: {  	v5 =	vsub.f32 v43, v25;
	v58 =	vadd.f32 v23, v26  }
0x154: {  	v62 =	vmul.f32 v59, v20;
	v17 =	vsub.f32 v41, v25;
	v20 =	vsub.f32 v40, v25  }
0x155: {  	v19 =	vsub.f32 v55, v25;
	v35 =	vperm.xlane v58, v3;
	v3 =	vsub.f32 v53, v25  }
0x156: {  	v7 =	vsub.f32 v36, v25;
	v26 =	vsub.f32 v39, v25;
	v23 =	vmovc v17;
	v45 =	vmul.f32 v17, v17  }
0x157: {  	v17 =	vsub.f32 v42, v25;
	v39 =	vadd.f32 v6, v51;
	v25 =	vmovc v3;
	v6 =	vmul.f32 v3, v3;
	v3 =	vld [tilespmem:$0x1FDB0];
	_ =	sdelay $0x3  }
0x158: {  	v50 =	vld [tilespmem:s13+$0xCCA0]  }
0x159: {  	v37 =	vadd.f32 v49, v52;
	v49 =	vmul.f32 v59, v3;
	v3 =	vld [tilespmem:$0x1FDC0]  }
0x15a: {  	v60 =	vld [tilespmem:s13+$0xCCC0];
	[tilespmem:$0x1FDA0] =	vst v5;
	v41 =	vadd.f32 v58, v35  }
0x15b: {  	v33 =	vmul.f32 v5, v5;
	v5 =	vld [tilespmem:s13+$0xCCD0]  }
0x15c: {  	v53 =	vld [tilespmem:s13+$0xCCE0];
	v41 =	vmul.f32 $7.812500000e-03, v41;
	_ =	sdelay $0x1  }
0x15d: {  	v58 =	vadd.f32 v45, v33;
	v46 =	vadd.f32 $9.999999740e-06, v41;
	v45 =	vmul.f32 v59, v3;
	v3 =	vld [tilespmem:$0x1FDD0]  }
0x15e: {  	v40 =	vadd.f32 v60, v30  }
0x15f: {  	v42 =	vadd.f32 v5, v61;
	v5 =	vmul.f32 v26, v26;
	v60 =	vshrl.u32 v46, $0x1  }
0x160: {  	v43 =	vadd.f32 v53, v57;
	v57 =	vsub.s32 $0x5F3759DF, v60;
	v60 =	vmul.f32 v17, v17;
	_ =	sdelay $0x1  }
0x161: {  	v5 =	vadd.f32 v60, v5;
	v60 =	vmul.f32 v59, v3;
	v3 =	vld [tilespmem:$0x1FDE0]  }
0x162: {  	v24 =	vsub.f32 $1.500000000e+00, v24;
	v29 =	vmul.f32 v20, v20;
	v28 =	vmul.f32 v19, v19  }
0x163: {  	v51 =	vmul.f32 $5.000000000e-01, v46  }
0x164: {  	v4 =	vmul.f32 v27, v24;
	s23 =	spop (v2sf);
	v30 =	vadd.f32 v28, v29  }
0x165: {  	v55 =	vld [tilespmem:s13+$0xCCF0];
	s14 =	smul.u32 $0x19000, s23;
	v51 =	vmul.f32 v57, v51  }
0x166: {  	v38 =	vadd.f32 v50, v54;
	v54 =	vadd.f32 v30, v58;
	v58 =	vmul.f32 v4, v3;
	v3 =	vld [tilespmem:$0x1FDF0]  }
0x167: {  	v36 =	vadd.f32 v48, v47;
	v47 =	vmul.f32 v7, v7;
	s24 =	sshra.s32 s14, $0x2;
	v51 =	vmul.f32 v57, v51  }
0x168: {  	v63 =	vmul.f32 v59, v22;
	s13 =	sadd.s32 $0x200, s24  }
0x169: {  	v28 =	vadd.f32 v6, v47;
	v33 =	vld [tilespmem:s13+$0xCC00];
	v46 =	vmul.f32 v59, v34;
	v59 =	vsub.f32 $1.500000000e+00, v51  }
0x16a: {  	v41 =	vadd.f32 v55, v31;
	v55 =	vld [tilespmem:s17+$0x400]  }
0x16b: {  	v30 =	vadd.f32 v5, v28;
	v5 =	vmul.f32 v57, v59;
	v57 =	vmul.f32 v4, v3;
	v3 =	vld [tilespmem:$0x1FE00]  }
0x16c: {  	v35 =	vadd.f32 v39, v38;
	v53 =	vadd.f32 v37, v36  }
0x16d: {  	v52 =	vadd.f32 v42, v40;
	v29 =	vadd.f32 v41, v43;
	_ =	sdelay $0x1  }
0x16e: {  	v53 =	vadd.f32 v35, v53;
	v29 =	vadd.f32 v29, v52  }
0x16f: {  	v28 =	vadd.f32 v33, v55;
	v55 =	vmul.f32 v4, v3;
	v3 =	vld [tilespmem:$0x1FE10]  }
0x170: {  	v29 =	vadd.f32 v29, v53;
	_ =	sdelay $0x1  }
0x171: {  	v53 =	vperm.xlane v29, v0;
	_ =	sdelay $0x1  }
0x172: {  	v6 =	vadd.f32 v29, v53;
	v53 =	vmul.f32 v4, v3;
	v3 =	vld [tilespmem:$0x1FE20];
	_ =	sdelay $0x1  }
0x173: {  	v21 =	vmov v7;
	v7 =	vld [tilespmem:$0x1FE30]  }
0x174: {  	v47 =	vld [tilespmem:s17+$0x410]  }
0x175: {  	v61 =	vld [tilespmem:s13+$0xCC10]  }
0x176: {  	v59 =	vmul.f32 v4, v44;
	v44 =	vadd.f32 v30, v54;
	v54 =	vmul.f32 v4, v3;
	v3 =	vld [tilespmem:$0x1FEF0]  }
0x177: {  	v56 =	vld [tilespmem:s13+$0xCC20]  }
0x178: {  	v34 =	vld [tilespmem:s17+$0x420]  }
0x179: {  	v22 =	vmov v26;
	v26 =	vmov v17;
	v17 =	vld [tilespmem:$0x1FE40]  }
0x17a: {  	v52 =	vmul.f32 v4, v16;
	v16 =	vld [tilespmem:$0x1FED0]  }
0x17b: {  	v29 =	vadd.f32 v61, v47;
	v61 =	vmul.f32 v7, v3;
	v7 =	vld [tilespmem:$0x1FEC0];
	_ =	sdelay $0x1  }
0x17c: {  	v50 =	vld [tilespmem:s13+$0xCC30];
	v30 =	vadd.f32 v56, v34;
	v56 =	vperm.xlane v6, v1  }
0x17d: {  	v31 =	vld [tilespmem:s17+$0x430]  }
0x17e: {  	v6 =	vadd.f32 v6, v56;
	v56 =	vmul.f32 v17, v16;
	v16 =	vld [tilespmem:$0x1FEE0]  }
0x17f: {  	v34 =	vmul.f32 v63, v7;
	v7 =	vld [tilespmem:$0x1FF20]  }
0x180: {  	v48 =	vld [tilespmem:s13+$0xCC40]  }
0x181: {  	v35 =	vld [tilespmem:s13+$0xCC50]  }
0x182: {  	v51 =	vmul.f32 v4, v32;
	v32 =	vld [tilespmem:s17+$0x440]  }
0x183: {  	v49 =	vmul.f32 v49, v18;
	v33 =	vld [tilespmem:s17+$0x450]  }
0x184: {  	v31 =	vadd.f32 v50, v31;
	v50 =	vadd.f32 v61, v7;
	v61 =	vmul.f32 v62, v16;
	v16 =	vld [tilespmem:$0x1FF80]  }
0x185: {  	v63 =	vmul.f32 v46, v9;
	v9 =	vadd.f32 v56, v12  }
0x186: {  	v49 =	vadd.f32 v49, v14;
	v47 =	vld [tilespmem:s13+$0xCC70]  }
0x187: {  	v32 =	vadd.f32 v48, v32;
	v48 =	vld [tilespmem:s17+$0x460];
	[tilespmem:s2+$0x490] =	vst v9  }
0x188: {  	v33 =	vadd.f32 v35, v33;
	v4 =	vld [tilespmem:s13+$0xCC60];
	v62 =	vadd.f32 v34, v11;
	[tilespmem:s2+$0x4B0] =	vst v49  }
0x189: {  	v35 =	vld [tilespmem:s17+$0x470];
	v11 =	vadd.f32 v61, v13;
	[tilespmem:s2+$0x4F0] =	vst v50;
	v13 =	vperm.xlane v6, v2;
	v45 =	vmul.f32 v45, v16  }
0x18a: {  	[tilespmem:s2+$0x480] =	vst v62  }
0x18b: {  	[tilespmem:s2+$0x4A0] =	vst v11;
	v46 =	vadd.f32 v6, v13;
	v6 =	vmul.f32 v60, v10;
	v60 =	vadd.f32 v45, v15  }
0x18c: {  	v62 =	vld [tilespmem:$0x1FF00]  }
0x18d: {  	v34 =	vadd.f32 v4, v48;
	v4 =	vperm.xlane v44, v0;
	[tilespmem:s2+$0x4C0] =	vst v60  }
0x18e: {  	v35 =	vadd.f32 v47, v35;
	v12 =	vadd.f32 v29, v28;
	v10 =	vld [tilespmem:$0x1FF10]  }
0x18f: {  	v47 =	vadd.f32 v44, v4;
	v4 =	vadd.f32 v31, v30;
	_ =	sdelay $0x1  }
0x190: {  	v14 =	vmul.f32 v5, v8;
	v45 =	vadd.f32 v4, v12;
	v4 =	vadd.f32 v63, v62  }
0x191: {  	v11 =	vld [tilespmem:$0x1FE50]  }
0x192: {  	v9 =	vmul.f32 v14, v3;
	v12 =	vld [tilespmem:$0x1FE60];
	[tilespmem:s2+$0x4D0] =	vst v4;
	v6 =	vadd.f32 v6, v10  }
0x193: {  	v13 =	vld [tilespmem:$0x1FE70]  }
0x194: {  	v14 =	vadd.f32 v9, v7;
	v15 =	vld [tilespmem:$0x1FE80];
	[tilespmem:s2+$0x4E0] =	vst v6  }
0x195: {  	v48 =	vld [tilespmem:$0x1FE90]  }
0x196: {  	v50 =	vld [tilespmem:$0x1FEA0];
	[tilespmem:s15+$0x4F0] =	vst v14  }
0x197: {  	v56 =	vld [tilespmem:$0x1FEB0];
	_ =	sdelay $0x1  }
0x198: {  	v62 =	vmul.f32 v5, v11;
	v61 =	vmul.f32 v5, v12  }
0x199: {  	v4 =	vmul.f32 v5, v13;
	v60 =	vmul.f32 v5, v15  }
0x19a: {  	s30 =	sshll.u32 s29, $0x1;
	v27 =	vmovc v20;
	v49 =	vadd.f32 v33, v32;
	v6 =	vmul.f32 v5, v48;
	v63 =	vmul.f32 v5, v50  }
0x19b: {  	s18 =	simm.s32 $0x207;
	v24 =	vmovc v19;
	s14 =	simm.s32 $0x800;
	s13 =	simm.s32 $0x4;
	v50 =	vadd.f32 v35, v34;
	v48 =	vperm.xlane v47, v1;
	v5 =	vmul.f32 v5, v56  }
.LBB2_5:
0x19c: {  	v44 =	vld [tilespmem:s18+$0x0]  }
0x19d: {  	v10 =	vld [tilespmem:$0x1FFF0]  }
0x19e: {  	v9 =	vld [tilespmem:$0x1FEC0]  }
0x19f: {  	v17 =	vld [tilespmem:$0x1FED0]  }
0x1a0: {  	v16 =	vld [tilespmem:$0x1FEE0]  }
0x1a1: {  	v11 =	vld [tilespmem:$0x1FF30]  }
0x1a2: {  	v12 =	vld [tilespmem:$0x1FF80]  }
0x1a3: {  	v0 =	vld [tilespmem:$0x1FFC0];
	v49 =	vadd.f32 v50, v49;
	v1 =	vperm.xlane v46, v10  }
0x1a4: {  	v14 =	vld [tilespmem:$0x1FF60];
	v47 =	vadd.f32 v47, v48;
	v48 =	vmul.f32 v52, v17  }
0x1a5: {  	v52 =	vmul.f32 v58, v16;
	v58 =	vadd.f32 v49, v45;
	v45 =	vadd.f32 v46, v1;
	v1 =	vld [tilespmem:$0x1FFE0]  }
0x1a6: {  	v15 =	vld [tilespmem:$0x1FFA0];
	v51 =	vmul.f32 v51, v9  }
0x1a7: {  	v59 =	vmul.f32 v59, v18;
	v3 =	vld [tilespmem:$0x1FEF0];
	(v2sf) =	vpush v44, $0x0;
	v56 =	vmul.f32 $7.812500000e-03, v45  }
0x1a8: {  	v6 =	vmul.f32 v6, v12;
	v49 =	vadd.f32 v51, v11;
	v51 =	vmul.f32 v57, v12  }
0x1a9: {  	v57 =	vperm.xlane v58, v0;
	v2 =	vadd.f32 v48, v14;
	v50 =	vsub.f32 v36, v56  }
0x1aa: {  	v7 =	vld [tilespmem:s18+$0xFFFFFFFF];
	v48 =	vsub.f32 v37, v56;
	v45 =	vsub.f32 v42, v56;
	v46 =	vperm.xlane v47, v1  }
0x1ab: {  	[tilespmem:s2+$0x400] =	vst v49;
	v36 =	vmul.f32 v53, v15;
	v49 =	vsub.f32 v38, v56;
	v44 =	vsub.f32 v43, v56  }
0x1ac: {  	v13 =	vld [tilespmem:$0x1FF90];
	v38 =	vmul.f32 v54, v3;
	v43 =	vmul.f32 v45, v45;
	v8 =	vadd.f32 v47, v46  }
0x1ad: {  	v54 =	vmul.f32 v44, v44;
	v47 =	vsub.f32 v39, v56;
	v46 =	vsub.f32 v40, v56  }
0x1ae: {  	v39 =	vmul.f32 v50, v50;
	v40 =	vmul.f32 v48, v48;
	v56 =	vsub.f32 v41, v56  }
0x1af: {  	(v2sf) =	vpush v7, $0x0;
	[tilespmem:s2+$0x410] =	vst v2;
	v41 =	vmul.f32 v49, v49;
	v2 =	vmul.f32 v47, v47  }
0x1b0: {  	v12 =	vld [tilespmem:$0x1FF40];
	v53 =	vadd.f32 v58, v57;
	v7 =	vmul.f32 v46, v46;
	v57 =	vmul.f32 v56, v56  }
0x1b1: {  	v55 =	vmul.f32 v55, v13;
	v39 =	vadd.f32 v40, v39;
	v40 =	vadd.f32 v2, v41;
	v2 =	vld [tilespmem:$0x1FFD0]  }
0x1b2: {  	v42 =	vmul.f32 v63, v13;
	v13 =	vld [tilespmem:$0x1FF50];
	v7 =	vadd.f32 v43, v7;
	v58 =	vadd.f32 v57, v54  }
0x1b3: {  	v19 =	vld [tilespmem:$0x1FF10];
	v37 =	vperm.xlane v8, v10;
	v41 =	vmul.f32 v62, v9  }
0x1b4: {  	v54 =	vmul.f32 v4, v16;
	v9 =	vld [tilespmem:$0x1FF00];
	v4 =	vadd.f32 v40, v39;
	v7 =	vadd.f32 v58, v7  }
0x1b5: {  	s14 =	sadd.s32 $0x400, s14;
	v20 =	vmovc v18;
	v63 =	vadd.f32 v52, v12;
	v8 =	vadd.f32 v8, v37;
	v39 =	vmul.f32 v60, v18;
	v18 =	vld [tilespmem:$0x1FF20]  }
0x1b6: {  	s22 =	sshra.s32 s14, $0x2;
	v7 =	vadd.f32 v7, v4;
	v4 =	vmul.f32 v5, v15;
	v15 =	vld [tilespmem:$0x1FF70];
	v62 =	vperm.xlane v53, v2  }
0x1b7: {  	v52 =	vld [tilespmem:s22+$0x480];
	v51 =	vadd.f32 v51, v13  }
0x1b8: {  	v36 =	vadd.f32 v36, v19;
	[tilespmem:s2+$0x420] =	vst v63;
	v43 =	vld [tilespmem:s22+$0x4A0];
	v8 =	vmul.f32 $7.812500000e-03, v8;
	v62 =	vadd.f32 v53, v62  }
0x1b9: {  	[tilespmem:s2+$0x440] =	vst v51;
	v51 =	vld [tilespmem:s22+$0x4C0];
	v63 =	vadd.f32 v55, v9;
	v60 =	vperm.xlane v7, v0  }
0x1ba: {  	[tilespmem:s2+$0x460] =	vst v36;
	v57 =	vld [tilespmem:s22+$0x4E0];
	s23 =	spop (v2sf);
	v8 =	vadd.f32 $9.999999740e-06, v8;
	v38 =	vadd.f32 v38, v18;
	v5 =	vperm.xlane v62, v1  }
0x1bb: {  	v37 =	vmul.f32 v61, v17;
	v58 =	vld [tilespmem:s22+$0x490];
	s23 =	smul.u32 $0x19000, s23;
	[tilespmem:s2+$0x450] =	vst v63;
	v7 =	vadd.f32 v7, v60;
	v61 =	vadd.f32 v59, v15  }
0x1bc: {  	v41 =	vadd.f32 v41, v11;
	v55 =	vld [tilespmem:s22+$0x4B0];
	[tilespmem:s2+$0x470] =	vst v38;
	v5 =	vadd.f32 v62, v5  }
0x1bd: {  	s23 =	sshra.s32 s23, $0x2;
	v53 =	vld [tilespmem:s22+$0x4D0];
	v62 =	vshrl.u32 v8, $0x1;
	v8 =	vmul.f32 $5.000000000e-01, v8;
	[tilespmem:s2+$0x430] =	vst v61;
	v61 =	vperm.xlane v7, v2;
	s2 =	smov.u32 s15  }
0x1be: {  	s24 =	spop (v2sf);
	s23 =	sadd.s32 s22, s23;
	v40 =	vsub.s32 $0x5F3759DF, v62;
	v62 =	vadd.f32 v54, v12;
	v54 =	vld [tilespmem:s22+$0x4F0];
	[tilespmem:s2+$0x480] =	vst v41;
	v60 =	vperm.xlane v5, v10  }
0x1bf: {  	s24 =	smul.u32 $0x19000, s24;
	v63 =	vadd.f32 v39, v15;
	v8 =	vmul.f32 v40, v8;
	v7 =	vadd.f32 v7, v61;
	v39 =	vld [tilespmem:s23+$0xCC80]  }
0x1c0: {  	v5 =	vadd.f32 v5, v60  }
0x1c1: {  	v37 =	vadd.f32 v37, v14;
	s24 =	sshra.s32 s24, $0x2;
	s15 =	smov.u32 s17;
	s17 =	smov.u32 s22;
	v8 =	vmul.f32 v40, v8;
	v12 =	vperm.xlane v7, v1  }
0x1c2: {  	v6 =	vadd.f32 v6, v13;
	v13 =	vadd.f32 v42, v9;
	s22 =	sadd.s32 s17, s24;
	v5 =	vmul.f32 $7.812500000e-03, v5  }
0x1c3: {  	[tilespmem:s2+$0x490] =	vst v37;
	v16 =	vld [tilespmem:s22+$0xCC60];
	v8 =	vsub.f32 $1.500000000e+00, v8;
	v7 =	vadd.f32 v7, v12  }
0x1c4: {  	v42 =	vld [tilespmem:s23+$0xCC90];
	[tilespmem:s2+$0x4A0] =	vst v62;
	v36 =	vadd.f32 v39, v52;
	v28 =	vsub.f32 v28, v5  }
0x1c5: {  	v29 =	vsub.f32 v29, v5;
	v8 =	vmul.f32 v40, v8;
	v40 =	vld [tilespmem:s23+$0xCCA0];
	v30 =	vsub.f32 v30, v5;
	[tilespmem:s2+$0x4B0] =	vst v63  }
0x1c6: {  	v31 =	vsub.f32 v31, v5;
	v32 =	vsub.f32 v32, v5;
	v15 =	vperm.xlane v7, v10;
	v41 =	vld [tilespmem:s23+$0xCCB0];
	[tilespmem:s2+$0x4C0] =	vst v6  }
0x1c7: {  	v33 =	vsub.f32 v33, v5;
	v34 =	vsub.f32 v34, v5;
	v14 =	vmul.f32 v28, v28;
	v6 =	vld [tilespmem:s23+$0xCCC0];
	[tilespmem:s2+$0x4D0] =	vst v13  }
0x1c8: {  	v37 =	vmul.f32 v29, v29;
	v60 =	vmul.f32 v30, v30;
	v7 =	vadd.f32 v7, v15;
	v59 =	vld [tilespmem:s23+$0xCCD0]  }
0x1c9: {  	v5 =	vsub.f32 v35, v5;
	v62 =	vmul.f32 v31, v31;
	v63 =	vmul.f32 v32, v32;
	v61 =	vld [tilespmem:s23+$0xCCE0]  }
0x1ca: {  	v10 =	vmul.f32 v33, v33;
	v9 =	vld [tilespmem:s23+$0xCCF0];
	v35 =	vadd.f32 v37, v14;
	v7 =	vmul.f32 $7.812500000e-03, v7  }
0x1cb: {  	v17 =	vld [tilespmem:s22+$0xCC70];
	v11 =	vmul.f32 v34, v34;
	v37 =	vadd.f32 v42, v58;
	v38 =	vadd.f32 v40, v43  }
0x1cc: {  	v52 =	vmul.f32 v8, v23;
	v40 =	vadd.f32 v6, v51;
	v6 =	vadd.f32 $9.999999740e-06, v7;
	v7 =	vld [tilespmem:$0x1FDA0]  }
0x1cd: {  	v12 =	vld [tilespmem:s22+$0xCC00];
	v10 =	vadd.f32 v10, v63;
	v58 =	vmul.f32 v8, v27;
	v39 =	vadd.f32 v41, v55  }
0x1ce: {  	v13 =	vld [tilespmem:s22+$0xCC10];
	v55 =	vmul.f32 v5, v5;
	v42 =	vadd.f32 v59, v53;
	v43 =	vadd.f32 v61, v57  }
0x1cf: {  	v23 =	vmovc v29;
	v14 =	vld [tilespmem:s22+$0xCC20];
	v41 =	vadd.f32 v9, v54;
	v29 =	vadd.f32 v39, v38;
	v59 =	vshrl.u32 v6, $0x1  }
0x1d0: {  	v27 =	vmovc v30;
	v30 =	vld [tilespmem:s17+$0x400];
	v6 =	vmul.f32 $5.000000000e-01, v6;
	v9 =	vsub.s32 $0x5F3759DF, v59;
	v53 =	vadd.f32 v42, v40  }
0x1d1: {  	v61 =	vld [tilespmem:s22+$0xCC40];
	v54 =	vadd.f32 v41, v43;
	v51 =	vmul.f32 v8, v7;
	v7 =	vmovc v28;
	v28 =	vadd.f32 v37, v36  }
0x1d2: {  	v57 =	vadd.f32 v62, v60;
	v60 =	vld [tilespmem:s17+$0x410];
	v11 =	vadd.f32 v55, v11;
	v6 =	vmul.f32 v9, v6  }
0x1d3: {  	v59 =	vmul.f32 v8, v24;
	v24 =	vmovc v31;
	v31 =	vld [tilespmem:s17+$0x420];
	v28 =	vadd.f32 v29, v28;
	v29 =	vadd.f32 v54, v53  }
0x1d4: {  	v35 =	vadd.f32 v57, v35;
	v57 =	vmul.f32 v8, v21;
	v21 =	vmovc v32;
	v32 =	vld [tilespmem:s17+$0x430];
	v6 =	vmul.f32 v9, v6  }
0x1d5: {  	v10 =	vadd.f32 v11, v10;
	[tilespmem:$0x1FDA0] =	vst v7;
	v7 =	vld [tilespmem:s22+$0xCC30];
	v62 =	vadd.f32 v29, v28  }
0x1d6: {  	v4 =	vadd.f32 v4, v19;
	v55 =	vmul.f32 v8, v25;
	v11 =	vld [tilespmem:s17+$0x440];
	v6 =	vsub.f32 $1.500000000e+00, v6  }
0x1d7: {  	v10 =	vadd.f32 v10, v35;
	v54 =	vmul.f32 v8, v26;
	v26 =	vmovc v5;
	v5 =	vld [tilespmem:s17+$0x460];
	v63 =	vperm.xlane v62, v0  }
0x1d8: {  	v15 =	vld [tilespmem:s22+$0xCC50];
	v28 =	vadd.f32 v12, v30;
	v29 =	vadd.f32 v13, v60;
	v9 =	vmul.f32 v9, v6  }
0x1d9: {  	v53 =	vmul.f32 v8, v22;
	v30 =	vadd.f32 v14, v31;
	v13 =	vld [tilespmem:s17+$0x470];
	v8 =	vadd.f32 v62, v63  }
0x1da: {  	v6 =	vld [tilespmem:s17+$0x450];
	v0 =	vperm.xlane v10, v0;
	v31 =	vadd.f32 v7, v32;
	v56 =	vmul.f32 v9, v56  }
0x1db: {  	[tilespmem:s2+$0x4E0] =	vst v4;
	v32 =	vadd.f32 v61, v11;
	v61 =	vmul.f32 v9, v48;
	v4 =	vperm.xlane v8, v2  }
0x1dc: {  	s13 =	sadd.s32 $0x2, s13;
	v22 =	vmovc v34;
	v34 =	vadd.f32 v16, v5;
	v60 =	vmul.f32 v9, v47;
	v5 =	vadd.f32 v31, v30  }
0x1dd: {  	p0 =	slt.u32 s13, $0x66;
	v62 =	vmul.f32 v9, v50;
	v47 =	vadd.f32 v10, v0;
	v8 =	vadd.f32 v8, v4  }
.Ltmp3:
0x1de: {  	v7 =	vmul.f32 v56, v3;
	v56 =	vadd.f32 v29, v28;
	v35 =	vadd.f32 v17, v13;
	(pc) =	sbr.rel @p0 .LBB2_5-.Ltmp3, $4  }
0x1df: {  	v25 =	vmovc v33;
	v33 =	vadd.f32 v15, v6;
	v6 =	vmul.f32 v9, v46;
	v63 =	vperm.xlane v8, v1  }
0x1e0: {  	v48 =	vperm.xlane v47, v2;
	v7 =	vadd.f32 v7, v18;
	v50 =	vadd.f32 v35, v34  }
0x1e1: {  	v18 =	vmovc v20;
	v4 =	vmul.f32 v9, v49;
	v49 =	vadd.f32 v33, v32;
	v46 =	vadd.f32 v8, v63  }
0x1e2: {  	s18 =	sadd.s32 $0x2, s18;
	[tilespmem:s15+$0x4F0] =	vst v7;
	v63 =	vmul.f32 v9, v45;
	v45 =	vadd.f32 v5, v56;
	v5 =	vmul.f32 v9, v44  }
0x1e3: {  	v2 =	vld [tilespmem:$0x1FFF0];
	_ =	sdelay $0x4  }
0x1e4: {  	v7 =	vperm.xlane v46, v2;
	_ =	sdelay $0x1  }
0x1e5: {  	v7 =	vadd.f32 v46, v7;
	_ =	sdelay $0x1  }
0x1e6: {  	v8 =	vadd.f32 v50, v49;
	v20 =	vld [tilespmem:$0x1FFC0];
	v7 =	vmul.f32 $7.812500000e-03, v7;
	_ =	sdelay $0x1  }
0x1e7: {  	v8 =	vadd.f32 v8, v45;
	v46 =	vsub.f32 v36, v7  }
0x1e8: {  	v45 =	vsub.f32 v37, v7;
	v44 =	vsub.f32 v38, v7  }
0x1e9: {  	v39 =	vsub.f32 v39, v7;
	v38 =	vsub.f32 v40, v7  }
0x1ea: {  	v9 =	vperm.xlane v8, v20;
	v37 =	vsub.f32 v42, v7;
	v36 =	vsub.f32 v43, v7  }
0x1eb: {  	v7 =	vsub.f32 v41, v7;
	v10 =	vmul.f32 v46, v46;
	v11 =	vmul.f32 v45, v45  }
0x1ec: {  	v14 =	vmul.f32 v38, v38;
	v15 =	vmul.f32 v37, v37  }
0x1ed: {  	v50 =	vmul.f32 v36, v36;
	v16 =	vmul.f32 v7, v7  }
0x1ee: {  	v3 =	vld [tilespmem:$0x1FFD0];
	v8 =	vadd.f32 v8, v9;
	v12 =	vmul.f32 v44, v44;
	v13 =	vmul.f32 v39, v39  }
0x1ef: {  	v1 =	vadd.f32 v15, v14;
	v9 =	vadd.f32 v16, v50  }
0x1f0: {  	v10 =	vadd.f32 v11, v10;
	v56 =	vadd.f32 v13, v12  }
0x1f1: {  	v9 =	vadd.f32 v9, v1;
	v1 =	vld [tilespmem:$0x1FFE0]  }
0x1f2: {  	v10 =	vadd.f32 v56, v10;
	v56 =	vld [tilespmem:$0x1FEC0]  }
0x1f3: {  	v0 =	vperm.xlane v8, v3;
	_ =	sdelay $0x1  }
0x1f4: {  	v8 =	vadd.f32 v8, v0;
	_ =	sdelay $0x1  }
0x1f5: {  	v16 =	vperm.xlane v8, v1;
	v41 =	vmul.f32 v51, v56;
	v51 =	vld [tilespmem:$0x1FED0]  }
0x1f6: {  	v9 =	vadd.f32 v9, v10  }
0x1f7: {  	v8 =	vadd.f32 v8, v16  }
0x1f8: {  	v10 =	vperm.xlane v9, v20  }
0x1f9: {  	v43 =	vld [tilespmem:$0x1FEE0];
	v19 =	vperm.xlane v8, v2  }
0x1fa: {  	v17 =	vadd.f32 v47, v48;
	v9 =	vadd.f32 v9, v10;
	v14 =	vmul.f32 v52, v51;
	v52 =	vld [tilespmem:$0x1FF30]  }
0x1fb: {  	v8 =	vadd.f32 v8, v19  }
0x1fc: {  	v40 =	vperm.xlane v17, v1;
	v42 =	vperm.xlane v9, v3  }
0x1fd: {  	v8 =	vmul.f32 $7.812500000e-03, v8  }
0x1fe: {  	v15 =	vmul.f32 v59, v18;
	v10 =	vadd.f32 v17, v40;
	v9 =	vadd.f32 v9, v42  }
0x1ff: {  	v59 =	vld [tilespmem:$0x1FF90];
	v11 =	vmul.f32 v58, v43;
	v58 =	vmovc v43;
	v12 =	vadd.f32 v41, v52;
	v43 =	vsub.f32 v28, v8  }
0x200: {  	v42 =	vsub.f32 v29, v8;
	v41 =	vsub.f32 v30, v8  }
0x201: {  	v48 =	vperm.xlane v9, v1;
	v40 =	vsub.f32 v31, v8;
	v31 =	vsub.f32 v32, v8  }
0x202: {  	v30 =	vsub.f32 v33, v8;
	v17 =	vmul.f32 v43, v43;
	v32 =	vmul.f32 v42, v42  }
0x203: {  	v29 =	vsub.f32 v34, v8;
	v28 =	vsub.f32 v35, v8;
	v8 =	vmul.f32 v41, v41  }
0x204: {  	v49 =	vmul.f32 v40, v40;
	v17 =	vadd.f32 v32, v17;
	v32 =	vmul.f32 v55, v59;
	v55 =	vld [tilespmem:$0x1FFA0]  }
0x205: {  	v50 =	vmul.f32 v31, v31;
	v0 =	vmul.f32 v30, v30  }
0x206: {  	v9 =	vadd.f32 v9, v48;
	v48 =	vmul.f32 v29, v29;
	v35 =	vmul.f32 v28, v28  }
0x207: {  	v8 =	vadd.f32 v49, v8  }
0x208: {  	v13 =	vadd.f32 v0, v50;
	v16 =	vadd.f32 v35, v48;
	v0 =	vld [tilespmem:$0x1FF60];
	v49 =	vperm.xlane v9, v2  }
0x209: {  	v8 =	vadd.f32 v8, v17;
	v34 =	vmul.f32 v53, v55;
	v53 =	vld [tilespmem:$0x1FEF0]  }
0x20a: {  	v19 =	vld [tilespmem:$0x1FF80];
	v13 =	vadd.f32 v16, v13;
	v9 =	vadd.f32 v9, v49  }
0x20b: {  	v47 =	vperm.xlane v10, v2  }
0x20c: {  	v8 =	vadd.f32 v13, v8;
	v9 =	vmul.f32 $7.812500000e-03, v9  }
0x20d: {  	v10 =	vadd.f32 v10, v47;
	v48 =	vmul.f32 v60, v18;
	v14 =	vadd.f32 v14, v0  }
0x20e: {  	v60 =	vld [tilespmem:$0x1FF40];
	v9 =	vadd.f32 $9.999999740e-06, v9;
	v16 =	vmul.f32 v54, v53;
	v54 =	vperm.xlane v8, v20  }
0x20f: {  	v10 =	vmul.f32 $7.812500000e-03, v10;
	v47 =	vmul.f32 v57, v19;
	[tilespmem:s2+$0x400] =	vst v12  }
0x210: {  	v57 =	vmovc v19;
	v6 =	vmul.f32 v6, v19;
	v19 =	vld [tilespmem:$0x1FF70];
	[tilespmem:s2+$0x410] =	vst v14;
	v8 =	vadd.f32 v8, v54;
	v54 =	vshrl.u32 v9, $0x1  }
0x211: {  	v35 =	vsub.s32 $0x5F3759DF, v54;
	v54 =	vld [tilespmem:$0x1FF50]  }
0x212: {  	v10 =	vadd.f32 $9.999999740e-06, v10  }
0x213: {  	v11 =	vadd.f32 v11, v60  }
0x214: {  	v50 =	vshrl.u32 v10, $0x1;
	v10 =	vmul.f32 $5.000000000e-01, v10  }
0x215: {  	v49 =	vmul.f32 v63, v59;
	v13 =	vsub.s32 $0x5F3759DF, v50;
	v9 =	vmul.f32 $5.000000000e-01, v9;
	[tilespmem:s2+$0x420] =	vst v11  }
0x216: {  	v10 =	vmul.f32 v13, v10;
	v50 =	vperm.xlane v8, v3;
	v63 =	vadd.f32 v47, v54;
	v47 =	vld [tilespmem:$0x1FF00]  }
0x217: {  	v17 =	vmul.f32 v62, v56;
	v9 =	vmul.f32 v35, v9  }
0x218: {  	v10 =	vmul.f32 v13, v10;
	v62 =	vadd.f32 v15, v19;
	v8 =	vadd.f32 v8, v50  }
0x219: {  	v9 =	vmul.f32 v35, v9  }
0x21a: {  	v10 =	vsub.f32 $1.500000000e+00, v10;
	[tilespmem:s2+$0x430] =	vst v62;
	v50 =	vperm.xlane v8, v1  }
0x21b: {  	v33 =	vmul.f32 v61, v51;
	v9 =	vsub.f32 $1.500000000e+00, v9;
	v11 =	vadd.f32 v32, v47;
	v32 =	vld [tilespmem:$0x1FF10]  }
0x21c: {  	v4 =	vmul.f32 v4, v58;
	v10 =	vmul.f32 v13, v10;
	v8 =	vadd.f32 v8, v50  }
0x21d: {  	v61 =	vmovc v20;
	v5 =	vmul.f32 v5, v55;
	v33 =	vadd.f32 v33, v0;
	v9 =	vmul.f32 v35, v9  }
0x21e: {  	v13 =	vadd.f32 v17, v52;
	v17 =	vmul.f32 v10, v27;
	v20 =	vperm.xlane v8, v2;
	[tilespmem:s2+$0x440] =	vst v63  }
0x21f: {  	v4 =	vadd.f32 v4, v60;
	v50 =	vmul.f32 v10, v21;
	v7 =	vmul.f32 v9, v7;
	v63 =	vld [tilespmem:$0x1FDA0]  }
0x220: {  	v8 =	vadd.f32 v8, v20;
	v12 =	vadd.f32 v34, v32;
	v34 =	vmov v32;
	v32 =	vld [tilespmem:$0x1FF20];
	[tilespmem:s2+$0x450] =	vst v11  }
0x221: {  	v6 =	vadd.f32 v6, v54;
	v21 =	vmul.f32 v10, v25;
	v14 =	vmul.f32 v50, v57;
	[tilespmem:s15+$0x480] =	vst v13  }
0x222: {  	v7 =	vmul.f32 v7, v53;
	v20 =	vadd.f32 v49, v47;
	v8 =	vmul.f32 $7.812500000e-03, v8;
	[tilespmem:s15+$0x490] =	vst v33  }
0x223: {  	v14 =	vadd.f32 v14, v54;
	v11 =	vmul.f32 v10, v23;
	[tilespmem:s15+$0x4A0] =	vst v4;
	v4 =	vmul.f32 v9, v46  }
0x224: {  	v33 =	vmul.f32 v9, v45;
	[tilespmem:s15+$0x4C0] =	vst v6;
	v6 =	vmul.f32 v9, v44;
	v8 =	vadd.f32 $9.999999740e-06, v8  }
0x225: {  	v44 =	vmul.f32 v21, v59;
	v5 =	vadd.f32 v5, v34;
	[tilespmem:s2+$0x460] =	vst v12;
	v12 =	vmul.f32 v10, v24  }
0x226: {  	[tilespmem:s15+$0x4D0] =	vst v20;
	v11 =	vmul.f32 v11, v51;
	v35 =	vshrl.u32 v8, $0x1;
	v4 =	vmul.f32 v4, v56  }
0x227: {  	[tilespmem:s15+$0x440] =	vst v14;
	v8 =	vmul.f32 $5.000000000e-01, v8;
	v13 =	vmul.f32 v33, v51;
	v7 =	vadd.f32 v7, v32  }
0x228: {  	[tilespmem:s15+$0x4E0] =	vst v5;
	v5 =	vmul.f32 v17, v58;
	v12 =	vmul.f32 v12, v18;
	v4 =	vadd.f32 v4, v52  }
0x229: {  	v62 =	vadd.f32 v16, v32;
	v16 =	vmul.f32 v10, v63;
	[tilespmem:s17+$0x4F0] =	vst v7;
	v7 =	vadd.f32 v11, v0  }
0x22a: {  	v63 =	vmul.f32 v10, v22;
	v5 =	vadd.f32 v5, v60;
	[tilespmem:s17+$0x480] =	vst v4;
	v11 =	vsub.s32 $0x5F3759DF, v35  }
0x22b: {  	v10 =	vmul.f32 v10, v26;
	v8 =	vmul.f32 v11, v8;
	[tilespmem:s15+$0x410] =	vst v7;
	v7 =	vadd.f32 v12, v19  }
0x22c: {  	v46 =	vmul.f32 v9, v38;
	v13 =	vadd.f32 v13, v0;
	[tilespmem:s15+$0x420] =	vst v5  }
0x22d: {  	v5 =	vmul.f32 v10, v53;
	v8 =	vmul.f32 v11, v8;
	[tilespmem:s15+$0x430] =	vst v7;
	v7 =	vadd.f32 v44, v47  }
0x22e: {  	v45 =	vmul.f32 v9, v39;
	v6 =	vmul.f32 v6, v58;
	[tilespmem:s17+$0x490] =	vst v13  }
0x22f: {  	v49 =	vmul.f32 v46, v57;
	v5 =	vadd.f32 v5, v32;
	[tilespmem:s15+$0x450] =	vst v7;
	v7 =	vsub.f32 $1.500000000e+00, v8  }
0x230: {  	v6 =	vadd.f32 v6, v60;
	[tilespmem:s2+$0x470] =	vst v62;
	v16 =	vmul.f32 v16, v56;
	v12 =	vmul.f32 v45, v18  }
0x231: {  	v62 =	vadd.f32 v48, v19;
	[tilespmem:s15+$0x470] =	vst v5;
	v8 =	vmul.f32 v9, v37;
	v5 =	vmul.f32 v11, v7  }
0x232: {  	[tilespmem:s17+$0x4A0] =	vst v6;
	v15 =	vmul.f32 v63, v55;
	v16 =	vadd.f32 v16, v52;
	v7 =	vmul.f32 v9, v36  }
0x233: {  	[tilespmem:s15+$0x4B0] =	vst v62;
	v4 =	vmul.f32 v8, v59;
	v8 =	vadd.f32 v12, v19;
	v50 =	vmul.f32 v5, v43  }
0x234: {  	v48 =	vadd.f32 v15, v34;
	[tilespmem:s15+$0x400] =	vst v16;
	v7 =	vmul.f32 v7, v55;
	v6 =	vmul.f32 v5, v42  }
0x235: {  	v4 =	vadd.f32 v4, v47;
	[tilespmem:s17+$0x4B0] =	vst v8;
	v8 =	vmul.f32 v5, v41;
	v11 =	vmul.f32 v5, v30  }
0x236: {  	[tilespmem:s15+$0x460] =	vst v48;
	v9 =	vadd.f32 v49, v54;
	v10 =	vmul.f32 v50, v56;
	v56 =	vmul.f32 v5, v40  }
0x237: {  	v7 =	vadd.f32 v7, v34;
	v6 =	vmul.f32 v6, v51;
	[tilespmem:s17+$0x4D0] =	vst v4;
	v4 =	vmul.f32 v5, v31  }
0x238: {  	[tilespmem:s17+$0x4C0] =	vst v9;
	v8 =	vmul.f32 v8, v58;
	v58 =	vmul.f32 v5, v29;
	v10 =	vadd.f32 v10, v52  }
0x239: {  	v5 =	vmul.f32 v5, v28;
	[tilespmem:s17+$0x4E0] =	vst v7;
	v7 =	vmul.f32 v56, v18;
	v6 =	vadd.f32 v6, v0  }
0x23a: {  	v4 =	vmul.f32 v4, v57;
	v8 =	vadd.f32 v8, v60;
	[tilespmem:s17+$0x400] =	vst v10  }
0x23b: {  	v5 =	vmul.f32 v5, v53;
	[tilespmem:s17+$0x410] =	vst v6;
	v6 =	vadd.f32 v7, v19  }
0x23c: {  	v59 =	vmul.f32 v11, v59;
	v4 =	vadd.f32 v4, v54;
	[tilespmem:s17+$0x420] =	vst v8  }
0x23d: {  	s14 =	smul.u32 $0x190, s29;
	v7 =	vmul.f32 v58, v55;
	v5 =	vadd.f32 v5, v32;
	[tilespmem:s17+$0x430] =	vst v6  }
0x23e: {  	v6 =	vadd.f32 v59, v47;
	[tilespmem:s17+$0x440] =	vst v4  }
0x23f: {  	s2 =	sadd.s32 s10, s14;
	v4 =	vadd.f32 v7, v34;
	[tilespmem:s17+$0x470] =	vst v5  }
0x240: {  	s2 =	sshll.u32 s2, $0x4;
	[tilespmem:s17+$0x450] =	vst v6  }
0x241: {  	s14 =	simm.s32 $0x0;
	s13 =	sadd.s32 s8, s2;
	s15 =	simm.s32 $0x269;
	[tilespmem:s17+$0x460] =	vst v4  }
0x242: {  	[hbm4b:s13+s14] =	stream.linear.scatter [tilespmem:s28], [sflag:$0x2], $0x3400, $0x38;
	[tilespmem:$0x19600] =	vst v63  }
0x243: {  	v4 =	vld [tilespmem:s15+$0x0];
	_ =	sdelay $0x4  }
0x244: {  	(v2sf) =	vpush v4, $0x0;
	_ =	sdelay $0x8  }
0x245: {  	v4 =	vld [tilespmem:s15+$0xFFFFFFFF];
	_ =	sdelay $0x2  }
0x246: {  	s15 =	simm.s32 $0x0  }
0x247: {  	v5 =	vld [tilespmem:s15+$0x3890]  }
0x248: {  	v6 =	vld [tilespmem:s15+$0x38A0];
	(v2sf) =	vpush v4, $0x0  }
0x249: {  	v7 =	vld [tilespmem:s15+$0x38B0];
	s17 =	spop (v2sf)  }
0x24a: {  	v8 =	vld [tilespmem:s15+$0x38C0];
	s13 =	smul.u32 $0x19000, s17  }
0x24b: {  	v60 =	vld [tilespmem:s15+$0x38D0]  }
0x24c: {  	v62 =	vld [tilespmem:s15+$0x38E0];
	s13 =	sshra.s32 s13, $0x2  }
0x24d: {  	v63 =	vld [tilespmem:s15+$0x38F0];
	s13 =	sadd.s32 $0x0, s13  }
0x24e: {  	v4 =	vld [tilespmem:s15+$0x3880];
	s13 =	sadd.s32 $0xCC00, s13  }
0x24f: {  	v0 =	vld [tilespmem:s13+$0x3480]  }
0x250: {  	v13 =	vld [tilespmem:s13+$0x3490]  }
0x251: {  	v14 =	vld [tilespmem:s13+$0x34A0]  }
0x252: {  	v32 =	vld [tilespmem:s13+$0x34B0]  }
0x253: {  	v33 =	vld [tilespmem:s13+$0x34C0]  }
0x254: {  	v34 =	vld [tilespmem:s13+$0x34D0]  }
0x255: {  	v20 =	vld [tilespmem:s13+$0x34E0]  }
0x256: {  	v21 =	vld [tilespmem:s13+$0x34F0]  }
0x257: {  	v42 =	vld [tilespmem:s15+$0x3810];
	s18 =	spop (v2sf)  }
0x258: {  	v25 =	vld [tilespmem:s15+$0x3820];
	s14 =	smul.u32 $0x19000, s18;
	v4 =	vadd.f32 v0, v4;
	v5 =	vadd.f32 v13, v5  }
0x259: {  	v27 =	vld [tilespmem:s15+$0x3830];
	v6 =	vadd.f32 v14, v6;
	v7 =	vadd.f32 v32, v7  }
0x25a: {  	v28 =	vld [tilespmem:s15+$0x3840];
	s14 =	sshra.s32 s14, $0x2;
	v8 =	vadd.f32 v33, v8;
	v9 =	vadd.f32 v34, v60  }
0x25b: {  	v29 =	vld [tilespmem:s15+$0x3860];
	s19 =	sadd.s32 $0x0, s14;
	v10 =	vadd.f32 v20, v62;
	v11 =	vadd.f32 v21, v63  }
0x25c: {  	v31 =	vld [tilespmem:s15+$0x3870];
	s13 =	sadd.s32 $0xCC00, s19;
	v39 =	vadd.f32 v5, v4;
	v40 =	vadd.f32 v7, v6  }
0x25d: {  	v35 =	vld [tilespmem:s13+$0x3400];
	v21 =	vadd.f32 v9, v8;
	v22 =	vadd.f32 v11, v10  }
0x25e: {  	v36 =	vld [tilespmem:s13+$0x3410]  }
0x25f: {  	v37 =	vld [tilespmem:s13+$0x3420];
	v16 =	vadd.f32 v40, v39;
	v41 =	vadd.f32 v22, v21  }
0x260: {  	v38 =	vld [tilespmem:s13+$0x3430]  }
0x261: {  	v20 =	vld [tilespmem:s13+$0x3440];
	v16 =	vadd.f32 v41, v16  }
0x262: {  	v23 =	vld [tilespmem:s13+$0x3450]  }
0x263: {  	v24 =	vld [tilespmem:s13+$0x3460];
	v26 =	vperm.xlane v16, v61  }
0x264: {  	v21 =	vld [tilespmem:s13+$0x3470]  }
0x265: {  	v22 =	vld [tilespmem:s15+$0x3800];
	v16 =	vadd.f32 v16, v26  }
0x266: {  	v26 =	vld [tilespmem:s15+$0x3850]  }
0x267: {  	v13 =	vadd.f32 v36, v42;
	v14 =	vadd.f32 v37, v25;
	v30 =	vperm.xlane v16, v3  }
0x268: {  	v15 =	vadd.f32 v38, v27;
	v25 =	vadd.f32 v20, v28  }
0x269: {  	s22 =	simm.s32 $0x26B;
	v24 =	vadd.f32 v24, v29;
	v16 =	vadd.f32 v16, v30  }
0x26a: {  	v12 =	vadd.f32 v35, v22;
	v17 =	vadd.f32 v21, v31;
	v30 =	vld [tilespmem:s22+$0x0]  }
0x26b: {  	v21 =	vadd.f32 v15, v14;
	v23 =	vadd.f32 v23, v26;
	v43 =	vperm.xlane v16, v1  }
0x26c: {  	v20 =	vadd.f32 v13, v12;
	v27 =	vadd.f32 v17, v24  }
0x26d: {  	v26 =	vadd.f32 v23, v25;
	v16 =	vadd.f32 v16, v43  }
0x26e: {  	v20 =	vadd.f32 v21, v20  }
0x26f: {  	(v2sf) =	vpush v30, $0x0;
	v21 =	vadd.f32 v27, v26;
	v26 =	vld [tilespmem:s22+$0xFFFFFFFF];
	v22 =	vperm.xlane v16, v2;
	_ =	sdelay $0x1  }
0x270: {  	v16 =	vadd.f32 v16, v22;
	_ =	sdelay $0x1  }
0x271: {  	v16 =	vmul.f32 $7.812500000e-03, v16  }
0x272: {  	v27 =	vadd.f32 v21, v20;
	(v2sf) =	vpush v26, $0x0  }
0x273: {  	v22 =	vsub.f32 v4, v16;
	v21 =	vsub.f32 v5, v16  }
0x274: {  	v28 =	vsub.f32 v6, v16;
	v34 =	vsub.f32 v7, v16;
	v5 =	vperm.xlane v27, v61  }
0x275: {  	v29 =	vsub.f32 v8, v16;
	v30 =	vsub.f32 v9, v16  }
0x276: {  	v6 =	vmul.f32 v22, v22;
	v7 =	vmul.f32 v21, v21;
	v5 =	vadd.f32 v27, v5  }
0x277: {  	v44 =	vsub.f32 v10, v16;
	v4 =	vsub.f32 v11, v16;
	[tilespmem:$0x1FD50] =	vst v29;
	v8 =	vmul.f32 v28, v28  }
0x278: {  	[tilespmem:$0x1FD60] =	vst v30;
	v45 =	vmul.f32 v34, v34;
	v6 =	vadd.f32 v7, v6;
	v7 =	vperm.xlane v5, v3  }
0x279: {  	s17 =	simm.s32 $0x100;
	[tilespmem:$0x1FD70] =	vst v44;
	v46 =	vmul.f32 v29, v29;
	v47 =	vmul.f32 v30, v30  }
0x27a: {  	v48 =	vmul.f32 v44, v44;
	v27 =	vmul.f32 v4, v4;
	v26 =	vld [tilespmem:s17+$0x3880];
	v5 =	vadd.f32 v5, v7  }
0x27b: {  	v35 =	vld [tilespmem:s17+$0x3890];
	v8 =	vadd.f32 v45, v8  }
0x27c: {  	v50 =	vld [tilespmem:s17+$0x38A0];
	v49 =	vadd.f32 v47, v46;
	v51 =	vadd.f32 v27, v48;
	s23 =	spop (v2sf);
	v53 =	vperm.xlane v5, v1  }
0x27d: {  	v52 =	vld [tilespmem:s17+$0x38C0];
	v6 =	vadd.f32 v8, v6;
	s13 =	smul.u32 $0x19000, s23  }
0x27e: {  	v54 =	vld [tilespmem:s17+$0x38D0];
	v8 =	vadd.f32 v51, v49;
	v5 =	vadd.f32 v5, v53  }
0x27f: {  	v27 =	vld [tilespmem:s17+$0x38E0];
	s13 =	sshra.s32 s13, $0x2  }
0x280: {  	v7 =	vld [tilespmem:s17+$0x38B0];
	v6 =	vadd.f32 v8, v6;
	s13 =	sadd.s32 $0x100, s13;
	v60 =	vperm.xlane v5, v2  }
0x281: {  	v8 =	vld [tilespmem:s17+$0x38F0];
	s13 =	sadd.s32 $0xCC00, s13  }
0x282: {  	v59 =	vperm.xlane v6, v61;
	v55 =	vld [tilespmem:s13+$0x3480];
	v5 =	vadd.f32 v5, v60  }
0x283: {  	v62 =	vld [tilespmem:s13+$0x3490]  }
0x284: {  	v6 =	vadd.f32 v6, v59;
	v63 =	vld [tilespmem:s13+$0x34A0];
	v5 =	vmul.f32 $7.812500000e-03, v5  }
0x285: {  	v44 =	vld [tilespmem:s13+$0x34B0]  }
0x286: {  	v45 =	vld [tilespmem:s13+$0x34C0];
	v32 =	vperm.xlane v6, v3;
	v29 =	vsub.f32 v12, v5  }
0x287: {  	s24 =	spop (v2sf);
	v46 =	vld [tilespmem:s13+$0x34D0]  }
0x288: {  	s14 =	smul.u32 $0x19000, s24;
	v47 =	vld [tilespmem:s13+$0x34E0];
	v6 =	vadd.f32 v6, v32;
	[tilespmem:$0x1FD80] =	vst v29  }
0x289: {  	v59 =	vsub.f32 v13, v5;
	v0 =	vsub.f32 v14, v5;
	v48 =	vld [tilespmem:s13+$0x34F0]  }
0x28a: {  	s18 =	sshra.s32 s14, $0x2;
	v33 =	vsub.f32 v15, v5;
	v30 =	vsub.f32 v25, v5  }
0x28b: {  	v9 =	vadd.f32 v55, v26;
	v13 =	vadd.f32 v62, v35;
	s13 =	sadd.s32 $0x100, s18  }
0x28c: {  	v10 =	vadd.f32 v63, v50;
	v7 =	vadd.f32 v44, v7;
	s13 =	sadd.s32 $0xCC00, s13  }
0x28d: {  	v16 =	vadd.f32 v45, v52;
	v11 =	vadd.f32 v46, v54;
	v14 =	vld [tilespmem:s13+$0x3400]  }
0x28e: {  	v27 =	vadd.f32 v47, v27;
	v26 =	vld [tilespmem:s13+$0x3410];
	v8 =	vadd.f32 v48, v8  }
0x28f: {  	v36 =	vadd.f32 v13, v9;
	v37 =	vadd.f32 v7, v10;
	v12 =	vld [tilespmem:s13+$0x3420]  }
0x290: {  	v39 =	vadd.f32 v11, v16;
	v38 =	vld [tilespmem:s13+$0x3430];
	[tilespmem:$0x1FD90] =	vst v30;
	v49 =	vadd.f32 v8, v27  }
0x291: {  	v25 =	vperm.xlane v6, v1;
	v53 =	vsub.f32 v24, v5;
	v46 =	vsub.f32 v23, v5;
	v15 =	vld [tilespmem:s13+$0x3440]  }
0x292: {  	v56 =	vmul.f32 v29, v29;
	v36 =	vadd.f32 v37, v36;
	v42 =	vld [tilespmem:s13+$0x3450];
	v50 =	vadd.f32 v49, v39  }
0x293: {  	v47 =	vsub.f32 v17, v5;
	v24 =	vmul.f32 v59, v59;
	v57 =	vmul.f32 v0, v0;
	v23 =	vld [tilespmem:s13+$0x3460]  }
0x294: {  	v5 =	vmul.f32 v33, v33;
	v58 =	vmul.f32 v30, v30;
	v44 =	vld [tilespmem:s13+$0x3470];
	v36 =	vadd.f32 v50, v36  }
0x295: {  	v6 =	vadd.f32 v6, v25;
	v63 =	vmul.f32 v53, v53;
	v25 =	vmul.f32 v46, v46;
	v37 =	vld [tilespmem:s17+$0x3800]  }
0x296: {  	v32 =	vmul.f32 v47, v47;
	v24 =	vadd.f32 v24, v56;
	v60 =	vld [tilespmem:s17+$0x3810];
	v62 =	vperm.xlane v36, v61  }
0x297: {  	v5 =	vadd.f32 v5, v57;
	v17 =	vadd.f32 v25, v58;
	v35 =	vld [tilespmem:s17+$0x3820]  }
0x298: {  	v25 =	vadd.f32 v32, v63;
	v55 =	vld [tilespmem:s17+$0x3830];
	v36 =	vadd.f32 v36, v62  }
0x299: {  	v54 =	vperm.xlane v6, v2;
	v56 =	vld [tilespmem:s17+$0x3840]  }
0x29a: {  	v57 =	vld [tilespmem:s17+$0x3850];
	v5 =	vadd.f32 v5, v24;
	v17 =	vadd.f32 v25, v17;
	v58 =	vperm.xlane v36, v3  }
0x29b: {  	v6 =	vadd.f32 v6, v54;
	v24 =	vld [tilespmem:s17+$0x3860]  }
0x29c: {  	v25 =	vld [tilespmem:s17+$0x3870];
	v5 =	vadd.f32 v17, v5;
	v36 =	vadd.f32 v36, v58  }
0x29d: {  	v14 =	vadd.f32 v14, v37;
	v17 =	vadd.f32 v26, v60  }
0x29e: {  	v12 =	vadd.f32 v12, v35;
	v37 =	vadd.f32 v38, v55;
	v26 =	vperm.xlane v36, v1  }
0x29f: {  	v15 =	vadd.f32 v15, v56;
	v40 =	vadd.f32 v42, v57  }
0x2a0: {  	v24 =	vadd.f32 v23, v24;
	v62 =	vperm.xlane v5, v61;
	v26 =	vadd.f32 v36, v26  }
0x2a1: {  	s19 =	simm.s32 $0x26D;
	v60 =	vadd.f32 v17, v14;
	v36 =	vadd.f32 v44, v25  }
0x2a2: {  	v23 =	vadd.f32 v37, v12;
	v5 =	vadd.f32 v5, v62;
	v25 =	vld [tilespmem:s19+$0x0];
	v63 =	vperm.xlane v26, v2  }
0x2a3: {  	v42 =	vadd.f32 v40, v15;
	v44 =	vadd.f32 v36, v24  }
0x2a4: {  	v6 =	vmul.f32 $7.812500000e-03, v6;
	v32 =	vperm.xlane v5, v3;
	v26 =	vadd.f32 v26, v63  }
0x2a5: {  	v23 =	vadd.f32 v23, v60;
	v35 =	vadd.f32 v44, v42  }
0x2a6: {  	v39 =	vadd.f32 $9.999999740e-06, v6;
	v45 =	vadd.f32 v5, v32;
	v26 =	vmul.f32 $7.812500000e-03, v26  }
0x2a7: {  	(v2sf) =	vpush v25, $0x0;
	v23 =	vadd.f32 v35, v23  }
0x2a8: {  	v50 =	vsub.f32 v9, v26;
	v55 =	vsub.f32 v13, v26  }
0x2a9: {  	v54 =	vperm.xlane v45, v1;
	v57 =	vsub.f32 v10, v26;
	v63 =	vsub.f32 v7, v26  }
0x2aa: {  	v7 =	vperm.xlane v23, v61;
	v41 =	vsub.f32 v16, v26;
	v48 =	vsub.f32 v11, v26  }
0x2ab: {  	v43 =	vsub.f32 v27, v26;
	v32 =	vmul.f32 v50, v50;
	v35 =	vmul.f32 v55, v55  }
0x2ac: {  	v60 =	vsub.f32 v8, v26;
	v8 =	vmul.f32 v57, v57;
	v44 =	vmul.f32 v63, v63  }
0x2ad: {  	v9 =	vadd.f32 v45, v54;
	v25 =	vmul.f32 v41, v41;
	v26 =	vmul.f32 v48, v48  }
0x2ae: {  	v7 =	vadd.f32 v23, v7;
	v23 =	vmul.f32 v43, v43;
	v27 =	vmul.f32 v60, v60  }
0x2af: {  	v10 =	vadd.f32 v35, v32;
	v8 =	vadd.f32 v44, v8  }
0x2b0: {  	v49 =	vadd.f32 v26, v25;
	v23 =	vadd.f32 v27, v23  }
0x2b1: {  	v38 =	vld [tilespmem:s19+$0xFFFFFFFF];
	v45 =	vshrl.u32 v39, $0x1;
	v25 =	vperm.xlane v9, v2;
	v51 =	vperm.xlane v7, v3  }
0x2b2: {  	v26 =	vmul.f32 $5.000000000e-01, v39;
	v8 =	vadd.f32 v8, v10;
	v52 =	vadd.f32 v23, v49  }
0x2b3: {  	v11 =	vsub.s32 $0x5F3759DF, v45;
	v9 =	vadd.f32 v9, v25;
	v7 =	vadd.f32 v7, v51  }
0x2b4: {  	s18 =	simm.s32 $0x200;
	v54 =	vmul.f32 v11, v26;
	v8 =	vadd.f32 v52, v8  }
0x2b5: {  	v42 =	vld [tilespmem:s18+$0x38C0];
	v9 =	vmul.f32 $7.812500000e-03, v9;
	v56 =	vperm.xlane v7, v1  }
0x2b6: {  	(v2sf) =	vpush v38, $0x0;
	v38 =	vld [tilespmem:s18+$0x3890];
	v13 =	vmul.f32 v11, v54;
	v23 =	vperm.xlane v8, v61  }
0x2b7: {  	v16 =	vld [tilespmem:s18+$0x3880];
	v9 =	vadd.f32 $9.999999740e-06, v9;
	v7 =	vadd.f32 v7, v56;
	s22 =	spop (v2sf)  }
0x2b8: {  	v45 =	vld [tilespmem:s18+$0x38E0];
	v13 =	vsub.f32 $1.500000000e+00, v13;
	v8 =	vadd.f32 v8, v23;
	s13 =	smul.u32 $0x19000, s22  }
0x2b9: {  	v39 =	vld [tilespmem:s18+$0x38B0];
	v23 =	vshrl.u32 v9, $0x1;
	v25 =	vperm.xlane v7, v2  }
0x2ba: {  	v44 =	vld [tilespmem:s18+$0x38D0];
	v11 =	vmul.f32 v11, v13;
	v58 =	vsub.s32 $0x5F3759DF, v23;
	v23 =	vperm.xlane v8, v3;
	s13 =	sshra.s32 s13, $0x2  }
0x2bb: {  	v10 =	vld [tilespmem:s18+$0x38A0];
	v9 =	vmul.f32 $5.000000000e-01, v9;
	v7 =	vadd.f32 v7, v25;
	s13 =	sadd.s32 $0x200, s13  }
0x2bc: {  	v49 =	vmul.f32 v11, v4;
	v4 =	vadd.f32 v8, v23;
	v8 =	vld [tilespmem:s18+$0x38F0];
	s13 =	sadd.s32 $0xCC00, s13  }
0x2bd: {  	v9 =	vmul.f32 v58, v9;
	v7 =	vmul.f32 $7.812500000e-03, v7;
	v51 =	vld [tilespmem:s13+$0x3480]  }
0x2be: {  	v23 =	vperm.xlane v4, v1;
	v52 =	vld [tilespmem:s13+$0x3490]  }
0x2bf: {  	v9 =	vmul.f32 v58, v9;
	v5 =	vsub.f32 v14, v7;
	v14 =	vld [tilespmem:s13+$0x34A0]  }
0x2c0: {  	v62 =	vmul.f32 v11, v21;
	v21 =	vsub.f32 v17, v7;
	v17 =	vld [tilespmem:s13+$0x34B0];
	v4 =	vadd.f32 v4, v23  }
0x2c1: {  	v20 =	vmovc v61;
	v61 =	vmul.f32 v11, v22;
	v9 =	vsub.f32 $1.500000000e+00, v9;
	v25 =	vsub.f32 v12, v7;
	v12 =	vld [tilespmem:s13+$0x34C0];
	[tilespmem:$0x1FD10] =	vst v5  }
0x2c2: {  	v22 =	vsub.f32 v37, v7;
	v6 =	vsub.f32 v15, v7;
	v54 =	vld [tilespmem:s13+$0x34D0];
	[tilespmem:$0x1FD20] =	vst v21;
	v32 =	vperm.xlane v4, v2  }
0x2c3: {  	v13 =	vmul.f32 v5, v5;
	v23 =	vsub.f32 v40, v7;
	v40 =	vmul.f32 v21, v21;
	v56 =	vld [tilespmem:s13+$0x34E0];
	[tilespmem:$0x1FD30] =	vst v25  }
0x2c4: {  	v2 =	vsub.f32 v36, v7;
	v4 =	vadd.f32 v4, v32;
	v32 =	vld [tilespmem:s13+$0x34F0]  }
0x2c5: {  	v5 =	vadd.f32 v40, v13;
	v36 =	vadd.f32 v51, v16  }
0x2c6: {  	v37 =	vadd.f32 v52, v38;
	v38 =	vadd.f32 v14, v10;
	v4 =	vmul.f32 $7.812500000e-03, v4  }
0x2c7: {  	v39 =	vadd.f32 v17, v39;
	v40 =	vadd.f32 v12, v42  }
0x2c8: {  	v9 =	vmul.f32 v58, v9;
	v44 =	vadd.f32 v54, v44;
	v4 =	vadd.f32 $9.999999740e-06, v4  }
0x2c9: {  	v58 =	vmul.f32 v22, v22;
	v45 =	vadd.f32 v56, v45;
	v42 =	vadd.f32 v32, v8  }
0x2ca: {  	s23 =	spop (v2sf);
	v51 =	vadd.f32 v37, v36;
	v52 =	vadd.f32 v39, v38;
	v56 =	vshrl.u32 v4, $0x1  }
0x2cb: {  	s14 =	smul.u32 $0x19000, s23;
	v54 =	vadd.f32 v44, v40;
	v15 =	vsub.s32 $0x5F3759DF, v56;
	v56 =	vadd.f32 v42, v45  }
0x2cc: {  	v29 =	vsub.f32 v24, v7;
	v7 =	vmul.f32 v25, v25;
	v17 =	vld [tilespmem:$0x1FD50];
	v4 =	vmul.f32 $5.000000000e-01, v4  }
0x2cd: {  	s24 =	sshra.s32 s14, $0x2;
	[tilespmem:$0x1FD40] =	vst v22;
	v51 =	vadd.f32 v52, v51;
	v52 =	vadd.f32 v56, v54;
	v56 =	vld [tilespmem:$0x1FD60]  }
0x2ce: {  	s13 =	sadd.s32 $0x200, s24;
	v7 =	vadd.f32 v58, v7;
	v25 =	vmovc v2;
	v58 =	vmul.f32 v2, v2;
	v2 =	vld [tilespmem:$0x1FEF0];
	v4 =	vmul.f32 v15, v4  }
0x2cf: {  	v24 =	vmov v6;
	v10 =	vmul.f32 v6, v6;
	s13 =	sadd.s32 $0xCC00, s13;
	v6 =	vld [tilespmem:s18+$0x3830]  }
0x2d0: {  	v31 =	vld [tilespmem:s13+$0x3430];
	v4 =	vmul.f32 v15, v4  }
0x2d1: {  	v14 =	vmul.f32 v11, v17  }
0x2d2: {  	v30 =	vld [tilespmem:s13+$0x3420];
	v4 =	vsub.f32 $1.500000000e+00, v4;
	v17 =	vmul.f32 v11, v56;
	v56 =	vadd.f32 v52, v51  }
0x2d3: {  	v8 =	vld [tilespmem:s18+$0x3820]  }
0x2d4: {  	v21 =	vld [tilespmem:$0x1FF20];
	v15 =	vmul.f32 v15, v4;
	v4 =	vperm.xlane v56, v20  }
0x2d5: {  	v12 =	vmul.f32 v23, v23;
	v31 =	vadd.f32 v31, v6;
	v6 =	vmul.f32 v49, v2;
	v49 =	vld [tilespmem:$0x1FEC0]  }
0x2d6: {  	v26 =	vmovc v23;
	v16 =	vmul.f32 v29, v29;
	v23 =	vld [tilespmem:$0x1FED0];
	v7 =	vadd.f32 v7, v5;
	v5 =	vadd.f32 v56, v4  }
0x2d7: {  	v27 =	vmov v29;
	v10 =	vadd.f32 v12, v10;
	v29 =	vld [tilespmem:s13+$0x3410]  }
0x2d8: {  	v12 =	vadd.f32 v58, v16;
	v16 =	vld [tilespmem:s18+$0x3810];
	v30 =	vadd.f32 v30, v8;
	v8 =	vperm.xlane v5, v3  }
0x2d9: {  	v56 =	vld [tilespmem:$0x1FD90]  }
0x2da: {  	v5 =	vadd.f32 v5, v8;
	v8 =	vmul.f32 v61, v49;
	v49 =	vld [tilespmem:$0x1FF60]  }
0x2db: {  	v35 =	vmul.f32 v11, v28;
	v28 =	vld [tilespmem:s13+$0x3400]  }
0x2dc: {  	v54 =	vld [tilespmem:s18+$0x3800]  }
0x2dd: {  	v34 =	vmul.f32 v11, v34;
	v61 =	vmul.f32 v62, v23;
	v62 =	vld [tilespmem:$0x1FEE0]  }
0x2de: {  	v4 =	vmul.f32 v9, v56;
	v56 =	vmul.f32 v9, v46;
	v46 =	vld [tilespmem:$0x1FF30]  }
0x2df: {  	v29 =	vadd.f32 v29, v16;
	v16 =	vadd.f32 v61, v49;
	v61 =	vld [tilespmem:$0x1FF40]  }
0x2e0: {  	v34 =	vmul.f32 v34, v18;
	v18 =	vld [tilespmem:$0x1FF80]  }
0x2e1: {  	v58 =	vld [tilespmem:$0x1FD70];
	v6 =	vadd.f32 v6, v21  }
0x2e2: {  	v28 =	vadd.f32 v28, v54;
	v54 =	vmul.f32 v9, v47;
	v47 =	vld [tilespmem:$0x1FF90];
	v35 =	vmul.f32 v35, v62  }
0x2e3: {  	v52 =	vld [tilespmem:$0x1FD80];
	[tilespmem:s15+$0x38F0] =	vst v6;
	v8 =	vadd.f32 v8, v46  }
0x2e4: {  	v10 =	vadd.f32 v12, v10;
	v12 =	vld [tilespmem:s18+$0x3840];
	[tilespmem:s15+$0x3890] =	vst v16;
	v62 =	vadd.f32 v35, v61  }
0x2e5: {  	v32 =	vld [tilespmem:s13+$0x3440];
	[tilespmem:s15+$0x3880] =	vst v8  }
0x2e6: {  	v13 =	vld [tilespmem:s13+$0x3450];
	[tilespmem:s15+$0x38A0] =	vst v62  }
0x2e7: {  	v17 =	vmul.f32 v17, v47;
	v47 =	vld [tilespmem:$0x1FF50]  }
0x2e8: {  	v53 =	vmul.f32 v9, v53;
	v7 =	vadd.f32 v10, v7;
	v10 =	vld [tilespmem:s13+$0x3470];
	v51 =	vmul.f32 v9, v52  }
0x2e9: {  	v52 =	vmul.f32 v9, v59;
	v59 =	vmul.f32 v9, v33;
	v33 =	vld [tilespmem:s18+$0x3850]  }
0x2ea: {  	v14 =	vmul.f32 v14, v18;
	v32 =	vadd.f32 v32, v12;
	v12 =	vld [tilespmem:s18+$0x3860];
	v6 =	vadd.f32 v34, v19  }
0x2eb: {  	v11 =	vmul.f32 v11, v58;
	v58 =	vmul.f32 v9, v0;
	v9 =	vld [tilespmem:s13+$0x3460]  }
0x2ec: {  	v0 =	vperm.xlane v7, v20;
	v18 =	vmul.f32 v15, v60;
	v19 =	vld [tilespmem:$0x1FFA0];
	[tilespmem:s15+$0x38B0] =	vst v6;
	v60 =	vadd.f32 v14, v47  }
0x2ed: {  	v61 =	vld [tilespmem:$0x1FF00]  }
0x2ee: {  	v33 =	vadd.f32 v13, v33;
	v13 =	vld [tilespmem:s18+$0x3870];
	v49 =	vadd.f32 v7, v0;
	[tilespmem:s15+$0x38C0] =	vst v60  }
0x2ef: {  	v7 =	vadd.f32 v31, v30;
	v8 =	vadd.f32 v29, v28;
	v62 =	vld [tilespmem:$0x1FF10]  }
0x2f0: {  	v57 =	vmul.f32 v15, v57;
	v1 =	vperm.xlane v5, v1  }
0x2f1: {  	v34 =	vadd.f32 v9, v12;
	v47 =	vadd.f32 v7, v8;
	v7 =	vmul.f32 v18, v2  }
0x2f2: {  	v46 =	vadd.f32 v5, v1;
	v5 =	vmul.f32 v11, v19;
	v6 =	vadd.f32 v17, v61  }
0x2f3: {  	v35 =	vadd.f32 v10, v13;
	v61 =	vmul.f32 v15, v50;
	v7 =	vadd.f32 v7, v21  }
0x2f4: {  	v60 =	vmul.f32 v15, v63;
	v63 =	vmul.f32 v15, v48;
	[tilespmem:s15+$0x38D0] =	vst v6;
	v5 =	vadd.f32 v5, v62  }
0x2f5: {  	v50 =	vadd.f32 v33, v32;
	v6 =	vmul.f32 v15, v41;
	[tilespmem:s17+$0x38F0] =	vst v7;
	v62 =	vmul.f32 v15, v55  }
0x2f6: {  	s22 =	simm.s32 $0x26F;
	s14 =	simm.s32 $0x800;
	s13 =	simm.s32 $0x6C;
	v48 =	vadd.f32 v35, v34;
	[tilespmem:s15+$0x38E0] =	vst v5;
	v5 =	vmul.f32 v15, v43;
	v43 =	vperm.xlane v49, v3  }
.LBB2_7:
0x2f7: {  	v7 =	vld [tilespmem:s22+$0x0]  }
0x2f8: {  	v18 =	vld [tilespmem:$0x1FFF0]  }
0x2f9: {  	v19 =	vld [tilespmem:$0x1FEC0]  }
0x2fa: {  	v22 =	vld [tilespmem:$0x1FEE0]  }
0x2fb: {  	v21 =	vld [tilespmem:$0x1FFB0]  }
0x2fc: {  	v2 =	vld [tilespmem:$0x1FFE0]  }
0x2fd: {  	v3 =	vld [tilespmem:$0x1FF30]  }
0x2fe: {  	v13 =	vmul.f32 v52, v23;
	v52 =	vld [tilespmem:$0x1FF60]  }
0x2ff: {  	v0 =	vld [tilespmem:$0x1FFC0]  }
0x300: {  	v20 =	vld [tilespmem:$0x1FEF0];
	v12 =	vadd.f32 v49, v43;
	v9 =	vperm.xlane v46, v18  }
0x301: {  	v8 =	vadd.f32 v48, v50;
	v10 =	vmul.f32 v51, v19;
	v51 =	vld [tilespmem:$0x1FF80]  }
0x302: {  	v14 =	vmul.f32 v58, v22;
	v16 =	vperm.xlane v12, v2;
	v58 =	vld [tilespmem:$0x1FF90];
	v9 =	vadd.f32 v46, v9  }
0x303: {  	v8 =	vadd.f32 v8, v47;
	v15 =	vmul.f32 v59, v21;
	v13 =	vadd.f32 v13, v52  }
0x304: {  	(v2sf) =	vpush v7, $0x0;
	v7 =	vadd.f32 v12, v16;
	v9 =	vmul.f32 $7.812500000e-03, v9  }
0x305: {  	v17 =	vperm.xlane v8, v0;
	v10 =	vadd.f32 v10, v3;
	v16 =	vmul.f32 v54, v20  }
0x306: {  	v11 =	vld [tilespmem:s22+$0xFFFFFFFF];
	[tilespmem:s15+$0x3810] =	vst v13;
	v13 =	vperm.xlane v7, v18;
	v4 =	vmul.f32 v4, v51;
	v50 =	vsub.f32 v36, v9  }
0x307: {  	[tilespmem:s15+$0x3800] =	vst v10;
	v10 =	vmul.f32 v56, v58;
	v48 =	vsub.f32 v37, v9;
	v49 =	vsub.f32 v38, v9  }
0x308: {  	v56 =	vld [tilespmem:$0x1FFA0];
	v6 =	vmul.f32 v6, v51;
	v47 =	vsub.f32 v39, v9;
	v46 =	vsub.f32 v40, v9  }
0x309: {  	v43 =	vsub.f32 v44, v9;
	v41 =	vsub.f32 v45, v9;
	v36 =	vmul.f32 v50, v50  }
0x30a: {  	v55 =	vsub.f32 v42, v9;
	v59 =	vmul.f32 v49, v49;
	v1 =	vmul.f32 v47, v47  }
0x30b: {  	s14 =	sadd.s32 $0x400, s14;
	v51 =	vld [tilespmem:$0x1FF50];
	v7 =	vadd.f32 v7, v13;
	v37 =	vmul.f32 v48, v48;
	v44 =	vmul.f32 v46, v46  }
0x30c: {  	s23 =	sshra.s32 s14, $0x2;
	v45 =	vmul.f32 v43, v43;
	v54 =	vmul.f32 v55, v55;
	v9 =	vadd.f32 v1, v59;
	v1 =	vld [tilespmem:$0x1FFD0]  }
0x30d: {  	(v2sf) =	vpush v11, $0x0;
	v38 =	vld [tilespmem:s23+$0x3880];
	v12 =	vmul.f32 v53, v56;
	v53 =	vmul.f32 v41, v41  }
0x30e: {  	v8 =	vadd.f32 v8, v17;
	v42 =	vld [tilespmem:s23+$0x3890];
	v7 =	vmul.f32 $7.812500000e-03, v7;
	v36 =	vadd.f32 v37, v36  }
0x30f: {  	v11 =	vadd.f32 v45, v44;
	v45 =	vld [tilespmem:$0x1FF40];
	v17 =	vadd.f32 v54, v53  }
0x310: {  	v59 =	vmul.f32 v61, v19;
	v5 =	vmul.f32 v5, v56;
	v7 =	vadd.f32 $9.999999740e-06, v7;
	v56 =	vld [tilespmem:$0x1FF00]  }
0x311: {  	v9 =	vadd.f32 v9, v36;
	v53 =	vld [tilespmem:$0x1FF70];
	v11 =	vadd.f32 v17, v11;
	v61 =	vperm.xlane v8, v1  }
0x312: {  	v4 =	vadd.f32 v4, v51;
	v37 =	vadd.f32 v59, v3;
	v3 =	vld [tilespmem:$0x1FF20]  }
0x313: {  	v9 =	vadd.f32 v11, v9;
	v8 =	vadd.f32 v8, v61;
	v61 =	vld [tilespmem:$0x1FF10]  }
0x314: {  	v13 =	vmul.f32 v62, v23;
	v6 =	vadd.f32 v6, v51;
	v51 =	vld [tilespmem:$0x1FD10];
	v14 =	vadd.f32 v14, v45  }
0x315: {  	[tilespmem:s15+$0x3840] =	vst v4;
	v17 =	vmul.f32 v60, v21;
	v21 =	vld [tilespmem:$0x1FD30];
	v10 =	vadd.f32 v10, v56;
	v19 =	vperm.xlane v9, v0  }
0x316: {  	s24 =	spop (v2sf);
	v11 =	vmul.f32 v63, v58;
	v15 =	vadd.f32 v15, v53;
	[tilespmem:s15+$0x3820] =	vst v14;
	v14 =	vld [tilespmem:s23+$0x38A0];
	v63 =	vperm.xlane v8, v2  }
0x317: {  	v54 =	vshrl.u32 v7, $0x1;
	s24 =	smul.u32 $0x19000, s24;
	[tilespmem:s15+$0x3850] =	vst v10;
	v59 =	vadd.f32 v16, v3;
	v16 =	vld [tilespmem:s23+$0x38D0];
	v9 =	vadd.f32 v9, v19  }
0x318: {  	v7 =	vmul.f32 $5.000000000e-01, v7;
	v10 =	vld [tilespmem:s23+$0x38F0];
	[tilespmem:s15+$0x3830] =	vst v15;
	v8 =	vadd.f32 v8, v63;
	v4 =	vadd.f32 v12, v61  }
0x319: {  	v39 =	vmul.f32 v57, v22;
	v36 =	vsub.s32 $0x5F3759DF, v54;
	s24 =	sshra.s32 s24, $0x2;
	v15 =	vld [tilespmem:s23+$0x38B0];
	[tilespmem:s15+$0x3870] =	vst v59;
	v58 =	vperm.xlane v9, v1  }
0x31a: {  	v13 =	vadd.f32 v13, v52;
	v7 =	vmul.f32 v36, v7;
	s24 =	sadd.s32 s23, s24;
	v12 =	vld [tilespmem:s23+$0x38C0];
	v57 =	vperm.xlane v8, v18;
	[tilespmem:s15+$0x3860] =	vst v4;
	s15 =	smov.u32 s17  }
0x31b: {  	v39 =	vadd.f32 v39, v45;
	s24 =	sadd.s32 $0xCC00, s24;
	v4 =	vld [tilespmem:s23+$0x38E0];
	v9 =	vadd.f32 v9, v58;
	[tilespmem:s15+$0x3880] =	vst v37  }
0x31c: {  	v7 =	vmul.f32 v36, v7;
	s19 =	spop (v2sf);
	v17 =	vadd.f32 v17, v53;
	v8 =	vadd.f32 v8, v57;
	v37 =	vld [tilespmem:s24+$0x3480];
	[tilespmem:s15+$0x3890] =	vst v13  }
0x31d: {  	s19 =	smul.u32 $0x19000, s19;
	v60 =	vperm.xlane v9, v2;
	v13 =	vld [tilespmem:s24+$0x3490];
	[tilespmem:s15+$0x38A0] =	vst v39  }
0x31e: {  	v7 =	vsub.f32 $1.500000000e+00, v7;
	v11 =	vadd.f32 v11, v56;
	v8 =	vmul.f32 $7.812500000e-03, v8;
	v39 =	vld [tilespmem:s24+$0x34A0];
	[tilespmem:s15+$0x38B0] =	vst v17  }
0x31f: {  	s19 =	sshra.s32 s19, $0x2;
	v5 =	vadd.f32 v5, v61;
	s17 =	smov.u32 s18;
	s18 =	smov.u32 s23;
	v9 =	vadd.f32 v9, v60;
	v17 =	vld [tilespmem:s24+$0x34B0];
	[tilespmem:s15+$0x38C0] =	vst v6  }
0x320: {  	v7 =	vmul.f32 v36, v7;
	s19 =	sadd.s32 s18, s19;
	v28 =	vsub.f32 v28, v8;
	v29 =	vsub.f32 v29, v8;
	v6 =	vld [tilespmem:s24+$0x34C0];
	[tilespmem:s15+$0x38D0] =	vst v11  }
0x321: {  	s19 =	sadd.s32 $0xCC00, s19;
	v30 =	vsub.f32 v30, v8;
	v31 =	vsub.f32 v31, v8;
	v40 =	vperm.xlane v9, v18;
	v18 =	vld [tilespmem:s24+$0x34E0]  }
0x322: {  	v51 =	vmul.f32 v7, v51;
	v60 =	vld [tilespmem:s19+$0x3400];
	v32 =	vsub.f32 v32, v8;
	v33 =	vsub.f32 v33, v8  }
0x323: {  	v34 =	vsub.f32 v34, v8;
	v62 =	vmul.f32 v28, v28;
	v11 =	vld [tilespmem:s24+$0x34D0];
	v63 =	vmul.f32 v29, v29  }
0x324: {  	v8 =	vsub.f32 v35, v8;
	v53 =	vmul.f32 v30, v30;
	v54 =	vmul.f32 v31, v31;
	v19 =	vld [tilespmem:s24+$0x34F0]  }
0x325: {  	v56 =	vmul.f32 v32, v32;
	v36 =	vadd.f32 v37, v38;
	[tilespmem:s15+$0x38E0] =	vst v5;
	v5 =	vld [tilespmem:s18+$0x3870];
	v9 =	vadd.f32 v9, v40  }
0x326: {  	v58 =	vmul.f32 v33, v33;
	v37 =	vadd.f32 v13, v42;
	v45 =	vadd.f32 v18, v4;
	v4 =	vld [tilespmem:$0x1FD20]  }
0x327: {  	v59 =	vmul.f32 v34, v34;
	v52 =	vmovc v28;
	v13 =	vld [tilespmem:s19+$0x3410];
	v35 =	vadd.f32 v63, v62;
	v38 =	vadd.f32 v39, v14  }
0x328: {  	[tilespmem:$0x1FD10] =	vst v52;
	v14 =	vmul.f32 v8, v8;
	v63 =	vld [tilespmem:s19+$0x3460];
	v62 =	vadd.f32 v58, v56;
	v9 =	vmul.f32 $7.812500000e-03, v9  }
0x329: {  	v58 =	vmul.f32 v7, v21;
	v21 =	vmovc v30;
	v30 =	vld [tilespmem:s18+$0x3800];
	v39 =	vadd.f32 v17, v15;
	v40 =	vadd.f32 v6, v12  }
0x32a: {  	v56 =	vmul.f32 v7, v26;
	v26 =	vmovc v33;
	[tilespmem:$0x1FD30] =	vst v21;
	v21 =	vld [tilespmem:$0x1FD40];
	v12 =	vadd.f32 v37, v36;
	v6 =	vadd.f32 $9.999999740e-06, v9  }
0x32b: {  	v33 =	vld [tilespmem:s18+$0x3840];
	v44 =	vadd.f32 v11, v16;
	v42 =	vadd.f32 v19, v10;
	v52 =	vmul.f32 v7, v4;
	v4 =	vmovc v29  }
0x32c: {  	v15 =	vld [tilespmem:s19+$0x3420];
	v16 =	vadd.f32 v39, v38;
	[tilespmem:$0x1FD20] =	vst v4;
	v4 =	vshrl.u32 v6, $0x1;
	v6 =	vmul.f32 $5.000000000e-01, v6  }
0x32d: {  	v18 =	vld [tilespmem:s19+$0x3470];
	v28 =	vadd.f32 v42, v45;
	v17 =	vsub.s32 $0x5F3759DF, v4;
	v4 =	vadd.f32 v44, v40  }
0x32e: {  	v14 =	vadd.f32 v14, v59;
	v12 =	vadd.f32 v16, v12;
	v16 =	vld [tilespmem:s18+$0x3810];
	v6 =	vmul.f32 v17, v6  }
0x32f: {  	v59 =	vmul.f32 v7, v21;
	v21 =	vmovc v31;
	v31 =	vld [tilespmem:s18+$0x3820];
	v29 =	vadd.f32 v54, v53;
	v4 =	vadd.f32 v28, v4  }
0x330: {  	v9 =	vld [tilespmem:s19+$0x3430];
	v14 =	vadd.f32 v14, v62;
	v53 =	vmul.f32 v7, v27;
	v6 =	vmul.f32 v17, v6  }
0x331: {  	v29 =	vadd.f32 v29, v35;
	v12 =	vadd.f32 v4, v12;
	v4 =	vmul.f32 v7, v24;
	v24 =	vmovc v32;
	v32 =	vld [tilespmem:s18+$0x3830]  }
0x332: {  	v11 =	vld [tilespmem:s19+$0x3440];
	v54 =	vmul.f32 v7, v25;
	v28 =	vadd.f32 v60, v30;
	v6 =	vsub.f32 $1.500000000e+00, v6  }
0x333: {  	v14 =	vadd.f32 v14, v29;
	v29 =	vadd.f32 v13, v16;
	v7 =	vld [tilespmem:s18+$0x3860];
	v62 =	vperm.xlane v12, v0  }
0x334: {  	v35 =	vadd.f32 v18, v5;
	v30 =	vadd.f32 v15, v31;
	v17 =	vmul.f32 v17, v6  }
0x335: {  	v10 =	vld [tilespmem:s19+$0x3450];
	v25 =	vmovc v8;
	v19 =	vadd.f32 v29, v28;
	v0 =	vperm.xlane v14, v0;
	v8 =	vadd.f32 v12, v62  }
0x336: {  	v6 =	vld [tilespmem:s18+$0x3850];
	v57 =	vmul.f32 v17, v55;
	v61 =	vmul.f32 v17, v50;
	v31 =	vadd.f32 v9, v32  }
0x337: {  	s13 =	sadd.s32 $0x2, s13;
	v32 =	vadd.f32 v11, v33;
	v62 =	vmul.f32 v17, v48;
	v16 =	vperm.xlane v8, v1  }
0x338: {  	p0 =	slt.u32 s13, $0xC6;
	v27 =	vmovc v34;
	v34 =	vadd.f32 v63, v7;
	v60 =	vmul.f32 v17, v47;
	v63 =	vmul.f32 v17, v43  }
.Ltmp4:
0x339: {  	v12 =	vmul.f32 v57, v20;
	v5 =	vadd.f32 v31, v30;
	v8 =	vadd.f32 v8, v16;
	(pc) =	sbr.rel @p0 .LBB2_7-.Ltmp4, $4  }
0x33a: {  	v57 =	vmul.f32 v17, v49;
	v49 =	vadd.f32 v14, v0;
	v48 =	vadd.f32 v35, v34  }
0x33b: {  	v33 =	vadd.f32 v10, v6;
	v55 =	vadd.f32 v12, v3;
	v7 =	vperm.xlane v8, v2  }
0x33c: {  	[tilespmem:$0x1FD40] =	vst v21;
	v6 =	vmul.f32 v17, v46;
	v47 =	vadd.f32 v5, v19;
	v43 =	vperm.xlane v49, v1  }
0x33d: {  	s22 =	sadd.s32 $0x2, s22;
	v5 =	vmul.f32 v17, v41;
	v50 =	vadd.f32 v33, v32;
	[tilespmem:s17+$0x38F0] =	vst v55;
	v46 =	vadd.f32 v8, v7  }
0x33e: {  	v2 =	vld [tilespmem:$0x1FFF0];
	_ =	sdelay $0x2  }
0x33f: {  	v19 =	vld [tilespmem:$0x1FFC0]  }
0x340: {  	v8 =	vadd.f32 v48, v50  }
0x341: {  	v7 =	vperm.xlane v46, v2  }
0x342: {  	v8 =	vadd.f32 v8, v47  }
0x343: {  	v7 =	vadd.f32 v46, v7  }
0x344: {  	v0 =	vld [tilespmem:$0x1FFD0];
	v9 =	vperm.xlane v8, v19  }
0x345: {  	v7 =	vmul.f32 $7.812500000e-03, v7  }
0x346: {  	v8 =	vadd.f32 v8, v9  }
0x347: {  	v48 =	vsub.f32 v36, v7;
	v47 =	vsub.f32 v37, v7  }
0x348: {  	v46 =	vsub.f32 v38, v7;
	v39 =	vsub.f32 v39, v7  }
0x349: {  	v1 =	vld [tilespmem:$0x1FFE0];
	v22 =	vperm.xlane v8, v0;
	v38 =	vsub.f32 v40, v7;
	v37 =	vsub.f32 v44, v7  }
0x34a: {  	v36 =	vsub.f32 v45, v7;
	v10 =	vmul.f32 v48, v48;
	v11 =	vmul.f32 v47, v47  }
0x34b: {  	v7 =	vsub.f32 v42, v7;
	v12 =	vmul.f32 v46, v46;
	v13 =	vmul.f32 v39, v39  }
0x34c: {  	v8 =	vadd.f32 v8, v22;
	v14 =	vmul.f32 v38, v38;
	v15 =	vmul.f32 v37, v37  }
0x34d: {  	v20 =	vmul.f32 v36, v36;
	v16 =	vmul.f32 v7, v7  }
0x34e: {  	v22 =	vld [tilespmem:$0x1FEC0];
	v41 =	vperm.xlane v8, v1;
	v10 =	vadd.f32 v11, v10;
	v21 =	vadd.f32 v13, v12  }
0x34f: {  	v40 =	vadd.f32 v15, v14;
	v9 =	vadd.f32 v16, v20  }
0x350: {  	v8 =	vadd.f32 v8, v41  }
0x351: {  	v10 =	vadd.f32 v21, v10;
	v9 =	vadd.f32 v9, v40  }
0x352: {  	v42 =	vadd.f32 v49, v43;
	v43 =	vperm.xlane v8, v2  }
0x353: {  	v45 =	vmul.f32 v51, v22;
	v51 =	vld [tilespmem:$0x1FFB0];
	v9 =	vadd.f32 v9, v10  }
0x354: {  	v21 =	vld [tilespmem:$0x1FEE0];
	v8 =	vadd.f32 v8, v43  }
0x355: {  	v44 =	vperm.xlane v42, v1;
	v10 =	vperm.xlane v9, v19  }
0x356: {  	v8 =	vmul.f32 $7.812500000e-03, v8  }
0x357: {  	v14 =	vmul.f32 v52, v23;
	v9 =	vadd.f32 v9, v10;
	v10 =	vadd.f32 v42, v44  }
0x358: {  	v15 =	vmul.f32 v59, v51;
	v43 =	vsub.f32 v28, v8;
	v42 =	vsub.f32 v29, v8  }
0x359: {  	v11 =	vmul.f32 v58, v21;
	v41 =	vsub.f32 v30, v8;
	v40 =	vsub.f32 v31, v8  }
0x35a: {  	v50 =	vld [tilespmem:$0x1FF30];
	v31 =	vsub.f32 v32, v8;
	v30 =	vsub.f32 v33, v8;
	v55 =	vperm.xlane v9, v0  }
0x35b: {  	v29 =	vsub.f32 v34, v8;
	v34 =	vmul.f32 v57, v21;
	v58 =	vperm.xlane v10, v2  }
0x35c: {  	v17 =	vmul.f32 v43, v43;
	v18 =	vmul.f32 v42, v42;
	v9 =	vadd.f32 v9, v55  }
0x35d: {  	v3 =	vld [tilespmem:$0x1FF90];
	v28 =	vsub.f32 v35, v8;
	v8 =	vmul.f32 v41, v41;
	v20 =	vmul.f32 v40, v40  }
0x35e: {  	v57 =	vld [tilespmem:$0x1FF40];
	v33 =	vmul.f32 v30, v30;
	v59 =	vperm.xlane v9, v1  }
0x35f: {  	v52 =	vld [tilespmem:$0x1FFA0];
	v12 =	vadd.f32 v45, v50;
	v44 =	vmul.f32 v29, v29;
	v45 =	vmul.f32 v28, v28  }
0x360: {  	v10 =	vadd.f32 v10, v58;
	v55 =	vmovc v23;
	v23 =	vmul.f32 v31, v31;
	v9 =	vadd.f32 v9, v59;
	v59 =	vld [tilespmem:$0x1FF60]  }
0x361: {  	v58 =	vld [tilespmem:$0x1FF80];
	v17 =	vadd.f32 v18, v17;
	v8 =	vadd.f32 v20, v8  }
0x362: {  	v18 =	vmul.f32 v56, v3;
	v16 =	vadd.f32 v45, v44;
	v13 =	vadd.f32 v33, v23;
	v23 =	vld [tilespmem:$0x1FEF0];
	[tilespmem:s15+$0x3800] =	vst v12  }
0x363: {  	v56 =	vmovc v3;
	v45 =	vmul.f32 v63, v3;
	v11 =	vadd.f32 v11, v57;
	v3 =	vld [tilespmem:$0x1FF70];
	v49 =	vperm.xlane v9, v2  }
0x364: {  	v8 =	vadd.f32 v8, v17;
	v13 =	vadd.f32 v16, v13  }
0x365: {  	v10 =	vmul.f32 $7.812500000e-03, v10;
	v9 =	vadd.f32 v9, v49;
	v14 =	vadd.f32 v14, v59  }
0x366: {  	v17 =	vmul.f32 v61, v22;
	v32 =	vmul.f32 v62, v55;
	v8 =	vadd.f32 v13, v8  }
0x367: {  	v33 =	vmul.f32 v53, v52;
	v10 =	vadd.f32 $9.999999740e-06, v10;
	v9 =	vmul.f32 $7.812500000e-03, v9;
	[tilespmem:s15+$0x3810] =	vst v14  }
0x368: {  	v16 =	vmul.f32 v54, v23;
	v61 =	vperm.xlane v8, v19;
	v20 =	vadd.f32 v15, v3;
	v53 =	vld [tilespmem:$0x1FF50]  }
0x369: {  	v54 =	vshrl.u32 v10, $0x1;
	v10 =	vmul.f32 $5.000000000e-01, v10;
	v9 =	vadd.f32 $9.999999740e-06, v9;
	[tilespmem:s15+$0x3820] =	vst v11  }
0x36a: {  	v4 =	vmul.f32 v4, v58;
	v13 =	vsub.s32 $0x5F3759DF, v54;
	v8 =	vadd.f32 v8, v61;
	v49 =	vld [tilespmem:$0x1FF00];
	[tilespmem:s15+$0x3830] =	vst v20  }
0x36b: {  	v10 =	vmul.f32 v13, v10;
	v62 =	vshrl.u32 v9, $0x1;
	v9 =	vmul.f32 $5.000000000e-01, v9;
	v54 =	vld [tilespmem:$0x1FF10]  }
0x36c: {  	v63 =	vperm.xlane v8, v0;
	v35 =	vsub.s32 $0x5F3759DF, v62  }
0x36d: {  	v10 =	vmul.f32 v13, v10;
	v9 =	vmul.f32 v35, v9;
	v4 =	vadd.f32 v4, v53  }
0x36e: {  	v44 =	vmul.f32 v60, v51;
	v8 =	vadd.f32 v8, v63  }
0x36f: {  	v10 =	vsub.f32 $1.500000000e+00, v10;
	v60 =	vadd.f32 v18, v49;
	v9 =	vmul.f32 v35, v9;
	[tilespmem:s15+$0x3840] =	vst v4  }
0x370: {  	v63 =	vperm.xlane v8, v1;
	v61 =	vadd.f32 v33, v54;
	v33 =	vld [tilespmem:$0x1FF20]  }
0x371: {  	v10 =	vmul.f32 v13, v10;
	v18 =	vld [tilespmem:$0x1FD10];
	v9 =	vsub.f32 $1.500000000e+00, v9;
	[tilespmem:s15+$0x3850] =	vst v60  }
0x372: {  	v5 =	vmul.f32 v5, v52;
	v6 =	vmul.f32 v6, v58;
	v8 =	vadd.f32 v8, v63;
	v11 =	vld [tilespmem:$0x1FD20]  }
0x373: {  	v34 =	vadd.f32 v34, v57;
	v60 =	vmul.f32 v10, v27;
	v20 =	vld [tilespmem:$0x1FD30];
	v9 =	vmul.f32 v35, v9  }
0x374: {  	v32 =	vadd.f32 v32, v59;
	v62 =	vadd.f32 v17, v50;
	[tilespmem:s15+$0x3860] =	vst v61;
	v35 =	vperm.xlane v8, v2  }
0x375: {  	v44 =	vadd.f32 v44, v3;
	v12 =	vld [tilespmem:$0x1FD40];
	v14 =	vmul.f32 v60, v52;
	v7 =	vmul.f32 v9, v7  }
0x376: {  	[tilespmem:s17+$0x3880] =	vst v62;
	v8 =	vadd.f32 v8, v35;
	v61 =	vmul.f32 v9, v48;
	v35 =	vmul.f32 v9, v39  }
0x377: {  	v6 =	vadd.f32 v6, v53;
	[tilespmem:s17+$0x3890] =	vst v32;
	v15 =	vmul.f32 v10, v18;
	v11 =	vmul.f32 v10, v11  }
0x378: {  	[tilespmem:s17+$0x38A0] =	vst v34;
	v4 =	vadd.f32 v16, v33;
	v16 =	vmul.f32 v10, v20;
	v20 =	vmul.f32 v10, v26  }
0x379: {  	[tilespmem:s17+$0x38B0] =	vst v44;
	v7 =	vmul.f32 v7, v23;
	v8 =	vmul.f32 $7.812500000e-03, v8  }
0x37a: {  	v5 =	vadd.f32 v5, v54;
	[tilespmem:s17+$0x38C0] =	vst v6;
	v39 =	vmul.f32 v61, v22;
	v12 =	vmul.f32 v10, v12  }
0x37b: {  	v62 =	vadd.f32 v45, v49;
	[tilespmem:s15+$0x3870] =	vst v4;
	v4 =	vmul.f32 v10, v24;
	v10 =	vmul.f32 v10, v25  }
0x37c: {  	[tilespmem:s17+$0x38E0] =	vst v5;
	v7 =	vadd.f32 v7, v33;
	v11 =	vmul.f32 v11, v55;
	v8 =	vadd.f32 $9.999999740e-06, v8  }
0x37d: {  	[tilespmem:s17+$0x38D0] =	vst v62;
	v5 =	vmul.f32 v16, v21;
	v44 =	vadd.f32 v39, v50;
	v12 =	vmul.f32 v12, v51  }
0x37e: {  	[tilespmem:s18+$0x38F0] =	vst v7;
	v7 =	vadd.f32 v11, v59;
	v32 =	vshrl.u32 v8, $0x1;
	v8 =	vmul.f32 $5.000000000e-01, v8  }
0x37f: {  	v4 =	vmul.f32 v4, v58;
	v5 =	vadd.f32 v5, v57;
	[tilespmem:s18+$0x3880] =	vst v44;
	v11 =	vsub.s32 $0x5F3759DF, v32  }
0x380: {  	v34 =	vmul.f32 v20, v56;
	[tilespmem:s17+$0x3810] =	vst v7;
	v7 =	vadd.f32 v12, v3;
	v8 =	vmul.f32 v11, v8  }
0x381: {  	v63 =	vmul.f32 v9, v47;
	v6 =	vmul.f32 v9, v46;
	v4 =	vadd.f32 v4, v53;
	[tilespmem:s17+$0x3820] =	vst v5  }
0x382: {  	v5 =	vmul.f32 v10, v23;
	[tilespmem:s17+$0x3830] =	vst v7;
	v7 =	vadd.f32 v34, v49;
	v8 =	vmul.f32 v11, v8  }
0x383: {  	v38 =	vmul.f32 v9, v38;
	v13 =	vmul.f32 v63, v55;
	[tilespmem:s17+$0x3840] =	vst v4;
	v4 =	vadd.f32 v14, v54  }
0x384: {  	v6 =	vmul.f32 v6, v21;
	v5 =	vadd.f32 v5, v33;
	[tilespmem:s17+$0x3850] =	vst v7;
	v7 =	vsub.f32 $1.500000000e+00, v8  }
0x385: {  	v15 =	vmul.f32 v15, v22;
	v45 =	vadd.f32 v13, v59;
	[tilespmem:s17+$0x3860] =	vst v4;
	v4 =	vmul.f32 v35, v51  }
0x386: {  	v6 =	vadd.f32 v6, v57;
	v8 =	vmul.f32 v9, v37;
	[tilespmem:s17+$0x3870] =	vst v5;
	v5 =	vmul.f32 v11, v7  }
0x387: {  	v46 =	vmul.f32 v38, v58;
	v15 =	vadd.f32 v15, v50;
	[tilespmem:s18+$0x3890] =	vst v45;
	v7 =	vmul.f32 v9, v36  }
0x388: {  	[tilespmem:s18+$0x38A0] =	vst v6;
	v4 =	vadd.f32 v4, v3;
	v8 =	vmul.f32 v8, v56;
	v47 =	vmul.f32 v5, v43  }
0x389: {  	[tilespmem:s17+$0x3800] =	vst v15;
	v9 =	vadd.f32 v46, v53;
	v7 =	vmul.f32 v7, v52;
	v6 =	vmul.f32 v5, v42  }
0x38a: {  	[tilespmem:s18+$0x38B0] =	vst v4;
	v8 =	vadd.f32 v8, v49;
	v4 =	vmul.f32 v5, v41;
	v10 =	vmul.f32 v47, v22  }
0x38b: {  	[tilespmem:s18+$0x38C0] =	vst v9;
	v48 =	vmul.f32 v5, v40;
	v7 =	vadd.f32 v7, v54;
	v6 =	vmul.f32 v6, v55  }
0x38c: {  	[tilespmem:s18+$0x38D0] =	vst v8;
	v8 =	vmul.f32 v5, v31;
	v4 =	vmul.f32 v4, v21;
	v10 =	vadd.f32 v10, v50  }
0x38d: {  	v11 =	vmul.f32 v5, v30;
	[tilespmem:s18+$0x38E0] =	vst v7;
	v7 =	vmul.f32 v48, v51;
	v6 =	vadd.f32 v6, v59  }
0x38e: {  	v50 =	vmul.f32 v5, v29;
	v8 =	vmul.f32 v8, v58;
	v4 =	vadd.f32 v4, v57;
	[tilespmem:s18+$0x3800] =	vst v10  }
0x38f: {  	v5 =	vmul.f32 v5, v28;
	v51 =	vmul.f32 v11, v56;
	[tilespmem:s18+$0x3810] =	vst v6;
	v6 =	vadd.f32 v7, v3  }
0x390: {  	v7 =	vmul.f32 v50, v52;
	v8 =	vadd.f32 v8, v53;
	[tilespmem:s18+$0x3820] =	vst v4  }
0x391: {  	v4 =	vmul.f32 v5, v23;
	v5 =	vadd.f32 v51, v49;
	[tilespmem:s18+$0x3830] =	vst v6  }
0x392: {  	[tilespmem:s18+$0x3840] =	vst v8;
	v6 =	vadd.f32 v7, v54  }
0x393: {  	[tilespmem:s18+$0x3850] =	vst v5;
	v4 =	vadd.f32 v4, v33  }
0x394: {  	[tilespmem:s18+$0x3860] =	vst v6  }
0x395: {  	s2 =	sadd.s32 s2, s16;
	p0 =	seq.s32 s29, $0xF;
	[tilespmem:s18+$0x3870] =	vst v4  }
0x396: {  	[hbm4b:s2+s9] =	stream.linear.scatter [tilespmem:s20], [sflag:$0x2], $0x3000, $0x38;
	[tilespmem:$0x19600] =	vst v63  }
0x397: {  	s2 =	sadd.s32 @!p0 $0x2, s30  }
0x398: {  	s13 =	sshll.u32 @!p0 s2, $0x5;
	s2 =	smul.u32 @!p0 $0xC8, s2  }
0x399: {  	s14 =	sadd.s32 @!p0 s12, s13;
	s13 =	sand.u32 @!p0 $0x40, s13  }
0x39a: {  	s14 =	sand.u32 @!p0 $0xFF80, s14;
	s13 =	sadd.s32 @!p0 s11, s13;
	s2 =	sadd.s32 @!p0 s10, s2  }
0x39b: {  	s13 =	sadd.s32 @!p0 s14, s13;
	s14 =	simm.s32 @!p0 $0x0;
	s2 =	sshrl.u32 @!p0 s2, $0x3  }
0x39c: {  	[tilespmem:s14], [sflag:$0x4] =	stream.linear.gather @!p0 [hbm4b:s13+s14], $0x100, $0x38;
	[tilespmem:$0x19600] =	vst v63  }
0x39d: {  	s2 =	sadd.s32 @!p0 s0, s2;
	s13 =	simm.s32 @!p0 $0x200  }
0x39e: {  	[tilespmem:s13], [sflag:$0x4] =	stream.linear.gather @!p0 [hbm4b:s2+s14], $0xC8, $0x38;
	[tilespmem:$0x19600] =	vst v63  }
0x39f: {  	_ =	swait.ge [sflag:s3], $0x3200  }
0x3a0: {  	[sflag:s3] =	ssyncset.done $0x0  }
0x3a1: {  	[sflag:s3] =	ssyncadd.s32 $0xFFFFCE00  }
0x3a2: {  	s2 =	sor.u32 $0x1, s30;
	_ =	swait.ge [sflag:s3], $0x3200  }
0x3a3: {  	p1 =	sgt.u32 s2, $0x1E;
	[sflag:s3] =	ssyncset.done $0x0  }
0x3a4: {  	s13 =	simm.s32 @!p1 $0x2;
	[sflag:s3] =	ssyncadd.s32 $0xFFFFCE00  }
0x3a5: {  	_ =	swait.ge @!p1 [sflag:s13], $0x3400  }
0x3a6: {  	[sflag:s13] =	ssyncset.done @!p1 $0x0  }
0x3a7: {  	[sflag:s13] =	ssyncadd.s32 @!p1 $0xFFFFCC00  }
0x3a8: {  	_ =	swait.ge @!p1 [sflag:s13], $0x3000  }
0x3a9: {  	[sflag:s13] =	ssyncset.done @!p1 $0x0  }
0x3aa: {  	[sflag:s13] =	ssyncadd.s32 @!p1 $0xFFFFD000;
	s13 =	simm.s32 @!p1 $0x4  }
0x3ab: {  	_ =	swait.ge @!p1 [sflag:s13], $0x100  }
0x3ac: {  	[sflag:s13] =	ssyncset.done @!p1 $0x0  }
0x3ad: {  	[sflag:s13] =	ssyncadd.s32 @!p1 $0xFFFFFF00  }
0x3ae: {  	_ =	swait.ge @!p1 [sflag:s13], $0xC8  }
0x3af: {  	s14 =	simm.s32 @!p1 $0x0;
	[sflag:s13] =	ssyncset.done @!p1 $0x0  }
0x3b0: {  	s15 =	simm.s32 @!p1 $0x400;
	[sflag:s13] =	ssyncadd.s32 @!p1 $0xFFFFFF38;
	s13 =	simm.s32 @!p1 $0x64  }
0x3b1: {  	[tilespmem:s15], [sflag:$0x1] =	stream.indirect.gather @!p1 [hbm4b:s1+s13], $0x80, s14, s13, $0xb8;
	[tilespmem:$0x19600] =	vst v63  }
0x3b2: {  	s14 =	simm.s32 @!p1 $0x80;
	s15 =	simm.s32 @!p1 $0x3600  }
0x3b3: {  	[tilespmem:s15], [sflag:$0x1] =	stream.indirect.gather @!p1 [hbm4b:s1+s13], $0x80, s14, s13, $0xb8;
	[tilespmem:$0x19600] =	vst v63  }
0x3b4: {  	s15 =	simm.s32 $0x301  }
0x3b5: {  	v4 =	vld [tilespmem:s15+$0x0];
	_ =	sdelay $0x4  }
0x3b6: {  	(v2sf) =	vpush v4, $0x0;
	_ =	sdelay $0xa  }
0x3b7: {  	v4 =	vld [tilespmem:s15+$0xFFFFFFFF];
	s15 =	simm.s32 $0x0  }
0x3b8: {  	v5 =	vld [tilespmem:s15+$0x6890]  }
0x3b9: {  	v6 =	vld [tilespmem:s15+$0x68A0]  }
0x3ba: {  	v7 =	vld [tilespmem:s15+$0x68B0]  }
0x3bb: {  	v8 =	vld [tilespmem:s15+$0x68C0];
	s17 =	spop (v2sf)  }
0x3bc: {  	v55 =	vld [tilespmem:s15+$0x68D0];
	s13 =	smul.u32 $0x19000, s17  }
0x3bd: {  	v56 =	vld [tilespmem:s15+$0x68E0]  }
0x3be: {  	v57 =	vld [tilespmem:s15+$0x68F0];
	s13 =	sshra.s32 s13, $0x2  }
0x3bf: {  	(v2sf) =	vpush v4, $0x0;
	v4 =	vld [tilespmem:s15+$0x6880];
	s13 =	sadd.s32 $0x0, s13  }
0x3c0: {  	v58 =	vld [tilespmem:s13+$0xCC80]  }
0x3c1: {  	v59 =	vld [tilespmem:s13+$0xCC90]  }
0x3c2: {  	v60 =	vld [tilespmem:s13+$0xCCA0]  }
0x3c3: {  	v61 =	vld [tilespmem:s13+$0xCCB0]  }
0x3c4: {  	v62 =	vld [tilespmem:s13+$0xCCC0]  }
0x3c5: {  	v63 =	vld [tilespmem:s13+$0xCCD0]  }
0x3c6: {  	v32 =	vld [tilespmem:s13+$0xCCE0]  }
0x3c7: {  	v33 =	vld [tilespmem:s13+$0xCCF0];
	_ =	sdelay $0x1  }
0x3c8: {  	v4 =	vadd.f32 v58, v4;
	v5 =	vadd.f32 v59, v5  }
0x3c9: {  	v6 =	vadd.f32 v60, v6;
	v7 =	vadd.f32 v61, v7  }
0x3ca: {  	v8 =	vadd.f32 v62, v8;
	v9 =	vadd.f32 v63, v55  }
0x3cb: {  	s22 =	simm.s32 $0x303;
	v10 =	vadd.f32 v32, v56;
	v11 =	vadd.f32 v33, v57  }
0x3cc: {  	v48 =	vld [tilespmem:s22+$0x0];
	v37 =	vadd.f32 v5, v4;
	v38 =	vadd.f32 v7, v6  }
0x3cd: {  	v46 =	vld [tilespmem:s15+$0x6800];
	v40 =	vadd.f32 v9, v8;
	v20 =	vadd.f32 v11, v10  }
0x3ce: {  	v47 =	vld [tilespmem:s15+$0x6810]  }
0x3cf: {  	v25 =	vld [tilespmem:s15+$0x6820];
	s18 =	spop (v2sf);
	v15 =	vadd.f32 v38, v37;
	v43 =	vadd.f32 v20, v40  }
0x3d0: {  	v26 =	vld [tilespmem:s15+$0x6830];
	s14 =	smul.u32 $0x19000, s18  }
0x3d1: {  	v27 =	vld [tilespmem:s15+$0x6850];
	v15 =	vadd.f32 v43, v15  }
0x3d2: {  	v29 =	vld [tilespmem:s15+$0x6860];
	s19 =	sshra.s32 s14, $0x2  }
0x3d3: {  	v30 =	vld [tilespmem:s15+$0x6870];
	s13 =	sadd.s32 $0x0, s19;
	v24 =	vperm.xlane v15, v19  }
0x3d4: {  	v34 =	vld [tilespmem:s13+$0xCC00]  }
0x3d5: {  	v35 =	vld [tilespmem:s13+$0xCC10];
	v15 =	vadd.f32 v15, v24  }
0x3d6: {  	v36 =	vld [tilespmem:s13+$0xCC20]  }
0x3d7: {  	v39 =	vld [tilespmem:s13+$0xCC30];
	v28 =	vperm.xlane v15, v0  }
0x3d8: {  	v41 =	vld [tilespmem:s13+$0xCC40]  }
0x3d9: {  	v42 =	vld [tilespmem:s13+$0xCC50];
	v15 =	vadd.f32 v15, v28  }
0x3da: {  	v44 =	vld [tilespmem:s13+$0xCC60]  }
0x3db: {  	(v2sf) =	vpush v48, $0x0;
	v45 =	vld [tilespmem:s13+$0xCC70];
	v49 =	vperm.xlane v15, v1  }
0x3dc: {  	v24 =	vld [tilespmem:s15+$0x6840]  }
0x3dd: {  	v12 =	vadd.f32 v34, v46;
	v15 =	vadd.f32 v15, v49  }
0x3de: {  	v13 =	vadd.f32 v35, v47;
	v14 =	vadd.f32 v36, v25  }
0x3df: {  	v17 =	vadd.f32 v39, v26;
	v25 =	vadd.f32 v42, v27;
	v52 =	vperm.xlane v15, v2  }
0x3e0: {  	v18 =	vadd.f32 v44, v29;
	v23 =	vadd.f32 v45, v30  }
0x3e1: {  	v24 =	vadd.f32 v41, v24;
	v15 =	vadd.f32 v15, v52  }
0x3e2: {  	v50 =	vadd.f32 v13, v12;
	v51 =	vadd.f32 v17, v14  }
0x3e3: {  	v26 =	vadd.f32 v23, v18;
	v53 =	vadd.f32 v25, v24;
	v15 =	vmul.f32 $7.812500000e-03, v15  }
0x3e4: {  	v20 =	vadd.f32 v51, v50  }
0x3e5: {  	v16 =	vadd.f32 v26, v53;
	v26 =	vld [tilespmem:s22+$0xFFFFFFFF];
	v30 =	vsub.f32 v7, v15  }
0x3e6: {  	v28 =	vsub.f32 v8, v15  }
0x3e7: {  	v16 =	vadd.f32 v16, v20;
	v29 =	vsub.f32 v9, v15;
	[tilespmem:$0x1FCC0] =	vst v30  }
0x3e8: {  	v27 =	vsub.f32 v10, v15;
	[tilespmem:$0x1FCD0] =	vst v28  }
0x3e9: {  	v22 =	vsub.f32 v4, v15;
	v4 =	vperm.xlane v16, v19;
	[tilespmem:$0x1FCE0] =	vst v29  }
0x3ea: {  	s17 =	simm.s32 $0x100;
	s23 =	spop (v2sf);
	(v2sf) =	vpush v26, $0x0;
	[tilespmem:$0x1FCF0] =	vst v27  }
0x3eb: {  	s13 =	smul.u32 $0x19000, s23;
	v4 =	vadd.f32 v16, v4;
	v16 =	vld [tilespmem:s17+$0x6880]  }
0x3ec: {  	v21 =	vsub.f32 v5, v15;
	v10 =	vld [tilespmem:s17+$0x68A0]  }
0x3ed: {  	s13 =	sshra.s32 s13, $0x2;
	v20 =	vsub.f32 v6, v15;
	v60 =	vld [tilespmem:s17+$0x68C0]  }
0x3ee: {  	s13 =	sadd.s32 $0x100, s13;
	v6 =	vmul.f32 v22, v22;
	v7 =	vmul.f32 v21, v21;
	v62 =	vld [tilespmem:s17+$0x68D0]  }
0x3ef: {  	v5 =	vsub.f32 v11, v15;
	v8 =	vmul.f32 v20, v20;
	v63 =	vld [tilespmem:s13+$0xCC80]  }
0x3f0: {  	v54 =	vmul.f32 v30, v30;
	v45 =	vld [tilespmem:s13+$0xCCA0];
	v6 =	vadd.f32 v7, v6;
	v7 =	vperm.xlane v4, v0  }
0x3f1: {  	v55 =	vmul.f32 v28, v28;
	v56 =	vmul.f32 v29, v29;
	v46 =	vld [tilespmem:s13+$0xCCB0]  }
0x3f2: {  	v57 =	vmul.f32 v27, v27;
	v26 =	vmul.f32 v5, v5;
	v47 =	vld [tilespmem:s13+$0xCCC0];
	v4 =	vadd.f32 v4, v7  }
0x3f3: {  	v48 =	vld [tilespmem:s13+$0xCCD0];
	v8 =	vadd.f32 v54, v8  }
0x3f4: {  	v49 =	vld [tilespmem:s13+$0xCCE0];
	v58 =	vadd.f32 v56, v55;
	v59 =	vadd.f32 v26, v57;
	v61 =	vperm.xlane v4, v1  }
0x3f5: {  	v26 =	vld [tilespmem:s17+$0x68E0];
	v6 =	vadd.f32 v8, v6  }
0x3f6: {  	v7 =	vld [tilespmem:s17+$0x68B0];
	v8 =	vadd.f32 v59, v58;
	v4 =	vadd.f32 v4, v61  }
0x3f7: {  	v50 =	vld [tilespmem:s13+$0xCCF0]  }
0x3f8: {  	v6 =	vadd.f32 v8, v6;
	v8 =	vld [tilespmem:s17+$0x68F0];
	v9 =	vadd.f32 v63, v16;
	v43 =	vperm.xlane v4, v2  }
0x3f9: {  	v27 =	vld [tilespmem:s17+$0x6890];
	v10 =	vadd.f32 v45, v10;
	v15 =	vadd.f32 v47, v60;
	s24 =	spop (v2sf)  }
0x3fa: {  	v44 =	vld [tilespmem:s13+$0xCC90];
	v11 =	vadd.f32 v48, v62;
	v42 =	vperm.xlane v6, v19;
	v4 =	vadd.f32 v4, v43;
	s14 =	smul.u32 $0x19000, s24  }
0x3fb: {  	v26 =	vadd.f32 v49, v26;
	v7 =	vadd.f32 v46, v7  }
0x3fc: {  	v38 =	vadd.f32 v11, v15;
	v6 =	vadd.f32 v6, v42;
	v4 =	vmul.f32 $7.812500000e-03, v4;
	s18 =	sshra.s32 s14, $0x2  }
0x3fd: {  	v8 =	vadd.f32 v50, v8;
	v36 =	vadd.f32 v7, v10;
	s13 =	sadd.s32 $0x100, s18  }
0x3fe: {  	v52 =	vsub.f32 v13, v4;
	v57 =	vsub.f32 v14, v4;
	v14 =	vld [tilespmem:s13+$0xCC00]  }
0x3ff: {  	v32 =	vperm.xlane v6, v0;
	v13 =	vadd.f32 v44, v27;
	v16 =	vld [tilespmem:s13+$0xCC10];
	v28 =	vsub.f32 v24, v4  }
0x400: {  	v60 =	vadd.f32 v8, v26;
	v59 =	vsub.f32 v12, v4;
	v12 =	vld [tilespmem:s13+$0xCC20]  }
0x401: {  	v6 =	vadd.f32 v6, v32;
	v37 =	vld [tilespmem:s13+$0xCC30];
	v27 =	vadd.f32 v13, v9;
	[tilespmem:$0x1FD00] =	vst v28  }
0x402: {  	v55 =	vsub.f32 v17, v4;
	v17 =	vld [tilespmem:s13+$0xCC40]  }
0x403: {  	v61 =	vadd.f32 v60, v38;
	v24 =	vperm.xlane v6, v1;
	v40 =	vld [tilespmem:s13+$0xCC50];
	v27 =	vadd.f32 v36, v27  }
0x404: {  	v46 =	vsub.f32 v25, v4;
	v45 =	vsub.f32 v18, v4;
	v62 =	vmul.f32 v59, v59;
	v18 =	vld [tilespmem:s13+$0xCC60]  }
0x405: {  	v25 =	vmul.f32 v52, v52;
	v63 =	vmul.f32 v57, v57;
	v41 =	vld [tilespmem:s13+$0xCC70];
	v27 =	vadd.f32 v61, v27  }
0x406: {  	v35 =	vsub.f32 v23, v4;
	v33 =	vmul.f32 v55, v55;
	v34 =	vmul.f32 v28, v28;
	v53 =	vld [tilespmem:s17+$0x6800]  }
0x407: {  	v6 =	vadd.f32 v6, v24;
	v24 =	vmul.f32 v46, v46;
	v54 =	vld [tilespmem:s17+$0x6810];
	v56 =	vperm.xlane v27, v19  }
0x408: {  	v58 =	vmul.f32 v45, v45;
	v60 =	vmul.f32 v35, v35;
	v51 =	vld [tilespmem:s17+$0x6870];
	v25 =	vadd.f32 v25, v62  }
0x409: {  	v62 =	vperm.xlane v6, v2;
	v23 =	vadd.f32 v33, v63;
	v63 =	vld [tilespmem:s17+$0x6830];
	v27 =	vadd.f32 v27, v56  }
0x40a: {  	v24 =	vadd.f32 v24, v34;
	v32 =	vadd.f32 v60, v58;
	v33 =	vld [tilespmem:s17+$0x6840]  }
0x40b: {  	v34 =	vld [tilespmem:s17+$0x6850];
	v6 =	vadd.f32 v6, v62;
	v42 =	vperm.xlane v27, v0  }
0x40c: {  	v61 =	vld [tilespmem:s17+$0x6820];
	v23 =	vadd.f32 v23, v25;
	v24 =	vadd.f32 v32, v24  }
0x40d: {  	v25 =	vld [tilespmem:s17+$0x6860];
	v14 =	vadd.f32 v14, v53;
	v27 =	vadd.f32 v27, v42  }
0x40e: {  	v23 =	vadd.f32 v24, v23;
	v16 =	vadd.f32 v16, v54  }
0x40f: {  	s19 =	simm.s32 $0x305;
	v28 =	vadd.f32 v41, v51;
	v24 =	vadd.f32 v37, v63;
	v53 =	vperm.xlane v27, v1  }
0x410: {  	v60 =	vld [tilespmem:s19+$0x0];
	v17 =	vadd.f32 v17, v33;
	v40 =	vadd.f32 v40, v34  }
0x411: {  	v54 =	vadd.f32 v16, v14;
	v56 =	vperm.xlane v23, v19;
	v27 =	vadd.f32 v27, v53  }
0x412: {  	v12 =	vadd.f32 v12, v61;
	v18 =	vadd.f32 v18, v25  }
0x413: {  	v62 =	vadd.f32 v40, v17;
	v23 =	vadd.f32 v23, v56;
	v61 =	vperm.xlane v27, v2  }
0x414: {  	v58 =	vadd.f32 v24, v12;
	v63 =	vadd.f32 v28, v18  }
0x415: {  	v6 =	vmul.f32 $7.812500000e-03, v6;
	(v2sf) =	vpush v60, $0x0;
	v27 =	vadd.f32 v27, v61  }
0x416: {  	v32 =	vperm.xlane v23, v0;
	v36 =	vadd.f32 v58, v54;
	v33 =	vadd.f32 v63, v62  }
0x417: {  	v34 =	vadd.f32 $9.999999740e-06, v6;
	v27 =	vmul.f32 $7.812500000e-03, v27  }
0x418: {  	v23 =	vadd.f32 v23, v32;
	v36 =	vadd.f32 v33, v36  }
0x419: {  	v50 =	vsub.f32 v9, v27;
	v56 =	vsub.f32 v13, v27  }
0x41a: {  	v38 =	vperm.xlane v23, v1;
	v58 =	vsub.f32 v10, v27;
	v49 =	vsub.f32 v7, v27  }
0x41b: {  	v7 =	vperm.xlane v36, v19;
	v47 =	vsub.f32 v15, v27;
	v63 =	vsub.f32 v11, v27  }
0x41c: {  	v42 =	vsub.f32 v26, v27;
	v43 =	vmul.f32 v50, v50;
	v44 =	vmul.f32 v56, v56  }
0x41d: {  	v60 =	vsub.f32 v8, v27;
	v8 =	vmul.f32 v58, v58;
	v48 =	vmul.f32 v49, v49  }
0x41e: {  	v9 =	vadd.f32 v23, v38;
	v15 =	vmul.f32 v47, v47;
	v51 =	vmul.f32 v63, v63  }
0x41f: {  	v7 =	vadd.f32 v36, v7;
	v26 =	vmul.f32 v42, v42;
	v27 =	vmul.f32 v60, v60  }
0x420: {  	v10 =	vadd.f32 v44, v43;
	v8 =	vadd.f32 v48, v8  }
0x421: {  	v53 =	vld [tilespmem:s19+$0xFFFFFFFF];
	v54 =	vadd.f32 v51, v15;
	v61 =	vadd.f32 v27, v26  }
0x422: {  	v62 =	vshrl.u32 v34, $0x1;
	v32 =	vperm.xlane v9, v2;
	v26 =	vperm.xlane v7, v0  }
0x423: {  	v27 =	vmul.f32 $5.000000000e-01, v34;
	v8 =	vadd.f32 v8, v10;
	v33 =	vadd.f32 v61, v54  }
0x424: {  	s22 =	spop (v2sf);
	v34 =	vsub.s32 $0x5F3759DF, v62;
	v9 =	vadd.f32 v9, v32;
	v7 =	vadd.f32 v7, v26  }
0x425: {  	s13 =	smul.u32 $0x19000, s22;
	v43 =	vmul.f32 v34, v27;
	v8 =	vadd.f32 v33, v8  }
0x426: {  	s18 =	simm.s32 $0x200;
	(v2sf) =	vpush v53, $0x0;
	v9 =	vmul.f32 $7.812500000e-03, v9;
	v44 =	vperm.xlane v7, v1  }
0x427: {  	v39 =	vld [tilespmem:s18+$0x68B0];
	s13 =	sshra.s32 s13, $0x2;
	v13 =	vmul.f32 v34, v43;
	v48 =	vperm.xlane v8, v19  }
0x428: {  	v37 =	vld [tilespmem:s18+$0x6890];
	s13 =	sadd.s32 $0x200, s13;
	v9 =	vadd.f32 $9.999999740e-06, v9;
	v7 =	vadd.f32 v7, v44  }
0x429: {  	v36 =	vld [tilespmem:s13+$0xCC80];
	v13 =	vsub.f32 $1.500000000e+00, v13;
	v8 =	vadd.f32 v8, v48  }
0x42a: {  	v38 =	vld [tilespmem:s13+$0xCC90];
	v26 =	vperm.xlane v7, v2  }
0x42b: {  	v15 =	vld [tilespmem:s18+$0x6880];
	v51 =	vshrl.u32 v9, $0x1;
	v11 =	vmul.f32 v34, v13;
	v53 =	vperm.xlane v8, v0  }
0x42c: {  	v41 =	vld [tilespmem:s18+$0x68C0];
	v9 =	vmul.f32 $5.000000000e-01, v9;
	v13 =	vsub.s32 $0x5F3759DF, v51  }
0x42d: {  	v10 =	vld [tilespmem:s18+$0x68A0];
	v7 =	vadd.f32 v7, v26;
	v48 =	vmul.f32 v11, v5;
	v5 =	vadd.f32 v8, v53  }
0x42e: {  	v43 =	vld [tilespmem:s18+$0x68D0];
	v9 =	vmul.f32 v13, v9  }
0x42f: {  	v37 =	vadd.f32 v38, v37;
	v44 =	vld [tilespmem:s18+$0x68E0];
	v7 =	vmul.f32 $7.812500000e-03, v7;
	v23 =	vperm.xlane v5, v1  }
0x430: {  	v36 =	vadd.f32 v36, v15;
	v61 =	vmul.f32 v11, v22;
	v9 =	vmul.f32 v13, v9;
	v8 =	vld [tilespmem:s18+$0x68F0]  }
0x431: {  	v62 =	vmul.f32 v11, v21;
	v6 =	vsub.f32 v14, v7;
	v14 =	vld [tilespmem:s13+$0xCCA0];
	v5 =	vadd.f32 v5, v23  }
0x432: {  	v34 =	vmul.f32 v11, v20;
	v9 =	vsub.f32 $1.500000000e+00, v9;
	v54 =	vsub.f32 v16, v7;
	v16 =	vld [tilespmem:s13+$0xCCB0]  }
0x433: {  	v22 =	vsub.f32 v12, v7;
	v12 =	vld [tilespmem:s13+$0xCCC0];
	v4 =	vsub.f32 v17, v7;
	[tilespmem:$0x1FC80] =	vst v6;
	v17 =	vperm.xlane v5, v2  }
0x434: {  	v21 =	vsub.f32 v24, v7;
	v9 =	vmul.f32 v13, v9;
	v13 =	vmul.f32 v6, v6;
	v51 =	vld [tilespmem:s13+$0xCCD0];
	[tilespmem:$0x1FC90] =	vst v54  }
0x435: {  	s23 =	spop (v2sf);
	v23 =	vsub.f32 v18, v7;
	v32 =	vmul.f32 v54, v54;
	v33 =	vld [tilespmem:s13+$0xCCE0];
	[tilespmem:$0x1FCA0] =	vst v22;
	v5 =	vadd.f32 v5, v17  }
0x436: {  	s14 =	smul.u32 $0x19000, s23;
	v6 =	vsub.f32 v28, v7;
	v54 =	vmul.f32 v21, v21;
	v2 =	vsub.f32 v40, v7;
	v20 =	vld [tilespmem:s13+$0xCCF0]  }
0x437: {  	v7 =	vmul.f32 v22, v22;
	v28 =	vadd.f32 v32, v13;
	v5 =	vmul.f32 $7.812500000e-03, v5  }
0x438: {  	s24 =	sshra.s32 s14, $0x2;
	v15 =	vmul.f32 v23, v23;
	v38 =	vadd.f32 v14, v10;
	v39 =	vadd.f32 v16, v39  }
0x439: {  	v13 =	vld [tilespmem:$0x1FCD0];
	[tilespmem:$0x1FCB0] =	vst v21;
	s13 =	sadd.s32 $0x200, s24;
	v10 =	vmul.f32 v4, v4;
	v40 =	vadd.f32 v12, v41;
	v5 =	vadd.f32 $9.999999740e-06, v5  }
0x43a: {  	v21 =	vmul.f32 v2, v2;
	v14 =	vld [tilespmem:s13+$0xCC00];
	v43 =	vadd.f32 v51, v43;
	v44 =	vadd.f32 v33, v44  }
0x43b: {  	v30 =	vld [tilespmem:s13+$0xCC20];
	v41 =	vadd.f32 v20, v8;
	v33 =	vshrl.u32 v5, $0x1;
	v5 =	vmul.f32 $5.000000000e-01, v5  }
0x43c: {  	v25 =	vmovc v2;
	v2 =	vadd.f32 v37, v36;
	v22 =	vadd.f32 v39, v38;
	v20 =	vld [tilespmem:$0x1FCE0];
	v17 =	vsub.s32 $0x5F3759DF, v33  }
0x43d: {  	v27 =	vmovc v23;
	v31 =	vld [tilespmem:s13+$0xCC30];
	v53 =	vadd.f32 v43, v40;
	v23 =	vadd.f32 v41, v44;
	v5 =	vmul.f32 v17, v5  }
0x43e: {  	v24 =	vmov v4;
	v4 =	vld [tilespmem:s18+$0x6830];
	v10 =	vadd.f32 v21, v10;
	v21 =	vmul.f32 v6, v6  }
0x43f: {  	v26 =	vmovc v6;
	v6 =	vld [tilespmem:s18+$0x6820];
	v18 =	vadd.f32 v22, v2;
	v51 =	vadd.f32 v23, v53;
	v5 =	vmul.f32 v17, v5  }
0x440: {  	v22 =	vld [tilespmem:$0x1FCC0];
	v8 =	vmul.f32 v11, v13  }
0x441: {  	v13 =	vmul.f32 v11, v20;
	v20 =	vld [tilespmem:$0x1FEF0];
	v18 =	vadd.f32 v51, v18;
	v5 =	vsub.f32 $1.500000000e+00, v5  }
0x442: {  	v23 =	vld [tilespmem:s18+$0x6800]  }
0x443: {  	v29 =	vld [tilespmem:s13+$0xCC10];
	v7 =	vadd.f32 v54, v7;
	v17 =	vmul.f32 v17, v5;
	v5 =	vperm.xlane v18, v19  }
0x444: {  	v12 =	vadd.f32 v21, v15;
	v21 =	vld [tilespmem:s18+$0x6810]  }
0x445: {  	v7 =	vadd.f32 v7, v28;
	v16 =	vmul.f32 v11, v22;
	v22 =	vld [tilespmem:$0x1FCF0];
	v18 =	vadd.f32 v18, v5  }
0x446: {  	v31 =	vadd.f32 v31, v4;
	v30 =	vadd.f32 v30, v6;
	v4 =	vmul.f32 v48, v20;
	v48 =	vld [tilespmem:$0x1FEC0]  }
0x447: {  	v51 =	vmul.f32 v9, v59;
	v28 =	vadd.f32 v14, v23;
	v23 =	vld [tilespmem:$0x1FD00];
	v6 =	vperm.xlane v18, v0  }
0x448: {  	v59 =	vmul.f32 v9, v55;
	v55 =	vmul.f32 v9, v46;
	v46 =	vld [tilespmem:$0x1FF30]  }
0x449: {  	v6 =	vadd.f32 v18, v6;
	v18 =	vld [tilespmem:$0x1FED0];
	_ =	sdelay $0x1  }
0x44a: {  	v29 =	vadd.f32 v29, v21;
	v21 =	vld [tilespmem:$0x1FF20];
	v61 =	vmul.f32 v61, v48  }
0x44b: {  	v5 =	vmul.f32 v9, v23;
	v23 =	vld [tilespmem:$0x1FEE0]  }
0x44c: {  	v15 =	vadd.f32 v61, v46;
	v61 =	vld [tilespmem:$0x1FF60]  }
0x44d: {  	v11 =	vmul.f32 v11, v22;
	v22 =	vmul.f32 v62, v18;
	v62 =	vld [tilespmem:$0x1FF40]  }
0x44e: {  	v32 =	vld [tilespmem:s13+$0xCC40]  }
0x44f: {  	v54 =	vmul.f32 v9, v35;
	v35 =	vld [tilespmem:$0x1FFB0];
	v4 =	vadd.f32 v4, v21  }
0x450: {  	v53 =	vmul.f32 v9, v45;
	v45 =	vld [tilespmem:$0x1FF80];
	v34 =	vmul.f32 v34, v23  }
0x451: {  	v48 =	vld [tilespmem:$0x1FF90];
	[tilespmem:s15+$0x68F0] =	vst v4;
	v18 =	vadd.f32 v22, v61  }
0x452: {  	v10 =	vadd.f32 v12, v10;
	v12 =	vld [tilespmem:s18+$0x6840];
	[tilespmem:s15+$0x6880] =	vst v15;
	v2 =	vadd.f32 v34, v62  }
0x453: {  	v33 =	vld [tilespmem:s13+$0xCC50];
	[tilespmem:s15+$0x6890] =	vst v18  }
0x454: {  	v14 =	vld [tilespmem:s18+$0x6850];
	[tilespmem:s15+$0x68A0] =	vst v2  }
0x455: {  	v23 =	vmul.f32 v17, v60;
	v60 =	vld [tilespmem:$0x1FF50]  }
0x456: {  	v16 =	vmul.f32 v16, v35  }
0x457: {  	v7 =	vadd.f32 v10, v7;
	v10 =	vld [tilespmem:s13+$0xCC70]  }
0x458: {  	v32 =	vadd.f32 v32, v12;
	v12 =	vld [tilespmem:s18+$0x6860];
	v8 =	vmul.f32 v8, v45;
	v4 =	vadd.f32 v16, v3  }
0x459: {  	v33 =	vadd.f32 v33, v14;
	v14 =	vld [tilespmem:s18+$0x6870]  }
0x45a: {  	v45 =	vld [tilespmem:$0x1FFA0];
	[tilespmem:s15+$0x68B0] =	vst v4;
	v8 =	vadd.f32 v8, v60  }
0x45b: {  	v52 =	vmul.f32 v9, v52;
	v16 =	vperm.xlane v7, v19;
	v61 =	vld [tilespmem:$0x1FF00]  }
0x45c: {  	v57 =	vmul.f32 v9, v57;
	v9 =	vld [tilespmem:s13+$0xCC60];
	v19 =	vadd.f32 v29, v28;
	v22 =	vperm.xlane v6, v1;
	[tilespmem:s15+$0x68C0] =	vst v8  }
0x45d: {  	v13 =	vmul.f32 v13, v48;
	v48 =	vadd.f32 v7, v16;
	v7 =	vadd.f32 v31, v30;
	v62 =	vld [tilespmem:$0x1FF10]  }
0x45e: {  	v46 =	vadd.f32 v6, v22  }
0x45f: {  	v6 =	vmul.f32 v11, v45;
	v45 =	vadd.f32 v7, v19;
	v7 =	vmul.f32 v23, v20  }
0x460: {  	v63 =	vmul.f32 v17, v63;
	v35 =	vadd.f32 v10, v14;
	v4 =	vadd.f32 v13, v61  }
0x461: {  	v34 =	vadd.f32 v9, v12;
	v60 =	vmul.f32 v17, v56;
	v7 =	vadd.f32 v7, v21  }
0x462: {  	v61 =	vmul.f32 v17, v50;
	[tilespmem:s15+$0x68D0] =	vst v4;
	v4 =	vmul.f32 v17, v58;
	v6 =	vadd.f32 v6, v62  }
0x463: {  	v50 =	vadd.f32 v33, v32;
	v58 =	vmul.f32 v17, v49;
	v49 =	vperm.xlane v48, v0;
	[tilespmem:s17+$0x68F0] =	vst v7  }
0x464: {  	s22 =	simm.s32 $0x307;
	s14 =	simm.s32 $0x800;
	s13 =	simm.s32 $0x4;
	v62 =	vmul.f32 v17, v47;
	v47 =	vadd.f32 v35, v34;
	[tilespmem:s15+$0x68E0] =	vst v6;
	v6 =	vmul.f32 v17, v42  }
.LBB2_9:
0x465: {  	v7 =	vld [tilespmem:s22+$0x0]  }
0x466: {  	v20 =	vld [tilespmem:$0x1FFF0]  }
0x467: {  	v19 =	vld [tilespmem:$0x1FEC0]  }
0x468: {  	v11 =	vld [tilespmem:s22+$0xFFFFFFFF]  }
0x469: {  	v23 =	vld [tilespmem:$0x1FED0]  }
0x46a: {  	v22 =	vld [tilespmem:$0x1FEE0]  }
0x46b: {  	v21 =	vld [tilespmem:$0x1FFB0]  }
0x46c: {  	v1 =	vld [tilespmem:$0x1FFE0]  }
0x46d: {  	v0 =	vld [tilespmem:$0x1FFC0]  }
0x46e: {  	v8 =	vadd.f32 v47, v50;
	v9 =	vperm.xlane v46, v20;
	v10 =	vmul.f32 v51, v19;
	v51 =	vld [tilespmem:$0x1FF30]  }
0x46f: {  	v12 =	vadd.f32 v48, v49;
	v14 =	vmul.f32 v57, v22;
	v57 =	vld [tilespmem:$0x1FF60]  }
0x470: {  	v3 =	vld [tilespmem:$0x1FEF0];
	v8 =	vadd.f32 v8, v45;
	v9 =	vadd.f32 v46, v9  }
0x471: {  	v15 =	vmul.f32 v59, v21;
	v16 =	vperm.xlane v12, v1;
	(v2sf) =	vpush v7, $0x0;
	v59 =	vld [tilespmem:$0x1FF90]  }
0x472: {  	v13 =	vmul.f32 v52, v23;
	(v2sf) =	vpush v11, $0x0;
	v9 =	vmul.f32 $7.812500000e-03, v9  }
0x473: {  	v7 =	vadd.f32 v12, v16;
	v10 =	vadd.f32 v10, v51  }
0x474: {  	v17 =	vperm.xlane v8, v0;
	v13 =	vadd.f32 v13, v57;
	v50 =	vsub.f32 v36, v9  }
0x475: {  	v16 =	vmul.f32 v54, v3;
	v48 =	vsub.f32 v37, v9;
	v49 =	vsub.f32 v38, v9  }
0x476: {  	v47 =	vsub.f32 v39, v9;
	v46 =	vsub.f32 v40, v9;
	[tilespmem:s15+$0x6800] =	vst v10;
	v10 =	vmul.f32 v55, v59;
	v55 =	vld [tilespmem:$0x1FFA0]  }
0x477: {  	v45 =	vsub.f32 v43, v9;
	[tilespmem:s15+$0x6810] =	vst v13;
	v13 =	vperm.xlane v7, v20;
	v18 =	vmul.f32 v50, v50  }
0x478: {  	s14 =	sadd.s32 $0x400, s14;
	v42 =	vsub.f32 v44, v9;
	v36 =	vmul.f32 v48, v48;
	v54 =	vmul.f32 v49, v49  }
0x479: {  	s23 =	sshra.s32 s14, $0x2;
	v52 =	vld [tilespmem:$0x1FF80];
	v56 =	vsub.f32 v41, v9;
	v2 =	vmul.f32 v47, v47;
	v11 =	vmul.f32 v46, v46  }
0x47a: {  	v37 =	vld [tilespmem:s23+$0x6880];
	v43 =	vmul.f32 v45, v45;
	v44 =	vmul.f32 v42, v42  }
0x47b: {  	v8 =	vadd.f32 v8, v17;
	v40 =	vld [tilespmem:s23+$0x6890];
	v12 =	vmul.f32 v53, v55;
	v53 =	vmul.f32 v56, v56  }
0x47c: {  	v7 =	vadd.f32 v7, v13;
	v13 =	vmul.f32 v60, v23;
	v23 =	vld [tilespmem:$0x1FF70];
	v9 =	vadd.f32 v2, v54  }
0x47d: {  	v2 =	vld [tilespmem:$0x1FFD0];
	v11 =	vadd.f32 v43, v11;
	v17 =	vadd.f32 v53, v44  }
0x47e: {  	v5 =	vmul.f32 v5, v52;
	v18 =	vadd.f32 v36, v18;
	v44 =	vld [tilespmem:$0x1FF40]  }
0x47f: {  	v36 =	vmul.f32 v61, v19;
	v61 =	vadd.f32 v17, v11;
	v17 =	vmul.f32 v62, v52;
	v52 =	vld [tilespmem:$0x1FF50]  }
0x480: {  	v38 =	vmul.f32 v4, v22;
	v4 =	vadd.f32 v9, v18;
	v11 =	vmul.f32 v58, v21;
	v58 =	vld [tilespmem:$0x1FF00]  }
0x481: {  	v19 =	vld [tilespmem:$0x1FF20];
	v13 =	vadd.f32 v13, v57  }
0x482: {  	v15 =	vadd.f32 v15, v23;
	v54 =	vperm.xlane v8, v2;
	v9 =	vadd.f32 v61, v4;
	v61 =	vld [tilespmem:$0x1FF10]  }
0x483: {  	v7 =	vmul.f32 $7.812500000e-03, v7;
	v57 =	vld [tilespmem:$0x1FCA0];
	v36 =	vadd.f32 v36, v51;
	v14 =	vadd.f32 v14, v44  }
0x484: {  	v51 =	vld [tilespmem:$0x1FC80];
	[tilespmem:s15+$0x6830] =	vst v15;
	v8 =	vadd.f32 v8, v54;
	v22 =	vperm.xlane v9, v0;
	v5 =	vadd.f32 v5, v52  }
0x485: {  	v7 =	vadd.f32 $9.999999740e-06, v7;
	s19 =	spop (v2sf);
	v15 =	vld [tilespmem:s23+$0x68B0];
	v4 =	vmul.f32 v6, v55;
	[tilespmem:s15+$0x6820] =	vst v14;
	v10 =	vadd.f32 v10, v58  }
0x486: {  	s19 =	smul.u32 $0x19000, s19;
	v6 =	vperm.xlane v8, v1;
	v14 =	vld [tilespmem:s23+$0x68A0];
	v9 =	vadd.f32 v9, v22;
	v22 =	vadd.f32 v16, v19;
	[tilespmem:s15+$0x6840] =	vst v5  }
0x487: {  	s24 =	spop (v2sf);
	v16 =	vld [tilespmem:s23+$0x68D0];
	v5 =	vadd.f32 v12, v61;
	[tilespmem:s15+$0x6850] =	vst v10  }
0x488: {  	s24 =	smul.u32 $0x19000, s24;
	s19 =	sshra.s32 s19, $0x2;
	v6 =	vadd.f32 v8, v6;
	v8 =	vshrl.u32 v7, $0x1;
	v7 =	vmul.f32 $5.000000000e-01, v7;
	v12 =	vld [tilespmem:s23+$0x68C0];
	[tilespmem:s15+$0x6870] =	vst v22  }
0x489: {  	s19 =	sadd.s32 s23, s19;
	v8 =	vsub.s32 $0x5F3759DF, v8;
	v10 =	vld [tilespmem:s23+$0x68F0];
	[tilespmem:s15+$0x6860] =	vst v5;
	s15 =	smov.u32 s17  }
0x48a: {  	s24 =	sshra.s32 s24, $0x2;
	v7 =	vmul.f32 v8, v7;
	v5 =	vld [tilespmem:s23+$0x68E0];
	s17 =	smov.u32 s18;
	s18 =	smov.u32 s23;
	[tilespmem:s15+$0x6880] =	vst v36  }
0x48b: {  	v18 =	vmul.f32 v63, v59;
	v59 =	vperm.xlane v6, v20;
	s23 =	sadd.s32 s18, s24;
	v36 =	vld [tilespmem:s19+$0xCC80]  }
0x48c: {  	v38 =	vadd.f32 v38, v44;
	v7 =	vmul.f32 v8, v7;
	v60 =	vld [tilespmem:s23+$0xCC00]  }
0x48d: {  	v43 =	vadd.f32 v18, v58;
	v6 =	vadd.f32 v6, v59;
	v18 =	vld [tilespmem:s23+$0xCC10]  }
0x48e: {  	v11 =	vadd.f32 v11, v23;
	v21 =	vperm.xlane v9, v2;
	v7 =	vsub.f32 $1.500000000e+00, v7;
	[tilespmem:s15+$0x6890] =	vst v13;
	v62 =	vld [tilespmem:s23+$0xCC70]  }
0x48f: {  	v41 =	vadd.f32 v17, v52;
	v6 =	vmul.f32 $7.812500000e-03, v6;
	v44 =	vld [tilespmem:s19+$0xCC90];
	[tilespmem:s15+$0x68A0] =	vst v38  }
0x490: {  	v9 =	vadd.f32 v9, v21;
	v7 =	vmul.f32 v8, v7;
	v8 =	vld [tilespmem:s19+$0xCCA0];
	[tilespmem:s15+$0x68B0] =	vst v11  }
0x491: {  	v4 =	vadd.f32 v4, v61;
	v30 =	vsub.f32 v30, v6;
	v11 =	vld [tilespmem:s19+$0xCCB0];
	[tilespmem:s15+$0x68C0] =	vst v41  }
0x492: {  	v23 =	vperm.xlane v9, v1;
	v28 =	vsub.f32 v28, v6;
	v29 =	vsub.f32 v29, v6;
	v13 =	vld [tilespmem:s19+$0xCCC0]  }
0x493: {  	v33 =	vsub.f32 v33, v6;
	[tilespmem:s15+$0x68D0] =	vst v43;
	v53 =	vmul.f32 v30, v30;
	v58 =	vmov v30;
	v30 =	vld [tilespmem:s18+$0x6800]  }
0x494: {  	v31 =	vsub.f32 v31, v6;
	v9 =	vadd.f32 v9, v23;
	v41 =	vld [tilespmem:s19+$0xCCE0]  }
0x495: {  	v32 =	vsub.f32 v32, v6;
	v23 =	vmul.f32 v33, v33;
	v55 =	vmul.f32 v7, v25;
	v25 =	vmovc v33;
	v33 =	vld [tilespmem:s18+$0x6840]  }
0x496: {  	v34 =	vsub.f32 v34, v6;
	v6 =	vsub.f32 v35, v6;
	v39 =	vperm.xlane v9, v20;
	v17 =	vld [tilespmem:s19+$0xCCD0]  }
0x497: {  	v63 =	vmul.f32 v28, v28;
	v20 =	vmul.f32 v29, v29;
	v22 =	vld [tilespmem:s19+$0xCCF0];
	v36 =	vadd.f32 v36, v37  }
0x498: {  	v54 =	vmul.f32 v31, v31;
	[tilespmem:$0x1FCA0] =	vst v58;
	v58 =	vld [tilespmem:s18+$0x6850];
	v37 =	vadd.f32 v44, v40;
	v9 =	vadd.f32 v9, v39  }
0x499: {  	v59 =	vmul.f32 v34, v34;
	v35 =	vadd.f32 v20, v63;
	v44 =	vadd.f32 v41, v5;
	v5 =	vld [tilespmem:$0x1FC90]  }
0x49a: {  	v38 =	vadd.f32 v8, v14;
	v8 =	vmul.f32 v6, v6;
	v20 =	vld [tilespmem:s18+$0x6870];
	v39 =	vadd.f32 v11, v15  }
0x49b: {  	v11 =	vld [tilespmem:s23+$0xCC20];
	v14 =	vadd.f32 v37, v36;
	v9 =	vmul.f32 $7.812500000e-03, v9;
	v40 =	vadd.f32 v13, v12  }
0x49c: {  	v52 =	vmovc v28;
	v63 =	vmov v31;
	v31 =	vld [tilespmem:s18+$0x6820];
	v8 =	vadd.f32 v8, v59;
	v41 =	vadd.f32 v22, v10  }
0x49d: {  	v21 =	vmul.f32 v32, v32;
	[tilespmem:$0x1FC80] =	vst v52;
	v12 =	vld [tilespmem:s23+$0xCC30];
	v15 =	vadd.f32 v39, v38;
	v9 =	vadd.f32 $9.999999740e-06, v9  }
0x49e: {  	v59 =	vld [tilespmem:$0x1FCB0];
	v43 =	vadd.f32 v17, v16;
	v28 =	vadd.f32 v41, v44;
	v52 =	vmul.f32 v7, v5;
	v5 =	vmovc v29  }
0x49f: {  	v17 =	vld [tilespmem:s23+$0xCC60];
	v14 =	vadd.f32 v15, v14;
	v29 =	vadd.f32 v54, v53;
	[tilespmem:$0x1FC90] =	vst v5;
	v5 =	vshrl.u32 v9, $0x1  }
0x4a0: {  	v15 =	vld [tilespmem:s18+$0x6810];
	v9 =	vmul.f32 $5.000000000e-01, v9;
	v16 =	vsub.s32 $0x5F3759DF, v5;
	v5 =	vadd.f32 v43, v40  }
0x4a1: {  	v51 =	vmul.f32 v7, v51;
	v22 =	vld [tilespmem:s18+$0x6830];
	v53 =	vadd.f32 v23, v21;
	v54 =	vmul.f32 v7, v26  }
0x4a2: {  	v26 =	vmovc v6;
	v6 =	vld [tilespmem:s18+$0x6860];
	v29 =	vadd.f32 v29, v35;
	v9 =	vmul.f32 v16, v9;
	v5 =	vadd.f32 v28, v5  }
0x4a3: {  	v57 =	vmul.f32 v7, v57;
	v13 =	vld [tilespmem:s23+$0xCC40];
	v8 =	vadd.f32 v8, v53;
	v35 =	vadd.f32 v62, v20  }
0x4a4: {  	v10 =	vld [tilespmem:s23+$0xCC50];
	v28 =	vadd.f32 v60, v30;
	v9 =	vmul.f32 v16, v9;
	v14 =	vadd.f32 v5, v14  }
0x4a5: {  	v59 =	vmul.f32 v7, v59;
	v8 =	vadd.f32 v8, v29;
	v29 =	vadd.f32 v18, v15  }
0x4a6: {  	v30 =	vadd.f32 v11, v31;
	v9 =	vsub.f32 $1.500000000e+00, v9;
	v23 =	vperm.xlane v14, v0  }
0x4a7: {  	v53 =	vmul.f32 v7, v27;
	v27 =	vmovc v34;
	v31 =	vadd.f32 v12, v22;
	v34 =	vadd.f32 v17, v6  }
0x4a8: {  	v5 =	vmul.f32 v7, v24;
	v9 =	vmul.f32 v16, v9;
	v7 =	vadd.f32 v14, v23  }
0x4a9: {  	v24 =	vmovc v32;
	v21 =	vperm.xlane v8, v0;
	v32 =	vadd.f32 v13, v33;
	v33 =	vadd.f32 v10, v58  }
0x4aa: {  	s13 =	sadd.s32 $0x2, s13;
	[tilespmem:s15+$0x68E0] =	vst v4;
	v6 =	vadd.f32 v31, v30;
	v18 =	vmul.f32 v9, v56;
	v4 =	vperm.xlane v7, v2  }
0x4ab: {  	p1 =	slt.u32 s13, $0x66;
	v23 =	vadd.f32 v29, v28;
	v61 =	vmul.f32 v9, v50;
	v60 =	vmul.f32 v9, v48  }
.Ltmp5:
0x4ac: {  	v58 =	vmul.f32 v9, v47;
	v22 =	vmul.f32 v18, v3;
	v7 =	vadd.f32 v7, v4;
	(pc) =	sbr.rel @p1 .LBB2_9-.Ltmp5, $4  }
0x4ad: {  	v50 =	vadd.f32 v33, v32;
	v48 =	vadd.f32 v8, v21;
	v62 =	vmul.f32 v9, v46  }
0x4ae: {  	v47 =	vadd.f32 v35, v34;
	v12 =	vadd.f32 v22, v19;
	v56 =	vperm.xlane v7, v1  }
0x4af: {  	[tilespmem:$0x1FCB0] =	vst v63;
	v63 =	vmul.f32 v9, v45;
	v45 =	vadd.f32 v6, v23;
	v6 =	vmul.f32 v9, v42  }
0x4b0: {  	s22 =	sadd.s32 $0x2, s22;
	v4 =	vmul.f32 v9, v49;
	v49 =	vperm.xlane v48, v2;
	[tilespmem:s17+$0x68F0] =	vst v12;
	v46 =	vadd.f32 v7, v56  }
0x4b1: {  	v3 =	vld [tilespmem:$0x1FFF0];
	_ =	sdelay $0x2  }
0x4b2: {  	v0 =	vld [tilespmem:$0x1FFC0]  }
0x4b3: {  	v8 =	vadd.f32 v47, v50  }
0x4b4: {  	v7 =	vperm.xlane v46, v3  }
0x4b5: {  	v8 =	vadd.f32 v8, v45  }
0x4b6: {  	v7 =	vadd.f32 v46, v7  }
0x4b7: {  	v1 =	vld [tilespmem:$0x1FFD0];
	v9 =	vperm.xlane v8, v0  }
0x4b8: {  	v7 =	vmul.f32 $7.812500000e-03, v7  }
0x4b9: {  	v8 =	vadd.f32 v8, v9  }
0x4ba: {  	v47 =	vsub.f32 v36, v7;
	v46 =	vsub.f32 v37, v7  }
0x4bb: {  	v45 =	vsub.f32 v38, v7;
	v39 =	vsub.f32 v39, v7  }
0x4bc: {  	v2 =	vld [tilespmem:$0x1FFE0];
	v17 =	vperm.xlane v8, v1;
	v38 =	vsub.f32 v40, v7;
	v37 =	vsub.f32 v43, v7  }
0x4bd: {  	v36 =	vsub.f32 v44, v7;
	v10 =	vmul.f32 v47, v47;
	v11 =	vmul.f32 v46, v46  }
0x4be: {  	v7 =	vsub.f32 v41, v7;
	v12 =	vmul.f32 v45, v45;
	v13 =	vmul.f32 v39, v39  }
0x4bf: {  	v8 =	vadd.f32 v8, v17;
	v14 =	vmul.f32 v38, v38;
	v15 =	vmul.f32 v37, v37  }
0x4c0: {  	v50 =	vmul.f32 v36, v36;
	v16 =	vmul.f32 v7, v7  }
0x4c1: {  	v19 =	vperm.xlane v8, v2;
	v10 =	vadd.f32 v11, v10;
	v56 =	vadd.f32 v13, v12  }
0x4c2: {  	v18 =	vadd.f32 v15, v14;
	v9 =	vadd.f32 v16, v50  }
0x4c3: {  	v23 =	vld [tilespmem:$0x1FEC0];
	v8 =	vadd.f32 v8, v19  }
0x4c4: {  	v10 =	vadd.f32 v56, v10;
	v9 =	vadd.f32 v9, v18  }
0x4c5: {  	v50 =	vld [tilespmem:$0x1FF30];
	v41 =	vperm.xlane v8, v3  }
0x4c6: {  	v9 =	vadd.f32 v9, v10  }
0x4c7: {  	v22 =	vld [tilespmem:$0x1FED0];
	v40 =	vadd.f32 v48, v49;
	v8 =	vadd.f32 v8, v41  }
0x4c8: {  	v43 =	vmul.f32 v51, v23;
	v10 =	vperm.xlane v9, v0  }
0x4c9: {  	v21 =	vld [tilespmem:$0x1FEE0];
	v42 =	vperm.xlane v40, v2;
	v8 =	vmul.f32 $7.812500000e-03, v8  }
0x4ca: {  	v12 =	vadd.f32 v43, v50;
	v9 =	vadd.f32 v9, v10  }
0x4cb: {  	v10 =	vadd.f32 v40, v42;
	v43 =	vsub.f32 v28, v8  }
0x4cc: {  	v14 =	vmul.f32 v52, v22;
	v42 =	vsub.f32 v29, v8;
	v41 =	vsub.f32 v30, v8  }
0x4cd: {  	v40 =	vsub.f32 v31, v8;
	v31 =	vsub.f32 v32, v8;
	v44 =	vperm.xlane v9, v1  }
0x4ce: {  	v11 =	vmul.f32 v57, v21;
	v30 =	vsub.f32 v33, v8;
	v29 =	vsub.f32 v34, v8  }
0x4cf: {  	v48 =	vperm.xlane v10, v3;
	v17 =	vmul.f32 v43, v43;
	v9 =	vadd.f32 v9, v44  }
0x4d0: {  	v51 =	vld [tilespmem:$0x1FFB0];
	v28 =	vsub.f32 v35, v8;
	v18 =	vmul.f32 v42, v42;
	v8 =	vmul.f32 v41, v41  }
0x4d1: {  	v52 =	vmul.f32 v40, v40;
	v49 =	vperm.xlane v9, v2  }
0x4d2: {  	v19 =	vld [tilespmem:$0x1FF90];
	v33 =	vmul.f32 v30, v30;
	v10 =	vadd.f32 v10, v48;
	v48 =	vmul.f32 v31, v31  }
0x4d3: {  	v57 =	vld [tilespmem:$0x1FF60];
	v44 =	vmul.f32 v28, v28;
	v9 =	vadd.f32 v9, v49;
	v49 =	vmul.f32 v29, v29  }
0x4d4: {  	v56 =	vld [tilespmem:$0x1FF80];
	v17 =	vadd.f32 v18, v17;
	v8 =	vadd.f32 v52, v8  }
0x4d5: {  	v35 =	vmul.f32 v58, v51;
	v58 =	vld [tilespmem:$0x1FF40];
	v13 =	vadd.f32 v33, v48;
	v16 =	vadd.f32 v44, v49  }
0x4d6: {  	v15 =	vmul.f32 v59, v51;
	v52 =	vld [tilespmem:$0x1FFA0];
	v48 =	vperm.xlane v9, v3  }
0x4d7: {  	v20 =	vld [tilespmem:$0x1FEF0];
	v18 =	vmul.f32 v55, v19;
	[tilespmem:s15+$0x6800] =	vst v12;
	v8 =	vadd.f32 v8, v17;
	v13 =	vadd.f32 v16, v13  }
0x4d8: {  	v55 =	vmovc v19;
	v10 =	vmul.f32 $7.812500000e-03, v10;
	v9 =	vadd.f32 v9, v48;
	v48 =	vmul.f32 v63, v19;
	v19 =	vld [tilespmem:$0x1FF70]  }
0x4d9: {  	v14 =	vadd.f32 v14, v57;
	v5 =	vmul.f32 v5, v56;
	v8 =	vadd.f32 v13, v8  }
0x4da: {  	v17 =	vmul.f32 v61, v23;
	v10 =	vadd.f32 $9.999999740e-06, v10;
	v9 =	vmul.f32 $7.812500000e-03, v9  }
0x4db: {  	v11 =	vadd.f32 v11, v58;
	v33 =	vmul.f32 v53, v52;
	v53 =	vperm.xlane v8, v0  }
0x4dc: {  	v49 =	vshrl.u32 v10, $0x1;
	v10 =	vmul.f32 $5.000000000e-01, v10;
	[tilespmem:s15+$0x6810] =	vst v14;
	v9 =	vadd.f32 $9.999999740e-06, v9  }
0x4dd: {  	v16 =	vmul.f32 v54, v20;
	v61 =	vadd.f32 v15, v19;
	v8 =	vadd.f32 v8, v53;
	v53 =	vld [tilespmem:$0x1FF50]  }
0x4de: {  	v13 =	vsub.s32 $0x5F3759DF, v49;
	v54 =	vshrl.u32 v9, $0x1;
	v9 =	vmul.f32 $5.000000000e-01, v9;
	[tilespmem:s15+$0x6820] =	vst v11  }
0x4df: {  	v32 =	vmul.f32 v60, v22;
	v10 =	vmul.f32 v13, v10;
	v34 =	vsub.s32 $0x5F3759DF, v54;
	v49 =	vld [tilespmem:$0x1FF00];
	[tilespmem:s15+$0x6830] =	vst v61  }
0x4e0: {  	v60 =	vperm.xlane v8, v1;
	v9 =	vmul.f32 v34, v9;
	v54 =	vld [tilespmem:$0x1FF10]  }
0x4e1: {  	v4 =	vmul.f32 v4, v21;
	v10 =	vmul.f32 v13, v10  }
0x4e2: {  	v8 =	vadd.f32 v8, v60;
	v9 =	vmul.f32 v34, v9;
	v5 =	vadd.f32 v5, v53  }
0x4e3: {  	v4 =	vadd.f32 v4, v58;
	v44 =	vmul.f32 v62, v56;
	v10 =	vsub.f32 $1.500000000e+00, v10  }
0x4e4: {  	v62 =	vadd.f32 v18, v49;
	v59 =	vperm.xlane v8, v2;
	v9 =	vsub.f32 $1.500000000e+00, v9;
	[tilespmem:s15+$0x6840] =	vst v5  }
0x4e5: {  	v6 =	vmul.f32 v6, v52;
	v10 =	vmul.f32 v13, v10;
	v63 =	vadd.f32 v33, v54;
	v33 =	vld [tilespmem:$0x1FF20]  }
0x4e6: {  	v60 =	vld [tilespmem:$0x1FC80];
	[tilespmem:s15+$0x6850] =	vst v62;
	v8 =	vadd.f32 v8, v59;
	v62 =	vadd.f32 v32, v57;
	v9 =	vmul.f32 v34, v9  }
0x4e7: {  	v32 =	vadd.f32 v35, v19;
	v34 =	vmul.f32 v10, v25;
	v35 =	vmul.f32 v10, v27;
	v11 =	vld [tilespmem:$0x1FC90]  }
0x4e8: {  	v13 =	vadd.f32 v17, v50;
	v61 =	vld [tilespmem:$0x1FCA0];
	[tilespmem:s15+$0x6860] =	vst v63;
	v63 =	vperm.xlane v8, v3;
	v7 =	vmul.f32 v9, v7  }
0x4e9: {  	v12 =	vld [tilespmem:$0x1FCB0];
	[tilespmem:s17+$0x68A0] =	vst v4;
	v4 =	vmul.f32 v9, v47;
	v47 =	vmul.f32 v9, v46  }
0x4ea: {  	v44 =	vadd.f32 v44, v53;
	[tilespmem:s17+$0x6880] =	vst v13;
	v14 =	vmul.f32 v35, v52;
	v7 =	vmul.f32 v7, v20  }
0x4eb: {  	[tilespmem:s17+$0x6890] =	vst v62;
	v8 =	vadd.f32 v8, v63;
	v4 =	vmul.f32 v4, v23;
	v15 =	vmul.f32 v10, v60  }
0x4ec: {  	v6 =	vadd.f32 v6, v54;
	[tilespmem:s17+$0x68B0] =	vst v32;
	v60 =	vmul.f32 v34, v55;
	v11 =	vmul.f32 v10, v11  }
0x4ed: {  	[tilespmem:s17+$0x68C0] =	vst v44;
	v5 =	vadd.f32 v16, v33;
	v16 =	vmul.f32 v10, v61;
	v8 =	vmul.f32 $7.812500000e-03, v8  }
0x4ee: {  	[tilespmem:s17+$0x68E0] =	vst v6;
	v7 =	vadd.f32 v7, v33;
	v4 =	vadd.f32 v4, v50;
	v12 =	vmul.f32 v10, v12  }
0x4ef: {  	[tilespmem:s15+$0x6870] =	vst v5;
	v5 =	vmul.f32 v10, v24;
	v24 =	vmovc v20;
	v11 =	vmul.f32 v11, v22;
	v8 =	vadd.f32 $9.999999740e-06, v8  }
0x4f0: {  	v20 =	vadd.f32 v48, v49;
	v6 =	vmul.f32 v16, v21;
	[tilespmem:s18+$0x68F0] =	vst v7;
	v12 =	vmul.f32 v12, v51  }
0x4f1: {  	[tilespmem:s18+$0x6880] =	vst v4;
	v7 =	vadd.f32 v11, v57;
	v59 =	vshrl.u32 v8, $0x1;
	v8 =	vmul.f32 $5.000000000e-01, v8  }
0x4f2: {  	[tilespmem:s17+$0x68D0] =	vst v20;
	v5 =	vmul.f32 v5, v56;
	v6 =	vadd.f32 v6, v58;
	v11 =	vsub.s32 $0x5F3759DF, v59  }
0x4f3: {  	v10 =	vmul.f32 v10, v26;
	[tilespmem:s17+$0x6810] =	vst v7;
	v7 =	vadd.f32 v12, v19;
	v8 =	vmul.f32 v11, v8  }
0x4f4: {  	v62 =	vmul.f32 v9, v38;
	v13 =	vmul.f32 v47, v22;
	v5 =	vadd.f32 v5, v53;
	[tilespmem:s17+$0x6820] =	vst v6  }
0x4f5: {  	v6 =	vmul.f32 v10, v24;
	[tilespmem:s17+$0x6830] =	vst v7;
	v7 =	vadd.f32 v60, v49;
	v8 =	vmul.f32 v11, v8  }
0x4f6: {  	v61 =	vmul.f32 v9, v39;
	v48 =	vmul.f32 v9, v45;
	[tilespmem:s17+$0x6840] =	vst v5;
	v5 =	vadd.f32 v14, v54  }
0x4f7: {  	v15 =	vmul.f32 v15, v23;
	v6 =	vadd.f32 v6, v33;
	[tilespmem:s17+$0x6850] =	vst v7;
	v7 =	vsub.f32 $1.500000000e+00, v8  }
0x4f8: {  	v16 =	vadd.f32 v13, v57;
	v63 =	vmul.f32 v48, v21;
	[tilespmem:s17+$0x6860] =	vst v5;
	v5 =	vmul.f32 v61, v51  }
0x4f9: {  	v15 =	vadd.f32 v15, v50;
	v8 =	vmul.f32 v9, v37;
	[tilespmem:s17+$0x6870] =	vst v6;
	v6 =	vmul.f32 v11, v7  }
0x4fa: {  	v17 =	vmul.f32 v62, v56;
	[tilespmem:s18+$0x6890] =	vst v16;
	v18 =	vadd.f32 v63, v58;
	v7 =	vmul.f32 v9, v36  }
0x4fb: {  	[tilespmem:s17+$0x6800] =	vst v15;
	v5 =	vadd.f32 v5, v19;
	v4 =	vmul.f32 v8, v55;
	v8 =	vmul.f32 v6, v43  }
0x4fc: {  	[tilespmem:s18+$0x68A0] =	vst v18;
	v9 =	vadd.f32 v17, v53;
	v7 =	vmul.f32 v7, v52;
	v32 =	vmul.f32 v6, v42  }
0x4fd: {  	[tilespmem:s18+$0x68B0] =	vst v5;
	v4 =	vadd.f32 v4, v49;
	v5 =	vmul.f32 v6, v41;
	v8 =	vmul.f32 v8, v23  }
0x4fe: {  	[tilespmem:s18+$0x68C0] =	vst v9;
	v34 =	vmul.f32 v6, v40;
	v7 =	vadd.f32 v7, v54;
	v10 =	vmul.f32 v32, v22  }
0x4ff: {  	[tilespmem:s18+$0x68D0] =	vst v4;
	v4 =	vmul.f32 v6, v31;
	v5 =	vmul.f32 v5, v21;
	v8 =	vadd.f32 v8, v50  }
0x500: {  	v11 =	vmul.f32 v6, v30;
	[tilespmem:s18+$0x68E0] =	vst v7;
	v7 =	vmul.f32 v34, v51;
	v35 =	vadd.f32 v10, v57  }
0x501: {  	v36 =	vmul.f32 v6, v29;
	v4 =	vmul.f32 v4, v56;
	v5 =	vadd.f32 v5, v58;
	[tilespmem:s18+$0x6800] =	vst v8  }
0x502: {  	v6 =	vmul.f32 v6, v28;
	v8 =	vmul.f32 v11, v55;
	[tilespmem:s18+$0x6810] =	vst v35;
	v7 =	vadd.f32 v7, v19  }
0x503: {  	v37 =	vmul.f32 v36, v52;
	v4 =	vadd.f32 v4, v53;
	[tilespmem:s18+$0x6820] =	vst v5  }
0x504: {  	s2 =	smul.u32 $0xC8, s2;
	v5 =	vmul.f32 v6, v24;
	[tilespmem:s18+$0x6830] =	vst v7;
	v6 =	vadd.f32 v8, v49  }
0x505: {  	[tilespmem:s18+$0x6840] =	vst v4;
	v4 =	vadd.f32 v37, v54  }
0x506: {  	s2 =	sadd.s32 s10, s2;
	v5 =	vadd.f32 v5, v33;
	[tilespmem:s18+$0x6850] =	vst v6  }
0x507: {  	s2 =	sshll.u32 s2, $0x4;
	[tilespmem:s18+$0x6860] =	vst v4  }
0x508: {  	s14 =	simm.s32 $0x0;
	s13 =	sadd.s32 s8, s2;
	s15 =	simm.s32 $0x369;
	[tilespmem:s18+$0x6870] =	vst v5  }
0x509: {  	[hbm4b:s13+s14] =	stream.linear.scatter [tilespmem:s4], [sflag:$0x3], $0x3400, $0x38;
	[tilespmem:$0x19600] =	vst v63  }
0x50a: {  	v4 =	vld [tilespmem:s15+$0x0];
	_ =	sdelay $0x4  }
0x50b: {  	(v2sf) =	vpush v4, $0x0;
	_ =	sdelay $0xb  }
0x50c: {  	v4 =	vld [tilespmem:s15+$0xFFFFFFFF];
	s15 =	simm.s32 $0x0  }
0x50d: {  	v5 =	vld [tilespmem:s15+$0x9C90]  }
0x50e: {  	v6 =	vld [tilespmem:s15+$0x9CA0]  }
0x50f: {  	v7 =	vld [tilespmem:s15+$0x9CB0];
	s17 =	spop (v2sf)  }
0x510: {  	v8 =	vld [tilespmem:s15+$0x9CC0];
	s13 =	smul.u32 $0x19000, s17  }
0x511: {  	v38 =	vld [tilespmem:s15+$0x9CD0];
	(v2sf) =	vpush v4, $0x0  }
0x512: {  	v39 =	vld [tilespmem:s15+$0x9CE0];
	s13 =	sshra.s32 s13, $0x2  }
0x513: {  	v40 =	vld [tilespmem:s15+$0x9CF0];
	s13 =	sadd.s32 $0x0, s13  }
0x514: {  	v4 =	vld [tilespmem:s15+$0x9C80];
	s13 =	sadd.s32 $0xCC00, s13  }
0x515: {  	v12 =	vld [tilespmem:s13+$0x3480]  }
0x516: {  	v41 =	vld [tilespmem:s13+$0x3490]  }
0x517: {  	v42 =	vld [tilespmem:s13+$0x34A0]  }
0x518: {  	v43 =	vld [tilespmem:s13+$0x34B0]  }
0x519: {  	v44 =	vld [tilespmem:s13+$0x34C0]  }
0x51a: {  	v45 =	vld [tilespmem:s13+$0x34D0]  }
0x51b: {  	v46 =	vld [tilespmem:s13+$0x34E0]  }
0x51c: {  	v20 =	vld [tilespmem:s13+$0x34F0];
	_ =	sdelay $0x1  }
0x51d: {  	v4 =	vadd.f32 v12, v4;
	v5 =	vadd.f32 v41, v5  }
0x51e: {  	v6 =	vadd.f32 v42, v6;
	v7 =	vadd.f32 v43, v7  }
0x51f: {  	v55 =	vld [tilespmem:s15+$0x9C10];
	s18 =	spop (v2sf);
	v8 =	vadd.f32 v44, v8;
	v9 =	vadd.f32 v45, v38  }
0x520: {  	v24 =	vld [tilespmem:s15+$0x9C20];
	s14 =	smul.u32 $0x19000, s18;
	v10 =	vadd.f32 v46, v39;
	v11 =	vadd.f32 v20, v40  }
0x521: {  	v26 =	vld [tilespmem:s15+$0x9C30];
	v51 =	vadd.f32 v5, v4;
	v52 =	vadd.f32 v7, v6  }
0x522: {  	v27 =	vld [tilespmem:s15+$0x9C40];
	s14 =	sshra.s32 s14, $0x2;
	v20 =	vadd.f32 v9, v8;
	v21 =	vadd.f32 v11, v10  }
0x523: {  	v28 =	vld [tilespmem:s15+$0x9C60];
	s19 =	sadd.s32 $0x0, s14  }
0x524: {  	v30 =	vld [tilespmem:s15+$0x9C70];
	s13 =	sadd.s32 $0xCC00, s19;
	v16 =	vadd.f32 v52, v51;
	v54 =	vadd.f32 v21, v20  }
0x525: {  	v47 =	vld [tilespmem:s13+$0x3400]  }
0x526: {  	v48 =	vld [tilespmem:s13+$0x3410];
	v16 =	vadd.f32 v54, v16  }
0x527: {  	v49 =	vld [tilespmem:s13+$0x3420]  }
0x528: {  	v50 =	vld [tilespmem:s13+$0x3430];
	v25 =	vperm.xlane v16, v0  }
0x529: {  	v53 =	vld [tilespmem:s13+$0x3440]  }
0x52a: {  	v22 =	vld [tilespmem:s13+$0x3450];
	v16 =	vadd.f32 v16, v25  }
0x52b: {  	v20 =	vld [tilespmem:s13+$0x3470]  }
0x52c: {  	v21 =	vld [tilespmem:s15+$0x9C00];
	v29 =	vperm.xlane v16, v1  }
0x52d: {  	s22 =	simm.s32 $0x36B;
	v25 =	vld [tilespmem:s15+$0x9C50]  }
0x52e: {  	v16 =	vadd.f32 v16, v29;
	v29 =	vld [tilespmem:s22+$0x0]  }
0x52f: {  	v23 =	vld [tilespmem:s13+$0x3460];
	v13 =	vadd.f32 v48, v55  }
0x530: {  	v14 =	vadd.f32 v49, v24;
	v15 =	vadd.f32 v50, v26;
	v56 =	vperm.xlane v16, v2  }
0x531: {  	v18 =	vadd.f32 v53, v27;
	v12 =	vadd.f32 v47, v21  }
0x532: {  	v17 =	vadd.f32 v20, v30;
	v16 =	vadd.f32 v16, v56  }
0x533: {  	v24 =	vadd.f32 v22, v25;
	(v2sf) =	vpush v29, $0x0  }
0x534: {  	v21 =	vadd.f32 v15, v14;
	v25 =	vadd.f32 v23, v28;
	v22 =	vperm.xlane v16, v3  }
0x535: {  	v20 =	vadd.f32 v13, v12;
	v23 =	vadd.f32 v24, v18  }
0x536: {  	v26 =	vadd.f32 v17, v25;
	v16 =	vadd.f32 v16, v22;
	_ =	sdelay $0x1  }
0x537: {  	v20 =	vadd.f32 v21, v20;
	v21 =	vadd.f32 v26, v23;
	v16 =	vmul.f32 $7.812500000e-03, v16;
	_ =	sdelay $0x1  }
0x538: {  	v27 =	vadd.f32 v21, v20;
	v22 =	vsub.f32 v4, v16  }
0x539: {  	v21 =	vsub.f32 v5, v16;
	v29 =	vsub.f32 v8, v16  }
0x53a: {  	v26 =	vld [tilespmem:s22+$0xFFFFFFFF];
	v20 =	vsub.f32 v6, v16;
	v31 =	vsub.f32 v9, v16  }
0x53b: {  	v30 =	vsub.f32 v7, v16;
	v4 =	vperm.xlane v27, v0;
	v28 =	vsub.f32 v10, v16;
	[tilespmem:$0x1FC30] =	vst v29  }
0x53c: {  	[tilespmem:$0x1FC40] =	vst v31;
	v5 =	vmul.f32 v22, v22;
	v6 =	vmul.f32 v21, v21  }
0x53d: {  	s17 =	simm.s32 $0x100;
	v23 =	vsub.f32 v11, v16;
	[tilespmem:$0x1FC50] =	vst v28;
	v7 =	vmul.f32 v20, v20;
	v8 =	vmul.f32 v30, v30  }
0x53e: {  	v57 =	vmul.f32 v29, v29;
	v4 =	vadd.f32 v27, v4;
	v58 =	vmul.f32 v31, v31;
	v16 =	vld [tilespmem:s17+$0x9C80]  }
0x53f: {  	(v2sf) =	vpush v26, $0x0;
	v59 =	vmul.f32 v28, v28;
	v26 =	vmul.f32 v23, v23;
	v27 =	vld [tilespmem:s17+$0x9C90]  }
0x540: {  	v60 =	vld [tilespmem:s17+$0x9CA0];
	v5 =	vadd.f32 v6, v5;
	v6 =	vperm.xlane v4, v1;
	v7 =	vadd.f32 v8, v7;
	s23 =	spop (v2sf)  }
0x541: {  	v62 =	vld [tilespmem:s17+$0x9CC0];
	v8 =	vadd.f32 v58, v57;
	v61 =	vadd.f32 v26, v59;
	s13 =	smul.u32 $0x19000, s23  }
0x542: {  	v63 =	vld [tilespmem:s17+$0x9CD0];
	v4 =	vadd.f32 v4, v6  }
0x543: {  	v26 =	vld [tilespmem:s17+$0x9CE0];
	v5 =	vadd.f32 v7, v5;
	v7 =	vadd.f32 v61, v8;
	s13 =	sshra.s32 s13, $0x2  }
0x544: {  	v6 =	vld [tilespmem:s17+$0x9CB0];
	v8 =	vperm.xlane v4, v2;
	s13 =	sadd.s32 $0x100, s13  }
0x545: {  	v5 =	vadd.f32 v7, v5;
	v7 =	vld [tilespmem:s17+$0x9CF0];
	s13 =	sadd.s32 $0xCC00, s13  }
0x546: {  	v4 =	vadd.f32 v4, v8;
	v8 =	vld [tilespmem:s13+$0x3480]  }
0x547: {  	v44 =	vperm.xlane v5, v0;
	v46 =	vld [tilespmem:s13+$0x3490]  }
0x548: {  	v45 =	vperm.xlane v4, v3;
	v47 =	vld [tilespmem:s13+$0x34A0]  }
0x549: {  	v5 =	vadd.f32 v5, v44;
	v48 =	vld [tilespmem:s13+$0x34B0]  }
0x54a: {  	v4 =	vadd.f32 v4, v45;
	v49 =	vld [tilespmem:s13+$0x34C0]  }
0x54b: {  	v32 =	vperm.xlane v5, v1;
	v50 =	vld [tilespmem:s13+$0x34D0]  }
0x54c: {  	v51 =	vld [tilespmem:s13+$0x34E0];
	v4 =	vmul.f32 $7.812500000e-03, v4  }
0x54d: {  	v59 =	vld [tilespmem:s13+$0x34F0];
	v5 =	vadd.f32 v5, v32  }
0x54e: {  	s24 =	spop (v2sf);
	v35 =	vsub.f32 v13, v4;
	v54 =	vsub.f32 v14, v4  }
0x54f: {  	s14 =	smul.u32 $0x19000, s24;
	v8 =	vadd.f32 v8, v16;
	v13 =	vadd.f32 v46, v27  }
0x550: {  	v9 =	vadd.f32 v47, v60;
	v6 =	vadd.f32 v48, v6  }
0x551: {  	v34 =	vld [tilespmem:s17+$0x9C00];
	s18 =	sshra.s32 s14, $0x2;
	v11 =	vadd.f32 v49, v62;
	v10 =	vadd.f32 v50, v63  }
0x552: {  	v58 =	vld [tilespmem:s17+$0x9C10];
	s13 =	sadd.s32 $0x100, s18;
	v26 =	vadd.f32 v51, v26;
	v7 =	vadd.f32 v59, v7  }
0x553: {  	v32 =	vld [tilespmem:s17+$0x9C30];
	s13 =	sadd.s32 $0xCC00, s13;
	v27 =	vadd.f32 v13, v8;
	v60 =	vadd.f32 v6, v9  }
0x554: {  	v14 =	vld [tilespmem:s13+$0x3400];
	v39 =	vadd.f32 v10, v11;
	v40 =	vadd.f32 v7, v26  }
0x555: {  	v56 =	vsub.f32 v12, v4;
	v38 =	vsub.f32 v15, v4;
	v16 =	vld [tilespmem:s13+$0x3410]  }
0x556: {  	v12 =	vld [tilespmem:s13+$0x3420];
	v27 =	vadd.f32 v60, v27;
	v62 =	vadd.f32 v40, v39  }
0x557: {  	v52 =	vsub.f32 v18, v4;
	v61 =	vperm.xlane v5, v2;
	v37 =	vsub.f32 v25, v4;
	v36 =	vld [tilespmem:s13+$0x3430]  }
0x558: {  	v15 =	vld [tilespmem:s13+$0x3440];
	v47 =	vsub.f32 v24, v4;
	v63 =	vmul.f32 v56, v56;
	v27 =	vadd.f32 v62, v27  }
0x559: {  	v41 =	vld [tilespmem:s13+$0x3450];
	v48 =	vsub.f32 v17, v4;
	v25 =	vmul.f32 v35, v35;
	v53 =	vmul.f32 v54, v54  }
0x55a: {  	v24 =	vld [tilespmem:s13+$0x3460];
	v4 =	vmul.f32 v38, v38;
	v5 =	vadd.f32 v5, v61;
	v59 =	vperm.xlane v27, v0  }
0x55b: {  	v51 =	vld [tilespmem:s17+$0x9C40];
	v55 =	vmul.f32 v52, v52;
	v57 =	vmul.f32 v47, v47;
	v25 =	vadd.f32 v25, v63  }
0x55c: {  	v63 =	vperm.xlane v5, v3;
	v4 =	vadd.f32 v4, v53;
	v53 =	vld [tilespmem:s17+$0x9C50];
	v27 =	vadd.f32 v27, v59  }
0x55d: {  	v61 =	vmul.f32 v48, v48;
	v60 =	vmul.f32 v37, v37;
	v17 =	vadd.f32 v57, v55;
	v57 =	vld [tilespmem:s17+$0x9C60]  }
0x55e: {  	v42 =	vld [tilespmem:s13+$0x3470];
	v5 =	vadd.f32 v5, v63;
	v4 =	vadd.f32 v4, v25;
	v55 =	vperm.xlane v27, v1  }
0x55f: {  	v14 =	vadd.f32 v14, v34;
	v25 =	vld [tilespmem:s17+$0x9C70];
	v33 =	vadd.f32 v61, v60  }
0x560: {  	v16 =	vadd.f32 v16, v58;
	v62 =	vld [tilespmem:s17+$0x9C20];
	v27 =	vadd.f32 v27, v55  }
0x561: {  	v15 =	vadd.f32 v15, v51;
	v17 =	vadd.f32 v33, v17  }
0x562: {  	v40 =	vadd.f32 v41, v53;
	v18 =	vadd.f32 v24, v57;
	v58 =	vperm.xlane v27, v2  }
0x563: {  	v4 =	vadd.f32 v17, v4;
	v17 =	vadd.f32 v36, v32  }
0x564: {  	s19 =	simm.s32 $0x36D;
	v34 =	vadd.f32 v42, v25;
	v27 =	vadd.f32 v27, v58  }
0x565: {  	v59 =	vadd.f32 v16, v14;
	v25 =	vld [tilespmem:s19+$0x0];
	v12 =	vadd.f32 v12, v62;
	v60 =	vperm.xlane v4, v0  }
0x566: {  	v41 =	vadd.f32 v40, v15;
	v42 =	vadd.f32 v34, v18;
	v61 =	vperm.xlane v27, v3  }
0x567: {  	v24 =	vadd.f32 v17, v12;
	v4 =	vadd.f32 v4, v60  }
0x568: {  	v5 =	vmul.f32 $7.812500000e-03, v5;
	v27 =	vadd.f32 v27, v61  }
0x569: {  	v63 =	vadd.f32 v42, v41;
	v24 =	vadd.f32 v24, v59;
	v62 =	vperm.xlane v4, v1  }
0x56a: {  	v32 =	vadd.f32 $9.999999740e-06, v5;
	(v2sf) =	vpush v25, $0x0;
	v27 =	vmul.f32 $7.812500000e-03, v27  }
0x56b: {  	v24 =	vadd.f32 v63, v24;
	v33 =	vadd.f32 v4, v62  }
0x56c: {  	v55 =	vsub.f32 v8, v27;
	v57 =	vsub.f32 v13, v27  }
0x56d: {  	v36 =	vperm.xlane v24, v0;
	v58 =	vsub.f32 v9, v27;
	v53 =	vsub.f32 v6, v27  }
0x56e: {  	v8 =	vperm.xlane v33, v2;
	v5 =	vsub.f32 v11, v27;
	v44 =	vsub.f32 v10, v27  }
0x56f: {  	v4 =	vsub.f32 v26, v27;
	v45 =	vmul.f32 v55, v55;
	v46 =	vmul.f32 v57, v57  }
0x570: {  	v59 =	vsub.f32 v7, v27;
	v7 =	vmul.f32 v58, v58;
	v25 =	vmul.f32 v53, v53  }
0x571: {  	v9 =	vadd.f32 v24, v36;
	v26 =	vmul.f32 v5, v5;
	v27 =	vmul.f32 v44, v44  }
0x572: {  	v8 =	vadd.f32 v33, v8;
	v24 =	vmul.f32 v4, v4;
	v50 =	vmul.f32 v59, v59  }
0x573: {  	v10 =	vadd.f32 v46, v45;
	v7 =	vadd.f32 v25, v7  }
0x574: {  	v25 =	vadd.f32 v27, v26;
	v24 =	vadd.f32 v50, v24  }
0x575: {  	v60 =	vperm.xlane v9, v1;
	v26 =	vperm.xlane v8, v3  }
0x576: {  	v7 =	vadd.f32 v7, v10;
	v61 =	vadd.f32 v24, v25  }
0x577: {  	v9 =	vadd.f32 v9, v60;
	v8 =	vadd.f32 v8, v26  }
0x578: {  	v51 =	vshrl.u32 v32, $0x1;
	v27 =	vmul.f32 $5.000000000e-01, v32;
	v7 =	vadd.f32 v61, v7  }
0x579: {  	v11 =	vsub.s32 $0x5F3759DF, v51;
	v63 =	vperm.xlane v9, v2;
	v8 =	vmul.f32 $7.812500000e-03, v8  }
0x57a: {  	[tilespmem:$0x1FC60] =	vst v5;
	v62 =	vmul.f32 v11, v27;
	v24 =	vperm.xlane v7, v0  }
0x57b: {  	[tilespmem:$0x1FC70] =	vst v4;
	v9 =	vadd.f32 v9, v63;
	v8 =	vadd.f32 $9.999999740e-06, v8  }
0x57c: {  	v49 =	vld [tilespmem:s19+$0xFFFFFFFF];
	v13 =	vmul.f32 v11, v62;
	v7 =	vadd.f32 v7, v24  }
0x57d: {  	s18 =	simm.s32 $0x200;
	s22 =	spop (v2sf);
	v25 =	vperm.xlane v9, v3;
	v24 =	vshrl.u32 v8, $0x1  }
0x57e: {  	v36 =	vld [tilespmem:s18+$0x9C80];
	s13 =	smul.u32 $0x19000, s22;
	v13 =	vsub.f32 $1.500000000e+00, v13;
	v32 =	vsub.s32 $0x5F3759DF, v24;
	v24 =	vperm.xlane v7, v1  }
0x57f: {  	v39 =	vld [tilespmem:s18+$0x9C90];
	v9 =	vadd.f32 v9, v25  }
0x580: {  	v41 =	vld [tilespmem:s18+$0x9CB0];
	s13 =	sshra.s32 s13, $0x2;
	v11 =	vmul.f32 v11, v13;
	v7 =	vadd.f32 v7, v24  }
0x581: {  	v42 =	vld [tilespmem:s18+$0x9CC0];
	(v2sf) =	vpush v49, $0x0;
	s13 =	sadd.s32 $0x200, s13;
	v9 =	vmul.f32 $7.812500000e-03, v9  }
0x582: {  	v43 =	vld [tilespmem:s18+$0x9CD0];
	s13 =	sadd.s32 $0xCC00, s13;
	v61 =	vmul.f32 v11, v22;
	v22 =	vperm.xlane v7, v2  }
0x583: {  	v6 =	vsub.f32 v16, v9;
	v16 =	vld [tilespmem:s13+$0x34B0]  }
0x584: {  	v45 =	vld [tilespmem:s18+$0x9CE0];
	v7 =	vadd.f32 v7, v22  }
0x585: {  	v10 =	vld [tilespmem:s18+$0x9CA0]  }
0x586: {  	v49 =	vld [tilespmem:s18+$0x9CF0];
	v33 =	vperm.xlane v7, v3;
	v3 =	vsub.f32 v18, v9  }
0x587: {  	v46 =	vld [tilespmem:s13+$0x3480]  }
0x588: {  	v41 =	vadd.f32 v16, v41;
	v25 =	vmov v3;
	v16 =	vmul.f32 v3, v3;
	v3 =	vld [tilespmem:$0x1FC30]  }
0x589: {  	v50 =	vld [tilespmem:s13+$0x3490];
	v5 =	vsub.f32 v14, v9  }
0x58a: {  	v14 =	vld [tilespmem:s13+$0x34A0]  }
0x58b: {  	v62 =	vmul.f32 v11, v21;
	v21 =	vsub.f32 v12, v9;
	v12 =	vld [tilespmem:s13+$0x34C0];
	[tilespmem:$0x1FBE0] =	vst v5  }
0x58c: {  	v4 =	vsub.f32 v17, v9;
	v13 =	vmul.f32 v5, v5;
	v17 =	vld [tilespmem:s13+$0x34D0]  }
0x58d: {  	v5 =	vsub.f32 v40, v9;
	v40 =	vmul.f32 v6, v6;
	[tilespmem:$0x1FBF0] =	vst v6;
	v6 =	vmul.f32 v11, v3;
	v3 =	vld [tilespmem:$0x1FC40];
	_ =	sdelay $0x2  }
0x58e: {  	v51 =	vld [tilespmem:s13+$0x34E0];
	[tilespmem:$0x1FC00] =	vst v21;
	s23 =	spop (v2sf)  }
0x58f: {  	v8 =	vmul.f32 $5.000000000e-01, v8;
	v63 =	vmul.f32 v11, v20;
	v20 =	vsub.f32 v15, v9;
	v15 =	vld [tilespmem:s13+$0x34F0];
	s14 =	smul.u32 $0x19000, s23  }
0x590: {  	v28 =	vadd.f32 v40, v13;
	v13 =	vmul.f32 v11, v3;
	v3 =	vld [tilespmem:$0x1FC50]  }
0x591: {  	v8 =	vmul.f32 v32, v8;
	v60 =	vmul.f32 v11, v23;
	[tilespmem:$0x1FC10] =	vst v4;
	s24 =	sshra.s32 s14, $0x2  }
0x592: {  	v36 =	vadd.f32 v46, v36;
	v23 =	vsub.f32 v34, v9;
	[tilespmem:$0x1FC20] =	vst v5;
	v9 =	vmul.f32 v21, v21;
	v21 =	vld [tilespmem:$0x1FFB0];
	s13 =	sadd.s32 $0x200, s24  }
0x593: {  	v34 =	vmul.f32 v4, v4;
	v40 =	vadd.f32 v14, v10;
	v10 =	vmul.f32 v20, v20;
	v4 =	vld [tilespmem:s18+$0x9C30];
	s13 =	sadd.s32 $0xCC00, s13  }
0x594: {  	v42 =	vadd.f32 v12, v42;
	v12 =	vmul.f32 v5, v5;
	v46 =	vadd.f32 v17, v43;
	v31 =	vld [tilespmem:s13+$0x3430]  }
0x595: {  	v43 =	vadd.f32 v15, v49;
	v15 =	vmul.f32 v11, v30;
	v11 =	vmul.f32 v11, v3;
	v3 =	vld [tilespmem:$0x1FEF0]  }
0x596: {  	v10 =	vadd.f32 v12, v10;
	v12 =	vmul.f32 v23, v23  }
0x597: {  	v8 =	vmul.f32 v32, v8;
	v15 =	vmul.f32 v15, v21;
	v21 =	vld [tilespmem:$0x1FF80]  }
0x598: {  	v7 =	vadd.f32 v7, v33;
	v12 =	vadd.f32 v12, v16;
	v16 =	vld [tilespmem:s18+$0x9C10]  }
0x599: {  	v39 =	vadd.f32 v50, v39;
	v8 =	vsub.f32 $1.500000000e+00, v8;
	v29 =	vld [tilespmem:s13+$0x3410]  }
0x59a: {  	v7 =	vmul.f32 $7.812500000e-03, v7;
	v31 =	vadd.f32 v31, v4;
	v4 =	vmul.f32 v60, v3;
	v60 =	vld [tilespmem:$0x1FEC0]  }
0x59b: {  	v50 =	vadd.f32 v41, v40;
	v45 =	vadd.f32 v51, v45  }
0x59c: {  	v49 =	vadd.f32 v39, v36;
	v7 =	vadd.f32 $9.999999740e-06, v7;
	v6 =	vmul.f32 v6, v21;
	v21 =	vld [tilespmem:$0x1FF30]  }
0x59d: {  	v8 =	vmul.f32 v32, v8;
	v9 =	vadd.f32 v34, v9;
	v51 =	vadd.f32 v46, v42  }
0x59e: {  	v34 =	vadd.f32 v43, v45;
	v49 =	vadd.f32 v50, v49;
	v33 =	vshrl.u32 v7, $0x1  }
0x59f: {  	v5 =	vld [tilespmem:s18+$0x9C20];
	v7 =	vmul.f32 $5.000000000e-01, v7;
	v29 =	vadd.f32 v29, v16;
	v16 =	vmul.f32 v61, v60  }
0x5a0: {  	v50 =	vmul.f32 v8, v54;
	v54 =	vmul.f32 v8, v38;
	v38 =	vld [tilespmem:s18+$0x9C50];
	v18 =	vsub.s32 $0x5F3759DF, v33  }
0x5a1: {  	v7 =	vmul.f32 v18, v7;
	v16 =	vadd.f32 v16, v21;
	v21 =	vld [tilespmem:$0x1FF90]  }
0x5a2: {  	v17 =	vld [tilespmem:s13+$0x3420];
	v34 =	vadd.f32 v34, v51  }
0x5a3: {  	v33 =	vld [tilespmem:s13+$0x3450];
	v7 =	vmul.f32 v18, v7  }
0x5a4: {  	v30 =	vadd.f32 v34, v49;
	v49 =	vmul.f32 v8, v37;
	v37 =	vld [tilespmem:$0x1FED0]  }
0x5a5: {  	v7 =	vsub.f32 $1.500000000e+00, v7  }
0x5a6: {  	v13 =	vmul.f32 v13, v21;
	v21 =	vld [tilespmem:$0x1FF60]  }
0x5a7: {  	v7 =	vmul.f32 v18, v7;
	v18 =	vperm.xlane v30, v0  }
0x5a8: {  	v26 =	vmov v20;
	v20 =	vld [tilespmem:$0x1FF20];
	v33 =	vadd.f32 v33, v38  }
0x5a9: {  	v38 =	vld [tilespmem:$0x1FEE0];
	v18 =	vadd.f32 v30, v18;
	v30 =	vadd.f32 v17, v5;
	v17 =	vmul.f32 v62, v37;
	_ =	sdelay $0x1  }
0x5aa: {  	v17 =	vadd.f32 v17, v21;
	v21 =	vld [tilespmem:$0x1FF40]  }
0x5ab: {  	v5 =	vperm.xlane v18, v1  }
0x5ac: {  	v4 =	vadd.f32 v4, v20  }
0x5ad: {  	v5 =	vadd.f32 v18, v5;
	v18 =	vmul.f32 v63, v38  }
0x5ae: {  	v14 =	vld [tilespmem:s13+$0x3400];
	[tilespmem:s15+$0x9CF0] =	vst v4  }
0x5af: {  	v51 =	vld [tilespmem:s18+$0x9C00];
	[tilespmem:s15+$0x9C80] =	vst v16;
	v18 =	vadd.f32 v18, v21  }
0x5b0: {  	[tilespmem:s15+$0x9C90] =	vst v17  }
0x5b1: {  	[tilespmem:s15+$0x9CA0] =	vst v18  }
0x5b2: {  	v35 =	vmul.f32 v8, v35;
	v17 =	vld [tilespmem:$0x1FF50]  }
0x5b3: {  	v9 =	vadd.f32 v9, v28;
	v34 =	vmul.f32 v8, v56;
	v56 =	vmul.f32 v8, v52  }
0x5b4: {  	v52 =	vmul.f32 v8, v47;
	v28 =	vadd.f32 v14, v51;
	v51 =	vmul.f32 v8, v48;
	v8 =	vld [tilespmem:s13+$0x3460]  }
0x5b5: {  	v48 =	vld [tilespmem:s18+$0x9C60]  }
0x5b6: {  	v10 =	vadd.f32 v12, v10;
	v4 =	vadd.f32 v15, v19  }
0x5b7: {  	v6 =	vadd.f32 v6, v17  }
0x5b8: {  	v9 =	vadd.f32 v10, v9;
	v16 =	vld [tilespmem:$0x1FFA0];
	[tilespmem:s15+$0x9CB0] =	vst v4  }
0x5b9: {  	v18 =	vld [tilespmem:$0x1FF00];
	[tilespmem:s15+$0x9CC0] =	vst v6  }
0x5ba: {  	v37 =	vadd.f32 v8, v48;
	v8 =	vperm.xlane v9, v0;
	v19 =	vld [tilespmem:$0x1FF10]  }
0x5bb: {  	v47 =	vadd.f32 v29, v28;
	v48 =	vperm.xlane v5, v2  }
0x5bc: {  	v59 =	vmul.f32 v7, v59;
	v62 =	vadd.f32 v9, v8;
	v8 =	vadd.f32 v31, v30  }
0x5bd: {  	v10 =	vld [tilespmem:s13+$0x3470];
	v48 =	vadd.f32 v5, v48;
	v5 =	vmul.f32 v11, v16  }
0x5be: {  	v47 =	vadd.f32 v8, v47;
	v8 =	vmul.f32 v59, v3;
	v61 =	vld [tilespmem:s18+$0x9C70];
	v4 =	vadd.f32 v13, v18  }
0x5bf: {  	v12 =	vld [tilespmem:s18+$0x9C40];
	v5 =	vadd.f32 v5, v19  }
0x5c0: {  	v32 =	vld [tilespmem:s13+$0x3440];
	v6 =	vadd.f32 v8, v20;
	[tilespmem:s15+$0x9CD0] =	vst v4  }
0x5c1: {  	[tilespmem:s15+$0x9CE0] =	vst v5  }
0x5c2: {  	v60 =	vmul.f32 v7, v57;
	v57 =	vld [tilespmem:$0x1FC60];
	[tilespmem:s17+$0x9CF0] =	vst v6  }
0x5c3: {  	v38 =	vadd.f32 v10, v61;
	v61 =	vmul.f32 v7, v58;
	v58 =	vld [tilespmem:$0x1FC70];
	_ =	sdelay $0x1  }
0x5c4: {  	v32 =	vadd.f32 v32, v12  }
0x5c5: {  	v59 =	vmul.f32 v7, v55;
	v63 =	vmul.f32 v7, v53  }
0x5c6: {  	v55 =	vadd.f32 v33, v32;
	v53 =	vperm.xlane v62, v1;
	v5 =	vmul.f32 v7, v44  }
0x5c7: {  	s22 =	simm.s32 $0x36F;
	s14 =	simm.s32 $0x800;
	s13 =	simm.s32 $0x6C;
	v4 =	vmul.f32 v7, v57;
	v57 =	vadd.f32 v38, v37;
	v6 =	vmul.f32 v7, v58  }
.LBB2_11:
0x5c8: {  	v7 =	vld [tilespmem:s22+$0x0]  }
0x5c9: {  	v3 =	vld [tilespmem:$0x1FFF0]  }
0x5ca: {  	v19 =	vld [tilespmem:$0x1FEC0]  }
0x5cb: {  	v24 =	vmov v23;
	v23 =	vld [tilespmem:$0x1FED0]  }
0x5cc: {  	v27 =	vld [tilespmem:$0x1FEE0]  }
0x5cd: {  	v2 =	vld [tilespmem:$0x1FFE0]  }
0x5ce: {  	v21 =	vld [tilespmem:$0x1FF80]  }
0x5cf: {  	v22 =	vld [tilespmem:$0x1FFB0]  }
0x5d0: {  	v0 =	vld [tilespmem:$0x1FFC0];
	v9 =	vperm.xlane v48, v3  }
0x5d1: {  	v12 =	vadd.f32 v62, v53;
	v14 =	vmul.f32 v50, v27;
	v50 =	vld [tilespmem:$0x1FF30]  }
0x5d2: {  	v20 =	vld [tilespmem:$0x1FEF0];
	v8 =	vadd.f32 v57, v55;
	v10 =	vmul.f32 v34, v19;
	v9 =	vadd.f32 v48, v9  }
0x5d3: {  	v16 =	vperm.xlane v12, v2;
	v17 =	vmul.f32 v56, v21;
	v56 =	vld [tilespmem:$0x1FF90]  }
0x5d4: {  	v8 =	vadd.f32 v8, v47;
	v13 =	vmul.f32 v35, v23;
	v9 =	vmul.f32 $7.812500000e-03, v9  }
0x5d5: {  	v15 =	vmul.f32 v54, v22;
	(v2sf) =	vpush v7, $0x0;
	v7 =	vadd.f32 v12, v16  }
0x5d6: {  	v11 =	vld [tilespmem:s22+$0xFFFFFFFF];
	v18 =	vperm.xlane v8, v0;
	v10 =	vadd.f32 v10, v50;
	v58 =	vsub.f32 v36, v9  }
0x5d7: {  	v54 =	vld [tilespmem:$0x1FF60];
	v16 =	vmul.f32 v51, v20;
	v55 =	vsub.f32 v39, v9;
	v57 =	vsub.f32 v40, v9  }
0x5d8: {  	v53 =	vsub.f32 v41, v9;
	v48 =	vsub.f32 v42, v9;
	[tilespmem:s15+$0x9C00] =	vst v10;
	v10 =	vmul.f32 v52, v56;
	v52 =	vld [tilespmem:$0x1FFA0]  }
0x5d9: {  	v47 =	vsub.f32 v46, v9;
	v44 =	vsub.f32 v45, v9;
	v34 =	vmul.f32 v58, v58  }
0x5da: {  	v62 =	vsub.f32 v43, v9;
	v35 =	vmul.f32 v55, v55;
	v9 =	vmul.f32 v57, v57  }
0x5db: {  	(v2sf) =	vpush v11, $0x0;
	v1 =	vmul.f32 v53, v53;
	v45 =	vmul.f32 v48, v48  }
0x5dc: {  	v8 =	vadd.f32 v8, v18;
	v46 =	vmul.f32 v47, v47;
	v51 =	vmul.f32 v62, v62  }
0x5dd: {  	v13 =	vadd.f32 v13, v54;
	v12 =	vmul.f32 v49, v52;
	v49 =	vmul.f32 v44, v44  }
0x5de: {  	v34 =	vadd.f32 v35, v34;
	v9 =	vadd.f32 v1, v9  }
0x5df: {  	v11 =	vadd.f32 v46, v45;
	v18 =	vadd.f32 v51, v49;
	_ =	sdelay $0x1  }
0x5e0: {  	v42 =	vld [tilespmem:$0x1FF40];
	[tilespmem:s15+$0x9C10] =	vst v13;
	v13 =	vperm.xlane v7, v3;
	v9 =	vadd.f32 v9, v34;
	v11 =	vadd.f32 v18, v11  }
0x5e1: {  	v1 =	vld [tilespmem:$0x1FFD0]  }
0x5e2: {  	v7 =	vadd.f32 v7, v13;
	v13 =	vmul.f32 v60, v23;
	v60 =	vld [tilespmem:$0x1FF10];
	v9 =	vadd.f32 v11, v9  }
0x5e3: {  	v5 =	vmul.f32 v5, v56;
	v39 =	vmul.f32 v61, v27;
	v45 =	vld [tilespmem:$0x1FF70]  }
0x5e4: {  	v49 =	vld [tilespmem:$0x1FF50];
	v18 =	vmul.f32 v63, v22;
	v63 =	vperm.xlane v9, v0  }
0x5e5: {  	s14 =	sadd.s32 $0x400, s14;
	v35 =	vmul.f32 v59, v19;
	v7 =	vmul.f32 $7.812500000e-03, v7;
	v51 =	vld [tilespmem:$0x1FF00]  }
0x5e6: {  	s23 =	sshra.s32 s14, $0x2;
	v61 =	vadd.f32 v14, v42;
	v59 =	vperm.xlane v8, v1;
	v9 =	vadd.f32 v9, v63;
	v63 =	vld [tilespmem:$0x1FF20]  }
0x5e7: {  	v40 =	vld [tilespmem:s23+$0x9C90];
	v13 =	vadd.f32 v13, v54;
	v34 =	vmul.f32 v4, v21;
	v12 =	vadd.f32 v12, v60  }
0x5e8: {  	v14 =	vld [tilespmem:s23+$0x9C80];
	v4 =	vmul.f32 v6, v52;
	[tilespmem:s15+$0x9C20] =	vst v61;
	v15 =	vadd.f32 v15, v45;
	v8 =	vadd.f32 v8, v59  }
0x5e9: {  	v35 =	vadd.f32 v35, v50;
	s19 =	spop (v2sf);
	[tilespmem:s15+$0x9C60] =	vst v12;
	v12 =	vld [tilespmem:s23+$0x9CE0];
	v17 =	vadd.f32 v17, v49;
	v56 =	vperm.xlane v9, v1  }
0x5ea: {  	v7 =	vadd.f32 $9.999999740e-06, v7;
	s19 =	smul.u32 $0x19000, s19;
	[tilespmem:s15+$0x9C30] =	vst v15;
	v15 =	vld [tilespmem:s23+$0x9CB0];
	v6 =	vperm.xlane v8, v2;
	v10 =	vadd.f32 v10, v51  }
0x5eb: {  	v11 =	vld [tilespmem:s23+$0x9CA0];
	[tilespmem:s15+$0x9C40] =	vst v17;
	v9 =	vadd.f32 v9, v56;
	v59 =	vadd.f32 v16, v63  }
0x5ec: {  	s19 =	sshra.s32 s19, $0x2;
	v6 =	vadd.f32 v8, v6;
	v8 =	vshrl.u32 v7, $0x1;
	v7 =	vmul.f32 $5.000000000e-01, v7;
	v17 =	vld [tilespmem:s23+$0x9CC0];
	[tilespmem:s15+$0x9C50] =	vst v10  }
0x5ed: {  	v61 =	vadd.f32 v39, v42;
	s19 =	sadd.s32 s23, s19;
	v10 =	vld [tilespmem:s23+$0x9CF0];
	v8 =	vsub.s32 $0x5F3759DF, v8;
	v42 =	vperm.xlane v9, v2;
	[tilespmem:s15+$0x9C70] =	vst v59;
	s15 =	smov.u32 s17  }
0x5ee: {  	s19 =	sadd.s32 $0xCC00, s19;
	v52 =	vperm.xlane v6, v3;
	v7 =	vmul.f32 v8, v7;
	v16 =	vld [tilespmem:s23+$0x9CD0];
	[tilespmem:s15+$0x9C80] =	vst v35  }
0x5ef: {  	v9 =	vadd.f32 v9, v42;
	v35 =	vld [tilespmem:s19+$0x3480];
	[tilespmem:s15+$0x9C90] =	vst v13  }
0x5f0: {  	s24 =	spop (v2sf);
	v43 =	vadd.f32 v34, v49;
	v6 =	vadd.f32 v6, v52;
	v7 =	vmul.f32 v8, v7;
	v34 =	vld [tilespmem:s19+$0x3490]  }
0x5f1: {  	s24 =	smul.u32 $0x19000, s24;
	v39 =	vperm.xlane v9, v3;
	v3 =	vld [tilespmem:$0x1FBE0]  }
0x5f2: {  	v6 =	vmul.f32 $7.812500000e-03, v6;
	v7 =	vsub.f32 $1.500000000e+00, v7  }
0x5f3: {  	v18 =	vadd.f32 v18, v45;
	s24 =	sshra.s32 s24, $0x2;
	s17 =	smov.u32 s18;
	s18 =	smov.u32 s23  }
0x5f4: {  	v28 =	vsub.f32 v28, v6;
	v7 =	vmul.f32 v8, v7;
	s23 =	sadd.s32 s18, s24;
	[tilespmem:s15+$0x9CA0] =	vst v61  }
0x5f5: {  	s23 =	sadd.s32 $0xCC00, s23;
	v8 =	vld [tilespmem:s19+$0x34A0];
	[tilespmem:s15+$0x9CB0] =	vst v18  }
0x5f6: {  	v59 =	vld [tilespmem:s23+$0x3400];
	v9 =	vadd.f32 v9, v39;
	v39 =	vadd.f32 v34, v40;
	v34 =	vmul.f32 v7, v3;
	v3 =	vmovc v28  }
0x5f7: {  	v5 =	vadd.f32 v5, v51;
	[tilespmem:$0x1FBE0] =	vst v3;
	v3 =	vld [tilespmem:$0x1FBF0]  }
0x5f8: {  	v18 =	vld [tilespmem:s19+$0x34B0];
	[tilespmem:s15+$0x9CC0] =	vst v43  }
0x5f9: {  	v4 =	vadd.f32 v4, v60;
	v13 =	vld [tilespmem:s19+$0x34C0];
	[tilespmem:s15+$0x9CD0] =	vst v5  }
0x5fa: {  	v29 =	vsub.f32 v29, v6;
	v30 =	vsub.f32 v30, v6;
	v5 =	vld [tilespmem:s19+$0x34D0]  }
0x5fb: {  	v31 =	vsub.f32 v31, v6;
	v32 =	vsub.f32 v32, v6;
	v61 =	vld [tilespmem:s19+$0x34E0]  }
0x5fc: {  	v33 =	vsub.f32 v33, v6;
	v19 =	vld [tilespmem:s19+$0x34F0];
	v36 =	vadd.f32 v35, v14;
	v35 =	vmul.f32 v7, v3;
	v3 =	vmovc v29  }
0x5fd: {  	v37 =	vsub.f32 v37, v6;
	v45 =	vmul.f32 v28, v28;
	v46 =	vmul.f32 v29, v29;
	[tilespmem:$0x1FBF0] =	vst v3;
	v3 =	vld [tilespmem:$0x1FC00]  }
0x5fe: {  	v6 =	vsub.f32 v38, v6;
	v49 =	vmul.f32 v30, v30;
	v9 =	vmul.f32 $7.812500000e-03, v9;
	v14 =	vld [tilespmem:s23+$0x3410]  }
0x5ff: {  	v50 =	vmul.f32 v31, v31;
	v51 =	vmul.f32 v32, v32;
	v38 =	vadd.f32 v46, v45;
	[tilespmem:s15+$0x9CE0] =	vst v4;
	v4 =	vld [tilespmem:s18+$0x9C70]  }
0x600: {  	v56 =	vmul.f32 v37, v37;
	v40 =	vadd.f32 v8, v11;
	v11 =	vld [tilespmem:s23+$0x3420];
	v9 =	vadd.f32 $9.999999740e-06, v9  }
0x601: {  	v23 =	vmovc v6;
	v8 =	vmul.f32 v6, v6;
	v6 =	vld [tilespmem:s18+$0x9C60];
	v41 =	vadd.f32 v18, v15;
	v15 =	vadd.f32 v39, v36  }
0x602: {  	v18 =	vld [tilespmem:s18+$0x9C10];
	v42 =	vadd.f32 v13, v17;
	v29 =	vadd.f32 v50, v49;
	v50 =	vmul.f32 v7, v3;
	v3 =	vmovc v30  }
0x603: {  	v54 =	vmul.f32 v33, v33;
	v8 =	vadd.f32 v8, v56;
	v46 =	vadd.f32 v5, v16;
	[tilespmem:$0x1FC00] =	vst v3;
	v3 =	vld [tilespmem:$0x1FC10]  }
0x604: {  	v13 =	vld [tilespmem:s23+$0x3430];
	v56 =	vmul.f32 v7, v26;
	v45 =	vadd.f32 v61, v12;
	v43 =	vadd.f32 v19, v10  }
0x605: {  	v17 =	vld [tilespmem:s23+$0x3460];
	v61 =	vshrl.u32 v9, $0x1;
	v9 =	vmul.f32 $5.000000000e-01, v9;
	v16 =	vadd.f32 v41, v40  }
0x606: {  	v26 =	vmovc v32;
	v32 =	vld [tilespmem:s18+$0x9C40];
	v10 =	vsub.s32 $0x5F3759DF, v61;
	v52 =	vadd.f32 v46, v42;
	v28 =	vadd.f32 v43, v45  }
0x607: {  	v5 =	vld [tilespmem:s23+$0x3440];
	v61 =	vadd.f32 v54, v51;
	v9 =	vmul.f32 v10, v9  }
0x608: {  	v12 =	vld [tilespmem:s23+$0x3450];
	v15 =	vadd.f32 v16, v15;
	v51 =	vadd.f32 v28, v52;
	v54 =	vmul.f32 v7, v3;
	v3 =	vmovc v31  }
0x609: {  	v9 =	vmul.f32 v10, v9;
	[tilespmem:$0x1FC10] =	vst v3;
	v3 =	vld [tilespmem:$0x1FC20]  }
0x60a: {  	v8 =	vadd.f32 v8, v61;
	v15 =	vadd.f32 v51, v15;
	v30 =	vld [tilespmem:s18+$0x9C00]  }
0x60b: {  	v49 =	vmul.f32 v7, v25;
	v29 =	vadd.f32 v29, v38;
	v9 =	vsub.f32 $1.500000000e+00, v9;
	v31 =	vld [tilespmem:s18+$0x9C20]  }
0x60c: {  	v16 =	vld [tilespmem:s18+$0x9C30];
	v25 =	vmovc v37;
	v37 =	vadd.f32 v17, v6;
	v32 =	vadd.f32 v5, v32;
	v61 =	vperm.xlane v15, v0  }
0x60d: {  	v38 =	vld [tilespmem:s18+$0x9C50];
	v8 =	vadd.f32 v8, v29;
	v51 =	vmul.f32 v7, v24;
	v9 =	vmul.f32 v10, v9  }
0x60e: {  	v19 =	vld [tilespmem:s23+$0x3470];
	v29 =	vadd.f32 v14, v18;
	v52 =	vmul.f32 v7, v3;
	v7 =	vadd.f32 v15, v61  }
0x60f: {  	v62 =	vmul.f32 v9, v62;
	v60 =	vmul.f32 v9, v55;
	v28 =	vadd.f32 v59, v30  }
0x610: {  	v30 =	vadd.f32 v11, v31;
	v11 =	vperm.xlane v8, v0;
	v0 =	vperm.xlane v7, v1  }
0x611: {  	s13 =	sadd.s32 $0x2, s13;
	v14 =	vmul.f32 v62, v20;
	v18 =	vadd.f32 v29, v28;
	v31 =	vadd.f32 v13, v16  }
0x612: {  	p1 =	slt.u32 s13, $0xC6;
	v59 =	vmul.f32 v9, v58;
	v3 =	vmovc v33;
	v33 =	vadd.f32 v12, v38;
	v5 =	vadd.f32 v7, v0  }
.Ltmp6:
0x613: {  	v61 =	vmul.f32 v9, v57;
	v38 =	vadd.f32 v19, v4;
	v6 =	vadd.f32 v31, v30;
	(pc) =	sbr.rel @p1 .LBB2_11-.Ltmp6, $4  }
0x614: {  	v62 =	vadd.f32 v8, v11;
	v55 =	vadd.f32 v33, v32;
	v19 =	vperm.xlane v5, v2  }
0x615: {  	v4 =	vmul.f32 v9, v48;
	v57 =	vadd.f32 v38, v37;
	v7 =	vadd.f32 v14, v63  }
0x616: {  	[tilespmem:$0x1FC20] =	vst v3;
	v63 =	vmul.f32 v9, v53;
	v53 =	vperm.xlane v62, v1;
	v48 =	vadd.f32 v5, v19  }
0x617: {  	s22 =	sadd.s32 $0x2, s22;
	[tilespmem:s17+$0x9CF0] =	vst v7;
	v5 =	vmul.f32 v9, v47;
	v47 =	vadd.f32 v6, v18;
	v6 =	vmul.f32 v9, v44  }
0x618: {  	v0 =	vld [tilespmem:$0x1FFF0];
	_ =	sdelay $0x1  }
0x619: {  	v1 =	vld [tilespmem:$0x1FFC0]  }
0x61a: {  	v8 =	vadd.f32 v57, v55;
	_ =	sdelay $0x1  }
0x61b: {  	v8 =	vadd.f32 v8, v47;
	v7 =	vperm.xlane v48, v0  }
0x61c: {  	v2 =	vld [tilespmem:$0x1FFD0]  }
0x61d: {  	v9 =	vperm.xlane v8, v1;
	v7 =	vadd.f32 v48, v7;
	_ =	sdelay $0x1  }
0x61e: {  	v8 =	vadd.f32 v8, v9;
	v7 =	vmul.f32 $7.812500000e-03, v7  }
0x61f: {  	v3 =	vld [tilespmem:$0x1FFE0]  }
0x620: {  	v11 =	vperm.xlane v8, v2;
	v48 =	vsub.f32 v36, v7  }
0x621: {  	v47 =	vsub.f32 v39, v7;
	v44 =	vsub.f32 v40, v7  }
0x622: {  	v41 =	vsub.f32 v41, v7;
	v8 =	vadd.f32 v8, v11  }
0x623: {  	v40 =	vsub.f32 v42, v7;
	v39 =	vsub.f32 v46, v7;
	v27 =	vmul.f32 v48, v48  }
0x624: {  	v36 =	vsub.f32 v45, v7;
	v10 =	vmul.f32 v47, v47;
	v45 =	vperm.xlane v8, v3  }
0x625: {  	v7 =	vsub.f32 v43, v7;
	v12 =	vmul.f32 v44, v44;
	v13 =	vmul.f32 v41, v41  }
0x626: {  	v14 =	vmul.f32 v40, v40;
	v15 =	vmul.f32 v39, v39;
	v8 =	vadd.f32 v8, v45  }
0x627: {  	v42 =	vmul.f32 v36, v36;
	v16 =	vmul.f32 v7, v7  }
0x628: {  	v9 =	vadd.f32 v10, v27;
	v43 =	vadd.f32 v13, v12;
	v57 =	vperm.xlane v8, v0  }
0x629: {  	v46 =	vadd.f32 v15, v14;
	v11 =	vadd.f32 v16, v42  }
0x62a: {  	v8 =	vadd.f32 v8, v57  }
0x62b: {  	v9 =	vadd.f32 v43, v9;
	v55 =	vadd.f32 v11, v46  }
0x62c: {  	v8 =	vmul.f32 $7.812500000e-03, v8  }
0x62d: {  	v11 =	vadd.f32 v62, v53;
	v9 =	vadd.f32 v55, v9  }
0x62e: {  	v46 =	vsub.f32 v28, v8;
	v45 =	vsub.f32 v29, v8  }
0x62f: {  	v58 =	vperm.xlane v11, v3;
	v43 =	vsub.f32 v30, v8;
	v42 =	vsub.f32 v31, v8  }
0x630: {  	v10 =	vperm.xlane v9, v1;
	v31 =	vsub.f32 v32, v8;
	v30 =	vsub.f32 v33, v8  }
0x631: {  	v29 =	vsub.f32 v37, v8;
	v24 =	vmul.f32 v46, v46;
	v37 =	vmul.f32 v45, v45  }
0x632: {  	v28 =	vsub.f32 v38, v8;
	v38 =	vmul.f32 v43, v43;
	v53 =	vmul.f32 v42, v42  }
0x633: {  	v9 =	vadd.f32 v9, v10;
	v55 =	vmul.f32 v31, v31;
	v57 =	vmul.f32 v30, v30  }
0x634: {  	v10 =	vadd.f32 v11, v58;
	v58 =	vmul.f32 v29, v29;
	v17 =	vmul.f32 v28, v28  }
0x635: {  	v13 =	vadd.f32 v37, v24;
	v8 =	vadd.f32 v53, v38  }
0x636: {  	v12 =	vadd.f32 v57, v55;
	v11 =	vadd.f32 v17, v58;
	_ =	sdelay $0x1  }
0x637: {  	v8 =	vadd.f32 v8, v13;
	v11 =	vadd.f32 v11, v12;
	_ =	sdelay $0x1  }
0x638: {  	v62 =	vperm.xlane v9, v2;
	v8 =	vadd.f32 v11, v8;
	_ =	sdelay $0x1  }
0x639: {  	v9 =	vadd.f32 v9, v62;
	v11 =	vperm.xlane v8, v1;
	_ =	sdelay $0x1  }
0x63a: {  	v62 =	vperm.xlane v9, v3;
	v8 =	vadd.f32 v8, v11  }
0x63b: {  	v19 =	vld [tilespmem:$0x1FEC0]  }
0x63c: {  	v9 =	vadd.f32 v9, v62;
	v32 =	vperm.xlane v8, v2  }
0x63d: {  	v20 =	vld [tilespmem:$0x1FF30];
	v17 =	vperm.xlane v10, v0  }
0x63e: {  	v24 =	vperm.xlane v9, v0;
	v8 =	vadd.f32 v8, v32  }
0x63f: {  	v10 =	vadd.f32 v10, v17  }
0x640: {  	v22 =	vld [tilespmem:$0x1FED0];
	v34 =	vmul.f32 v34, v19;
	v9 =	vadd.f32 v9, v24;
	v12 =	vperm.xlane v8, v3  }
0x641: {  	v10 =	vmul.f32 $7.812500000e-03, v10;
	v24 =	vld [tilespmem:$0x1FEE0]  }
0x642: {  	v9 =	vmul.f32 $7.812500000e-03, v9;
	v8 =	vadd.f32 v8, v12;
	v12 =	vadd.f32 v34, v20;
	v34 =	vld [tilespmem:$0x1FF60]  }
0x643: {  	v10 =	vadd.f32 $9.999999740e-06, v10  }
0x644: {  	v9 =	vadd.f32 $9.999999740e-06, v9  }
0x645: {  	v37 =	vmul.f32 v35, v22;
	v27 =	vshrl.u32 v10, $0x1  }
0x646: {  	v53 =	vmul.f32 v50, v24;
	v50 =	vld [tilespmem:$0x1FFB0];
	v33 =	vshrl.u32 v9, $0x1;
	v9 =	vmul.f32 $5.000000000e-01, v9;
	[tilespmem:s15+$0x9C00] =	vst v12  }
0x647: {  	v10 =	vmul.f32 $5.000000000e-01, v10;
	v13 =	vsub.s32 $0x5F3759DF, v33;
	v21 =	vld [tilespmem:$0x1FF90];
	v14 =	vadd.f32 v37, v34  }
0x648: {  	v11 =	vsub.s32 $0x5F3759DF, v27;
	v9 =	vmul.f32 v13, v9;
	v32 =	vld [tilespmem:$0x1FF40]  }
0x649: {  	v10 =	vmul.f32 v11, v10;
	v37 =	vld [tilespmem:$0x1FF80];
	[tilespmem:s15+$0x9C10] =	vst v14  }
0x64a: {  	v9 =	vmul.f32 v13, v9;
	v35 =	vld [tilespmem:$0x1FF70]  }
0x64b: {  	v10 =	vmul.f32 v11, v10  }
0x64c: {  	v9 =	vsub.f32 $1.500000000e+00, v9  }
0x64d: {  	v10 =	vsub.f32 $1.500000000e+00, v10;
	v38 =	vperm.xlane v8, v0;
	v54 =	vmul.f32 v54, v50  }
0x64e: {  	v9 =	vmul.f32 v13, v9;
	v13 =	vadd.f32 v53, v32  }
0x64f: {  	v10 =	vmul.f32 v11, v10;
	v8 =	vadd.f32 v8, v38;
	v38 =	vld [tilespmem:$0x1FFA0];
	v11 =	vadd.f32 v54, v35  }
0x650: {  	v0 =	vld [tilespmem:$0x1FEF0];
	[tilespmem:s15+$0x9C20] =	vst v13  }
0x651: {  	v33 =	vld [tilespmem:$0x1FF50];
	[tilespmem:s15+$0x9C30] =	vst v11  }
0x652: {  	v2 =	vld [tilespmem:$0x1FF00];
	_ =	sdelay $0x1  }
0x653: {  	v55 =	vmul.f32 v56, v37  }
0x654: {  	v56 =	vmul.f32 v52, v21  }
0x655: {  	v12 =	vadd.f32 v55, v33  }
0x656: {  	v15 =	vadd.f32 v56, v2  }
0x657: {  	[tilespmem:s15+$0x9C40] =	vst v12  }
0x658: {  	v3 =	vld [tilespmem:$0x1FF10];
	[tilespmem:s15+$0x9C50] =	vst v15  }
0x659: {  	v1 =	vld [tilespmem:$0x1FF20]  }
0x65a: {  	v59 =	vmul.f32 v59, v19  }
0x65b: {  	v62 =	vmul.f32 v60, v22;
	v57 =	vmul.f32 v49, v38  }
0x65c: {  	v27 =	vmul.f32 v61, v24;
	v58 =	vmul.f32 v51, v0  }
0x65d: {  	v18 =	vmul.f32 v63, v50;
	v8 =	vmul.f32 $7.812500000e-03, v8;
	v49 =	vadd.f32 v57, v3  }
0x65e: {  	v60 =	vmul.f32 v10, v25;
	v5 =	vmul.f32 v5, v21;
	v51 =	vadd.f32 v58, v1  }
0x65f: {  	v8 =	vadd.f32 $9.999999740e-06, v8;
	v7 =	vmul.f32 v9, v7;
	v13 =	vadd.f32 v59, v20;
	[tilespmem:s15+$0x9C60] =	vst v49  }
0x660: {  	v17 =	vmul.f32 v9, v48;
	v4 =	vmul.f32 v4, v37;
	[tilespmem:s15+$0x9C70] =	vst v51  }
0x661: {  	v52 =	vadd.f32 v62, v34;
	v55 =	vshrl.u32 v8, $0x1;
	v8 =	vmul.f32 $5.000000000e-01, v8;
	v15 =	vld [tilespmem:$0x1FBE0];
	[tilespmem:s17+$0x9C80] =	vst v13  }
0x662: {  	v6 =	vmul.f32 v6, v38;
	v11 =	vadd.f32 v27, v32;
	v12 =	vsub.s32 $0x5F3759DF, v55;
	v13 =	vld [tilespmem:$0x1FBF0]  }
0x663: {  	v53 =	vadd.f32 v18, v35;
	v7 =	vmul.f32 v7, v0;
	v8 =	vmul.f32 v12, v8;
	v54 =	vld [tilespmem:$0x1FC00];
	[tilespmem:s17+$0x9C90] =	vst v52  }
0x664: {  	v27 =	vmul.f32 v9, v41;
	v41 =	vmul.f32 v9, v40;
	v4 =	vadd.f32 v4, v33;
	[tilespmem:s17+$0x9CA0] =	vst v11  }
0x665: {  	v56 =	vmul.f32 v10, v26;
	v8 =	vmul.f32 v12, v8;
	v6 =	vadd.f32 v6, v3;
	v11 =	vld [tilespmem:$0x1FC10];
	[tilespmem:s17+$0x9CB0] =	vst v53  }
0x666: {  	v26 =	vmul.f32 v9, v44;
	v44 =	vmul.f32 v9, v39;
	[tilespmem:s17+$0x9CC0] =	vst v4  }
0x667: {  	v5 =	vadd.f32 v5, v2;
	v4 =	vld [tilespmem:$0x1FC20];
	[tilespmem:s17+$0x9CE0] =	vst v6;
	v6 =	vmul.f32 v60, v38;
	v15 =	vmul.f32 v10, v15  }
0x668: {  	v8 =	vsub.f32 $1.500000000e+00, v8;
	v48 =	vmul.f32 v44, v21;
	v58 =	vadd.f32 v7, v1  }
0x669: {  	v63 =	vmul.f32 v56, v37;
	[tilespmem:s17+$0x9CD0] =	vst v5;
	v6 =	vadd.f32 v6, v3;
	v57 =	vmul.f32 v15, v19  }
0x66a: {  	v53 =	vadd.f32 v48, v2;
	[tilespmem:s18+$0x9CF0] =	vst v58;
	v13 =	vmul.f32 v10, v13;
	v11 =	vmul.f32 v10, v11  }
0x66b: {  	v16 =	vmul.f32 v10, v54;
	[tilespmem:s17+$0x9C60] =	vst v6;
	v6 =	vmul.f32 v41, v37;
	v14 =	vadd.f32 v57, v20  }
0x66c: {  	[tilespmem:s18+$0x9CD0] =	vst v53;
	v59 =	vmul.f32 v13, v22;
	v62 =	vmul.f32 v11, v50;
	v11 =	vadd.f32 v63, v33  }
0x66d: {  	v4 =	vmul.f32 v10, v4;
	v61 =	vmul.f32 v16, v24;
	v6 =	vadd.f32 v6, v33;
	[tilespmem:s17+$0x9C00] =	vst v14  }
0x66e: {  	v16 =	vmul.f32 v12, v8;
	v8 =	vmul.f32 v17, v19;
	v7 =	vadd.f32 v59, v34;
	[tilespmem:s17+$0x9C40] =	vst v11  }
0x66f: {  	v25 =	vmul.f32 v9, v47;
	v10 =	vmul.f32 v10, v23;
	v13 =	vadd.f32 v61, v32;
	[tilespmem:s18+$0x9CC0] =	vst v6  }
0x670: {  	v9 =	vmul.f32 v9, v36;
	v4 =	vmul.f32 v4, v21;
	v8 =	vadd.f32 v8, v20;
	[tilespmem:s17+$0x9C10] =	vst v7  }
0x671: {  	v10 =	vmul.f32 v10, v0;
	v5 =	vadd.f32 v62, v35;
	[tilespmem:s17+$0x9C20] =	vst v13  }
0x672: {  	v51 =	vmul.f32 v9, v38;
	v52 =	vmul.f32 v16, v45;
	v4 =	vadd.f32 v4, v2;
	[tilespmem:s18+$0x9C80] =	vst v8  }
0x673: {  	v55 =	vmul.f32 v16, v42;
	v11 =	vmul.f32 v26, v24;
	v10 =	vadd.f32 v10, v1;
	[tilespmem:s17+$0x9C30] =	vst v5  }
0x674: {  	v58 =	vmul.f32 v16, v29;
	v8 =	vadd.f32 v51, v3;
	v9 =	vmul.f32 v52, v22;
	[tilespmem:s17+$0x9C50] =	vst v4  }
0x675: {  	v6 =	vmul.f32 v55, v50;
	v47 =	vadd.f32 v11, v32;
	[tilespmem:s17+$0x9C70] =	vst v10  }
0x676: {  	v59 =	vmul.f32 v58, v38;
	[tilespmem:s18+$0x9CE0] =	vst v8;
	v9 =	vadd.f32 v9, v34  }
0x677: {  	v49 =	vmul.f32 v16, v46;
	v5 =	vmul.f32 v25, v22;
	v6 =	vadd.f32 v6, v35;
	[tilespmem:s18+$0x9CA0] =	vst v47  }
0x678: {  	v57 =	vmul.f32 v16, v30;
	v4 =	vmul.f32 v27, v50;
	v62 =	vadd.f32 v59, v3;
	[tilespmem:s18+$0x9C10] =	vst v9  }
0x679: {  	v7 =	vmul.f32 v16, v28;
	v10 =	vmul.f32 v49, v19;
	v5 =	vadd.f32 v5, v34;
	[tilespmem:s18+$0x9C30] =	vst v6  }
0x67a: {  	v54 =	vmul.f32 v16, v43;
	v8 =	vmul.f32 v57, v21;
	v4 =	vadd.f32 v4, v35;
	[tilespmem:s18+$0x9C60] =	vst v62  }
0x67b: {  	v56 =	vmul.f32 v16, v31;
	v60 =	vmul.f32 v7, v0;
	v10 =	vadd.f32 v10, v20;
	[tilespmem:s18+$0x9C90] =	vst v5  }
0x67c: {  	v61 =	vadd.f32 v8, v2;
	v5 =	vmul.f32 v54, v24;
	[tilespmem:s18+$0x9CB0] =	vst v4  }
0x67d: {  	v63 =	vadd.f32 v60, v1;
	[tilespmem:s18+$0x9C00] =	vst v10;
	v4 =	vmul.f32 v56, v37  }
.Ltmp7:
0x67e: {  	[tilespmem:s18+$0x9C50] =	vst v61;
	v5 =	vadd.f32 v5, v32;
	(pc) =	sbr.rel @p0 .LBB2_14-.Ltmp7, $4  }
0x67f: {  	[tilespmem:s18+$0x9C70] =	vst v63;
	v4 =	vadd.f32 v4, v33  }
0x680: {  	[tilespmem:s18+$0x9C20] =	vst v5  }
0x681: {  	s2 =	sadd.s32 s2, s16;
	[tilespmem:s18+$0x9C40] =	vst v4  }
0x682: {  	[hbm4b:s2+s9] =	stream.linear.scatter [tilespmem:s21], [sflag:$0x3], $0x3000, $0x38;
	[tilespmem:$0x19600] =	vst v63  }
0x683: {  	s2 =	sadd.s32 $0x3, s30  }
0x684: {  	s13 =	sshll.u32 s2, $0x5  }
0x685: {  	s2 =	smul.u32 $0xC8, s2;
	s14 =	sadd.s32 s12, s13  }
0x686: {  	s13 =	sand.u32 $0x60, s13;
	s14 =	sand.u32 $0xFF80, s14  }
.Ltmp8:
0x687: {  	s13 =	sadd.s32 s11, s13;
	s2 =	sadd.s32 s10, s2;
	(pc) =	sbr.rel .LBB2_4-.Ltmp8, $4  }
0x688: {  	s13 =	sadd.s32 s14, s13;
	s2 =	sshrl.u32 s2, $0x3  }
0x689: {  	[tilespmem:s31], [sflag:$0x4] =	stream.linear.gather [hbm4b:s13+s9], $0x100, $0x38;
	[tilespmem:$0x19600] =	vst v63  }
0x68a: {  	v18 =	vmov v50;
	v9 =	vmov v21;
	v10 =	vmov v38;
	s29 =	sadd.s32 $0x1, s29;
	s2 =	sadd.s32 s0, s2  }
0x68b: {  	v11 =	vmovc v20;
	v12 =	vmovc v34;
	v13 =	vmov v32;
	v14 =	vmov v35;
	v15 =	vmov v33;
	[tilespmem:s6], [sflag:$0x4] =	stream.linear.gather [hbm4b:s2+s9], $0xC8, $0x38;
	[tilespmem:$0x19600] =	vst v63  }
.LBB2_15:
0x68c: {  	_ =	sfence.sel $0x180000  }
0x68d: {  	[bflag:$0x0] =	sbarrier.arrive $0xFFFF  }
0x68e: {  	_ =	strace $0x90000047  }
0x68f: {  	s0 =	stileid.u32;
	[bflag:$0x2] =	sbarrier.arrive $0xFFFF  }
0x690: {  	p0 =	sne.s32 s0, $0x0;
	s0 =	rddreg [dreg:$0x8]  }
0x691: {  	s0 =	sadd.s32 @!p0 $0x100000, s0  }
0x692: {  	[sflag:s0] =	ssyncadd.tile.s32 @!p0 $0x1;
	_ =	shalt  }
.Lfunc_end2:
_tile_overlayer_lowered:
.L_overlay_start_2:
0x693: {  	(tag) =	ssettag $0x2  }
0x694: {  	s0 =	rddreg [dreg:$0x0];
	s2 =	stileid.u32  }
0x695: {  	s1 =	rddreg [dreg:$0x1];
	p0 =	sne.s32 s2, $0x0  }
0x696: {  	s3 =	rddreg [dreg:$0x2];
	[bflag:$0x3] =	sbarrier.arrive $0xFFFF;
	s2 =	simm.s32 @!p0 $0x1C05  }
0x697: {  	[timem:s3], [sflag:s2] =	dma.local @!p0 [hbm:s0], s1  }
0x698: {  	s0 =	simm.s32 @!p0 $0x5  }
0x699: {  	_ =	swait.ge @!p0 [sflag:s0], s1  }
0x69a: {  	s1 =	ssub.s32 @!p0 $0x0, s1;
	[sflag:s0] =	ssyncset.done @!p0 $0x0  }
0x69b: {  	[sflag:s0] =	ssyncadd.s32 @!p0 s1  }
0x69c: {  	[bflag:$0x3] =	sbarrier.arrive $0xFFFF  }
0x69d: {  	_ =	shalt  }

</sc_bundles>
